<compile_context>
chip_gen: v7x
topology: tpu7x:2x2x1
jax: 0.10.2.dev20260603
libtpu: 0.0.44.dev20260713+nightly
codegen_flags: <defaults>
</compile_context>

<pallas_src>
import jax
import jax.numpy as jnp
from jax import lax
from jax.experimental import pallas as pl
from jax.experimental.pallas import tpu as pltpu
from jax.experimental.pallas import tpu_sc as plsc

NN = 10000
EE = 160000
DD = 256
NP = 10240
EP = 163840
RB = 1024
NBLK = NP // RB
PAD_IDX = NP - 1
HALF = 128
CHK = 128
NCHK = EP // 16 // CHK

_f32 = jnp.float32


def _deg_body(dst_hbm, z1_hbm, d0_hbm, d1_hbm, dst_v, ones_v, acc_sp):
    c = lax.axis_index("c")
    s = lax.axis_index("s")
    wid = s * 2 + c

    @pl.when(s == 0)
    def _():
        pltpu.sync_copy(z1_hbm, acc_sp)

    plsc.subcore_barrier()
    pltpu.sync_copy(dst_hbm.at[wid], dst_v)
    for k in range(8):
        ones_v[pl.ds(k * 16, 16)] = jnp.ones((16,), _f32)

    def body(j, carry):
        pltpu.sync_copy(ones_v, acc_sp.at[dst_v.at[j]], add=True)
        return carry

    lax.fori_loop(0, 40, body, 0)
    plsc.subcore_barrier()
    rows = pl.ds(s * (NP // 16), NP // 16)

    @pl.when(c == 0)
    def _():
        pltpu.sync_copy(acc_sp.at[rows], d0_hbm.at[rows])

    @pl.when(c == 1)
    def _():
        pltpu.sync_copy(acc_sp.at[rows], d1_hbm.at[rows])


def _deg_call(dst32, z1):
    f = pl.kernel(
        _deg_body,
        out_type=[jax.ShapeDtypeStruct((NP,), _f32),
                  jax.ShapeDtypeStruct((NP,), _f32)],
        mesh=plsc.VectorSubcoreMesh(core_axis_name="c", subcore_axis_name="s", num_cores=2, num_subcores=16),
        scratch_types=[pltpu.VMEM((40, 128), jnp.int32),
                       pltpu.VMEM((128,), _f32),
                       pltpu.VMEM_SHARED((NP,), _f32)],
    )
    return f(dst32, z1)


def _mm1_body(x_ref, w1_ref, d0_ref, d1_ref, h1_ref, g0_ref, g1_ref, dinv_ref):
    deg = d0_ref[...] + d1_ref[...] + 1.0
    dinv = lax.rsqrt(deg)
    h1 = jnp.dot(x_ref[...], w1_ref[...], preferred_element_type=_f32)
    g = dinv * h1
    h1_ref[...] = h1
    g0_ref[...] = g[:, :HALF]
    g1_ref[...] = g[:, HALF:]
    dinv_ref[...] = dinv


def _mm1_call(xp, w1, d0, d1):
    return pl.pallas_call(
        _mm1_body,
        grid=(NBLK,),
        in_specs=[
            pl.BlockSpec((RB, DD), lambda i: (i, 0)),
            pl.BlockSpec((DD, DD), lambda i: (0, 0)),
            pl.BlockSpec((RB, 1), lambda i: (i, 0)),
            pl.BlockSpec((RB, 1), lambda i: (i, 0)),
        ],
        out_specs=[
            pl.BlockSpec((RB, DD), lambda i: (i, 0)),
            pl.BlockSpec((RB, HALF), lambda i: (i, 0)),
            pl.BlockSpec((RB, HALF), lambda i: (i, 0)),
            pl.BlockSpec((RB, 1), lambda i: (i, 0)),
        ],
        out_shape=[
            jax.ShapeDtypeStruct((NP, DD), _f32),
            jax.ShapeDtypeStruct((NP, HALF), _f32),
            jax.ShapeDtypeStruct((NP, HALF), _f32),
            jax.ShapeDtypeStruct((NP, 1), _f32),
        ],
        compiler_params=pltpu.CompilerParams(
            dimension_semantics=("arbitrary",)),
    )(xp, w1, d0, d1)


def _mp_body(g0_hbm, g1_hbm, src_hbm, dst_hbm, z2_hbm, s0_hbm, s1_hbm,
             src_v, dst_v, rows_a, rows_b, acc_sp, sem_a, sem_b):
    c = lax.axis_index("c")
    s = lax.axis_index("s")

    @pl.when(s == 0)
    def _():
        pltpu.sync_copy(z2_hbm, acc_sp)

    plsc.subcore_barrier()
    pltpu.sync_copy(dst_hbm.at[s], dst_v)

    def half(g_hbm, hh):
        pltpu.sync_copy(src_hbm.at[s, pl.ds(hh * (NCHK // 2), NCHK // 2)],
                        src_v)

        def body(i, carry):
            j = 2 * i
            da = pltpu.async_copy(g_hbm.at[src_v.at[j]], rows_a, sem_a)
            db = pltpu.async_copy(g_hbm.at[src_v.at[j + 1]], rows_b, sem_b)
            da.wait()
            pltpu.sync_copy(rows_a,
                            acc_sp.at[dst_v.at[hh * (NCHK // 2) + j]],
                            add=True)
            db.wait()
            pltpu.sync_copy(rows_b,
                            acc_sp.at[dst_v.at[hh * (NCHK // 2) + j + 1]],
                            add=True)
            return carry

        lax.fori_loop(0, NCHK // 4, body, 0)

    @pl.when(c == 0)
    def _():
        half(g0_hbm, 0)
        half(g0_hbm, 1)

    @pl.when(c == 1)
    def _():
        half(g1_hbm, 0)
        half(g1_hbm, 1)

    plsc.subcore_barrier()
    rows = pl.ds(s * (NP // 16), NP // 16)

    @pl.when(c == 0)
    def _():
        pltpu.sync_copy(acc_sp.at[rows], s0_hbm.at[rows])

    @pl.when(c == 1)
    def _():
        pltpu.sync_copy(acc_sp.at[rows], s1_hbm.at[rows])


def _mp_call(g0, g1, src16, dst16, z2):
    f = pl.kernel(
        _mp_body,
        out_type=[jax.ShapeDtypeStruct((NP, HALF), _f32),
                  jax.ShapeDtypeStruct((NP, HALF), _f32)],
        mesh=plsc.VectorSubcoreMesh(core_axis_name="c", subcore_axis_name="s", num_cores=2, num_subcores=16),
        scratch_types=[pltpu.VMEM((NCHK // 2, CHK), jnp.int32),
                       pltpu.VMEM((NCHK, CHK), jnp.int32),
                       pltpu.VMEM((CHK, HALF), _f32),
                       pltpu.VMEM((CHK, HALF), _f32),
                       pltpu.VMEM_SHARED((NP, HALF), _f32),
                       pltpu.SemaphoreType.DMA,
                       pltpu.SemaphoreType.DMA],
    )
    return f(g0, g1, src16, dst16, z2)


def _gi_body(s0_ref, s1_ref, h1_ref, dinv_ref, b1_ref, wih_ref, bih_ref,
             gi_ref):
    dinv = dinv_ref[...]
    scat = jnp.concatenate([s0_ref[...], s1_ref[...]], axis=1).astype(_f32)
    out1 = jnp.maximum(
        dinv * scat + (dinv * dinv) * h1_ref[...] + b1_ref[...], 0.0)
    gi_ref[...] = (jnp.dot(out1, wih_ref[...], preferred_element_type=_f32)
                   + bih_ref[...])


def _gi_call(s0, s1, h1, dinv, b1r, wihT, bihr):
    return pl.pallas_call(
        _gi_body,
        grid=(NBLK,),
        in_specs=[
            pl.BlockSpec((RB, HALF), lambda i: (i, 0)),
            pl.BlockSpec((RB, HALF), lambda i: (i, 0)),
            pl.BlockSpec((RB, DD), lambda i: (i, 0)),
            pl.BlockSpec((RB, 1), lambda i: (i, 0)),
            pl.BlockSpec((1, DD), lambda i: (0, 0)),
            pl.BlockSpec((DD, 3 * DD), lambda i: (0, 0)),
            pl.BlockSpec((1, 3 * DD), lambda i: (0, 0)),
        ],
        out_specs=pl.BlockSpec((RB, 3 * DD), lambda i: (i, 0)),
        out_shape=jax.ShapeDtypeStruct((NP, 3 * DD), _f32),
        compiler_params=pltpu.CompilerParams(
            dimension_semantics=("arbitrary",)),
    )(s0, s1, h1, dinv, b1r, wihT, bihr)


def _gru_body(gi_ref, whh_ref, bhn_ref, w2_ref, dinv_ref, q_ref,
              h_scr, ys_scr):
    i = pl.program_id(0)

    @pl.when(i == 0)
    def _():
        h_scr[...] = jnp.zeros((1, DD), _f32)

    whh = whh_ref[...]
    bhn = bhn_ref[...]

    def step(t, h):
        gi = gi_ref[pl.ds(t, 1), :]
        gh = jnp.dot(h.astype(jnp.bfloat16), whh, preferred_element_type=_f32)
        r = 0.5 * jnp.tanh(0.5 * (gi[:, :DD] + gh[:, :DD])) + 0.5
        z = 0.5 * jnp.tanh(0.5 * (gi[:, DD:2 * DD] + gh[:, DD:2 * DD])) + 0.5
        ng = jnp.tanh(gi[:, 2 * DD:] + r * (gh[:, 2 * DD:] + bhn))
        h = ng + z * (h - ng)
        ys_scr[pl.ds(t, 1), :] = h
        return h

    def step32(t32, h):
        t = 32 * t32
        for u in range(32):
            h = step(t + u, h)
        return h

    h = lax.fori_loop(0, RB // 32, step32, h_scr[...])
    h_scr[...] = h
    yb = jnp.dot(ys_scr[...], w2_ref[...], preferred_element_type=_f32)
    q_ref[...] = dinv_ref[...] * yb


def _gru_call(gi, whhT_bf, bhn, w2p, dinv):
    return pl.pallas_call(
        _gru_body,
        grid=(NBLK,),
        in_specs=[
            pl.BlockSpec((RB, 3 * DD), lambda i: (i, 0)),
            pl.BlockSpec((DD, 3 * DD), lambda i: (0, 0)),
            pl.BlockSpec((1, DD), lambda i: (0, 0)),
            pl.BlockSpec((DD, HALF), lambda i: (0, 0)),
            pl.BlockSpec((RB, 1), lambda i: (i, 0)),
        ],
        out_specs=pl.BlockSpec((RB, HALF), lambda i: (i, 0)),
        out_shape=jax.ShapeDtypeStruct((NP, HALF), _f32),
        scratch_shapes=[pltpu.VMEM((1, DD), _f32),
                        pltpu.VMEM((RB, DD), _f32)],
        compiler_params=pltpu.CompilerParams(
            dimension_semantics=("arbitrary",)),
    )(gi, whhT_bf, bhn, w2p, dinv)


def _fin_body(q_hbm, src_hbm, dst_hbm, dinv_hbm, b2_hbm, z1_hbm, out_hbm,
              src_v, dst_v, vals_v, accv, qv, dv, outv, b2v, acc_sp, sem):
    c = lax.axis_index("c")
    s = lax.axis_index("s")

    @pl.when(c == 0)
    def _():
        @pl.when(s == 0)
        def _():
            pltpu.sync_copy(z1_hbm, acc_sp)

        plsc.subcore_barrier()
        pltpu.sync_copy(src_hbm.at[s], src_v)
        pltpu.sync_copy(dst_hbm.at[s], dst_v)

        def body(j, carry):
            pltpu.async_copy(q_hbm.at[src_v.at[j]], vals_v, sem).wait()
            pltpu.sync_copy(vals_v, acc_sp.at[dst_v.at[j]], add=True)
            return carry

        lax.fori_loop(0, 80, body, 0)
        plsc.subcore_barrier()
        rows = pl.ds(s * (NP // 16), NP // 16)
        pltpu.sync_copy(acc_sp.at[rows], accv)
        pltpu.sync_copy(q_hbm.at[rows], qv)
        pltpu.sync_copy(dinv_hbm.at[rows], dv)
        pltpu.sync_copy(b2_hbm, b2v)
        b2x = b2v[...]
        for k in range(NP // 16 // 16):
            sl = pl.ds(k * 16, 16)
            outv[sl] = dv[sl] * (accv[sl] + qv[sl]) + b2x
        pltpu.sync_copy(outv, out_hbm.at[rows])


def _fin_call(q1d, src16, dst16, dinv1d, b2v16, z1):
    f = pl.kernel(
        _fin_body,
        out_type=jax.ShapeDtypeStruct((NP,), _f32),
        mesh=plsc.VectorSubcoreMesh(core_axis_name="c", subcore_axis_name="s", num_cores=2, num_subcores=16),
        scratch_types=[pltpu.VMEM((80, 128), jnp.int32),
                       pltpu.VMEM((80, 128), jnp.int32),
                       pltpu.VMEM((128,), _f32),
                       pltpu.VMEM((NP // 16,), _f32),
                       pltpu.VMEM((NP // 16,), _f32),
                       pltpu.VMEM((NP // 16,), _f32),
                       pltpu.VMEM((NP // 16,), _f32),
                       pltpu.VMEM((16,), _f32),
                       pltpu.VMEM_SHARED((NP,), _f32),
                       pltpu.SemaphoreType.DMA],
    )
    return f(q1d, src16, dst16, dinv1d, b2v16, z1)


def kernel(x, edge_index, W1, b1, W_ih, W_hh, b_ih, b_hh, W2, b2):
    src = edge_index[0].astype(jnp.int32)
    dst = edge_index[1].astype(jnp.int32)
    pad = jnp.full((EP - EE,), PAD_IDX, jnp.int32)
    src_p = jnp.concatenate([src, pad])
    dst_p = jnp.concatenate([dst, pad])
    src32 = src_p.reshape(32, 40, 128)
    dst32 = dst_p.reshape(32, 40, 128)
    src16 = src_p.reshape(16, 80, 128)
    dst16 = dst_p.reshape(16, 80, 128)

    xp = jnp.zeros((NP, DD), _f32).at[:NN].set(x)
    z1 = jnp.zeros((NP,), _f32)
    z2 = jnp.zeros((NP, HALF), _f32)
    w2p = jnp.zeros((DD, HALF), _f32).at[:, 0].set(W2[:, 0])
    b2v16 = jnp.broadcast_to(b2, (16,)).astype(_f32)

    d0, d1 = _deg_call(dst32, z1)
    h1, g0, g1, dinv = _mm1_call(xp, W1, d0.reshape(NP, 1), d1.reshape(NP, 1))
    bias_rz = jnp.concatenate([b_hh[:2 * DD], jnp.zeros((DD,), _f32)])
    s0, s1 = _mp_call(g0, g1, src_p.reshape(16, NCHK, CHK),
                      dst_p.reshape(16, NCHK, CHK), z2)
    gi = _gi_call(s0, s1, h1, dinv, b1.reshape(1, DD), W_ih.T,
                  (b_ih + bias_rz).reshape(1, 3 * DD))
    q2d = _gru_call(gi, W_hh.T.astype(jnp.bfloat16),
                    b_hh[2 * DD:].reshape(1, DD), w2p, dinv)
    q1d = q2d[:, 0]
    out = _fin_call(q1d, src16, dst16, dinv.reshape(NP), b2v16, z1)
    return out[:NN]

# --- scband reference (transcript-rebuilt; emitter-appended) ---
"""Pipeline reference for scband-tgcn-17815524344014 (READ-ONLY COPY).

The authoritative reference and input builder live on the scoring server;
editing this copy changes nothing except your own understanding.
"""

import jax, jax.numpy as jnp
import numpy as np

N = 10000
E = 160000
D_IN = 256
H = 256
G = 256


def gcn_conv(x, edge_index, W, b):
    # PyG-style GCNConv: add self-loops, symmetric normalization, linear, bias
    n = x.shape[0]
    src = edge_index[0]
    dst = edge_index[1]
    loop = jnp.arange(n, dtype=src.dtype)
    src = jnp.concatenate([src, loop])
    dst = jnp.concatenate([dst, loop])
    deg = jnp.zeros((n,), dtype=x.dtype).at[dst].add(1.0)
    dinv = jax.lax.rsqrt(jnp.maximum(deg, 1.0))
    norm = dinv[src] * dinv[dst]
    h = x @ W
    msg = h[src] * norm[:, None]
    out = jax.ops.segment_sum(msg, dst, num_segments=n)
    return out + b


def gru_seq(x_seq, W_ih, W_hh, b_ih, b_hh):
    # PyTorch GRU, single layer, batch=1, seq over nodes; gate order r,z,n
    Hd = W_hh.shape[1]

    def step(h, x_t):
        gi = W_ih @ x_t + b_ih
        gh = W_hh @ h + b_hh
        ir, iz, inn = jnp.split(gi, 3)
        hr, hz, hn = jnp.split(gh, 3)
        r = jax.nn.sigmoid(ir + hr)
        z = jax.nn.sigmoid(iz + hz)
        ng = jnp.tanh(inn + r * hn)
        h_new = (1.0 - z) * ng + z * h
        return h_new, h_new

    h0 = jnp.zeros((Hd,), dtype=x_seq.dtype)
    _, ys = jax.lax.scan(step, h0, x_seq)
    return ys


def setup_inputs(seed: int = 0) -> dict:
    key = jax.random.key(seed)
    ks = jax.random.split(key, 10)
    x = jax.random.normal(ks[0], (N, D_IN), dtype=jnp.float32)
    edge_index = jax.random.randint(ks[1], (2, E), 0, N, dtype=jnp.int32)
    W1 = jax.random.normal(ks[2], (D_IN, H), dtype=jnp.float32) * 0.05
    b1 = jnp.zeros((H,), dtype=jnp.float32)
    W_ih = jax.random.normal(ks[3], (3 * G, H), dtype=jnp.float32) * 0.05
    W_hh = jax.random.normal(ks[4], (3 * G, G), dtype=jnp.float32) * 0.05
    b_ih = jnp.zeros((3 * G,), dtype=jnp.float32)
    b_hh = jnp.zeros((3 * G,), dtype=jnp.float32)
    W2 = jax.random.normal(ks[5], (G, 1), dtype=jnp.float32) * 0.05
    b2 = jnp.zeros((1,), dtype=jnp.float32)
    return {"x": x, "edge_index": edge_index, "W1": W1, "b1": b1,
            "W_ih": W_ih, "W_hh": W_hh, "b_ih": b_ih, "b_hh": b_hh,
            "W2": W2, "b2": b2}


def reference(x, edge_index, W1, b1, W_ih, W_hh, b_ih, b_hh, W2, b2):
    h = jax.nn.relu(gcn_conv(x, edge_index, W1, b1))
    # unsqueeze(0) + GRU(batch_first) + squeeze(0): seq over the N nodes
    h = gru_seq(h, W_ih, W_hh, b_ih, b_hh)
    # dropout in eval mode -> identity
    out = gcn_conv(h, edge_index, W2, b2)
    return out.squeeze(-1)

if __name__ == "__main__":
    import jax
    _d = setup_inputs()
    print(jax.jit(kernel)(*tuple(_d.values())))

</pallas_src>

<mosaic_0001>
#map = affine_map<(d0, d1) -> (0, 0, 0)>
#map1 = affine_map<(d0, d1) -> (0)>
module attributes {stable_mosaic.version = 14 : i64} {
  func.func @_deg_body(%arg0: i32, %arg1: i32, %arg2: memref<32x40x128xi32, #tpu.memory_space<hbm>>, %arg3: memref<10240xf32, #tpu.memory_space<hbm>>, %arg4: memref<10240xf32, #tpu.memory_space<hbm>>, %arg5: memref<10240xf32, #tpu.memory_space<hbm>>, %arg6: memref<40x128xi32, #tpu.memory_space<vmem>>, %arg7: memref<128xf32, #tpu.memory_space<vmem>>, %arg8: memref<10240xf32, #tpu.memory_space<vmem_shared>>) attributes {dimension_semantics = [#tpu.dimension_semantics<core_parallel>, #tpu.dimension_semantics<subcore_parallel>], iteration_bounds = array<i64: 2, 16>, scalar_prefetch = 0 : i64, scratch_operands = 3 : i64, tpu.core_type = #tpu.core_type<sc_vector_subcore>, window_params = [{transform_indices = #map}, {transform_indices = #map1}, {transform_indices = #map1}, {transform_indices = #map1}]} {
    %mul3A = arith.constant 2 : i32
    %mul3A_0 = arith.muli %arg1, %mul3A : i32
    %add3A = arith.addi %mul3A_0, %arg0 : i32
    %eq3A = arith.constant 0 : i32
    %eq3A_1 = arith.cmpi eq, %arg1, %eq3A : i32
    %convert_element_type3A = arith.extui %eq3A_1 : i1 to i32
    %cond3A = arith.constant 0 : i32
    %cond3A_2 = arith.cmpi ne, %convert_element_type3A, %cond3A : i32
    scf.if %cond3A_2 {
      "tpu.region"() ({
        %run_scoped3A = tpu.sem_alloc : memref<!tpu.dma_semaphore, #tpu.memory_space<semaphore_mem>>
        tpu.enqueue_dma source(%arg3 : memref<10240xf32, #tpu.memory_space<hbm>>) target(%arg8 : memref<10240xf32, #tpu.memory_space<vmem_shared>>) target_semaphore(%run_scoped3A : memref<!tpu.dma_semaphore, #tpu.memory_space<semaphore_mem>>)
        tpu.wait_dma2 semaphore(%run_scoped3A : memref<!tpu.dma_semaphore, #tpu.memory_space<semaphore_mem>>) src(%arg3 : memref<10240xf32, #tpu.memory_space<hbm>>) dst(%arg8 : memref<10240xf32, #tpu.memory_space<vmem_shared>>)
        tpu.yield
      }) : () -> ()
    } else {
    }
    %barrier3A = arith.constant 0 : index
    tpu.barrier barrier_id(%barrier3A)
    "tpu.region"() ({
      %run_scoped3A = tpu.sem_alloc : memref<!tpu.dma_semaphore, #tpu.memory_space<semaphore_mem>>
      %dma_start3A = arith.constant 0 : i32
      %dma_start3A_67 = arith.constant 0 : i32
      %dma_start3A_68 = tpu.memref_slice %arg2[%add3A, %dma_start3A, %dma_start3A_67] : memref<32x40x128xi32, #tpu.memory_space<hbm>> -> memref<1x40x128xi32, #tpu.memory_space<hbm>>
      %dma_start3A_69 = tpu.memref_squeeze %dma_start3A_68 : memref<1x40x128xi32, #tpu.memory_space<hbm>> -> memref<40x128xi32, #tpu.memory_space<hbm>>
      %dma_start3A_70 = arith.constant 0 : i32
      %dma_start3A_71 = arith.constant 0 : i32
      %dma_start3A_72 = tpu.memref_slice %arg2[%add3A, %dma_start3A_70, %dma_start3A_71] : memref<32x40x128xi32, #tpu.memory_space<hbm>> -> memref<1x40x128xi32, #tpu.memory_space<hbm>>
      %dma_start3A_73 = tpu.memref_squeeze %dma_start3A_72 : memref<1x40x128xi32, #tpu.memory_space<hbm>> -> memref<40x128xi32, #tpu.memory_space<hbm>>
      tpu.enqueue_dma source(%dma_start3A_73 : memref<40x128xi32, #tpu.memory_space<hbm>>) target(%arg6 : memref<40x128xi32, #tpu.memory_space<vmem>>) target_semaphore(%run_scoped3A : memref<!tpu.dma_semaphore, #tpu.memory_space<semaphore_mem>>)
      %dma_wait3A = arith.constant 0 : i32
      %dma_wait3A_74 = arith.constant 0 : i32
      %dma_wait3A_75 = tpu.memref_slice %arg2[%add3A, %dma_wait3A, %dma_wait3A_74] : memref<32x40x128xi32, #tpu.memory_space<hbm>> -> memref<1x40x128xi32, #tpu.memory_space<hbm>>
      %dma_wait3A_76 = tpu.memref_squeeze %dma_wait3A_75 : memref<1x40x128xi32, #tpu.memory_space<hbm>> -> memref<40x128xi32, #tpu.memory_space<hbm>>
      %dma_wait3A_77 = arith.constant 0 : i32
      %dma_wait3A_78 = arith.constant 0 : i32
      %dma_wait3A_79 = tpu.memref_slice %arg2[%add3A, %dma_wait3A_77, %dma_wait3A_78] : memref<32x40x128xi32, #tpu.memory_space<hbm>> -> memref<1x40x128xi32, #tpu.memory_space<hbm>>
      %dma_wait3A_80 = tpu.memref_squeeze %dma_wait3A_79 : memref<1x40x128xi32, #tpu.memory_space<hbm>> -> memref<40x128xi32, #tpu.memory_space<hbm>>
      tpu.wait_dma2 semaphore(%run_scoped3A : memref<!tpu.dma_semaphore, #tpu.memory_space<semaphore_mem>>) src(%dma_wait3A_80 : memref<40x128xi32, #tpu.memory_space<hbm>>) dst(%arg6 : memref<40x128xi32, #tpu.memory_space<vmem>>)
      tpu.yield
    }) : () -> ()
    %broadcast_in_dim3A = arith.constant 1.000000e+00 : f32
    %broadcast_in_dim3A_3 = vector.broadcast %broadcast_in_dim3A : f32 to vector<16xf32>
    %swap3A = arith.constant 0 : index
    %swap3A_4 = tpu.vector_load %arg7[%swap3A] {strides = array<i32>} : memref<128xf32, #tpu.memory_space<vmem>>, vector<16xf32>,
    %swap3A_5 = vector.shape_cast %swap3A_4 : vector<16xf32> to vector<16xf32>
    %swap3A_6 = vector.shape_cast %broadcast_in_dim3A_3 : vector<16xf32> to vector<16xf32>
    tpu.vector_store %arg7[%swap3A], %swap3A_6 {strides = array<i32>} : memref<128xf32, #tpu.memory_space<vmem>>, vector<16xf32>,
    %broadcast_in_dim3A_7 = arith.constant 1.000000e+00 : f32
    %broadcast_in_dim3A_8 = vector.broadcast %broadcast_in_dim3A_7 : f32 to vector<16xf32>
    %swap3A_9 = arith.constant 16 : index
    %swap3A_10 = tpu.vector_load %arg7[%swap3A_9] {strides = array<i32>} : memref<128xf32, #tpu.memory_space<vmem>>, vector<16xf32>,
    %swap3A_11 = vector.shape_cast %swap3A_10 : vector<16xf32> to vector<16xf32>
    %swap3A_12 = vector.shape_cast %broadcast_in_dim3A_8 : vector<16xf32> to vector<16xf32>
    tpu.vector_store %arg7[%swap3A_9], %swap3A_12 {strides = array<i32>} : memref<128xf32, #tpu.memory_space<vmem>>, vector<16xf32>,
    %broadcast_in_dim3A_13 = arith.constant 1.000000e+00 : f32
    %broadcast_in_dim3A_14 = vector.broadcast %broadcast_in_dim3A_13 : f32 to vector<16xf32>
    %swap3A_15 = arith.constant 32 : index
    %swap3A_16 = tpu.vector_load %arg7[%swap3A_15] {strides = array<i32>} : memref<128xf32, #tpu.memory_space<vmem>>, vector<16xf32>,
    %swap3A_17 = vector.shape_cast %swap3A_16 : vector<16xf32> to vector<16xf32>
    %swap3A_18 = vector.shape_cast %broadcast_in_dim3A_14 : vector<16xf32> to vector<16xf32>
    tpu.vector_store %arg7[%swap3A_15], %swap3A_18 {strides = array<i32>} : memref<128xf32, #tpu.memory_space<vmem>>, vector<16xf32>,
    %broadcast_in_dim3A_19 = arith.constant 1.000000e+00 : f32
    %broadcast_in_dim3A_20 = vector.broadcast %broadcast_in_dim3A_19 : f32 to vector<16xf32>
    %swap3A_21 = arith.constant 48 : index
    %swap3A_22 = tpu.vector_load %arg7[%swap3A_21] {strides = array<i32>} : memref<128xf32, #tpu.memory_space<vmem>>, vector<16xf32>,
    %swap3A_23 = vector.shape_cast %swap3A_22 : vector<16xf32> to vector<16xf32>
    %swap3A_24 = vector.shape_cast %broadcast_in_dim3A_20 : vector<16xf32> to vector<16xf32>
    tpu.vector_store %arg7[%swap3A_21], %swap3A_24 {strides = array<i32>} : memref<128xf32, #tpu.memory_space<vmem>>, vector<16xf32>,
    %broadcast_in_dim3A_25 = arith.constant 1.000000e+00 : f32
    %broadcast_in_dim3A_26 = vector.broadcast %broadcast_in_dim3A_25 : f32 to vector<16xf32>
    %swap3A_27 = arith.constant 64 : index
    %swap3A_28 = tpu.vector_load %arg7[%swap3A_27] {strides = array<i32>} : memref<128xf32, #tpu.memory_space<vmem>>, vector<16xf32>,
    %swap3A_29 = vector.shape_cast %swap3A_28 : vector<16xf32> to vector<16xf32>
    %swap3A_30 = vector.shape_cast %broadcast_in_dim3A_26 : vector<16xf32> to vector<16xf32>
    tpu.vector_store %arg7[%swap3A_27], %swap3A_30 {strides = array<i32>} : memref<128xf32, #tpu.memory_space<vmem>>, vector<16xf32>,
    %broadcast_in_dim3A_31 = arith.constant 1.000000e+00 : f32
    %broadcast_in_dim3A_32 = vector.broadcast %broadcast_in_dim3A_31 : f32 to vector<16xf32>
    %swap3A_33 = arith.constant 80 : index
    %swap3A_34 = tpu.vector_load %arg7[%swap3A_33] {strides = array<i32>} : memref<128xf32, #tpu.memory_space<vmem>>, vector<16xf32>,
    %swap3A_35 = vector.shape_cast %swap3A_34 : vector<16xf32> to vector<16xf32>
    %swap3A_36 = vector.shape_cast %broadcast_in_dim3A_32 : vector<16xf32> to vector<16xf32>
    tpu.vector_store %arg7[%swap3A_33], %swap3A_36 {strides = array<i32>} : memref<128xf32, #tpu.memory_space<vmem>>, vector<16xf32>,
    %broadcast_in_dim3A_37 = arith.constant 1.000000e+00 : f32
    %broadcast_in_dim3A_38 = vector.broadcast %broadcast_in_dim3A_37 : f32 to vector<16xf32>
    %swap3A_39 = arith.constant 96 : index
    %swap3A_40 = tpu.vector_load %arg7[%swap3A_39] {strides = array<i32>} : memref<128xf32, #tpu.memory_space<vmem>>, vector<16xf32>,
    %swap3A_41 = vector.shape_cast %swap3A_40 : vector<16xf32> to vector<16xf32>
    %swap3A_42 = vector.shape_cast %broadcast_in_dim3A_38 : vector<16xf32> to vector<16xf32>
    tpu.vector_store %arg7[%swap3A_39], %swap3A_42 {strides = array<i32>} : memref<128xf32, #tpu.memory_space<vmem>>, vector<16xf32>,
    %broadcast_in_dim3A_43 = arith.constant 1.000000e+00 : f32
    %broadcast_in_dim3A_44 = vector.broadcast %broadcast_in_dim3A_43 : f32 to vector<16xf32>
    %swap3A_45 = arith.constant 112 : index
    %swap3A_46 = tpu.vector_load %arg7[%swap3A_45] {strides = array<i32>} : memref<128xf32, #tpu.memory_space<vmem>>, vector<16xf32>,
    %swap3A_47 = vector.shape_cast %swap3A_46 : vector<16xf32> to vector<16xf32>
    %swap3A_48 = vector.shape_cast %broadcast_in_dim3A_44 : vector<16xf32> to vector<16xf32>
    tpu.vector_store %arg7[%swap3A_45], %swap3A_48 {strides = array<i32>} : memref<128xf32, #tpu.memory_space<vmem>>, vector<16xf32>,
    %scan3A = arith.constant 0 : i32
    %scan3A_49 = arith.constant 0 : i32
    %scan3A_50 = arith.constant 40 : i32
    %scan3A_51 = arith.addi %scan3A_49, %scan3A_50 : i32
    %scan3A_52 = arith.constant 1 : i32
    scf.for %scan3A_67 = %scan3A_49 to %scan3A_51 step %scan3A_52  : i32 {
      "tpu.region"() ({
        %run_scoped3A = tpu.sem_alloc : memref<!tpu.dma_semaphore, #tpu.memory_space<semaphore_mem>>
        %dma_start3A = arith.constant 0 : i32
        %dma_start3A_68 = tpu.memref_slice %arg6[%scan3A_67, %dma_start3A] : memref<40x128xi32, #tpu.memory_space<vmem>> -> memref<1x128xi32, #tpu.memory_space<vmem>>
        %dma_start3A_69 = tpu.memref_squeeze %dma_start3A_68 : memref<1x128xi32, #tpu.memory_space<vmem>> -> memref<128xi32, #tpu.memory_space<vmem>>
        %dma_start3A_70 = arith.constant 0 : i32
        %dma_start3A_71 = tpu.memref_slice %arg8[%dma_start3A_70] : memref<10240xf32, #tpu.memory_space<vmem_shared>> -> memref<10240xf32, #tpu.memory_space<vmem_shared>>
        tpu.enqueue_indirect_dma source(%arg7 : memref<128xf32, #tpu.memory_space<vmem>>) target(%dma_start3A_71 : memref<10240xf32, #tpu.memory_space<vmem_shared>>) offsets(%dma_start3A_69 : memref<128xi32, #tpu.memory_space<vmem>>) semaphore(%run_scoped3A : memref<!tpu.dma_semaphore, #tpu.memory_space<semaphore_mem>>) {add = true}
        %dma_wait3A = arith.constant 0 : i32
        %dma_wait3A_72 = tpu.memref_slice %arg6[%scan3A_67, %dma_wait3A] : memref<40x128xi32, #tpu.memory_space<vmem>> -> memref<1x128xi32, #tpu.memory_space<vmem>>
        %dma_wait3A_73 = tpu.memref_squeeze %dma_wait3A_72 : memref<1x128xi32, #tpu.memory_space<vmem>> -> memref<128xi32, #tpu.memory_space<vmem>>
        %dma_wait3A_74 = arith.constant 0 : i32
        %dma_wait3A_75 = tpu.memref_slice %arg8[%dma_wait3A_74] : memref<10240xf32, #tpu.memory_space<vmem_shared>> -> memref<10240xf32, #tpu.memory_space<vmem_shared>>
        tpu.wait_indirect_dma semaphore(%run_scoped3A : memref<!tpu.dma_semaphore, #tpu.memory_space<semaphore_mem>>) src(%arg7 : memref<128xf32, #tpu.memory_space<vmem>>) dst(%dma_wait3A_75 : memref<10240xf32, #tpu.memory_space<vmem_shared>>)
        tpu.yield
      }) : () -> ()
    }
    %scan3A_53 = arith.constant 40 : i32
    %barrier3A_54 = arith.constant 0 : index
    tpu.barrier barrier_id(%barrier3A_54)
    %mul3A_55 = arith.constant 640 : i32
    %mul3A_56 = arith.muli %arg1, %mul3A_55 : i32
    %eq3A_57 = arith.constant 0 : i32
    %eq3A_58 = arith.cmpi eq, %arg0, %eq3A_57 : i32
    %convert_element_type3A_59 = arith.extui %eq3A_58 : i1 to i32
    %cond3A_60 = arith.constant 0 : i32
    %cond3A_61 = arith.cmpi ne, %convert_element_type3A_59, %cond3A_60 : i32
    scf.if %cond3A_61 {
      "tpu.region"() ({
        %run_scoped3A = tpu.sem_alloc : memref<!tpu.dma_semaphore, #tpu.memory_space<semaphore_mem>>
        %dma_start3A = tpu.memref_slice %arg4[%mul3A_56] : memref<10240xf32, #tpu.memory_space<hbm>> -> memref<640xf32, #tpu.memory_space<hbm>>
        %dma_start3A_67 = tpu.memref_slice %arg8[%mul3A_56] : memref<10240xf32, #tpu.memory_space<vmem_shared>> -> memref<640xf32, #tpu.memory_space<vmem_shared>>
        tpu.enqueue_dma source(%dma_start3A_67 : memref<640xf32, #tpu.memory_space<vmem_shared>>) target(%dma_start3A : memref<640xf32, #tpu.memory_space<hbm>>) target_semaphore(%run_scoped3A : memref<!tpu.dma_semaphore, #tpu.memory_space<semaphore_mem>>)
        %dma_wait3A = tpu.memref_slice %arg4[%mul3A_56] : memref<10240xf32, #tpu.memory_space<hbm>> -> memref<640xf32, #tpu.memory_space<hbm>>
        %dma_wait3A_68 = tpu.memref_slice %arg8[%mul3A_56] : memref<10240xf32, #tpu.memory_space<vmem_shared>> -> memref<640xf32, #tpu.memory_space<vmem_shared>>
        tpu.wait_dma2 semaphore(%run_scoped3A : memref<!tpu.dma_semaphore, #tpu.memory_space<semaphore_mem>>) src(%dma_wait3A_68 : memref<640xf32, #tpu.memory_space<vmem_shared>>) dst(%dma_wait3A : memref<640xf32, #tpu.memory_space<hbm>>)
        tpu.yield
      }) : () -> ()
    } else {
    }
    %eq3A_62 = arith.constant 1 : i32
    %eq3A_63 = arith.cmpi eq, %arg0, %eq3A_62 : i32
    %convert_element_type3A_64 = arith.extui %eq3A_63 : i1 to i32
    %cond3A_65 = arith.constant 0 : i32
    %cond3A_66 = arith.cmpi ne, %convert_element_type3A_64, %cond3A_65 : i32
    scf.if %cond3A_66 {
      "tpu.region"() ({
        %run_scoped3A = tpu.sem_alloc : memref<!tpu.dma_semaphore, #tpu.memory_space<semaphore_mem>>
        %dma_start3A = tpu.memref_slice %arg5[%mul3A_56] : memref<10240xf32, #tpu.memory_space<hbm>> -> memref<640xf32, #tpu.memory_space<hbm>>
        %dma_start3A_67 = tpu.memref_slice %arg8[%mul3A_56] : memref<10240xf32, #tpu.memory_space<vmem_shared>> -> memref<640xf32, #tpu.memory_space<vmem_shared>>
        tpu.enqueue_dma source(%dma_start3A_67 : memref<640xf32, #tpu.memory_space<vmem_shared>>) target(%dma_start3A : memref<640xf32, #tpu.memory_space<hbm>>) target_semaphore(%run_scoped3A : memref<!tpu.dma_semaphore, #tpu.memory_space<semaphore_mem>>)
        %dma_wait3A = tpu.memref_slice %arg5[%mul3A_56] : memref<10240xf32, #tpu.memory_space<hbm>> -> memref<640xf32, #tpu.memory_space<hbm>>
        %dma_wait3A_68 = tpu.memref_slice %arg8[%mul3A_56] : memref<10240xf32, #tpu.memory_space<vmem_shared>> -> memref<640xf32, #tpu.memory_space<vmem_shared>>
        tpu.wait_dma2 semaphore(%run_scoped3A : memref<!tpu.dma_semaphore, #tpu.memory_space<semaphore_mem>>) src(%dma_wait3A_68 : memref<640xf32, #tpu.memory_space<vmem_shared>>) dst(%dma_wait3A : memref<640xf32, #tpu.memory_space<hbm>>)
        tpu.yield
      }) : () -> ()
    } else {
    }
    return
  }
}

#map = affine_map<(d0, d1) -> (0, 0)>
#map1 = affine_map<(d0, d1) -> (0, 0, 0)>
module attributes {stable_mosaic.version = 14 : i64} {
  func.func @_mp_body(%arg0: i32, %arg1: i32, %arg2: memref<10240x128xf32, #tpu.memory_space<hbm>>, %arg3: memref<10240x128xf32, #tpu.memory_space<hbm>>, %arg4: memref<16x80x128xi32, #tpu.memory_space<hbm>>, %arg5: memref<16x80x128xi32, #tpu.memory_space<hbm>>, %arg6: memref<10240x128xf32, #tpu.memory_space<hbm>>, %arg7: memref<10240x128xf32, #tpu.memory_space<hbm>>, %arg8: memref<10240x128xf32, #tpu.memory_space<hbm>>, %arg9: memref<40x128xi32, #tpu.memory_space<vmem>>, %arg10: memref<80x128xi32, #tpu.memory_space<vmem>>, %arg11: memref<128x128xf32, #tpu.memory_space<vmem>>, %arg12: memref<128x128xf32, #tpu.memory_space<vmem>>, %arg13: memref<10240x128xf32, #tpu.memory_space<vmem_shared>>, %arg14: memref<!tpu.dma_semaphore, #tpu.memory_space<semaphore_mem>>, %arg15: memref<!tpu.dma_semaphore, #tpu.memory_space<semaphore_mem>>) attributes {dimension_semantics = [#tpu.dimension_semantics<core_parallel>, #tpu.dimension_semantics<subcore_parallel>], iteration_bounds = array<i64: 2, 16>, scalar_prefetch = 0 : i64, scratch_operands = 7 : i64, tpu.core_type = #tpu.core_type<sc_vector_subcore>, window_params = [{transform_indices = #map}, {transform_indices = #map}, {transform_indices = #map1}, {transform_indices = #map1}, {transform_indices = #map}, {transform_indices = #map}, {transform_indices = #map}]} {
    %eq3A = arith.constant 0 : i32
    %eq3A_0 = arith.cmpi eq, %arg1, %eq3A : i32
    %convert_element_type3A = arith.extui %eq3A_0 : i1 to i32
    %cond3A = arith.constant 0 : i32
    %cond3A_1 = arith.cmpi ne, %convert_element_type3A, %cond3A : i32
    scf.if %cond3A_1 {
      "tpu.region"() ({
        %run_scoped3A = tpu.sem_alloc : memref<!tpu.dma_semaphore, #tpu.memory_space<semaphore_mem>>
        tpu.enqueue_dma source(%arg6 : memref<10240x128xf32, #tpu.memory_space<hbm>>) target(%arg13 : memref<10240x128xf32, #tpu.memory_space<vmem_shared>>) target_semaphore(%run_scoped3A : memref<!tpu.dma_semaphore, #tpu.memory_space<semaphore_mem>>)
        tpu.wait_dma2 semaphore(%run_scoped3A : memref<!tpu.dma_semaphore, #tpu.memory_space<semaphore_mem>>) src(%arg6 : memref<10240x128xf32, #tpu.memory_space<hbm>>) dst(%arg13 : memref<10240x128xf32, #tpu.memory_space<vmem_shared>>)
        tpu.yield
      }) : () -> ()
    } else {
    }
    %barrier3A = arith.constant 0 : index
    tpu.barrier barrier_id(%barrier3A)
    "tpu.region"() ({
      %run_scoped3A = tpu.sem_alloc : memref<!tpu.dma_semaphore, #tpu.memory_space<semaphore_mem>>
      %dma_start3A = arith.constant 0 : i32
      %dma_start3A_24 = arith.constant 0 : i32
      %dma_start3A_25 = tpu.memref_slice %arg5[%arg1, %dma_start3A, %dma_start3A_24] : memref<16x80x128xi32, #tpu.memory_space<hbm>> -> memref<1x80x128xi32, #tpu.memory_space<hbm>>
      %dma_start3A_26 = tpu.memref_squeeze %dma_start3A_25 : memref<1x80x128xi32, #tpu.memory_space<hbm>> -> memref<80x128xi32, #tpu.memory_space<hbm>>
      %dma_start3A_27 = arith.constant 0 : i32
      %dma_start3A_28 = arith.constant 0 : i32
      %dma_start3A_29 = tpu.memref_slice %arg5[%arg1, %dma_start3A_27, %dma_start3A_28] : memref<16x80x128xi32, #tpu.memory_space<hbm>> -> memref<1x80x128xi32, #tpu.memory_space<hbm>>
      %dma_start3A_30 = tpu.memref_squeeze %dma_start3A_29 : memref<1x80x128xi32, #tpu.memory_space<hbm>> -> memref<80x128xi32, #tpu.memory_space<hbm>>
      tpu.enqueue_dma source(%dma_start3A_30 : memref<80x128xi32, #tpu.memory_space<hbm>>) target(%arg10 : memref<80x128xi32, #tpu.memory_space<vmem>>) target_semaphore(%run_scoped3A : memref<!tpu.dma_semaphore, #tpu.memory_space<semaphore_mem>>)
      %dma_wait3A = arith.constant 0 : i32
      %dma_wait3A_31 = arith.constant 0 : i32
      %dma_wait3A_32 = tpu.memref_slice %arg5[%arg1, %dma_wait3A, %dma_wait3A_31] : memref<16x80x128xi32, #tpu.memory_space<hbm>> -> memref<1x80x128xi32, #tpu.memory_space<hbm>>
      %dma_wait3A_33 = tpu.memref_squeeze %dma_wait3A_32 : memref<1x80x128xi32, #tpu.memory_space<hbm>> -> memref<80x128xi32, #tpu.memory_space<hbm>>
      %dma_wait3A_34 = arith.constant 0 : i32
      %dma_wait3A_35 = arith.constant 0 : i32
      %dma_wait3A_36 = tpu.memref_slice %arg5[%arg1, %dma_wait3A_34, %dma_wait3A_35] : memref<16x80x128xi32, #tpu.memory_space<hbm>> -> memref<1x80x128xi32, #tpu.memory_space<hbm>>
      %dma_wait3A_37 = tpu.memref_squeeze %dma_wait3A_36 : memref<1x80x128xi32, #tpu.memory_space<hbm>> -> memref<80x128xi32, #tpu.memory_space<hbm>>
      tpu.wait_dma2 semaphore(%run_scoped3A : memref<!tpu.dma_semaphore, #tpu.memory_space<semaphore_mem>>) src(%dma_wait3A_37 : memref<80x128xi32, #tpu.memory_space<hbm>>) dst(%arg10 : memref<80x128xi32, #tpu.memory_space<vmem>>)
      tpu.yield
    }) : () -> ()
    %eq3A_2 = arith.constant 0 : i32
    %eq3A_3 = arith.cmpi eq, %arg0, %eq3A_2 : i32
    %convert_element_type3A_4 = arith.extui %eq3A_3 : i1 to i32
    %cond3A_5 = arith.constant 0 : i32
    %cond3A_6 = arith.cmpi ne, %convert_element_type3A_4, %cond3A_5 : i32
    scf.if %cond3A_6 {
      "tpu.region"() ({
        %run_scoped3A = tpu.sem_alloc : memref<!tpu.dma_semaphore, #tpu.memory_space<semaphore_mem>>
        %dma_start3A = arith.constant 0 : i32
        %dma_start3A_35 = arith.constant 0 : i32
        %dma_start3A_36 = tpu.memref_slice %arg4[%arg1, %dma_start3A, %dma_start3A_35] : memref<16x80x128xi32, #tpu.memory_space<hbm>> -> memref<1x40x128xi32, #tpu.memory_space<hbm>>
        %dma_start3A_37 = tpu.memref_squeeze %dma_start3A_36 : memref<1x40x128xi32, #tpu.memory_space<hbm>> -> memref<40x128xi32, #tpu.memory_space<hbm>>
        %dma_start3A_38 = arith.constant 0 : i32
        %dma_start3A_39 = arith.constant 0 : i32
        %dma_start3A_40 = tpu.memref_slice %arg4[%arg1, %dma_start3A_38, %dma_start3A_39] : memref<16x80x128xi32, #tpu.memory_space<hbm>> -> memref<1x40x128xi32, #tpu.memory_space<hbm>>
        %dma_start3A_41 = tpu.memref_squeeze %dma_start3A_40 : memref<1x40x128xi32, #tpu.memory_space<hbm>> -> memref<40x128xi32, #tpu.memory_space<hbm>>
        tpu.enqueue_dma source(%dma_start3A_41 : memref<40x128xi32, #tpu.memory_space<hbm>>) target(%arg9 : memref<40x128xi32, #tpu.memory_space<vmem>>) target_semaphore(%run_scoped3A : memref<!tpu.dma_semaphore, #tpu.memory_space<semaphore_mem>>)
        %dma_wait3A = arith.constant 0 : i32
        %dma_wait3A_42 = arith.constant 0 : i32
        %dma_wait3A_43 = tpu.memref_slice %arg4[%arg1, %dma_wait3A, %dma_wait3A_42] : memref<16x80x128xi32, #tpu.memory_space<hbm>> -> memref<1x40x128xi32, #tpu.memory_space<hbm>>
        %dma_wait3A_44 = tpu.memref_squeeze %dma_wait3A_43 : memref<1x40x128xi32, #tpu.memory_space<hbm>> -> memref<40x128xi32, #tpu.memory_space<hbm>>
        %dma_wait3A_45 = arith.constant 0 : i32
        %dma_wait3A_46 = arith.constant 0 : i32
        %dma_wait3A_47 = tpu.memref_slice %arg4[%arg1, %dma_wait3A_45, %dma_wait3A_46] : memref<16x80x128xi32, #tpu.memory_space<hbm>> -> memref<1x40x128xi32, #tpu.memory_space<hbm>>
        %dma_wait3A_48 = tpu.memref_squeeze %dma_wait3A_47 : memref<1x40x128xi32, #tpu.memory_space<hbm>> -> memref<40x128xi32, #tpu.memory_space<hbm>>
        tpu.wait_dma2 semaphore(%run_scoped3A : memref<!tpu.dma_semaphore, #tpu.memory_space<semaphore_mem>>) src(%dma_wait3A_48 : memref<40x128xi32, #tpu.memory_space<hbm>>) dst(%arg9 : memref<40x128xi32, #tpu.memory_space<vmem>>)
        tpu.yield
      }) : () -> ()
      %scan3A = arith.constant 0 : i32
      %scan3A_24 = arith.constant 0 : i32
      %scan3A_25 = arith.constant 20 : i32
      %scan3A_26 = arith.addi %scan3A_24, %scan3A_25 : i32
      %scan3A_27 = arith.constant 1 : i32
      scf.for %scan3A_35 = %scan3A_24 to %scan3A_26 step %scan3A_27  : i32 {
        %mul3A_36 = arith.constant 2 : i32
        %mul3A_37 = arith.muli %mul3A_36, %scan3A_35 : i32
        %dma_start3A = arith.constant 0 : i32
        %dma_start3A_38 = tpu.memref_slice %arg9[%mul3A_37, %dma_start3A] : memref<40x128xi32, #tpu.memory_space<vmem>> -> memref<1x128xi32, #tpu.memory_space<vmem>>
        %dma_start3A_39 = tpu.memref_squeeze %dma_start3A_38 : memref<1x128xi32, #tpu.memory_space<vmem>> -> memref<128xi32, #tpu.memory_space<vmem>>
        %dma_start3A_40 = arith.constant 0 : i32
        %dma_start3A_41 = arith.constant 0 : i32
        %dma_start3A_42 = tpu.memref_slice %arg2[%dma_start3A_40, %dma_start3A_41] : memref<10240x128xf32, #tpu.memory_space<hbm>> -> memref<10240x128xf32, #tpu.memory_space<hbm>>
        tpu.enqueue_indirect_dma source(%dma_start3A_42 : memref<10240x128xf32, #tpu.memory_space<hbm>>) target(%arg11 : memref<128x128xf32, #tpu.memory_space<vmem>>) offsets(%dma_start3A_39 : memref<128xi32, #tpu.memory_space<vmem>>) semaphore(%arg14 : memref<!tpu.dma_semaphore, #tpu.memory_space<semaphore_mem>>)
        %add3A = arith.constant 1 : i32
        %add3A_43 = arith.addi %mul3A_37, %add3A : i32
        %dma_start3A_44 = arith.constant 0 : i32
        %dma_start3A_45 = tpu.memref_slice %arg9[%add3A_43, %dma_start3A_44] : memref<40x128xi32, #tpu.memory_space<vmem>> -> memref<1x128xi32, #tpu.memory_space<vmem>>
        %dma_start3A_46 = tpu.memref_squeeze %dma_start3A_45 : memref<1x128xi32, #tpu.memory_space<vmem>> -> memref<128xi32, #tpu.memory_space<vmem>>
        %dma_start3A_47 = arith.constant 0 : i32
        %dma_start3A_48 = arith.constant 0 : i32
        %dma_start3A_49 = tpu.memref_slice %arg2[%dma_start3A_47, %dma_start3A_48] : memref<10240x128xf32, #tpu.memory_space<hbm>> -> memref<10240x128xf32, #tpu.memory_space<hbm>>
        tpu.enqueue_indirect_dma source(%dma_start3A_49 : memref<10240x128xf32, #tpu.memory_space<hbm>>) target(%arg12 : memref<128x128xf32, #tpu.memory_space<vmem>>) offsets(%dma_start3A_46 : memref<128xi32, #tpu.memory_space<vmem>>) semaphore(%arg15 : memref<!tpu.dma_semaphore, #tpu.memory_space<semaphore_mem>>)
        %dma_wait3A = arith.constant 0 : i32
        %dma_wait3A_50 = tpu.memref_slice %arg9[%mul3A_37, %dma_wait3A] : memref<40x128xi32, #tpu.memory_space<vmem>> -> memref<1x128xi32, #tpu.memory_space<vmem>>
        %dma_wait3A_51 = tpu.memref_squeeze %dma_wait3A_50 : memref<1x128xi32, #tpu.memory_space<vmem>> -> memref<128xi32, #tpu.memory_space<vmem>>
        %dma_wait3A_52 = arith.constant 0 : i32
        %dma_wait3A_53 = arith.constant 0 : i32
        %dma_wait3A_54 = tpu.memref_slice %arg2[%dma_wait3A_52, %dma_wait3A_53] : memref<10240x128xf32, #tpu.memory_space<hbm>> -> memref<10240x128xf32, #tpu.memory_space<hbm>>
        tpu.wait_indirect_dma semaphore(%arg14 : memref<!tpu.dma_semaphore, #tpu.memory_space<semaphore_mem>>) src(%dma_wait3A_54 : memref<10240x128xf32, #tpu.memory_space<hbm>>) dst(%arg11 : memref<128x128xf32, #tpu.memory_space<vmem>>)
        %add3A_55 = arith.constant 0 : i32
        %add3A_56 = arith.addi %add3A_55, %mul3A_37 : i32
        "tpu.region"() ({
          %run_scoped3A = tpu.sem_alloc : memref<!tpu.dma_semaphore, #tpu.memory_space<semaphore_mem>>
          %dma_start3A_67 = arith.constant 0 : i32
          %dma_start3A_68 = tpu.memref_slice %arg10[%add3A_56, %dma_start3A_67] : memref<80x128xi32, #tpu.memory_space<vmem>> -> memref<1x128xi32, #tpu.memory_space<vmem>>
          %dma_start3A_69 = tpu.memref_squeeze %dma_start3A_68 : memref<1x128xi32, #tpu.memory_space<vmem>> -> memref<128xi32, #tpu.memory_space<vmem>>
          %dma_start3A_70 = arith.constant 0 : i32
          %dma_start3A_71 = arith.constant 0 : i32
          %dma_start3A_72 = tpu.memref_slice %arg13[%dma_start3A_70, %dma_start3A_71] : memref<10240x128xf32, #tpu.memory_space<vmem_shared>> -> memref<10240x128xf32, #tpu.memory_space<vmem_shared>>
          tpu.enqueue_indirect_dma source(%arg11 : memref<128x128xf32, #tpu.memory_space<vmem>>) target(%dma_start3A_72 : memref<10240x128xf32, #tpu.memory_space<vmem_shared>>) offsets(%dma_start3A_69 : memref<128xi32, #tpu.memory_space<vmem>>) semaphore(%run_scoped3A : memref<!tpu.dma_semaphore, #tpu.memory_space<semaphore_mem>>) {add = true}
          %dma_wait3A_73 = arith.constant 0 : i32
          %dma_wait3A_74 = tpu.memref_slice %arg10[%add3A_56, %dma_wait3A_73] : memref<80x128xi32, #tpu.memory_space<vmem>> -> memref<1x128xi32, #tpu.memory_space<vmem>>
          %dma_wait3A_75 = tpu.memref_squeeze %dma_wait3A_74 : memref<1x128xi32, #tpu.memory_space<vmem>> -> memref<128xi32, #tpu.memory_space<vmem>>
          %dma_wait3A_76 = arith.constant 0 : i32
          %dma_wait3A_77 = arith.constant 0 : i32
          %dma_wait3A_78 = tpu.memref_slice %arg13[%dma_wait3A_76, %dma_wait3A_77] : memref<10240x128xf32, #tpu.memory_space<vmem_shared>> -> memref<10240x128xf32, #tpu.memory_space<vmem_shared>>
          tpu.wait_indirect_dma semaphore(%run_scoped3A : memref<!tpu.dma_semaphore, #tpu.memory_space<semaphore_mem>>) src(%arg11 : memref<128x128xf32, #tpu.memory_space<vmem>>) dst(%dma_wait3A_78 : memref<10240x128xf32, #tpu.memory_space<vmem_shared>>)
          tpu.yield
        }) : () -> ()
        %dma_wait3A_57 = arith.constant 0 : i32
        %dma_wait3A_58 = tpu.memref_slice %arg9[%add3A_43, %dma_wait3A_57] : memref<40x128xi32, #tpu.memory_space<vmem>> -> memref<1x128xi32, #tpu.memory_space<vmem>>
        %dma_wait3A_59 = tpu.memref_squeeze %dma_wait3A_58 : memref<1x128xi32, #tpu.memory_space<vmem>> -> memref<128xi32, #tpu.memory_space<vmem>>
        %dma_wait3A_60 = arith.constant 0 : i32
        %dma_wait3A_61 = arith.constant 0 : i32
        %dma_wait3A_62 = tpu.memref_slice %arg2[%dma_wait3A_60, %dma_wait3A_61] : memref<10240x128xf32, #tpu.memory_space<hbm>> -> memref<10240x128xf32, #tpu.memory_space<hbm>>
        tpu.wait_indirect_dma semaphore(%arg15 : memref<!tpu.dma_semaphore, #tpu.memory_space<semaphore_mem>>) src(%dma_wait3A_62 : memref<10240x128xf32, #tpu.memory_space<hbm>>) dst(%arg12 : memref<128x128xf32, #tpu.memory_space<vmem>>)
        %add3A_63 = arith.constant 0 : i32
        %add3A_64 = arith.addi %add3A_63, %mul3A_37 : i32
        %add3A_65 = arith.constant 1 : i32
        %add3A_66 = arith.addi %add3A_64, %add3A_65 : i32
        "tpu.region"() ({
          %run_scoped3A = tpu.sem_alloc : memref<!tpu.dma_semaphore, #tpu.memory_space<semaphore_mem>>
          %dma_start3A_67 = arith.constant 0 : i32
          %dma_start3A_68 = tpu.memref_slice %arg10[%add3A_66, %dma_start3A_67] : memref<80x128xi32, #tpu.memory_space<vmem>> -> memref<1x128xi32, #tpu.memory_space<vmem>>
          %dma_start3A_69 = tpu.memref_squeeze %dma_start3A_68 : memref<1x128xi32, #tpu.memory_space<vmem>> -> memref<128xi32, #tpu.memory_space<vmem>>
          %dma_start3A_70 = arith.constant 0 : i32
          %dma_start3A_71 = arith.constant 0 : i32
          %dma_start3A_72 = tpu.memref_slice %arg13[%dma_start3A_70, %dma_start3A_71] : memref<10240x128xf32, #tpu.memory_space<vmem_shared>> -> memref<10240x128xf32, #tpu.memory_space<vmem_shared>>
          tpu.enqueue_indirect_dma source(%arg12 : memref<128x128xf32, #tpu.memory_space<vmem>>) target(%dma_start3A_72 : memref<10240x128xf32, #tpu.memory_space<vmem_shared>>) offsets(%dma_start3A_69 : memref<128xi32, #tpu.memory_space<vmem>>) semaphore(%run_scoped3A : memref<!tpu.dma_semaphore, #tpu.memory_space<semaphore_mem>>) {add = true}
          %dma_wait3A_73 = arith.constant 0 : i32
          %dma_wait3A_74 = tpu.memref_slice %arg10[%add3A_66, %dma_wait3A_73] : memref<80x128xi32, #tpu.memory_space<vmem>> -> memref<1x128xi32, #tpu.memory_space<vmem>>
          %dma_wait3A_75 = tpu.memref_squeeze %dma_wait3A_74 : memref<1x128xi32, #tpu.memory_space<vmem>> -> memref<128xi32, #tpu.memory_space<vmem>>
          %dma_wait3A_76 = arith.constant 0 : i32
          %dma_wait3A_77 = arith.constant 0 : i32
          %dma_wait3A_78 = tpu.memref_slice %arg13[%dma_wait3A_76, %dma_wait3A_77] : memref<10240x128xf32, #tpu.memory_space<vmem_shared>> -> memref<10240x128xf32, #tpu.memory_space<vmem_shared>>
          tpu.wait_indirect_dma semaphore(%run_scoped3A : memref<!tpu.dma_semaphore, #tpu.memory_space<semaphore_mem>>) src(%arg12 : memref<128x128xf32, #tpu.memory_space<vmem>>) dst(%dma_wait3A_78 : memref<10240x128xf32, #tpu.memory_space<vmem_shared>>)
          tpu.yield
        }) : () -> ()
      }
      %scan3A_28 = arith.constant 20 : i32
      "tpu.region"() ({
        %run_scoped3A = tpu.sem_alloc : memref<!tpu.dma_semaphore, #tpu.memory_space<semaphore_mem>>
        %dma_start3A = arith.constant 40 : i32
        %dma_start3A_35 = arith.constant 0 : i32
        %dma_start3A_36 = tpu.memref_slice %arg4[%arg1, %dma_start3A, %dma_start3A_35] : memref<16x80x128xi32, #tpu.memory_space<hbm>> -> memref<1x40x128xi32, #tpu.memory_space<hbm>>
        %dma_start3A_37 = tpu.memref_squeeze %dma_start3A_36 : memref<1x40x128xi32, #tpu.memory_space<hbm>> -> memref<40x128xi32, #tpu.memory_space<hbm>>
        %dma_start3A_38 = arith.constant 40 : i32
        %dma_start3A_39 = arith.constant 0 : i32
        %dma_start3A_40 = tpu.memref_slice %arg4[%arg1, %dma_start3A_38, %dma_start3A_39] : memref<16x80x128xi32, #tpu.memory_space<hbm>> -> memref<1x40x128xi32, #tpu.memory_space<hbm>>
        %dma_start3A_41 = tpu.memref_squeeze %dma_start3A_40 : memref<1x40x128xi32, #tpu.memory_space<hbm>> -> memref<40x128xi32, #tpu.memory_space<hbm>>
        tpu.enqueue_dma source(%dma_start3A_41 : memref<40x128xi32, #tpu.memory_space<hbm>>) target(%arg9 : memref<40x128xi32, #tpu.memory_space<vmem>>) target_semaphore(%run_scoped3A : memref<!tpu.dma_semaphore, #tpu.memory_space<semaphore_mem>>)
        %dma_wait3A = arith.constant 40 : i32
        %dma_wait3A_42 = arith.constant 0 : i32
        %dma_wait3A_43 = tpu.memref_slice %arg4[%arg1, %dma_wait3A, %dma_wait3A_42] : memref<16x80x128xi32, #tpu.memory_space<hbm>> -> memref<1x40x128xi32, #tpu.memory_space<hbm>>
        %dma_wait3A_44 = tpu.memref_squeeze %dma_wait3A_43 : memref<1x40x128xi32, #tpu.memory_space<hbm>> -> memref<40x128xi32, #tpu.memory_space<hbm>>
        %dma_wait3A_45 = arith.constant 40 : i32
        %dma_wait3A_46 = arith.constant 0 : i32
        %dma_wait3A_47 = tpu.memref_slice %arg4[%arg1, %dma_wait3A_45, %dma_wait3A_46] : memref<16x80x128xi32, #tpu.memory_space<hbm>> -> memref<1x40x128xi32, #tpu.memory_space<hbm>>
        %dma_wait3A_48 = tpu.memref_squeeze %dma_wait3A_47 : memref<1x40x128xi32, #tpu.memory_space<hbm>> -> memref<40x128xi32, #tpu.memory_space<hbm>>
        tpu.wait_dma2 semaphore(%run_scoped3A : memref<!tpu.dma_semaphore, #tpu.memory_space<semaphore_mem>>) src(%dma_wait3A_48 : memref<40x128xi32, #tpu.memory_space<hbm>>) dst(%arg9 : memref<40x128xi32, #tpu.memory_space<vmem>>)
        tpu.yield
      }) : () -> ()
      %scan3A_29 = arith.constant 0 : i32
      %scan3A_30 = arith.constant 0 : i32
      %scan3A_31 = arith.constant 20 : i32
      %scan3A_32 = arith.addi %scan3A_30, %scan3A_31 : i32
      %scan3A_33 = arith.constant 1 : i32
      scf.for %scan3A_35 = %scan3A_30 to %scan3A_32 step %scan3A_33  : i32 {
        %mul3A_36 = arith.constant 2 : i32
        %mul3A_37 = arith.muli %mul3A_36, %scan3A_35 : i32
        %dma_start3A = arith.constant 0 : i32
        %dma_start3A_38 = tpu.memref_slice %arg9[%mul3A_37, %dma_start3A] : memref<40x128xi32, #tpu.memory_space<vmem>> -> memref<1x128xi32, #tpu.memory_space<vmem>>
        %dma_start3A_39 = tpu.memref_squeeze %dma_start3A_38 : memref<1x128xi32, #tpu.memory_space<vmem>> -> memref<128xi32, #tpu.memory_space<vmem>>
        %dma_start3A_40 = arith.constant 0 : i32
        %dma_start3A_41 = arith.constant 0 : i32
        %dma_start3A_42 = tpu.memref_slice %arg2[%dma_start3A_40, %dma_start3A_41] : memref<10240x128xf32, #tpu.memory_space<hbm>> -> memref<10240x128xf32, #tpu.memory_space<hbm>>
        tpu.enqueue_indirect_dma source(%dma_start3A_42 : memref<10240x128xf32, #tpu.memory_space<hbm>>) target(%arg11 : memref<128x128xf32, #tpu.memory_space<vmem>>) offsets(%dma_start3A_39 : memref<128xi32, #tpu.memory_space<vmem>>) semaphore(%arg14 : memref<!tpu.dma_semaphore, #tpu.memory_space<semaphore_mem>>)
        %add3A = arith.constant 1 : i32
        %add3A_43 = arith.addi %mul3A_37, %add3A : i32
        %dma_start3A_44 = arith.constant 0 : i32
        %dma_start3A_45 = tpu.memref_slice %arg9[%add3A_43, %dma_start3A_44] : memref<40x128xi32, #tpu.memory_space<vmem>> -> memref<1x128xi32, #tpu.memory_space<vmem>>
        %dma_start3A_46 = tpu.memref_squeeze %dma_start3A_45 : memref<1x128xi32, #tpu.memory_space<vmem>> -> memref<128xi32, #tpu.memory_space<vmem>>
        %dma_start3A_47 = arith.constant 0 : i32
        %dma_start3A_48 = arith.constant 0 : i32
        %dma_start3A_49 = tpu.memref_slice %arg2[%dma_start3A_47, %dma_start3A_48] : memref<10240x128xf32, #tpu.memory_space<hbm>> -> memref<10240x128xf32, #tpu.memory_space<hbm>>
        tpu.enqueue_indirect_dma source(%dma_start3A_49 : memref<10240x128xf32, #tpu.memory_space<hbm>>) target(%arg12 : memref<128x128xf32, #tpu.memory_space<vmem>>) offsets(%dma_start3A_46 : memref<128xi32, #tpu.memory_space<vmem>>) semaphore(%arg15 : memref<!tpu.dma_semaphore, #tpu.memory_space<semaphore_mem>>)
        %dma_wait3A = arith.constant 0 : i32
        %dma_wait3A_50 = tpu.memref_slice %arg9[%mul3A_37, %dma_wait3A] : memref<40x128xi32, #tpu.memory_space<vmem>> -> memref<1x128xi32, #tpu.memory_space<vmem>>
        %dma_wait3A_51 = tpu.memref_squeeze %dma_wait3A_50 : memref<1x128xi32, #tpu.memory_space<vmem>> -> memref<128xi32, #tpu.memory_space<vmem>>
        %dma_wait3A_52 = arith.constant 0 : i32
        %dma_wait3A_53 = arith.constant 0 : i32
        %dma_wait3A_54 = tpu.memref_slice %arg2[%dma_wait3A_52, %dma_wait3A_53] : memref<10240x128xf32, #tpu.memory_space<hbm>> -> memref<10240x128xf32, #tpu.memory_space<hbm>>
        tpu.wait_indirect_dma semaphore(%arg14 : memref<!tpu.dma_semaphore, #tpu.memory_space<semaphore_mem>>) src(%dma_wait3A_54 : memref<10240x128xf32, #tpu.memory_space<hbm>>) dst(%arg11 : memref<128x128xf32, #tpu.memory_space<vmem>>)
        %add3A_55 = arith.constant 40 : i32
        %add3A_56 = arith.addi %add3A_55, %mul3A_37 : i32
        "tpu.region"() ({
          %run_scoped3A = tpu.sem_alloc : memref<!tpu.dma_semaphore, #tpu.memory_space<semaphore_mem>>
          %dma_start3A_67 = arith.constant 0 : i32
          %dma_start3A_68 = tpu.memref_slice %arg10[%add3A_56, %dma_start3A_67] : memref<80x128xi32, #tpu.memory_space<vmem>> -> memref<1x128xi32, #tpu.memory_space<vmem>>
          %dma_start3A_69 = tpu.memref_squeeze %dma_start3A_68 : memref<1x128xi32, #tpu.memory_space<vmem>> -> memref<128xi32, #tpu.memory_space<vmem>>
          %dma_start3A_70 = arith.constant 0 : i32
          %dma_start3A_71 = arith.constant 0 : i32
          %dma_start3A_72 = tpu.memref_slice %arg13[%dma_start3A_70, %dma_start3A_71] : memref<10240x128xf32, #tpu.memory_space<vmem_shared>> -> memref<10240x128xf32, #tpu.memory_space<vmem_shared>>
          tpu.enqueue_indirect_dma source(%arg11 : memref<128x128xf32, #tpu.memory_space<vmem>>) target(%dma_start3A_72 : memref<10240x128xf32, #tpu.memory_space<vmem_shared>>) offsets(%dma_start3A_69 : memref<128xi32, #tpu.memory_space<vmem>>) semaphore(%run_scoped3A : memref<!tpu.dma_semaphore, #tpu.memory_space<semaphore_mem>>) {add = true}
          %dma_wait3A_73 = arith.constant 0 : i32
          %dma_wait3A_74 = tpu.memref_slice %arg10[%add3A_56, %dma_wait3A_73] : memref<80x128xi32, #tpu.memory_space<vmem>> -> memref<1x128xi32, #tpu.memory_space<vmem>>
          %dma_wait3A_75 = tpu.memref_squeeze %dma_wait3A_74 : memref<1x128xi32, #tpu.memory_space<vmem>> -> memref<128xi32, #tpu.memory_space<vmem>>
          %dma_wait3A_76 = arith.constant 0 : i32
          %dma_wait3A_77 = arith.constant 0 : i32
          %dma_wait3A_78 = tpu.memref_slice %arg13[%dma_wait3A_76, %dma_wait3A_77] : memref<10240x128xf32, #tpu.memory_space<vmem_shared>> -> memref<10240x128xf32, #tpu.memory_space<vmem_shared>>
          tpu.wait_indirect_dma semaphore(%run_scoped3A : memref<!tpu.dma_semaphore, #tpu.memory_space<semaphore_mem>>) src(%arg11 : memref<128x128xf32, #tpu.memory_space<vmem>>) dst(%dma_wait3A_78 : memref<10240x128xf32, #tpu.memory_space<vmem_shared>>)
          tpu.yield
        }) : () -> ()
        %dma_wait3A_57 = arith.constant 0 : i32
        %dma_wait3A_58 = tpu.memref_slice %arg9[%add3A_43, %dma_wait3A_57] : memref<40x128xi32, #tpu.memory_space<vmem>> -> memref<1x128xi32, #tpu.memory_space<vmem>>
        %dma_wait3A_59 = tpu.memref_squeeze %dma_wait3A_58 : memref<1x128xi32, #tpu.memory_space<vmem>> -> memref<128xi32, #tpu.memory_space<vmem>>
        %dma_wait3A_60 = arith.constant 0 : i32
        %dma_wait3A_61 = arith.constant 0 : i32
        %dma_wait3A_62 = tpu.memref_slice %arg2[%dma_wait3A_60, %dma_wait3A_61] : memref<10240x128xf32, #tpu.memory_space<hbm>> -> memref<10240x128xf32, #tpu.memory_space<hbm>>
        tpu.wait_indirect_dma semaphore(%arg15 : memref<!tpu.dma_semaphore, #tpu.memory_space<semaphore_mem>>) src(%dma_wait3A_62 : memref<10240x128xf32, #tpu.memory_space<hbm>>) dst(%arg12 : memref<128x128xf32, #tpu.memory_space<vmem>>)
        %add3A_63 = arith.constant 40 : i32
        %add3A_64 = arith.addi %add3A_63, %mul3A_37 : i32
        %add3A_65 = arith.constant 1 : i32
        %add3A_66 = arith.addi %add3A_64, %add3A_65 : i32
        "tpu.region"() ({
          %run_scoped3A = tpu.sem_alloc : memref<!tpu.dma_semaphore, #tpu.memory_space<semaphore_mem>>
          %dma_start3A_67 = arith.constant 0 : i32
          %dma_start3A_68 = tpu.memref_slice %arg10[%add3A_66, %dma_start3A_67] : memref<80x128xi32, #tpu.memory_space<vmem>> -> memref<1x128xi32, #tpu.memory_space<vmem>>
          %dma_start3A_69 = tpu.memref_squeeze %dma_start3A_68 : memref<1x128xi32, #tpu.memory_space<vmem>> -> memref<128xi32, #tpu.memory_space<vmem>>
          %dma_start3A_70 = arith.constant 0 : i32
          %dma_start3A_71 = arith.constant 0 : i32
          %dma_start3A_72 = tpu.memref_slice %arg13[%dma_start3A_70, %dma_start3A_71] : memref<10240x128xf32, #tpu.memory_space<vmem_shared>> -> memref<10240x128xf32, #tpu.memory_space<vmem_shared>>
          tpu.enqueue_indirect_dma source(%arg12 : memref<128x128xf32, #tpu.memory_space<vmem>>) target(%dma_start3A_72 : memref<10240x128xf32, #tpu.memory_space<vmem_shared>>) offsets(%dma_start3A_69 : memref<128xi32, #tpu.memory_space<vmem>>) semaphore(%run_scoped3A : memref<!tpu.dma_semaphore, #tpu.memory_space<semaphore_mem>>) {add = true}
          %dma_wait3A_73 = arith.constant 0 : i32
          %dma_wait3A_74 = tpu.memref_slice %arg10[%add3A_66, %dma_wait3A_73] : memref<80x128xi32, #tpu.memory_space<vmem>> -> memref<1x128xi32, #tpu.memory_space<vmem>>
          %dma_wait3A_75 = tpu.memref_squeeze %dma_wait3A_74 : memref<1x128xi32, #tpu.memory_space<vmem>> -> memref<128xi32, #tpu.memory_space<vmem>>
          %dma_wait3A_76 = arith.constant 0 : i32
          %dma_wait3A_77 = arith.constant 0 : i32
          %dma_wait3A_78 = tpu.memref_slice %arg13[%dma_wait3A_76, %dma_wait3A_77] : memref<10240x128xf32, #tpu.memory_space<vmem_shared>> -> memref<10240x128xf32, #tpu.memory_space<vmem_shared>>
          tpu.wait_indirect_dma semaphore(%run_scoped3A : memref<!tpu.dma_semaphore, #tpu.memory_space<semaphore_mem>>) src(%arg12 : memref<128x128xf32, #tpu.memory_space<vmem>>) dst(%dma_wait3A_78 : memref<10240x128xf32, #tpu.memory_space<vmem_shared>>)
          tpu.yield
        }) : () -> ()
      }
      %scan3A_34 = arith.constant 20 : i32
    } else {
    }
    %eq3A_7 = arith.constant 1 : i32
    %eq3A_8 = arith.cmpi eq, %arg0, %eq3A_7 : i32
    %convert_element_type3A_9 = arith.extui %eq3A_8 : i1 to i32
    %cond3A_10 = arith.constant 0 : i32
    %cond3A_11 = arith.cmpi ne, %convert_element_type3A_9, %cond3A_10 : i32
    scf.if %cond3A_11 {
      "tpu.region"() ({
        %run_scoped3A = tpu.sem_alloc : memref<!tpu.dma_semaphore, #tpu.memory_space<semaphore_mem>>
        %dma_start3A = arith.constant 0 : i32
        %dma_start3A_35 = arith.constant 0 : i32
        %dma_start3A_36 = tpu.memref_slice %arg4[%arg1, %dma_start3A, %dma_start3A_35] : memref<16x80x128xi32, #tpu.memory_space<hbm>> -> memref<1x40x128xi32, #tpu.memory_space<hbm>>
        %dma_start3A_37 = tpu.memref_squeeze %dma_start3A_36 : memref<1x40x128xi32, #tpu.memory_space<hbm>> -> memref<40x128xi32, #tpu.memory_space<hbm>>
        %dma_start3A_38 = arith.constant 0 : i32
        %dma_start3A_39 = arith.constant 0 : i32
        %dma_start3A_40 = tpu.memref_slice %arg4[%arg1, %dma_start3A_38, %dma_start3A_39] : memref<16x80x128xi32, #tpu.memory_space<hbm>> -> memref<1x40x128xi32, #tpu.memory_space<hbm>>
        %dma_start3A_41 = tpu.memref_squeeze %dma_start3A_40 : memref<1x40x128xi32, #tpu.memory_space<hbm>> -> memref<40x128xi32, #tpu.memory_space<hbm>>
        tpu.enqueue_dma source(%dma_start3A_41 : memref<40x128xi32, #tpu.memory_space<hbm>>) target(%arg9 : memref<40x128xi32, #tpu.memory_space<vmem>>) target_semaphore(%run_scoped3A : memref<!tpu.dma_semaphore, #tpu.memory_space<semaphore_mem>>)
        %dma_wait3A = arith.constant 0 : i32
        %dma_wait3A_42 = arith.constant 0 : i32
        %dma_wait3A_43 = tpu.memref_slice %arg4[%arg1, %dma_wait3A, %dma_wait3A_42] : memref<16x80x128xi32, #tpu.memory_space<hbm>> -> memref<1x40x128xi32, #tpu.memory_space<hbm>>
        %dma_wait3A_44 = tpu.memref_squeeze %dma_wait3A_43 : memref<1x40x128xi32, #tpu.memory_space<hbm>> -> memref<40x128xi32, #tpu.memory_space<hbm>>
        %dma_wait3A_45 = arith.constant 0 : i32
        %dma_wait3A_46 = arith.constant 0 : i32
        %dma_wait3A_47 = tpu.memref_slice %arg4[%arg1, %dma_wait3A_45, %dma_wait3A_46] : memref<16x80x128xi32, #tpu.memory_space<hbm>> -> memref<1x40x128xi32, #tpu.memory_space<hbm>>
        %dma_wait3A_48 = tpu.memref_squeeze %dma_wait3A_47 : memref<1x40x128xi32, #tpu.memory_space<hbm>> -> memref<40x128xi32, #tpu.memory_space<hbm>>
        tpu.wait_dma2 semaphore(%run_scoped3A : memref<!tpu.dma_semaphore, #tpu.memory_space<semaphore_mem>>) src(%dma_wait3A_48 : memref<40x128xi32, #tpu.memory_space<hbm>>) dst(%arg9 : memref<40x128xi32, #tpu.memory_space<vmem>>)
        tpu.yield
      }) : () -> ()
      %scan3A = arith.constant 0 : i32
      %scan3A_24 = arith.constant 0 : i32
      %scan3A_25 = arith.constant 20 : i32
      %scan3A_26 = arith.addi %scan3A_24, %scan3A_25 : i32
      %scan3A_27 = arith.constant 1 : i32
      scf.for %scan3A_35 = %scan3A_24 to %scan3A_26 step %scan3A_27  : i32 {
        %mul3A_36 = arith.constant 2 : i32
        %mul3A_37 = arith.muli %mul3A_36, %scan3A_35 : i32
        %dma_start3A = arith.constant 0 : i32
        %dma_start3A_38 = tpu.memref_slice %arg9[%mul3A_37, %dma_start3A] : memref<40x128xi32, #tpu.memory_space<vmem>> -> memref<1x128xi32, #tpu.memory_space<vmem>>
        %dma_start3A_39 = tpu.memref_squeeze %dma_start3A_38 : memref<1x128xi32, #tpu.memory_space<vmem>> -> memref<128xi32, #tpu.memory_space<vmem>>
        %dma_start3A_40 = arith.constant 0 : i32
        %dma_start3A_41 = arith.constant 0 : i32
        %dma_start3A_42 = tpu.memref_slice %arg3[%dma_start3A_40, %dma_start3A_41] : memref<10240x128xf32, #tpu.memory_space<hbm>> -> memref<10240x128xf32, #tpu.memory_space<hbm>>
        tpu.enqueue_indirect_dma source(%dma_start3A_42 : memref<10240x128xf32, #tpu.memory_space<hbm>>) target(%arg11 : memref<128x128xf32, #tpu.memory_space<vmem>>) offsets(%dma_start3A_39 : memref<128xi32, #tpu.memory_space<vmem>>) semaphore(%arg14 : memref<!tpu.dma_semaphore, #tpu.memory_space<semaphore_mem>>)
        %add3A = arith.constant 1 : i32
        %add3A_43 = arith.addi %mul3A_37, %add3A : i32
        %dma_start3A_44 = arith.constant 0 : i32
        %dma_start3A_45 = tpu.memref_slice %arg9[%add3A_43, %dma_start3A_44] : memref<40x128xi32, #tpu.memory_space<vmem>> -> memref<1x128xi32, #tpu.memory_space<vmem>>
        %dma_start3A_46 = tpu.memref_squeeze %dma_start3A_45 : memref<1x128xi32, #tpu.memory_space<vmem>> -> memref<128xi32, #tpu.memory_space<vmem>>
        %dma_start3A_47 = arith.constant 0 : i32
        %dma_start3A_48 = arith.constant 0 : i32
        %dma_start3A_49 = tpu.memref_slice %arg3[%dma_start3A_47, %dma_start3A_48] : memref<10240x128xf32, #tpu.memory_space<hbm>> -> memref<10240x128xf32, #tpu.memory_space<hbm>>
        tpu.enqueue_indirect_dma source(%dma_start3A_49 : memref<10240x128xf32, #tpu.memory_space<hbm>>) target(%arg12 : memref<128x128xf32, #tpu.memory_space<vmem>>) offsets(%dma_start3A_46 : memref<128xi32, #tpu.memory_space<vmem>>) semaphore(%arg15 : memref<!tpu.dma_semaphore, #tpu.memory_space<semaphore_mem>>)
        %dma_wait3A = arith.constant 0 : i32
        %dma_wait3A_50 = tpu.memref_slice %arg9[%mul3A_37, %dma_wait3A] : memref<40x128xi32, #tpu.memory_space<vmem>> -> memref<1x128xi32, #tpu.memory_space<vmem>>
        %dma_wait3A_51 = tpu.memref_squeeze %dma_wait3A_50 : memref<1x128xi32, #tpu.memory_space<vmem>> -> memref<128xi32, #tpu.memory_space<vmem>>
        %dma_wait3A_52 = arith.constant 0 : i32
        %dma_wait3A_53 = arith.constant 0 : i32
        %dma_wait3A_54 = tpu.memref_slice %arg3[%dma_wait3A_52, %dma_wait3A_53] : memref<10240x128xf32, #tpu.memory_space<hbm>> -> memref<10240x128xf32, #tpu.memory_space<hbm>>
        tpu.wait_indirect_dma semaphore(%arg14 : memref<!tpu.dma_semaphore, #tpu.memory_space<semaphore_mem>>) src(%dma_wait3A_54 : memref<10240x128xf32, #tpu.memory_space<hbm>>) dst(%arg11 : memref<128x128xf32, #tpu.memory_space<vmem>>)
        %add3A_55 = arith.constant 0 : i32
        %add3A_56 = arith.addi %add3A_55, %mul3A_37 : i32
        "tpu.region"() ({
          %run_scoped3A = tpu.sem_alloc : memref<!tpu.dma_semaphore, #tpu.memory_space<semaphore_mem>>
          %dma_start3A_67 = arith.constant 0 : i32
          %dma_start3A_68 = tpu.memref_slice %arg10[%add3A_56, %dma_start3A_67] : memref<80x128xi32, #tpu.memory_space<vmem>> -> memref<1x128xi32, #tpu.memory_space<vmem>>
          %dma_start3A_69 = tpu.memref_squeeze %dma_start3A_68 : memref<1x128xi32, #tpu.memory_space<vmem>> -> memref<128xi32, #tpu.memory_space<vmem>>
          %dma_start3A_70 = arith.constant 0 : i32
          %dma_start3A_71 = arith.constant 0 : i32
          %dma_start3A_72 = tpu.memref_slice %arg13[%dma_start3A_70, %dma_start3A_71] : memref<10240x128xf32, #tpu.memory_space<vmem_shared>> -> memref<10240x128xf32, #tpu.memory_space<vmem_shared>>
          tpu.enqueue_indirect_dma source(%arg11 : memref<128x128xf32, #tpu.memory_space<vmem>>) target(%dma_start3A_72 : memref<10240x128xf32, #tpu.memory_space<vmem_shared>>) offsets(%dma_start3A_69 : memref<128xi32, #tpu.memory_space<vmem>>) semaphore(%run_scoped3A : memref<!tpu.dma_semaphore, #tpu.memory_space<semaphore_mem>>) {add = true}
          %dma_wait3A_73 = arith.constant 0 : i32
          %dma_wait3A_74 = tpu.memref_slice %arg10[%add3A_56, %dma_wait3A_73] : memref<80x128xi32, #tpu.memory_space<vmem>> -> memref<1x128xi32, #tpu.memory_space<vmem>>
          %dma_wait3A_75 = tpu.memref_squeeze %dma_wait3A_74 : memref<1x128xi32, #tpu.memory_space<vmem>> -> memref<128xi32, #tpu.memory_space<vmem>>
          %dma_wait3A_76 = arith.constant 0 : i32
          %dma_wait3A_77 = arith.constant 0 : i32
          %dma_wait3A_78 = tpu.memref_slice %arg13[%dma_wait3A_76, %dma_wait3A_77] : memref<10240x128xf32, #tpu.memory_space<vmem_shared>> -> memref<10240x128xf32, #tpu.memory_space<vmem_shared>>
          tpu.wait_indirect_dma semaphore(%run_scoped3A : memref<!tpu.dma_semaphore, #tpu.memory_space<semaphore_mem>>) src(%arg11 : memref<128x128xf32, #tpu.memory_space<vmem>>) dst(%dma_wait3A_78 : memref<10240x128xf32, #tpu.memory_space<vmem_shared>>)
          tpu.yield
        }) : () -> ()
        %dma_wait3A_57 = arith.constant 0 : i32
        %dma_wait3A_58 = tpu.memref_slice %arg9[%add3A_43, %dma_wait3A_57] : memref<40x128xi32, #tpu.memory_space<vmem>> -> memref<1x128xi32, #tpu.memory_space<vmem>>
        %dma_wait3A_59 = tpu.memref_squeeze %dma_wait3A_58 : memref<1x128xi32, #tpu.memory_space<vmem>> -> memref<128xi32, #tpu.memory_space<vmem>>
        %dma_wait3A_60 = arith.constant 0 : i32
        %dma_wait3A_61 = arith.constant 0 : i32
        %dma_wait3A_62 = tpu.memref_slice %arg3[%dma_wait3A_60, %dma_wait3A_61] : memref<10240x128xf32, #tpu.memory_space<hbm>> -> memref<10240x128xf32, #tpu.memory_space<hbm>>
        tpu.wait_indirect_dma semaphore(%arg15 : memref<!tpu.dma_semaphore, #tpu.memory_space<semaphore_mem>>) src(%dma_wait3A_62 : memref<10240x128xf32, #tpu.memory_space<hbm>>) dst(%arg12 : memref<128x128xf32, #tpu.memory_space<vmem>>)
        %add3A_63 = arith.constant 0 : i32
        %add3A_64 = arith.addi %add3A_63, %mul3A_37 : i32
        %add3A_65 = arith.constant 1 : i32
        %add3A_66 = arith.addi %add3A_64, %add3A_65 : i32
        "tpu.region"() ({
          %run_scoped3A = tpu.sem_alloc : memref<!tpu.dma_semaphore, #tpu.memory_space<semaphore_mem>>
          %dma_start3A_67 = arith.constant 0 : i32
          %dma_start3A_68 = tpu.memref_slice %arg10[%add3A_66, %dma_start3A_67] : memref<80x128xi32, #tpu.memory_space<vmem>> -> memref<1x128xi32, #tpu.memory_space<vmem>>
          %dma_start3A_69 = tpu.memref_squeeze %dma_start3A_68 : memref<1x128xi32, #tpu.memory_space<vmem>> -> memref<128xi32, #tpu.memory_space<vmem>>
          %dma_start3A_70 = arith.constant 0 : i32
          %dma_start3A_71 = arith.constant 0 : i32
          %dma_start3A_72 = tpu.memref_slice %arg13[%dma_start3A_70, %dma_start3A_71] : memref<10240x128xf32, #tpu.memory_space<vmem_shared>> -> memref<10240x128xf32, #tpu.memory_space<vmem_shared>>
          tpu.enqueue_indirect_dma source(%arg12 : memref<128x128xf32, #tpu.memory_space<vmem>>) target(%dma_start3A_72 : memref<10240x128xf32, #tpu.memory_space<vmem_shared>>) offsets(%dma_start3A_69 : memref<128xi32, #tpu.memory_space<vmem>>) semaphore(%run_scoped3A : memref<!tpu.dma_semaphore, #tpu.memory_space<semaphore_mem>>) {add = true}
          %dma_wait3A_73 = arith.constant 0 : i32
          %dma_wait3A_74 = tpu.memref_slice %arg10[%add3A_66, %dma_wait3A_73] : memref<80x128xi32, #tpu.memory_space<vmem>> -> memref<1x128xi32, #tpu.memory_space<vmem>>
          %dma_wait3A_75 = tpu.memref_squeeze %dma_wait3A_74 : memref<1x128xi32, #tpu.memory_space<vmem>> -> memref<128xi32, #tpu.memory_space<vmem>>
          %dma_wait3A_76 = arith.constant 0 : i32
          %dma_wait3A_77 = arith.constant 0 : i32
          %dma_wait3A_78 = tpu.memref_slice %arg13[%dma_wait3A_76, %dma_wait3A_77] : memref<10240x128xf32, #tpu.memory_space<vmem_shared>> -> memref<10240x128xf32, #tpu.memory_space<vmem_shared>>
          tpu.wait_indirect_dma semaphore(%run_scoped3A : memref<!tpu.dma_semaphore, #tpu.memory_space<semaphore_mem>>) src(%arg12 : memref<128x128xf32, #tpu.memory_space<vmem>>) dst(%dma_wait3A_78 : memref<10240x128xf32, #tpu.memory_space<vmem_shared>>)
          tpu.yield
        }) : () -> ()
      }
      %scan3A_28 = arith.constant 20 : i32
      "tpu.region"() ({
        %run_scoped3A = tpu.sem_alloc : memref<!tpu.dma_semaphore, #tpu.memory_space<semaphore_mem>>
        %dma_start3A = arith.constant 40 : i32
        %dma_start3A_35 = arith.constant 0 : i32
        %dma_start3A_36 = tpu.memref_slice %arg4[%arg1, %dma_start3A, %dma_start3A_35] : memref<16x80x128xi32, #tpu.memory_space<hbm>> -> memref<1x40x128xi32, #tpu.memory_space<hbm>>
        %dma_start3A_37 = tpu.memref_squeeze %dma_start3A_36 : memref<1x40x128xi32, #tpu.memory_space<hbm>> -> memref<40x128xi32, #tpu.memory_space<hbm>>
        %dma_start3A_38 = arith.constant 40 : i32
        %dma_start3A_39 = arith.constant 0 : i32
        %dma_start3A_40 = tpu.memref_slice %arg4[%arg1, %dma_start3A_38, %dma_start3A_39] : memref<16x80x128xi32, #tpu.memory_space<hbm>> -> memref<1x40x128xi32, #tpu.memory_space<hbm>>
        %dma_start3A_41 = tpu.memref_squeeze %dma_start3A_40 : memref<1x40x128xi32, #tpu.memory_space<hbm>> -> memref<40x128xi32, #tpu.memory_space<hbm>>
        tpu.enqueue_dma source(%dma_start3A_41 : memref<40x128xi32, #tpu.memory_space<hbm>>) target(%arg9 : memref<40x128xi32, #tpu.memory_space<vmem>>) target_semaphore(%run_scoped3A : memref<!tpu.dma_semaphore, #tpu.memory_space<semaphore_mem>>)
        %dma_wait3A = arith.constant 40 : i32
        %dma_wait3A_42 = arith.constant 0 : i32
        %dma_wait3A_43 = tpu.memref_slice %arg4[%arg1, %dma_wait3A, %dma_wait3A_42] : memref<16x80x128xi32, #tpu.memory_space<hbm>> -> memref<1x40x128xi32, #tpu.memory_space<hbm>>
        %dma_wait3A_44 = tpu.memref_squeeze %dma_wait3A_43 : memref<1x40x128xi32, #tpu.memory_space<hbm>> -> memref<40x128xi32, #tpu.memory_space<hbm>>
        %dma_wait3A_45 = arith.constant 40 : i32
        %dma_wait3A_46 = arith.constant 0 : i32
        %dma_wait3A_47 = tpu.memref_slice %arg4[%arg1, %dma_wait3A_45, %dma_wait3A_46] : memref<16x80x128xi32, #tpu.memory_space<hbm>> -> memref<1x40x128xi32, #tpu.memory_space<hbm>>
        %dma_wait3A_48 = tpu.memref_squeeze %dma_wait3A_47 : memref<1x40x128xi32, #tpu.memory_space<hbm>> -> memref<40x128xi32, #tpu.memory_space<hbm>>
        tpu.wait_dma2 semaphore(%run_scoped3A : memref<!tpu.dma_semaphore, #tpu.memory_space<semaphore_mem>>) src(%dma_wait3A_48 : memref<40x128xi32, #tpu.memory_space<hbm>>) dst(%arg9 : memref<40x128xi32, #tpu.memory_space<vmem>>)
        tpu.yield
      }) : () -> ()
      %scan3A_29 = arith.constant 0 : i32
      %scan3A_30 = arith.constant 0 : i32
      %scan3A_31 = arith.constant 20 : i32
      %scan3A_32 = arith.addi %scan3A_30, %scan3A_31 : i32
      %scan3A_33 = arith.constant 1 : i32
      scf.for %scan3A_35 = %scan3A_30 to %scan3A_32 step %scan3A_33  : i32 {
        %mul3A_36 = arith.constant 2 : i32
        %mul3A_37 = arith.muli %mul3A_36, %scan3A_35 : i32
        %dma_start3A = arith.constant 0 : i32
        %dma_start3A_38 = tpu.memref_slice %arg9[%mul3A_37, %dma_start3A] : memref<40x128xi32, #tpu.memory_space<vmem>> -> memref<1x128xi32, #tpu.memory_space<vmem>>
        %dma_start3A_39 = tpu.memref_squeeze %dma_start3A_38 : memref<1x128xi32, #tpu.memory_space<vmem>> -> memref<128xi32, #tpu.memory_space<vmem>>
        %dma_start3A_40 = arith.constant 0 : i32
        %dma_start3A_41 = arith.constant 0 : i32
        %dma_start3A_42 = tpu.memref_slice %arg3[%dma_start3A_40, %dma_start3A_41] : memref<10240x128xf32, #tpu.memory_space<hbm>> -> memref<10240x128xf32, #tpu.memory_space<hbm>>
        tpu.enqueue_indirect_dma source(%dma_start3A_42 : memref<10240x128xf32, #tpu.memory_space<hbm>>) target(%arg11 : memref<128x128xf32, #tpu.memory_space<vmem>>) offsets(%dma_start3A_39 : memref<128xi32, #tpu.memory_space<vmem>>) semaphore(%arg14 : memref<!tpu.dma_semaphore, #tpu.memory_space<semaphore_mem>>)
        %add3A = arith.constant 1 : i32
        %add3A_43 = arith.addi %mul3A_37, %add3A : i32
        %dma_start3A_44 = arith.constant 0 : i32
        %dma_start3A_45 = tpu.memref_slice %arg9[%add3A_43, %dma_start3A_44] : memref<40x128xi32, #tpu.memory_space<vmem>> -> memref<1x128xi32, #tpu.memory_space<vmem>>
        %dma_start3A_46 = tpu.memref_squeeze %dma_start3A_45 : memref<1x128xi32, #tpu.memory_space<vmem>> -> memref<128xi32, #tpu.memory_space<vmem>>
        %dma_start3A_47 = arith.constant 0 : i32
        %dma_start3A_48 = arith.constant 0 : i32
        %dma_start3A_49 = tpu.memref_slice %arg3[%dma_start3A_47, %dma_start3A_48] : memref<10240x128xf32, #tpu.memory_space<hbm>> -> memref<10240x128xf32, #tpu.memory_space<hbm>>
        tpu.enqueue_indirect_dma source(%dma_start3A_49 : memref<10240x128xf32, #tpu.memory_space<hbm>>) target(%arg12 : memref<128x128xf32, #tpu.memory_space<vmem>>) offsets(%dma_start3A_46 : memref<128xi32, #tpu.memory_space<vmem>>) semaphore(%arg15 : memref<!tpu.dma_semaphore, #tpu.memory_space<semaphore_mem>>)
        %dma_wait3A = arith.constant 0 : i32
        %dma_wait3A_50 = tpu.memref_slice %arg9[%mul3A_37, %dma_wait3A] : memref<40x128xi32, #tpu.memory_space<vmem>> -> memref<1x128xi32, #tpu.memory_space<vmem>>
        %dma_wait3A_51 = tpu.memref_squeeze %dma_wait3A_50 : memref<1x128xi32, #tpu.memory_space<vmem>> -> memref<128xi32, #tpu.memory_space<vmem>>
        %dma_wait3A_52 = arith.constant 0 : i32
        %dma_wait3A_53 = arith.constant 0 : i32
        %dma_wait3A_54 = tpu.memref_slice %arg3[%dma_wait3A_52, %dma_wait3A_53] : memref<10240x128xf32, #tpu.memory_space<hbm>> -> memref<10240x128xf32, #tpu.memory_space<hbm>>
        tpu.wait_indirect_dma semaphore(%arg14 : memref<!tpu.dma_semaphore, #tpu.memory_space<semaphore_mem>>) src(%dma_wait3A_54 : memref<10240x128xf32, #tpu.memory_space<hbm>>) dst(%arg11 : memref<128x128xf32, #tpu.memory_space<vmem>>)
        %add3A_55 = arith.constant 40 : i32
        %add3A_56 = arith.addi %add3A_55, %mul3A_37 : i32
        "tpu.region"() ({
          %run_scoped3A = tpu.sem_alloc : memref<!tpu.dma_semaphore, #tpu.memory_space<semaphore_mem>>
          %dma_start3A_67 = arith.constant 0 : i32
          %dma_start3A_68 = tpu.memref_slice %arg10[%add3A_56, %dma_start3A_67] : memref<80x128xi32, #tpu.memory_space<vmem>> -> memref<1x128xi32, #tpu.memory_space<vmem>>
          %dma_start3A_69 = tpu.memref_squeeze %dma_start3A_68 : memref<1x128xi32, #tpu.memory_space<vmem>> -> memref<128xi32, #tpu.memory_space<vmem>>
          %dma_start3A_70 = arith.constant 0 : i32
          %dma_start3A_71 = arith.constant 0 : i32
          %dma_start3A_72 = tpu.memref_slice %arg13[%dma_start3A_70, %dma_start3A_71] : memref<10240x128xf32, #tpu.memory_space<vmem_shared>> -> memref<10240x128xf32, #tpu.memory_space<vmem_shared>>
          tpu.enqueue_indirect_dma source(%arg11 : memref<128x128xf32, #tpu.memory_space<vmem>>) target(%dma_start3A_72 : memref<10240x128xf32, #tpu.memory_space<vmem_shared>>) offsets(%dma_start3A_69 : memref<128xi32, #tpu.memory_space<vmem>>) semaphore(%run_scoped3A : memref<!tpu.dma_semaphore, #tpu.memory_space<semaphore_mem>>) {add = true}
          %dma_wait3A_73 = arith.constant 0 : i32
          %dma_wait3A_74 = tpu.memref_slice %arg10[%add3A_56, %dma_wait3A_73] : memref<80x128xi32, #tpu.memory_space<vmem>> -> memref<1x128xi32, #tpu.memory_space<vmem>>
          %dma_wait3A_75 = tpu.memref_squeeze %dma_wait3A_74 : memref<1x128xi32, #tpu.memory_space<vmem>> -> memref<128xi32, #tpu.memory_space<vmem>>
          %dma_wait3A_76 = arith.constant 0 : i32
          %dma_wait3A_77 = arith.constant 0 : i32
          %dma_wait3A_78 = tpu.memref_slice %arg13[%dma_wait3A_76, %dma_wait3A_77] : memref<10240x128xf32, #tpu.memory_space<vmem_shared>> -> memref<10240x128xf32, #tpu.memory_space<vmem_shared>>
          tpu.wait_indirect_dma semaphore(%run_scoped3A : memref<!tpu.dma_semaphore, #tpu.memory_space<semaphore_mem>>) src(%arg11 : memref<128x128xf32, #tpu.memory_space<vmem>>) dst(%dma_wait3A_78 : memref<10240x128xf32, #tpu.memory_space<vmem_shared>>)
          tpu.yield
        }) : () -> ()
        %dma_wait3A_57 = arith.constant 0 : i32
        %dma_wait3A_58 = tpu.memref_slice %arg9[%add3A_43, %dma_wait3A_57] : memref<40x128xi32, #tpu.memory_space<vmem>> -> memref<1x128xi32, #tpu.memory_space<vmem>>
        %dma_wait3A_59 = tpu.memref_squeeze %dma_wait3A_58 : memref<1x128xi32, #tpu.memory_space<vmem>> -> memref<128xi32, #tpu.memory_space<vmem>>
        %dma_wait3A_60 = arith.constant 0 : i32
        %dma_wait3A_61 = arith.constant 0 : i32
        %dma_wait3A_62 = tpu.memref_slice %arg3[%dma_wait3A_60, %dma_wait3A_61] : memref<10240x128xf32, #tpu.memory_space<hbm>> -> memref<10240x128xf32, #tpu.memory_space<hbm>>
        tpu.wait_indirect_dma semaphore(%arg15 : memref<!tpu.dma_semaphore, #tpu.memory_space<semaphore_mem>>) src(%dma_wait3A_62 : memref<10240x128xf32, #tpu.memory_space<hbm>>) dst(%arg12 : memref<128x128xf32, #tpu.memory_space<vmem>>)
        %add3A_63 = arith.constant 40 : i32
        %add3A_64 = arith.addi %add3A_63, %mul3A_37 : i32
        %add3A_65 = arith.constant 1 : i32
        %add3A_66 = arith.addi %add3A_64, %add3A_65 : i32
        "tpu.region"() ({
          %run_scoped3A = tpu.sem_alloc : memref<!tpu.dma_semaphore, #tpu.memory_space<semaphore_mem>>
          %dma_start3A_67 = arith.constant 0 : i32
          %dma_start3A_68 = tpu.memref_slice %arg10[%add3A_66, %dma_start3A_67] : memref<80x128xi32, #tpu.memory_space<vmem>> -> memref<1x128xi32, #tpu.memory_space<vmem>>
          %dma_start3A_69 = tpu.memref_squeeze %dma_start3A_68 : memref<1x128xi32, #tpu.memory_space<vmem>> -> memref<128xi32, #tpu.memory_space<vmem>>
          %dma_start3A_70 = arith.constant 0 : i32
          %dma_start3A_71 = arith.constant 0 : i32
          %dma_start3A_72 = tpu.memref_slice %arg13[%dma_start3A_70, %dma_start3A_71] : memref<10240x128xf32, #tpu.memory_space<vmem_shared>> -> memref<10240x128xf32, #tpu.memory_space<vmem_shared>>
          tpu.enqueue_indirect_dma source(%arg12 : memref<128x128xf32, #tpu.memory_space<vmem>>) target(%dma_start3A_72 : memref<10240x128xf32, #tpu.memory_space<vmem_shared>>) offsets(%dma_start3A_69 : memref<128xi32, #tpu.memory_space<vmem>>) semaphore(%run_scoped3A : memref<!tpu.dma_semaphore, #tpu.memory_space<semaphore_mem>>) {add = true}
          %dma_wait3A_73 = arith.constant 0 : i32
          %dma_wait3A_74 = tpu.memref_slice %arg10[%add3A_66, %dma_wait3A_73] : memref<80x128xi32, #tpu.memory_space<vmem>> -> memref<1x128xi32, #tpu.memory_space<vmem>>
          %dma_wait3A_75 = tpu.memref_squeeze %dma_wait3A_74 : memref<1x128xi32, #tpu.memory_space<vmem>> -> memref<128xi32, #tpu.memory_space<vmem>>
          %dma_wait3A_76 = arith.constant 0 : i32
          %dma_wait3A_77 = arith.constant 0 : i32
          %dma_wait3A_78 = tpu.memref_slice %arg13[%dma_wait3A_76, %dma_wait3A_77] : memref<10240x128xf32, #tpu.memory_space<vmem_shared>> -> memref<10240x128xf32, #tpu.memory_space<vmem_shared>>
          tpu.wait_indirect_dma semaphore(%run_scoped3A : memref<!tpu.dma_semaphore, #tpu.memory_space<semaphore_mem>>) src(%arg12 : memref<128x128xf32, #tpu.memory_space<vmem>>) dst(%dma_wait3A_78 : memref<10240x128xf32, #tpu.memory_space<vmem_shared>>)
          tpu.yield
        }) : () -> ()
      }
      %scan3A_34 = arith.constant 20 : i32
    } else {
    }
    %barrier3A_12 = arith.constant 0 : index
    tpu.barrier barrier_id(%barrier3A_12)
    %mul3A = arith.constant 640 : i32
    %mul3A_13 = arith.muli %arg1, %mul3A : i32
    %eq3A_14 = arith.constant 0 : i32
    %eq3A_15 = arith.cmpi eq, %arg0, %eq3A_14 : i32
    %convert_element_type3A_16 = arith.extui %eq3A_15 : i1 to i32
    %cond3A_17 = arith.constant 0 : i32
    %cond3A_18 = arith.cmpi ne, %convert_element_type3A_16, %cond3A_17 : i32
    scf.if %cond3A_18 {
      "tpu.region"() ({
        %run_scoped3A = tpu.sem_alloc : memref<!tpu.dma_semaphore, #tpu.memory_space<semaphore_mem>>
        %dma_start3A = arith.constant 0 : i32
        %dma_start3A_24 = tpu.memref_slice %arg7[%mul3A_13, %dma_start3A] : memref<10240x128xf32, #tpu.memory_space<hbm>> -> memref<640x128xf32, #tpu.memory_space<hbm>>
        %dma_start3A_25 = arith.constant 0 : i32
        %dma_start3A_26 = tpu.memref_slice %arg13[%mul3A_13, %dma_start3A_25] : memref<10240x128xf32, #tpu.memory_space<vmem_shared>> -> memref<640x128xf32, #tpu.memory_space<vmem_shared>>
        tpu.enqueue_dma source(%dma_start3A_26 : memref<640x128xf32, #tpu.memory_space<vmem_shared>>) target(%dma_start3A_24 : memref<640x128xf32, #tpu.memory_space<hbm>>) target_semaphore(%run_scoped3A : memref<!tpu.dma_semaphore, #tpu.memory_space<semaphore_mem>>)
        %dma_wait3A = arith.constant 0 : i32
        %dma_wait3A_27 = tpu.memref_slice %arg7[%mul3A_13, %dma_wait3A] : memref<10240x128xf32, #tpu.memory_space<hbm>> -> memref<640x128xf32, #tpu.memory_space<hbm>>
        %dma_wait3A_28 = arith.constant 0 : i32
        %dma_wait3A_29 = tpu.memref_slice %arg13[%mul3A_13, %dma_wait3A_28] : memref<10240x128xf32, #tpu.memory_space<vmem_shared>> -> memref<640x128xf32, #tpu.memory_space<vmem_shared>>
        tpu.wait_dma2 semaphore(%run_scoped3A : memref<!tpu.dma_semaphore, #tpu.memory_space<semaphore_mem>>) src(%dma_wait3A_29 : memref<640x128xf32, #tpu.memory_space<vmem_shared>>) dst(%dma_wait3A_27 : memref<640x128xf32, #tpu.memory_space<hbm>>)
        tpu.yield
      }) : () -> ()
    } else {
    }
    %eq3A_19 = arith.constant 1 : i32
    %eq3A_20 = arith.cmpi eq, %arg0, %eq3A_19 : i32
    %convert_element_type3A_21 = arith.extui %eq3A_20 : i1 to i32
    %cond3A_22 = arith.constant 0 : i32
    %cond3A_23 = arith.cmpi ne, %convert_element_type3A_21, %cond3A_22 : i32
    scf.if %cond3A_23 {
      "tpu.region"() ({
        %run_scoped3A = tpu.sem_alloc : memref<!tpu.dma_semaphore, #tpu.memory_space<semaphore_mem>>
        %dma_start3A = arith.constant 0 : i32
        %dma_start3A_24 = tpu.memref_slice %arg8[%mul3A_13, %dma_start3A] : memref<10240x128xf32, #tpu.memory_space<hbm>> -> memref<640x128xf32, #tpu.memory_space<hbm>>
        %dma_start3A_25 = arith.constant 0 : i32
        %dma_start3A_26 = tpu.memref_slice %arg13[%mul3A_13, %dma_start3A_25] : memref<10240x128xf32, #tpu.memory_space<vmem_shared>> -> memref<640x128xf32, #tpu.memory_space<vmem_shared>>
        tpu.enqueue_dma source(%dma_start3A_26 : memref<640x128xf32, #tpu.memory_space<vmem_shared>>) target(%dma_start3A_24 : memref<640x128xf32, #tpu.memory_space<hbm>>) target_semaphore(%run_scoped3A : memref<!tpu.dma_semaphore, #tpu.memory_space<semaphore_mem>>)
        %dma_wait3A = arith.constant 0 : i32
        %dma_wait3A_27 = tpu.memref_slice %arg8[%mul3A_13, %dma_wait3A] : memref<10240x128xf32, #tpu.memory_space<hbm>> -> memref<640x128xf32, #tpu.memory_space<hbm>>
        %dma_wait3A_28 = arith.constant 0 : i32
        %dma_wait3A_29 = tpu.memref_slice %arg13[%mul3A_13, %dma_wait3A_28] : memref<10240x128xf32, #tpu.memory_space<vmem_shared>> -> memref<640x128xf32, #tpu.memory_space<vmem_shared>>
        tpu.wait_dma2 semaphore(%run_scoped3A : memref<!tpu.dma_semaphore, #tpu.memory_space<semaphore_mem>>) src(%dma_wait3A_29 : memref<640x128xf32, #tpu.memory_space<vmem_shared>>) dst(%dma_wait3A_27 : memref<640x128xf32, #tpu.memory_space<hbm>>)
        tpu.yield
      }) : () -> ()
    } else {
    }
    return
  }
}

#map = affine_map<(d0, d1) -> (0)>
#map1 = affine_map<(d0, d1) -> (0, 0, 0)>
module attributes {stable_mosaic.version = 14 : i64} {
  func.func @_fin_body(%arg0: i32, %arg1: i32, %arg2: memref<10240xf32, #tpu.memory_space<hbm>>, %arg3: memref<16x80x128xi32, #tpu.memory_space<hbm>>, %arg4: memref<16x80x128xi32, #tpu.memory_space<hbm>>, %arg5: memref<10240xf32, #tpu.memory_space<hbm>>, %arg6: memref<16xf32, #tpu.memory_space<hbm>>, %arg7: memref<10240xf32, #tpu.memory_space<hbm>>, %arg8: memref<10240xf32, #tpu.memory_space<hbm>>, %arg9: memref<80x128xi32, #tpu.memory_space<vmem>>, %arg10: memref<80x128xi32, #tpu.memory_space<vmem>>, %arg11: memref<128xf32, #tpu.memory_space<vmem>>, %arg12: memref<640xf32, #tpu.memory_space<vmem>>, %arg13: memref<640xf32, #tpu.memory_space<vmem>>, %arg14: memref<640xf32, #tpu.memory_space<vmem>>, %arg15: memref<640xf32, #tpu.memory_space<vmem>>, %arg16: memref<16xf32, #tpu.memory_space<vmem>>, %arg17: memref<10240xf32, #tpu.memory_space<vmem_shared>>, %arg18: memref<!tpu.dma_semaphore, #tpu.memory_space<semaphore_mem>>) attributes {dimension_semantics = [#tpu.dimension_semantics<core_parallel>, #tpu.dimension_semantics<subcore_parallel>], iteration_bounds = array<i64: 2, 16>, scalar_prefetch = 0 : i64, scratch_operands = 10 : i64, tpu.core_type = #tpu.core_type<sc_vector_subcore>, window_params = [{transform_indices = #map}, {transform_indices = #map1}, {transform_indices = #map1}, {transform_indices = #map}, {transform_indices = #map}, {transform_indices = #map}, {transform_indices = #map}]} {
    %eq3A = arith.constant 0 : i32
    %eq3A_0 = arith.cmpi eq, %arg0, %eq3A : i32
    %convert_element_type3A = arith.extui %eq3A_0 : i1 to i32
    %cond3A = arith.constant 0 : i32
    %cond3A_1 = arith.cmpi ne, %convert_element_type3A, %cond3A : i32
    scf.if %cond3A_1 {
      %eq3A_2 = arith.constant 0 : i32
      %eq3A_3 = arith.cmpi eq, %arg1, %eq3A_2 : i32
      %convert_element_type3A_4 = arith.extui %eq3A_3 : i1 to i32
      %cond3A_5 = arith.constant 0 : i32
      %cond3A_6 = arith.cmpi ne, %convert_element_type3A_4, %cond3A_5 : i32
      scf.if %cond3A_6 {
        "tpu.region"() ({
          %run_scoped3A = tpu.sem_alloc : memref<!tpu.dma_semaphore, #tpu.memory_space<semaphore_mem>>
          tpu.enqueue_dma source(%arg7 : memref<10240xf32, #tpu.memory_space<hbm>>) target(%arg17 : memref<10240xf32, #tpu.memory_space<vmem_shared>>) target_semaphore(%run_scoped3A : memref<!tpu.dma_semaphore, #tpu.memory_space<semaphore_mem>>)
          tpu.wait_dma2 semaphore(%run_scoped3A : memref<!tpu.dma_semaphore, #tpu.memory_space<semaphore_mem>>) src(%arg7 : memref<10240xf32, #tpu.memory_space<hbm>>) dst(%arg17 : memref<10240xf32, #tpu.memory_space<vmem_shared>>)
          tpu.yield
        }) : () -> ()
      } else {
      }
      %barrier3A = arith.constant 0 : index
      tpu.barrier barrier_id(%barrier3A)
      "tpu.region"() ({
        %run_scoped3A = tpu.sem_alloc : memref<!tpu.dma_semaphore, #tpu.memory_space<semaphore_mem>>
        %dma_start3A = arith.constant 0 : i32
        %dma_start3A_654 = arith.constant 0 : i32
        %dma_start3A_655 = tpu.memref_slice %arg3[%arg1, %dma_start3A, %dma_start3A_654] : memref<16x80x128xi32, #tpu.memory_space<hbm>> -> memref<1x80x128xi32, #tpu.memory_space<hbm>>
        %dma_start3A_656 = tpu.memref_squeeze %dma_start3A_655 : memref<1x80x128xi32, #tpu.memory_space<hbm>> -> memref<80x128xi32, #tpu.memory_space<hbm>>
        %dma_start3A_657 = arith.constant 0 : i32
        %dma_start3A_658 = arith.constant 0 : i32
        %dma_start3A_659 = tpu.memref_slice %arg3[%arg1, %dma_start3A_657, %dma_start3A_658] : memref<16x80x128xi32, #tpu.memory_space<hbm>> -> memref<1x80x128xi32, #tpu.memory_space<hbm>>
        %dma_start3A_660 = tpu.memref_squeeze %dma_start3A_659 : memref<1x80x128xi32, #tpu.memory_space<hbm>> -> memref<80x128xi32, #tpu.memory_space<hbm>>
        tpu.enqueue_dma source(%dma_start3A_660 : memref<80x128xi32, #tpu.memory_space<hbm>>) target(%arg9 : memref<80x128xi32, #tpu.memory_space<vmem>>) target_semaphore(%run_scoped3A : memref<!tpu.dma_semaphore, #tpu.memory_space<semaphore_mem>>)
        %dma_wait3A = arith.constant 0 : i32
        %dma_wait3A_661 = arith.constant 0 : i32
        %dma_wait3A_662 = tpu.memref_slice %arg3[%arg1, %dma_wait3A, %dma_wait3A_661] : memref<16x80x128xi32, #tpu.memory_space<hbm>> -> memref<1x80x128xi32, #tpu.memory_space<hbm>>
        %dma_wait3A_663 = tpu.memref_squeeze %dma_wait3A_662 : memref<1x80x128xi32, #tpu.memory_space<hbm>> -> memref<80x128xi32, #tpu.memory_space<hbm>>
        %dma_wait3A_664 = arith.constant 0 : i32
        %dma_wait3A_665 = arith.constant 0 : i32
        %dma_wait3A_666 = tpu.memref_slice %arg3[%arg1, %dma_wait3A_664, %dma_wait3A_665] : memref<16x80x128xi32, #tpu.memory_space<hbm>> -> memref<1x80x128xi32, #tpu.memory_space<hbm>>
        %dma_wait3A_667 = tpu.memref_squeeze %dma_wait3A_666 : memref<1x80x128xi32, #tpu.memory_space<hbm>> -> memref<80x128xi32, #tpu.memory_space<hbm>>
        tpu.wait_dma2 semaphore(%run_scoped3A : memref<!tpu.dma_semaphore, #tpu.memory_space<semaphore_mem>>) src(%dma_wait3A_667 : memref<80x128xi32, #tpu.memory_space<hbm>>) dst(%arg9 : memref<80x128xi32, #tpu.memory_space<vmem>>)
        tpu.yield
      }) : () -> ()
      "tpu.region"() ({
        %run_scoped3A = tpu.sem_alloc : memref<!tpu.dma_semaphore, #tpu.memory_space<semaphore_mem>>
        %dma_start3A = arith.constant 0 : i32
        %dma_start3A_654 = arith.constant 0 : i32
        %dma_start3A_655 = tpu.memref_slice %arg4[%arg1, %dma_start3A, %dma_start3A_654] : memref<16x80x128xi32, #tpu.memory_space<hbm>> -> memref<1x80x128xi32, #tpu.memory_space<hbm>>
        %dma_start3A_656 = tpu.memref_squeeze %dma_start3A_655 : memref<1x80x128xi32, #tpu.memory_space<hbm>> -> memref<80x128xi32, #tpu.memory_space<hbm>>
        %dma_start3A_657 = arith.constant 0 : i32
        %dma_start3A_658 = arith.constant 0 : i32
        %dma_start3A_659 = tpu.memref_slice %arg4[%arg1, %dma_start3A_657, %dma_start3A_658] : memref<16x80x128xi32, #tpu.memory_space<hbm>> -> memref<1x80x128xi32, #tpu.memory_space<hbm>>
        %dma_start3A_660 = tpu.memref_squeeze %dma_start3A_659 : memref<1x80x128xi32, #tpu.memory_space<hbm>> -> memref<80x128xi32, #tpu.memory_space<hbm>>
        tpu.enqueue_dma source(%dma_start3A_660 : memref<80x128xi32, #tpu.memory_space<hbm>>) target(%arg10 : memref<80x128xi32, #tpu.memory_space<vmem>>) target_semaphore(%run_scoped3A : memref<!tpu.dma_semaphore, #tpu.memory_space<semaphore_mem>>)
        %dma_wait3A = arith.constant 0 : i32
        %dma_wait3A_661 = arith.constant 0 : i32
        %dma_wait3A_662 = tpu.memref_slice %arg4[%arg1, %dma_wait3A, %dma_wait3A_661] : memref<16x80x128xi32, #tpu.memory_space<hbm>> -> memref<1x80x128xi32, #tpu.memory_space<hbm>>
        %dma_wait3A_663 = tpu.memref_squeeze %dma_wait3A_662 : memref<1x80x128xi32, #tpu.memory_space<hbm>> -> memref<80x128xi32, #tpu.memory_space<hbm>>
        %dma_wait3A_664 = arith.constant 0 : i32
        %dma_wait3A_665 = arith.constant 0 : i32
        %dma_wait3A_666 = tpu.memref_slice %arg4[%arg1, %dma_wait3A_664, %dma_wait3A_665] : memref<16x80x128xi32, #tpu.memory_space<hbm>> -> memref<1x80x128xi32, #tpu.memory_space<hbm>>
        %dma_wait3A_667 = tpu.memref_squeeze %dma_wait3A_666 : memref<1x80x128xi32, #tpu.memory_space<hbm>> -> memref<80x128xi32, #tpu.memory_space<hbm>>
        tpu.wait_dma2 semaphore(%run_scoped3A : memref<!tpu.dma_semaphore, #tpu.memory_space<semaphore_mem>>) src(%dma_wait3A_667 : memref<80x128xi32, #tpu.memory_space<hbm>>) dst(%arg10 : memref<80x128xi32, #tpu.memory_space<vmem>>)
        tpu.yield
      }) : () -> ()
      %scan3A = arith.constant 0 : i32
      %scan3A_7 = arith.constant 0 : i32
      %scan3A_8 = arith.constant 80 : i32
      %scan3A_9 = arith.addi %scan3A_7, %scan3A_8 : i32
      %scan3A_10 = arith.constant 1 : i32
      scf.for %scan3A_654 = %scan3A_7 to %scan3A_9 step %scan3A_10  : i32 {
        %dma_start3A = arith.constant 0 : i32
        %dma_start3A_655 = tpu.memref_slice %arg9[%scan3A_654, %dma_start3A] : memref<80x128xi32, #tpu.memory_space<vmem>> -> memref<1x128xi32, #tpu.memory_space<vmem>>
        %dma_start3A_656 = tpu.memref_squeeze %dma_start3A_655 : memref<1x128xi32, #tpu.memory_space<vmem>> -> memref<128xi32, #tpu.memory_space<vmem>>
        %dma_start3A_657 = arith.constant 0 : i32
        %dma_start3A_658 = tpu.memref_slice %arg2[%dma_start3A_657] : memref<10240xf32, #tpu.memory_space<hbm>> -> memref<10240xf32, #tpu.memory_space<hbm>>
        tpu.enqueue_indirect_dma source(%dma_start3A_658 : memref<10240xf32, #tpu.memory_space<hbm>>) target(%arg11 : memref<128xf32, #tpu.memory_space<vmem>>) offsets(%dma_start3A_656 : memref<128xi32, #tpu.memory_space<vmem>>) semaphore(%arg18 : memref<!tpu.dma_semaphore, #tpu.memory_space<semaphore_mem>>)
        %dma_wait3A = arith.constant 0 : i32
        %dma_wait3A_659 = tpu.memref_slice %arg9[%scan3A_654, %dma_wait3A] : memref<80x128xi32, #tpu.memory_space<vmem>> -> memref<1x128xi32, #tpu.memory_space<vmem>>
        %dma_wait3A_660 = tpu.memref_squeeze %dma_wait3A_659 : memref<1x128xi32, #tpu.memory_space<vmem>> -> memref<128xi32, #tpu.memory_space<vmem>>
        %dma_wait3A_661 = arith.constant 0 : i32
        %dma_wait3A_662 = tpu.memref_slice %arg2[%dma_wait3A_661] : memref<10240xf32, #tpu.memory_space<hbm>> -> memref<10240xf32, #tpu.memory_space<hbm>>
        tpu.wait_indirect_dma semaphore(%arg18 : memref<!tpu.dma_semaphore, #tpu.memory_space<semaphore_mem>>) src(%dma_wait3A_662 : memref<10240xf32, #tpu.memory_space<hbm>>) dst(%arg11 : memref<128xf32, #tpu.memory_space<vmem>>)
        "tpu.region"() ({
          %run_scoped3A = tpu.sem_alloc : memref<!tpu.dma_semaphore, #tpu.memory_space<semaphore_mem>>
          %dma_start3A_663 = arith.constant 0 : i32
          %dma_start3A_664 = tpu.memref_slice %arg10[%scan3A_654, %dma_start3A_663] : memref<80x128xi32, #tpu.memory_space<vmem>> -> memref<1x128xi32, #tpu.memory_space<vmem>>
          %dma_start3A_665 = tpu.memref_squeeze %dma_start3A_664 : memref<1x128xi32, #tpu.memory_space<vmem>> -> memref<128xi32, #tpu.memory_space<vmem>>
          %dma_start3A_666 = arith.constant 0 : i32
          %dma_start3A_667 = tpu.memref_slice %arg17[%dma_start3A_666] : memref<10240xf32, #tpu.memory_space<vmem_shared>> -> memref<10240xf32, #tpu.memory_space<vmem_shared>>
          tpu.enqueue_indirect_dma source(%arg11 : memref<128xf32, #tpu.memory_space<vmem>>) target(%dma_start3A_667 : memref<10240xf32, #tpu.memory_space<vmem_shared>>) offsets(%dma_start3A_665 : memref<128xi32, #tpu.memory_space<vmem>>) semaphore(%run_scoped3A : memref<!tpu.dma_semaphore, #tpu.memory_space<semaphore_mem>>) {add = true}
          %dma_wait3A_668 = arith.constant 0 : i32
          %dma_wait3A_669 = tpu.memref_slice %arg10[%scan3A_654, %dma_wait3A_668] : memref<80x128xi32, #tpu.memory_space<vmem>> -> memref<1x128xi32, #tpu.memory_space<vmem>>
          %dma_wait3A_670 = tpu.memref_squeeze %dma_wait3A_669 : memref<1x128xi32, #tpu.memory_space<vmem>> -> memref<128xi32, #tpu.memory_space<vmem>>
          %dma_wait3A_671 = arith.constant 0 : i32
          %dma_wait3A_672 = tpu.memref_slice %arg17[%dma_wait3A_671] : memref<10240xf32, #tpu.memory_space<vmem_shared>> -> memref<10240xf32, #tpu.memory_space<vmem_shared>>
          tpu.wait_indirect_dma semaphore(%run_scoped3A : memref<!tpu.dma_semaphore, #tpu.memory_space<semaphore_mem>>) src(%arg11 : memref<128xf32, #tpu.memory_space<vmem>>) dst(%dma_wait3A_672 : memref<10240xf32, #tpu.memory_space<vmem_shared>>)
          tpu.yield
        }) : () -> ()
      }
      %scan3A_11 = arith.constant 80 : i32
      %barrier3A_12 = arith.constant 0 : index
      tpu.barrier barrier_id(%barrier3A_12)
      %mul3A = arith.constant 640 : i32
      %mul3A_13 = arith.muli %arg1, %mul3A : i32
      "tpu.region"() ({
        %run_scoped3A = tpu.sem_alloc : memref<!tpu.dma_semaphore, #tpu.memory_space<semaphore_mem>>
        %dma_start3A = tpu.memref_slice %arg17[%mul3A_13] : memref<10240xf32, #tpu.memory_space<vmem_shared>> -> memref<640xf32, #tpu.memory_space<vmem_shared>>
        %dma_start3A_654 = tpu.memref_slice %arg17[%mul3A_13] : memref<10240xf32, #tpu.memory_space<vmem_shared>> -> memref<640xf32, #tpu.memory_space<vmem_shared>>
        tpu.enqueue_dma source(%dma_start3A_654 : memref<640xf32, #tpu.memory_space<vmem_shared>>) target(%arg12 : memref<640xf32, #tpu.memory_space<vmem>>) target_semaphore(%run_scoped3A : memref<!tpu.dma_semaphore, #tpu.memory_space<semaphore_mem>>)
        %dma_wait3A = tpu.memref_slice %arg17[%mul3A_13] : memref<10240xf32, #tpu.memory_space<vmem_shared>> -> memref<640xf32, #tpu.memory_space<vmem_shared>>
        %dma_wait3A_655 = tpu.memref_slice %arg17[%mul3A_13] : memref<10240xf32, #tpu.memory_space<vmem_shared>> -> memref<640xf32, #tpu.memory_space<vmem_shared>>
        tpu.wait_dma2 semaphore(%run_scoped3A : memref<!tpu.dma_semaphore, #tpu.memory_space<semaphore_mem>>) src(%dma_wait3A_655 : memref<640xf32, #tpu.memory_space<vmem_shared>>) dst(%arg12 : memref<640xf32, #tpu.memory_space<vmem>>)
        tpu.yield
      }) : () -> ()
      "tpu.region"() ({
        %run_scoped3A = tpu.sem_alloc : memref<!tpu.dma_semaphore, #tpu.memory_space<semaphore_mem>>
        %dma_start3A = tpu.memref_slice %arg2[%mul3A_13] : memref<10240xf32, #tpu.memory_space<hbm>> -> memref<640xf32, #tpu.memory_space<hbm>>
        %dma_start3A_654 = tpu.memref_slice %arg2[%mul3A_13] : memref<10240xf32, #tpu.memory_space<hbm>> -> memref<640xf32, #tpu.memory_space<hbm>>
        tpu.enqueue_dma source(%dma_start3A_654 : memref<640xf32, #tpu.memory_space<hbm>>) target(%arg13 : memref<640xf32, #tpu.memory_space<vmem>>) target_semaphore(%run_scoped3A : memref<!tpu.dma_semaphore, #tpu.memory_space<semaphore_mem>>)
        %dma_wait3A = tpu.memref_slice %arg2[%mul3A_13] : memref<10240xf32, #tpu.memory_space<hbm>> -> memref<640xf32, #tpu.memory_space<hbm>>
        %dma_wait3A_655 = tpu.memref_slice %arg2[%mul3A_13] : memref<10240xf32, #tpu.memory_space<hbm>> -> memref<640xf32, #tpu.memory_space<hbm>>
        tpu.wait_dma2 semaphore(%run_scoped3A : memref<!tpu.dma_semaphore, #tpu.memory_space<semaphore_mem>>) src(%dma_wait3A_655 : memref<640xf32, #tpu.memory_space<hbm>>) dst(%arg13 : memref<640xf32, #tpu.memory_space<vmem>>)
        tpu.yield
      }) : () -> ()
      "tpu.region"() ({
        %run_scoped3A = tpu.sem_alloc : memref<!tpu.dma_semaphore, #tpu.memory_space<semaphore_mem>>
        %dma_start3A = tpu.memref_slice %arg5[%mul3A_13] : memref<10240xf32, #tpu.memory_space<hbm>> -> memref<640xf32, #tpu.memory_space<hbm>>
        %dma_start3A_654 = tpu.memref_slice %arg5[%mul3A_13] : memref<10240xf32, #tpu.memory_space<hbm>> -> memref<640xf32, #tpu.memory_space<hbm>>
        tpu.enqueue_dma source(%dma_start3A_654 : memref<640xf32, #tpu.memory_space<hbm>>) target(%arg14 : memref<640xf32, #tpu.memory_space<vmem>>) target_semaphore(%run_scoped3A : memref<!tpu.dma_semaphore, #tpu.memory_space<semaphore_mem>>)
        %dma_wait3A = tpu.memref_slice %arg5[%mul3A_13] : memref<10240xf32, #tpu.memory_space<hbm>> -> memref<640xf32, #tpu.memory_space<hbm>>
        %dma_wait3A_655 = tpu.memref_slice %arg5[%mul3A_13] : memref<10240xf32, #tpu.memory_space<hbm>> -> memref<640xf32, #tpu.memory_space<hbm>>
        tpu.wait_dma2 semaphore(%run_scoped3A : memref<!tpu.dma_semaphore, #tpu.memory_space<semaphore_mem>>) src(%dma_wait3A_655 : memref<640xf32, #tpu.memory_space<hbm>>) dst(%arg14 : memref<640xf32, #tpu.memory_space<vmem>>)
        tpu.yield
      }) : () -> ()
      "tpu.region"() ({
        %run_scoped3A = tpu.sem_alloc : memref<!tpu.dma_semaphore, #tpu.memory_space<semaphore_mem>>
        tpu.enqueue_dma source(%arg6 : memref<16xf32, #tpu.memory_space<hbm>>) target(%arg16 : memref<16xf32, #tpu.memory_space<vmem>>) target_semaphore(%run_scoped3A : memref<!tpu.dma_semaphore, #tpu.memory_space<semaphore_mem>>)
        tpu.wait_dma2 semaphore(%run_scoped3A : memref<!tpu.dma_semaphore, #tpu.memory_space<semaphore_mem>>) src(%arg6 : memref<16xf32, #tpu.memory_space<hbm>>) dst(%arg16 : memref<16xf32, #tpu.memory_space<vmem>>)
        tpu.yield
      }) : () -> ()
      %get3A = arith.constant 0 : index
      %get3A_14 = tpu.vector_load %arg16[%get3A] {strides = array<i32>} : memref<16xf32, #tpu.memory_space<vmem>>, vector<16xf32>,
      %get3A_15 = vector.shape_cast %get3A_14 : vector<16xf32> to vector<16xf32>
      %get3A_16 = arith.constant 0 : index
      %get3A_17 = tpu.vector_load %arg14[%get3A_16] {strides = array<i32>} : memref<640xf32, #tpu.memory_space<vmem>>, vector<16xf32>,
      %get3A_18 = vector.shape_cast %get3A_17 : vector<16xf32> to vector<16xf32>
      %get3A_19 = arith.constant 0 : index
      %get3A_20 = tpu.vector_load %arg12[%get3A_19] {strides = array<i32>} : memref<640xf32, #tpu.memory_space<vmem>>, vector<16xf32>,
      %get3A_21 = vector.shape_cast %get3A_20 : vector<16xf32> to vector<16xf32>
      %get3A_22 = arith.constant 0 : index
      %get3A_23 = tpu.vector_load %arg13[%get3A_22] {strides = array<i32>} : memref<640xf32, #tpu.memory_space<vmem>>, vector<16xf32>,
      %get3A_24 = vector.shape_cast %get3A_23 : vector<16xf32> to vector<16xf32>
      %add3A = arith.addf %get3A_21, %get3A_24 : vector<16xf32>
      %mul3A_25 = arith.mulf %get3A_18, %add3A : vector<16xf32>
      %add3A_26 = arith.addf %mul3A_25, %get3A_15 : vector<16xf32>
      %swap3A = arith.constant 0 : index
      %swap3A_27 = tpu.vector_load %arg15[%swap3A] {strides = array<i32>} : memref<640xf32, #tpu.memory_space<vmem>>, vector<16xf32>,
      %swap3A_28 = vector.shape_cast %swap3A_27 : vector<16xf32> to vector<16xf32>
      %swap3A_29 = vector.shape_cast %add3A_26 : vector<16xf32> to vector<16xf32>
      tpu.vector_store %arg15[%swap3A], %swap3A_29 {strides = array<i32>} : memref<640xf32, #tpu.memory_space<vmem>>, vector<16xf32>,
      %get3A_30 = arith.constant 16 : index
      %get3A_31 = tpu.vector_load %arg14[%get3A_30] {strides = array<i32>} : memref<640xf32, #tpu.memory_space<vmem>>, vector<16xf32>,
      %get3A_32 = vector.shape_cast %get3A_31 : vector<16xf32> to vector<16xf32>
      %get3A_33 = arith.constant 16 : index
      %get3A_34 = tpu.vector_load %arg12[%get3A_33] {strides = array<i32>} : memref<640xf32, #tpu.memory_space<vmem>>, vector<16xf32>,
      %get3A_35 = vector.shape_cast %get3A_34 : vector<16xf32> to vector<16xf32>
      %get3A_36 = arith.constant 16 : index
      %get3A_37 = tpu.vector_load %arg13[%get3A_36] {strides = array<i32>} : memref<640xf32, #tpu.memory_space<vmem>>, vector<16xf32>,
      %get3A_38 = vector.shape_cast %get3A_37 : vector<16xf32> to vector<16xf32>
      %add3A_39 = arith.addf %get3A_35, %get3A_38 : vector<16xf32>
      %mul3A_40 = arith.mulf %get3A_32, %add3A_39 : vector<16xf32>
      %add3A_41 = arith.addf %mul3A_40, %get3A_15 : vector<16xf32>
      %swap3A_42 = arith.constant 16 : index
      %swap3A_43 = tpu.vector_load %arg15[%swap3A_42] {strides = array<i32>} : memref<640xf32, #tpu.memory_space<vmem>>, vector<16xf32>,
      %swap3A_44 = vector.shape_cast %swap3A_43 : vector<16xf32> to vector<16xf32>
      %swap3A_45 = vector.shape_cast %add3A_41 : vector<16xf32> to vector<16xf32>
      tpu.vector_store %arg15[%swap3A_42], %swap3A_45 {strides = array<i32>} : memref<640xf32, #tpu.memory_space<vmem>>, vector<16xf32>,
      %get3A_46 = arith.constant 32 : index
      %get3A_47 = tpu.vector_load %arg14[%get3A_46] {strides = array<i32>} : memref<640xf32, #tpu.memory_space<vmem>>, vector<16xf32>,
      %get3A_48 = vector.shape_cast %get3A_47 : vector<16xf32> to vector<16xf32>
      %get3A_49 = arith.constant 32 : index
      %get3A_50 = tpu.vector_load %arg12[%get3A_49] {strides = array<i32>} : memref<640xf32, #tpu.memory_space<vmem>>, vector<16xf32>,
      %get3A_51 = vector.shape_cast %get3A_50 : vector<16xf32> to vector<16xf32>
      %get3A_52 = arith.constant 32 : index
      %get3A_53 = tpu.vector_load %arg13[%get3A_52] {strides = array<i32>} : memref<640xf32, #tpu.memory_space<vmem>>, vector<16xf32>,
      %get3A_54 = vector.shape_cast %get3A_53 : vector<16xf32> to vector<16xf32>
      %add3A_55 = arith.addf %get3A_51, %get3A_54 : vector<16xf32>
      %mul3A_56 = arith.mulf %get3A_48, %add3A_55 : vector<16xf32>
      %add3A_57 = arith.addf %mul3A_56, %get3A_15 : vector<16xf32>
      %swap3A_58 = arith.constant 32 : index
      %swap3A_59 = tpu.vector_load %arg15[%swap3A_58] {strides = array<i32>} : memref<640xf32, #tpu.memory_space<vmem>>, vector<16xf32>,
      %swap3A_60 = vector.shape_cast %swap3A_59 : vector<16xf32> to vector<16xf32>
      %swap3A_61 = vector.shape_cast %add3A_57 : vector<16xf32> to vector<16xf32>
      tpu.vector_store %arg15[%swap3A_58], %swap3A_61 {strides = array<i32>} : memref<640xf32, #tpu.memory_space<vmem>>, vector<16xf32>,
      %get3A_62 = arith.constant 48 : index
      %get3A_63 = tpu.vector_load %arg14[%get3A_62] {strides = array<i32>} : memref<640xf32, #tpu.memory_space<vmem>>, vector<16xf32>,
      %get3A_64 = vector.shape_cast %get3A_63 : vector<16xf32> to vector<16xf32>
      %get3A_65 = arith.constant 48 : index
      %get3A_66 = tpu.vector_load %arg12[%get3A_65] {strides = array<i32>} : memref<640xf32, #tpu.memory_space<vmem>>, vector<16xf32>,
      %get3A_67 = vector.shape_cast %get3A_66 : vector<16xf32> to vector<16xf32>
      %get3A_68 = arith.constant 48 : index
      %get3A_69 = tpu.vector_load %arg13[%get3A_68] {strides = array<i32>} : memref<640xf32, #tpu.memory_space<vmem>>, vector<16xf32>,
      %get3A_70 = vector.shape_cast %get3A_69 : vector<16xf32> to vector<16xf32>
      %add3A_71 = arith.addf %get3A_67, %get3A_70 : vector<16xf32>
      %mul3A_72 = arith.mulf %get3A_64, %add3A_71 : vector<16xf32>
      %add3A_73 = arith.addf %mul3A_72, %get3A_15 : vector<16xf32>
      %swap3A_74 = arith.constant 48 : index
      %swap3A_75 = tpu.vector_load %arg15[%swap3A_74] {strides = array<i32>} : memref<640xf32, #tpu.memory_space<vmem>>, vector<16xf32>,
      %swap3A_76 = vector.shape_cast %swap3A_75 : vector<16xf32> to vector<16xf32>
      %swap3A_77 = vector.shape_cast %add3A_73 : vector<16xf32> to vector<16xf32>
      tpu.vector_store %arg15[%swap3A_74], %swap3A_77 {strides = array<i32>} : memref<640xf32, #tpu.memory_space<vmem>>, vector<16xf32>,
      %get3A_78 = arith.constant 64 : index
      %get3A_79 = tpu.vector_load %arg14[%get3A_78] {strides = array<i32>} : memref<640xf32, #tpu.memory_space<vmem>>, vector<16xf32>,
      %get3A_80 = vector.shape_cast %get3A_79 : vector<16xf32> to vector<16xf32>
      %get3A_81 = arith.constant 64 : index
      %get3A_82 = tpu.vector_load %arg12[%get3A_81] {strides = array<i32>} : memref<640xf32, #tpu.memory_space<vmem>>, vector<16xf32>,
      %get3A_83 = vector.shape_cast %get3A_82 : vector<16xf32> to vector<16xf32>
      %get3A_84 = arith.constant 64 : index
      %get3A_85 = tpu.vector_load %arg13[%get3A_84] {strides = array<i32>} : memref<640xf32, #tpu.memory_space<vmem>>, vector<16xf32>,
      %get3A_86 = vector.shape_cast %get3A_85 : vector<16xf32> to vector<16xf32>
      %add3A_87 = arith.addf %get3A_83, %get3A_86 : vector<16xf32>
      %mul3A_88 = arith.mulf %get3A_80, %add3A_87 : vector<16xf32>
      %add3A_89 = arith.addf %mul3A_88, %get3A_15 : vector<16xf32>
      %swap3A_90 = arith.constant 64 : index
      %swap3A_91 = tpu.vector_load %arg15[%swap3A_90] {strides = array<i32>} : memref<640xf32, #tpu.memory_space<vmem>>, vector<16xf32>,
      %swap3A_92 = vector.shape_cast %swap3A_91 : vector<16xf32> to vector<16xf32>
      %swap3A_93 = vector.shape_cast %add3A_89 : vector<16xf32> to vector<16xf32>
      tpu.vector_store %arg15[%swap3A_90], %swap3A_93 {strides = array<i32>} : memref<640xf32, #tpu.memory_space<vmem>>, vector<16xf32>,
      %get3A_94 = arith.constant 80 : index
      %get3A_95 = tpu.vector_load %arg14[%get3A_94] {strides = array<i32>} : memref<640xf32, #tpu.memory_space<vmem>>, vector<16xf32>,
      %get3A_96 = vector.shape_cast %get3A_95 : vector<16xf32> to vector<16xf32>
      %get3A_97 = arith.constant 80 : index
      %get3A_98 = tpu.vector_load %arg12[%get3A_97] {strides = array<i32>} : memref<640xf32, #tpu.memory_space<vmem>>, vector<16xf32>,
      %get3A_99 = vector.shape_cast %get3A_98 : vector<16xf32> to vector<16xf32>
      %get3A_100 = arith.constant 80 : index
      %get3A_101 = tpu.vector_load %arg13[%get3A_100] {strides = array<i32>} : memref<640xf32, #tpu.memory_space<vmem>>, vector<16xf32>,
      %get3A_102 = vector.shape_cast %get3A_101 : vector<16xf32> to vector<16xf32>
      %add3A_103 = arith.addf %get3A_99, %get3A_102 : vector<16xf32>
      %mul3A_104 = arith.mulf %get3A_96, %add3A_103 : vector<16xf32>
      %add3A_105 = arith.addf %mul3A_104, %get3A_15 : vector<16xf32>
      %swap3A_106 = arith.constant 80 : index
      %swap3A_107 = tpu.vector_load %arg15[%swap3A_106] {strides = array<i32>} : memref<640xf32, #tpu.memory_space<vmem>>, vector<16xf32>,
      %swap3A_108 = vector.shape_cast %swap3A_107 : vector<16xf32> to vector<16xf32>
      %swap3A_109 = vector.shape_cast %add3A_105 : vector<16xf32> to vector<16xf32>
      tpu.vector_store %arg15[%swap3A_106], %swap3A_109 {strides = array<i32>} : memref<640xf32, #tpu.memory_space<vmem>>, vector<16xf32>,
      %get3A_110 = arith.constant 96 : index
      %get3A_111 = tpu.vector_load %arg14[%get3A_110] {strides = array<i32>} : memref<640xf32, #tpu.memory_space<vmem>>, vector<16xf32>,
      %get3A_112 = vector.shape_cast %get3A_111 : vector<16xf32> to vector<16xf32>
      %get3A_113 = arith.constant 96 : index
      %get3A_114 = tpu.vector_load %arg12[%get3A_113] {strides = array<i32>} : memref<640xf32, #tpu.memory_space<vmem>>, vector<16xf32>,
      %get3A_115 = vector.shape_cast %get3A_114 : vector<16xf32> to vector<16xf32>
      %get3A_116 = arith.constant 96 : index
      %get3A_117 = tpu.vector_load %arg13[%get3A_116] {strides = array<i32>} : memref<640xf32, #tpu.memory_space<vmem>>, vector<16xf32>,
      %get3A_118 = vector.shape_cast %get3A_117 : vector<16xf32> to vector<16xf32>
      %add3A_119 = arith.addf %get3A_115, %get3A_118 : vector<16xf32>
      %mul3A_120 = arith.mulf %get3A_112, %add3A_119 : vector<16xf32>
      %add3A_121 = arith.addf %mul3A_120, %get3A_15 : vector<16xf32>
      %swap3A_122 = arith.constant 96 : index
      %swap3A_123 = tpu.vector_load %arg15[%swap3A_122] {strides = array<i32>} : memref<640xf32, #tpu.memory_space<vmem>>, vector<16xf32>,
      %swap3A_124 = vector.shape_cast %swap3A_123 : vector<16xf32> to vector<16xf32>
      %swap3A_125 = vector.shape_cast %add3A_121 : vector<16xf32> to vector<16xf32>
      tpu.vector_store %arg15[%swap3A_122], %swap3A_125 {strides = array<i32>} : memref<640xf32, #tpu.memory_space<vmem>>, vector<16xf32>,
      %get3A_126 = arith.constant 112 : index
      %get3A_127 = tpu.vector_load %arg14[%get3A_126] {strides = array<i32>} : memref<640xf32, #tpu.memory_space<vmem>>, vector<16xf32>,
      %get3A_128 = vector.shape_cast %get3A_127 : vector<16xf32> to vector<16xf32>
      %get3A_129 = arith.constant 112 : index
      %get3A_130 = tpu.vector_load %arg12[%get3A_129] {strides = array<i32>} : memref<640xf32, #tpu.memory_space<vmem>>, vector<16xf32>,
      %get3A_131 = vector.shape_cast %get3A_130 : vector<16xf32> to vector<16xf32>
      %get3A_132 = arith.constant 112 : index
      %get3A_133 = tpu.vector_load %arg13[%get3A_132] {strides = array<i32>} : memref<640xf32, #tpu.memory_space<vmem>>, vector<16xf32>,
      %get3A_134 = vector.shape_cast %get3A_133 : vector<16xf32> to vector<16xf32>
      %add3A_135 = arith.addf %get3A_131, %get3A_134 : vector<16xf32>
      %mul3A_136 = arith.mulf %get3A_128, %add3A_135 : vector<16xf32>
      %add3A_137 = arith.addf %mul3A_136, %get3A_15 : vector<16xf32>
      %swap3A_138 = arith.constant 112 : index
      %swap3A_139 = tpu.vector_load %arg15[%swap3A_138] {strides = array<i32>} : memref<640xf32, #tpu.memory_space<vmem>>, vector<16xf32>,
      %swap3A_140 = vector.shape_cast %swap3A_139 : vector<16xf32> to vector<16xf32>
      %swap3A_141 = vector.shape_cast %add3A_137 : vector<16xf32> to vector<16xf32>
      tpu.vector_store %arg15[%swap3A_138], %swap3A_141 {strides = array<i32>} : memref<640xf32, #tpu.memory_space<vmem>>, vector<16xf32>,
      %get3A_142 = arith.constant 128 : index
      %get3A_143 = tpu.vector_load %arg14[%get3A_142] {strides = array<i32>} : memref<640xf32, #tpu.memory_space<vmem>>, vector<16xf32>,
      %get3A_144 = vector.shape_cast %get3A_143 : vector<16xf32> to vector<16xf32>
      %get3A_145 = arith.constant 128 : index
      %get3A_146 = tpu.vector_load %arg12[%get3A_145] {strides = array<i32>} : memref<640xf32, #tpu.memory_space<vmem>>, vector<16xf32>,
      %get3A_147 = vector.shape_cast %get3A_146 : vector<16xf32> to vector<16xf32>
      %get3A_148 = arith.constant 128 : index
      %get3A_149 = tpu.vector_load %arg13[%get3A_148] {strides = array<i32>} : memref<640xf32, #tpu.memory_space<vmem>>, vector<16xf32>,
      %get3A_150 = vector.shape_cast %get3A_149 : vector<16xf32> to vector<16xf32>
      %add3A_151 = arith.addf %get3A_147, %get3A_150 : vector<16xf32>
      %mul3A_152 = arith.mulf %get3A_144, %add3A_151 : vector<16xf32>
      %add3A_153 = arith.addf %mul3A_152, %get3A_15 : vector<16xf32>
      %swap3A_154 = arith.constant 128 : index
      %swap3A_155 = tpu.vector_load %arg15[%swap3A_154] {strides = array<i32>} : memref<640xf32, #tpu.memory_space<vmem>>, vector<16xf32>,
      %swap3A_156 = vector.shape_cast %swap3A_155 : vector<16xf32> to vector<16xf32>
      %swap3A_157 = vector.shape_cast %add3A_153 : vector<16xf32> to vector<16xf32>
      tpu.vector_store %arg15[%swap3A_154], %swap3A_157 {strides = array<i32>} : memref<640xf32, #tpu.memory_space<vmem>>, vector<16xf32>,
      %get3A_158 = arith.constant 144 : index
      %get3A_159 = tpu.vector_load %arg14[%get3A_158] {strides = array<i32>} : memref<640xf32, #tpu.memory_space<vmem>>, vector<16xf32>,
      %get3A_160 = vector.shape_cast %get3A_159 : vector<16xf32> to vector<16xf32>
      %get3A_161 = arith.constant 144 : index
      %get3A_162 = tpu.vector_load %arg12[%get3A_161] {strides = array<i32>} : memref<640xf32, #tpu.memory_space<vmem>>, vector<16xf32>,
      %get3A_163 = vector.shape_cast %get3A_162 : vector<16xf32> to vector<16xf32>
      %get3A_164 = arith.constant 144 : index
      %get3A_165 = tpu.vector_load %arg13[%get3A_164] {strides = array<i32>} : memref<640xf32, #tpu.memory_space<vmem>>, vector<16xf32>,
      %get3A_166 = vector.shape_cast %get3A_165 : vector<16xf32> to vector<16xf32>
      %add3A_167 = arith.addf %get3A_163, %get3A_166 : vector<16xf32>
      %mul3A_168 = arith.mulf %get3A_160, %add3A_167 : vector<16xf32>
      %add3A_169 = arith.addf %mul3A_168, %get3A_15 : vector<16xf32>
      %swap3A_170 = arith.constant 144 : index
      %swap3A_171 = tpu.vector_load %arg15[%swap3A_170] {strides = array<i32>} : memref<640xf32, #tpu.memory_space<vmem>>, vector<16xf32>,
      %swap3A_172 = vector.shape_cast %swap3A_171 : vector<16xf32> to vector<16xf32>
      %swap3A_173 = vector.shape_cast %add3A_169 : vector<16xf32> to vector<16xf32>
      tpu.vector_store %arg15[%swap3A_170], %swap3A_173 {strides = array<i32>} : memref<640xf32, #tpu.memory_space<vmem>>, vector<16xf32>,
      %get3A_174 = arith.constant 160 : index
      %get3A_175 = tpu.vector_load %arg14[%get3A_174] {strides = array<i32>} : memref<640xf32, #tpu.memory_space<vmem>>, vector<16xf32>,
      %get3A_176 = vector.shape_cast %get3A_175 : vector<16xf32> to vector<16xf32>
      %get3A_177 = arith.constant 160 : index
      %get3A_178 = tpu.vector_load %arg12[%get3A_177] {strides = array<i32>} : memref<640xf32, #tpu.memory_space<vmem>>, vector<16xf32>,
      %get3A_179 = vector.shape_cast %get3A_178 : vector<16xf32> to vector<16xf32>
      %get3A_180 = arith.constant 160 : index
      %get3A_181 = tpu.vector_load %arg13[%get3A_180] {strides = array<i32>} : memref<640xf32, #tpu.memory_space<vmem>>, vector<16xf32>,
      %get3A_182 = vector.shape_cast %get3A_181 : vector<16xf32> to vector<16xf32>
      %add3A_183 = arith.addf %get3A_179, %get3A_182 : vector<16xf32>
      %mul3A_184 = arith.mulf %get3A_176, %add3A_183 : vector<16xf32>
      %add3A_185 = arith.addf %mul3A_184, %get3A_15 : vector<16xf32>
      %swap3A_186 = arith.constant 160 : index
      %swap3A_187 = tpu.vector_load %arg15[%swap3A_186] {strides = array<i32>} : memref<640xf32, #tpu.memory_space<vmem>>, vector<16xf32>,
      %swap3A_188 = vector.shape_cast %swap3A_187 : vector<16xf32> to vector<16xf32>
      %swap3A_189 = vector.shape_cast %add3A_185 : vector<16xf32> to vector<16xf32>
      tpu.vector_store %arg15[%swap3A_186], %swap3A_189 {strides = array<i32>} : memref<640xf32, #tpu.memory_space<vmem>>, vector<16xf32>,
      %get3A_190 = arith.constant 176 : index
      %get3A_191 = tpu.vector_load %arg14[%get3A_190] {strides = array<i32>} : memref<640xf32, #tpu.memory_space<vmem>>, vector<16xf32>,
      %get3A_192 = vector.shape_cast %get3A_191 : vector<16xf32> to vector<16xf32>
      %get3A_193 = arith.constant 176 : index
      %get3A_194 = tpu.vector_load %arg12[%get3A_193] {strides = array<i32>} : memref<640xf32, #tpu.memory_space<vmem>>, vector<16xf32>,
      %get3A_195 = vector.shape_cast %get3A_194 : vector<16xf32> to vector<16xf32>
      %get3A_196 = arith.constant 176 : index
      %get3A_197 = tpu.vector_load %arg13[%get3A_196] {strides = array<i32>} : memref<640xf32, #tpu.memory_space<vmem>>, vector<16xf32>,
      %get3A_198 = vector.shape_cast %get3A_197 : vector<16xf32> to vector<16xf32>
      %add3A_199 = arith.addf %get3A_195, %get3A_198 : vector<16xf32>
      %mul3A_200 = arith.mulf %get3A_192, %add3A_199 : vector<16xf32>
      %add3A_201 = arith.addf %mul3A_200, %get3A_15 : vector<16xf32>
      %swap3A_202 = arith.constant 176 : index
      %swap3A_203 = tpu.vector_load %arg15[%swap3A_202] {strides = array<i32>} : memref<640xf32, #tpu.memory_space<vmem>>, vector<16xf32>,
      %swap3A_204 = vector.shape_cast %swap3A_203 : vector<16xf32> to vector<16xf32>
      %swap3A_205 = vector.shape_cast %add3A_201 : vector<16xf32> to vector<16xf32>
      tpu.vector_store %arg15[%swap3A_202], %swap3A_205 {strides = array<i32>} : memref<640xf32, #tpu.memory_space<vmem>>, vector<16xf32>,
      %get3A_206 = arith.constant 192 : index
      %get3A_207 = tpu.vector_load %arg14[%get3A_206] {strides = array<i32>} : memref<640xf32, #tpu.memory_space<vmem>>, vector<16xf32>,
      %get3A_208 = vector.shape_cast %get3A_207 : vector<16xf32> to vector<16xf32>
      %get3A_209 = arith.constant 192 : index
      %get3A_210 = tpu.vector_load %arg12[%get3A_209] {strides = array<i32>} : memref<640xf32, #tpu.memory_space<vmem>>, vector<16xf32>,
      %get3A_211 = vector.shape_cast %get3A_210 : vector<16xf32> to vector<16xf32>
      %get3A_212 = arith.constant 192 : index
      %get3A_213 = tpu.vector_load %arg13[%get3A_212] {strides = array<i32>} : memref<640xf32, #tpu.memory_space<vmem>>, vector<16xf32>,
      %get3A_214 = vector.shape_cast %get3A_213 : vector<16xf32> to vector<16xf32>
      %add3A_215 = arith.addf %get3A_211, %get3A_214 : vector<16xf32>
      %mul3A_216 = arith.mulf %get3A_208, %add3A_215 : vector<16xf32>
      %add3A_217 = arith.addf %mul3A_216, %get3A_15 : vector<16xf32>
      %swap3A_218 = arith.constant 192 : index
      %swap3A_219 = tpu.vector_load %arg15[%swap3A_218] {strides = array<i32>} : memref<640xf32, #tpu.memory_space<vmem>>, vector<16xf32>,
      %swap3A_220 = vector.shape_cast %swap3A_219 : vector<16xf32> to vector<16xf32>
      %swap3A_221 = vector.shape_cast %add3A_217 : vector<16xf32> to vector<16xf32>
      tpu.vector_store %arg15[%swap3A_218], %swap3A_221 {strides = array<i32>} : memref<640xf32, #tpu.memory_space<vmem>>, vector<16xf32>,
      %get3A_222 = arith.constant 208 : index
      %get3A_223 = tpu.vector_load %arg14[%get3A_222] {strides = array<i32>} : memref<640xf32, #tpu.memory_space<vmem>>, vector<16xf32>,
      %get3A_224 = vector.shape_cast %get3A_223 : vector<16xf32> to vector<16xf32>
      %get3A_225 = arith.constant 208 : index
      %get3A_226 = tpu.vector_load %arg12[%get3A_225] {strides = array<i32>} : memref<640xf32, #tpu.memory_space<vmem>>, vector<16xf32>,
      %get3A_227 = vector.shape_cast %get3A_226 : vector<16xf32> to vector<16xf32>
      %get3A_228 = arith.constant 208 : index
      %get3A_229 = tpu.vector_load %arg13[%get3A_228] {strides = array<i32>} : memref<640xf32, #tpu.memory_space<vmem>>, vector<16xf32>,
      %get3A_230 = vector.shape_cast %get3A_229 : vector<16xf32> to vector<16xf32>
      %add3A_231 = arith.addf %get3A_227, %get3A_230 : vector<16xf32>
      %mul3A_232 = arith.mulf %get3A_224, %add3A_231 : vector<16xf32>
      %add3A_233 = arith.addf %mul3A_232, %get3A_15 : vector<16xf32>
      %swap3A_234 = arith.constant 208 : index
      %swap3A_235 = tpu.vector_load %arg15[%swap3A_234] {strides = array<i32>} : memref<640xf32, #tpu.memory_space<vmem>>, vector<16xf32>,
      %swap3A_236 = vector.shape_cast %swap3A_235 : vector<16xf32> to vector<16xf32>
      %swap3A_237 = vector.shape_cast %add3A_233 : vector<16xf32> to vector<16xf32>
      tpu.vector_store %arg15[%swap3A_234], %swap3A_237 {strides = array<i32>} : memref<640xf32, #tpu.memory_space<vmem>>, vector<16xf32>,
      %get3A_238 = arith.constant 224 : index
      %get3A_239 = tpu.vector_load %arg14[%get3A_238] {strides = array<i32>} : memref<640xf32, #tpu.memory_space<vmem>>, vector<16xf32>,
      %get3A_240 = vector.shape_cast %get3A_239 : vector<16xf32> to vector<16xf32>
      %get3A_241 = arith.constant 224 : index
      %get3A_242 = tpu.vector_load %arg12[%get3A_241] {strides = array<i32>} : memref<640xf32, #tpu.memory_space<vmem>>, vector<16xf32>,
      %get3A_243 = vector.shape_cast %get3A_242 : vector<16xf32> to vector<16xf32>
      %get3A_244 = arith.constant 224 : index
      %get3A_245 = tpu.vector_load %arg13[%get3A_244] {strides = array<i32>} : memref<640xf32, #tpu.memory_space<vmem>>, vector<16xf32>,
      %get3A_246 = vector.shape_cast %get3A_245 : vector<16xf32> to vector<16xf32>
      %add3A_247 = arith.addf %get3A_243, %get3A_246 : vector<16xf32>
      %mul3A_248 = arith.mulf %get3A_240, %add3A_247 : vector<16xf32>
      %add3A_249 = arith.addf %mul3A_248, %get3A_15 : vector<16xf32>
      %swap3A_250 = arith.constant 224 : index
      %swap3A_251 = tpu.vector_load %arg15[%swap3A_250] {strides = array<i32>} : memref<640xf32, #tpu.memory_space<vmem>>, vector<16xf32>,
      %swap3A_252 = vector.shape_cast %swap3A_251 : vector<16xf32> to vector<16xf32>
      %swap3A_253 = vector.shape_cast %add3A_249 : vector<16xf32> to vector<16xf32>
      tpu.vector_store %arg15[%swap3A_250], %swap3A_253 {strides = array<i32>} : memref<640xf32, #tpu.memory_space<vmem>>, vector<16xf32>,
      %get3A_254 = arith.constant 240 : index
      %get3A_255 = tpu.vector_load %arg14[%get3A_254] {strides = array<i32>} : memref<640xf32, #tpu.memory_space<vmem>>, vector<16xf32>,
      %get3A_256 = vector.shape_cast %get3A_255 : vector<16xf32> to vector<16xf32>
      %get3A_257 = arith.constant 240 : index
      %get3A_258 = tpu.vector_load %arg12[%get3A_257] {strides = array<i32>} : memref<640xf32, #tpu.memory_space<vmem>>, vector<16xf32>,
      %get3A_259 = vector.shape_cast %get3A_258 : vector<16xf32> to vector<16xf32>
      %get3A_260 = arith.constant 240 : index
      %get3A_261 = tpu.vector_load %arg13[%get3A_260] {strides = array<i32>} : memref<640xf32, #tpu.memory_space<vmem>>, vector<16xf32>,
      %get3A_262 = vector.shape_cast %get3A_261 : vector<16xf32> to vector<16xf32>
      %add3A_263 = arith.addf %get3A_259, %get3A_262 : vector<16xf32>
      %mul3A_264 = arith.mulf %get3A_256, %add3A_263 : vector<16xf32>
      %add3A_265 = arith.addf %mul3A_264, %get3A_15 : vector<16xf32>
      %swap3A_266 = arith.constant 240 : index
      %swap3A_267 = tpu.vector_load %arg15[%swap3A_266] {strides = array<i32>} : memref<640xf32, #tpu.memory_space<vmem>>, vector<16xf32>,
      %swap3A_268 = vector.shape_cast %swap3A_267 : vector<16xf32> to vector<16xf32>
      %swap3A_269 = vector.shape_cast %add3A_265 : vector<16xf32> to vector<16xf32>
      tpu.vector_store %arg15[%swap3A_266], %swap3A_269 {strides = array<i32>} : memref<640xf32, #tpu.memory_space<vmem>>, vector<16xf32>,
      %get3A_270 = arith.constant 256 : index
      %get3A_271 = tpu.vector_load %arg14[%get3A_270] {strides = array<i32>} : memref<640xf32, #tpu.memory_space<vmem>>, vector<16xf32>,
      %get3A_272 = vector.shape_cast %get3A_271 : vector<16xf32> to vector<16xf32>
      %get3A_273 = arith.constant 256 : index
      %get3A_274 = tpu.vector_load %arg12[%get3A_273] {strides = array<i32>} : memref<640xf32, #tpu.memory_space<vmem>>, vector<16xf32>,
      %get3A_275 = vector.shape_cast %get3A_274 : vector<16xf32> to vector<16xf32>
      %get3A_276 = arith.constant 256 : index
      %get3A_277 = tpu.vector_load %arg13[%get3A_276] {strides = array<i32>} : memref<640xf32, #tpu.memory_space<vmem>>, vector<16xf32>,
      %get3A_278 = vector.shape_cast %get3A_277 : vector<16xf32> to vector<16xf32>
      %add3A_279 = arith.addf %get3A_275, %get3A_278 : vector<16xf32>
      %mul3A_280 = arith.mulf %get3A_272, %add3A_279 : vector<16xf32>
      %add3A_281 = arith.addf %mul3A_280, %get3A_15 : vector<16xf32>
      %swap3A_282 = arith.constant 256 : index
      %swap3A_283 = tpu.vector_load %arg15[%swap3A_282] {strides = array<i32>} : memref<640xf32, #tpu.memory_space<vmem>>, vector<16xf32>,
      %swap3A_284 = vector.shape_cast %swap3A_283 : vector<16xf32> to vector<16xf32>
      %swap3A_285 = vector.shape_cast %add3A_281 : vector<16xf32> to vector<16xf32>
      tpu.vector_store %arg15[%swap3A_282], %swap3A_285 {strides = array<i32>} : memref<640xf32, #tpu.memory_space<vmem>>, vector<16xf32>,
      %get3A_286 = arith.constant 272 : index
      %get3A_287 = tpu.vector_load %arg14[%get3A_286] {strides = array<i32>} : memref<640xf32, #tpu.memory_space<vmem>>, vector<16xf32>,
      %get3A_288 = vector.shape_cast %get3A_287 : vector<16xf32> to vector<16xf32>
      %get3A_289 = arith.constant 272 : index
      %get3A_290 = tpu.vector_load %arg12[%get3A_289] {strides = array<i32>} : memref<640xf32, #tpu.memory_space<vmem>>, vector<16xf32>,
      %get3A_291 = vector.shape_cast %get3A_290 : vector<16xf32> to vector<16xf32>
      %get3A_292 = arith.constant 272 : index
      %get3A_293 = tpu.vector_load %arg13[%get3A_292] {strides = array<i32>} : memref<640xf32, #tpu.memory_space<vmem>>, vector<16xf32>,
      %get3A_294 = vector.shape_cast %get3A_293 : vector<16xf32> to vector<16xf32>
      %add3A_295 = arith.addf %get3A_291, %get3A_294 : vector<16xf32>
      %mul3A_296 = arith.mulf %get3A_288, %add3A_295 : vector<16xf32>
      %add3A_297 = arith.addf %mul3A_296, %get3A_15 : vector<16xf32>
      %swap3A_298 = arith.constant 272 : index
      %swap3A_299 = tpu.vector_load %arg15[%swap3A_298] {strides = array<i32>} : memref<640xf32, #tpu.memory_space<vmem>>, vector<16xf32>,
      %swap3A_300 = vector.shape_cast %swap3A_299 : vector<16xf32> to vector<16xf32>
      %swap3A_301 = vector.shape_cast %add3A_297 : vector<16xf32> to vector<16xf32>
      tpu.vector_store %arg15[%swap3A_298], %swap3A_301 {strides = array<i32>} : memref<640xf32, #tpu.memory_space<vmem>>, vector<16xf32>,
      %get3A_302 = arith.constant 288 : index
      %get3A_303 = tpu.vector_load %arg14[%get3A_302] {strides = array<i32>} : memref<640xf32, #tpu.memory_space<vmem>>, vector<16xf32>,
      %get3A_304 = vector.shape_cast %get3A_303 : vector<16xf32> to vector<16xf32>
      %get3A_305 = arith.constant 288 : index
      %get3A_306 = tpu.vector_load %arg12[%get3A_305] {strides = array<i32>} : memref<640xf32, #tpu.memory_space<vmem>>, vector<16xf32>,
      %get3A_307 = vector.shape_cast %get3A_306 : vector<16xf32> to vector<16xf32>
      %get3A_308 = arith.constant 288 : index
      %get3A_309 = tpu.vector_load %arg13[%get3A_308] {strides = array<i32>} : memref<640xf32, #tpu.memory_space<vmem>>, vector<16xf32>,
      %get3A_310 = vector.shape_cast %get3A_309 : vector<16xf32> to vector<16xf32>
      %add3A_311 = arith.addf %get3A_307, %get3A_310 : vector<16xf32>
      %mul3A_312 = arith.mulf %get3A_304, %add3A_311 : vector<16xf32>
      %add3A_313 = arith.addf %mul3A_312, %get3A_15 : vector<16xf32>
      %swap3A_314 = arith.constant 288 : index
      %swap3A_315 = tpu.vector_load %arg15[%swap3A_314] {strides = array<i32>} : memref<640xf32, #tpu.memory_space<vmem>>, vector<16xf32>,
      %swap3A_316 = vector.shape_cast %swap3A_315 : vector<16xf32> to vector<16xf32>
      %swap3A_317 = vector.shape_cast %add3A_313 : vector<16xf32> to vector<16xf32>
      tpu.vector_store %arg15[%swap3A_314], %swap3A_317 {strides = array<i32>} : memref<640xf32, #tpu.memory_space<vmem>>, vector<16xf32>,
      %get3A_318 = arith.constant 304 : index
      %get3A_319 = tpu.vector_load %arg14[%get3A_318] {strides = array<i32>} : memref<640xf32, #tpu.memory_space<vmem>>, vector<16xf32>,
      %get3A_320 = vector.shape_cast %get3A_319 : vector<16xf32> to vector<16xf32>
      %get3A_321 = arith.constant 304 : index
      %get3A_322 = tpu.vector_load %arg12[%get3A_321] {strides = array<i32>} : memref<640xf32, #tpu.memory_space<vmem>>, vector<16xf32>,
      %get3A_323 = vector.shape_cast %get3A_322 : vector<16xf32> to vector<16xf32>
      %get3A_324 = arith.constant 304 : index
      %get3A_325 = tpu.vector_load %arg13[%get3A_324] {strides = array<i32>} : memref<640xf32, #tpu.memory_space<vmem>>, vector<16xf32>,
      %get3A_326 = vector.shape_cast %get3A_325 : vector<16xf32> to vector<16xf32>
      %add3A_327 = arith.addf %get3A_323, %get3A_326 : vector<16xf32>
      %mul3A_328 = arith.mulf %get3A_320, %add3A_327 : vector<16xf32>
      %add3A_329 = arith.addf %mul3A_328, %get3A_15 : vector<16xf32>
      %swap3A_330 = arith.constant 304 : index
      %swap3A_331 = tpu.vector_load %arg15[%swap3A_330] {strides = array<i32>} : memref<640xf32, #tpu.memory_space<vmem>>, vector<16xf32>,
      %swap3A_332 = vector.shape_cast %swap3A_331 : vector<16xf32> to vector<16xf32>
      %swap3A_333 = vector.shape_cast %add3A_329 : vector<16xf32> to vector<16xf32>
      tpu.vector_store %arg15[%swap3A_330], %swap3A_333 {strides = array<i32>} : memref<640xf32, #tpu.memory_space<vmem>>, vector<16xf32>,
      %get3A_334 = arith.constant 320 : index
      %get3A_335 = tpu.vector_load %arg14[%get3A_334] {strides = array<i32>} : memref<640xf32, #tpu.memory_space<vmem>>, vector<16xf32>,
      %get3A_336 = vector.shape_cast %get3A_335 : vector<16xf32> to vector<16xf32>
      %get3A_337 = arith.constant 320 : index
      %get3A_338 = tpu.vector_load %arg12[%get3A_337] {strides = array<i32>} : memref<640xf32, #tpu.memory_space<vmem>>, vector<16xf32>,
      %get3A_339 = vector.shape_cast %get3A_338 : vector<16xf32> to vector<16xf32>
      %get3A_340 = arith.constant 320 : index
      %get3A_341 = tpu.vector_load %arg13[%get3A_340] {strides = array<i32>} : memref<640xf32, #tpu.memory_space<vmem>>, vector<16xf32>,
      %get3A_342 = vector.shape_cast %get3A_341 : vector<16xf32> to vector<16xf32>
      %add3A_343 = arith.addf %get3A_339, %get3A_342 : vector<16xf32>
      %mul3A_344 = arith.mulf %get3A_336, %add3A_343 : vector<16xf32>
      %add3A_345 = arith.addf %mul3A_344, %get3A_15 : vector<16xf32>
      %swap3A_346 = arith.constant 320 : index
      %swap3A_347 = tpu.vector_load %arg15[%swap3A_346] {strides = array<i32>} : memref<640xf32, #tpu.memory_space<vmem>>, vector<16xf32>,
      %swap3A_348 = vector.shape_cast %swap3A_347 : vector<16xf32> to vector<16xf32>
      %swap3A_349 = vector.shape_cast %add3A_345 : vector<16xf32> to vector<16xf32>
      tpu.vector_store %arg15[%swap3A_346], %swap3A_349 {strides = array<i32>} : memref<640xf32, #tpu.memory_space<vmem>>, vector<16xf32>,
      %get3A_350 = arith.constant 336 : index
      %get3A_351 = tpu.vector_load %arg14[%get3A_350] {strides = array<i32>} : memref<640xf32, #tpu.memory_space<vmem>>, vector<16xf32>,
      %get3A_352 = vector.shape_cast %get3A_351 : vector<16xf32> to vector<16xf32>
      %get3A_353 = arith.constant 336 : index
      %get3A_354 = tpu.vector_load %arg12[%get3A_353] {strides = array<i32>} : memref<640xf32, #tpu.memory_space<vmem>>, vector<16xf32>,
      %get3A_355 = vector.shape_cast %get3A_354 : vector<16xf32> to vector<16xf32>
      %get3A_356 = arith.constant 336 : index
      %get3A_357 = tpu.vector_load %arg13[%get3A_356] {strides = array<i32>} : memref<640xf32, #tpu.memory_space<vmem>>, vector<16xf32>,
      %get3A_358 = vector.shape_cast %get3A_357 : vector<16xf32> to vector<16xf32>
      %add3A_359 = arith.addf %get3A_355, %get3A_358 : vector<16xf32>
      %mul3A_360 = arith.mulf %get3A_352, %add3A_359 : vector<16xf32>
      %add3A_361 = arith.addf %mul3A_360, %get3A_15 : vector<16xf32>
      %swap3A_362 = arith.constant 336 : index
      %swap3A_363 = tpu.vector_load %arg15[%swap3A_362] {strides = array<i32>} : memref<640xf32, #tpu.memory_space<vmem>>, vector<16xf32>,
      %swap3A_364 = vector.shape_cast %swap3A_363 : vector<16xf32> to vector<16xf32>
      %swap3A_365 = vector.shape_cast %add3A_361 : vector<16xf32> to vector<16xf32>
      tpu.vector_store %arg15[%swap3A_362], %swap3A_365 {strides = array<i32>} : memref<640xf32, #tpu.memory_space<vmem>>, vector<16xf32>,
      %get3A_366 = arith.constant 352 : index
      %get3A_367 = tpu.vector_load %arg14[%get3A_366] {strides = array<i32>} : memref<640xf32, #tpu.memory_space<vmem>>, vector<16xf32>,
      %get3A_368 = vector.shape_cast %get3A_367 : vector<16xf32> to vector<16xf32>
      %get3A_369 = arith.constant 352 : index
      %get3A_370 = tpu.vector_load %arg12[%get3A_369] {strides = array<i32>} : memref<640xf32, #tpu.memory_space<vmem>>, vector<16xf32>,
      %get3A_371 = vector.shape_cast %get3A_370 : vector<16xf32> to vector<16xf32>
      %get3A_372 = arith.constant 352 : index
      %get3A_373 = tpu.vector_load %arg13[%get3A_372] {strides = array<i32>} : memref<640xf32, #tpu.memory_space<vmem>>, vector<16xf32>,
      %get3A_374 = vector.shape_cast %get3A_373 : vector<16xf32> to vector<16xf32>
      %add3A_375 = arith.addf %get3A_371, %get3A_374 : vector<16xf32>
      %mul3A_376 = arith.mulf %get3A_368, %add3A_375 : vector<16xf32>
      %add3A_377 = arith.addf %mul3A_376, %get3A_15 : vector<16xf32>
      %swap3A_378 = arith.constant 352 : index
      %swap3A_379 = tpu.vector_load %arg15[%swap3A_378] {strides = array<i32>} : memref<640xf32, #tpu.memory_space<vmem>>, vector<16xf32>,
      %swap3A_380 = vector.shape_cast %swap3A_379 : vector<16xf32> to vector<16xf32>
      %swap3A_381 = vector.shape_cast %add3A_377 : vector<16xf32> to vector<16xf32>
      tpu.vector_store %arg15[%swap3A_378], %swap3A_381 {strides = array<i32>} : memref<640xf32, #tpu.memory_space<vmem>>, vector<16xf32>,
      %get3A_382 = arith.constant 368 : index
      %get3A_383 = tpu.vector_load %arg14[%get3A_382] {strides = array<i32>} : memref<640xf32, #tpu.memory_space<vmem>>, vector<16xf32>,
      %get3A_384 = vector.shape_cast %get3A_383 : vector<16xf32> to vector<16xf32>
      %get3A_385 = arith.constant 368 : index
      %get3A_386 = tpu.vector_load %arg12[%get3A_385] {strides = array<i32>} : memref<640xf32, #tpu.memory_space<vmem>>, vector<16xf32>,
      %get3A_387 = vector.shape_cast %get3A_386 : vector<16xf32> to vector<16xf32>
      %get3A_388 = arith.constant 368 : index
      %get3A_389 = tpu.vector_load %arg13[%get3A_388] {strides = array<i32>} : memref<640xf32, #tpu.memory_space<vmem>>, vector<16xf32>,
      %get3A_390 = vector.shape_cast %get3A_389 : vector<16xf32> to vector<16xf32>
      %add3A_391 = arith.addf %get3A_387, %get3A_390 : vector<16xf32>
      %mul3A_392 = arith.mulf %get3A_384, %add3A_391 : vector<16xf32>
      %add3A_393 = arith.addf %mul3A_392, %get3A_15 : vector<16xf32>
      %swap3A_394 = arith.constant 368 : index
      %swap3A_395 = tpu.vector_load %arg15[%swap3A_394] {strides = array<i32>} : memref<640xf32, #tpu.memory_space<vmem>>, vector<16xf32>,
      %swap3A_396 = vector.shape_cast %swap3A_395 : vector<16xf32> to vector<16xf32>
      %swap3A_397 = vector.shape_cast %add3A_393 : vector<16xf32> to vector<16xf32>
      tpu.vector_store %arg15[%swap3A_394], %swap3A_397 {strides = array<i32>} : memref<640xf32, #tpu.memory_space<vmem>>, vector<16xf32>,
      %get3A_398 = arith.constant 384 : index
      %get3A_399 = tpu.vector_load %arg14[%get3A_398] {strides = array<i32>} : memref<640xf32, #tpu.memory_space<vmem>>, vector<16xf32>,
      %get3A_400 = vector.shape_cast %get3A_399 : vector<16xf32> to vector<16xf32>
      %get3A_401 = arith.constant 384 : index
      %get3A_402 = tpu.vector_load %arg12[%get3A_401] {strides = array<i32>} : memref<640xf32, #tpu.memory_space<vmem>>, vector<16xf32>,
      %get3A_403 = vector.shape_cast %get3A_402 : vector<16xf32> to vector<16xf32>
      %get3A_404 = arith.constant 384 : index
      %get3A_405 = tpu.vector_load %arg13[%get3A_404] {strides = array<i32>} : memref<640xf32, #tpu.memory_space<vmem>>, vector<16xf32>,
      %get3A_406 = vector.shape_cast %get3A_405 : vector<16xf32> to vector<16xf32>
      %add3A_407 = arith.addf %get3A_403, %get3A_406 : vector<16xf32>
      %mul3A_408 = arith.mulf %get3A_400, %add3A_407 : vector<16xf32>
      %add3A_409 = arith.addf %mul3A_408, %get3A_15 : vector<16xf32>
      %swap3A_410 = arith.constant 384 : index
      %swap3A_411 = tpu.vector_load %arg15[%swap3A_410] {strides = array<i32>} : memref<640xf32, #tpu.memory_space<vmem>>, vector<16xf32>,
      %swap3A_412 = vector.shape_cast %swap3A_411 : vector<16xf32> to vector<16xf32>
      %swap3A_413 = vector.shape_cast %add3A_409 : vector<16xf32> to vector<16xf32>
      tpu.vector_store %arg15[%swap3A_410], %swap3A_413 {strides = array<i32>} : memref<640xf32, #tpu.memory_space<vmem>>, vector<16xf32>,
      %get3A_414 = arith.constant 400 : index
      %get3A_415 = tpu.vector_load %arg14[%get3A_414] {strides = array<i32>} : memref<640xf32, #tpu.memory_space<vmem>>, vector<16xf32>,
      %get3A_416 = vector.shape_cast %get3A_415 : vector<16xf32> to vector<16xf32>
      %get3A_417 = arith.constant 400 : index
      %get3A_418 = tpu.vector_load %arg12[%get3A_417] {strides = array<i32>} : memref<640xf32, #tpu.memory_space<vmem>>, vector<16xf32>,
      %get3A_419 = vector.shape_cast %get3A_418 : vector<16xf32> to vector<16xf32>
      %get3A_420 = arith.constant 400 : index
      %get3A_421 = tpu.vector_load %arg13[%get3A_420] {strides = array<i32>} : memref<640xf32, #tpu.memory_space<vmem>>, vector<16xf32>,
      %get3A_422 = vector.shape_cast %get3A_421 : vector<16xf32> to vector<16xf32>
      %add3A_423 = arith.addf %get3A_419, %get3A_422 : vector<16xf32>
      %mul3A_424 = arith.mulf %get3A_416, %add3A_423 : vector<16xf32>
      %add3A_425 = arith.addf %mul3A_424, %get3A_15 : vector<16xf32>
      %swap3A_426 = arith.constant 400 : index
      %swap3A_427 = tpu.vector_load %arg15[%swap3A_426] {strides = array<i32>} : memref<640xf32, #tpu.memory_space<vmem>>, vector<16xf32>,
      %swap3A_428 = vector.shape_cast %swap3A_427 : vector<16xf32> to vector<16xf32>
      %swap3A_429 = vector.shape_cast %add3A_425 : vector<16xf32> to vector<16xf32>
      tpu.vector_store %arg15[%swap3A_426], %swap3A_429 {strides = array<i32>} : memref<640xf32, #tpu.memory_space<vmem>>, vector<16xf32>,
      %get3A_430 = arith.constant 416 : index
      %get3A_431 = tpu.vector_load %arg14[%get3A_430] {strides = array<i32>} : memref<640xf32, #tpu.memory_space<vmem>>, vector<16xf32>,
      %get3A_432 = vector.shape_cast %get3A_431 : vector<16xf32> to vector<16xf32>
      %get3A_433 = arith.constant 416 : index
      %get3A_434 = tpu.vector_load %arg12[%get3A_433] {strides = array<i32>} : memref<640xf32, #tpu.memory_space<vmem>>, vector<16xf32>,
      %get3A_435 = vector.shape_cast %get3A_434 : vector<16xf32> to vector<16xf32>
      %get3A_436 = arith.constant 416 : index
      %get3A_437 = tpu.vector_load %arg13[%get3A_436] {strides = array<i32>} : memref<640xf32, #tpu.memory_space<vmem>>, vector<16xf32>,
      %get3A_438 = vector.shape_cast %get3A_437 : vector<16xf32> to vector<16xf32>
      %add3A_439 = arith.addf %get3A_435, %get3A_438 : vector<16xf32>
      %mul3A_440 = arith.mulf %get3A_432, %add3A_439 : vector<16xf32>
      %add3A_441 = arith.addf %mul3A_440, %get3A_15 : vector<16xf32>
      %swap3A_442 = arith.constant 416 : index
      %swap3A_443 = tpu.vector_load %arg15[%swap3A_442] {strides = array<i32>} : memref<640xf32, #tpu.memory_space<vmem>>, vector<16xf32>,
      %swap3A_444 = vector.shape_cast %swap3A_443 : vector<16xf32> to vector<16xf32>
      %swap3A_445 = vector.shape_cast %add3A_441 : vector<16xf32> to vector<16xf32>
      tpu.vector_store %arg15[%swap3A_442], %swap3A_445 {strides = array<i32>} : memref<640xf32, #tpu.memory_space<vmem>>, vector<16xf32>,
      %get3A_446 = arith.constant 432 : index
      %get3A_447 = tpu.vector_load %arg14[%get3A_446] {strides = array<i32>} : memref<640xf32, #tpu.memory_space<vmem>>, vector<16xf32>,
      %get3A_448 = vector.shape_cast %get3A_447 : vector<16xf32> to vector<16xf32>
      %get3A_449 = arith.constant 432 : index
      %get3A_450 = tpu.vector_load %arg12[%get3A_449] {strides = array<i32>} : memref<640xf32, #tpu.memory_space<vmem>>, vector<16xf32>,
      %get3A_451 = vector.shape_cast %get3A_450 : vector<16xf32> to vector<16xf32>
      %get3A_452 = arith.constant 432 : index
      %get3A_453 = tpu.vector_load %arg13[%get3A_452] {strides = array<i32>} : memref<640xf32, #tpu.memory_space<vmem>>, vector<16xf32>,
      %get3A_454 = vector.shape_cast %get3A_453 : vector<16xf32> to vector<16xf32>
      %add3A_455 = arith.addf %get3A_451, %get3A_454 : vector<16xf32>
      %mul3A_456 = arith.mulf %get3A_448, %add3A_455 : vector<16xf32>
      %add3A_457 = arith.addf %mul3A_456, %get3A_15 : vector<16xf32>
      %swap3A_458 = arith.constant 432 : index
      %swap3A_459 = tpu.vector_load %arg15[%swap3A_458] {strides = array<i32>} : memref<640xf32, #tpu.memory_space<vmem>>, vector<16xf32>,
      %swap3A_460 = vector.shape_cast %swap3A_459 : vector<16xf32> to vector<16xf32>
      %swap3A_461 = vector.shape_cast %add3A_457 : vector<16xf32> to vector<16xf32>
      tpu.vector_store %arg15[%swap3A_458], %swap3A_461 {strides = array<i32>} : memref<640xf32, #tpu.memory_space<vmem>>, vector<16xf32>,
      %get3A_462 = arith.constant 448 : index
      %get3A_463 = tpu.vector_load %arg14[%get3A_462] {strides = array<i32>} : memref<640xf32, #tpu.memory_space<vmem>>, vector<16xf32>,
      %get3A_464 = vector.shape_cast %get3A_463 : vector<16xf32> to vector<16xf32>
      %get3A_465 = arith.constant 448 : index
      %get3A_466 = tpu.vector_load %arg12[%get3A_465] {strides = array<i32>} : memref<640xf32, #tpu.memory_space<vmem>>, vector<16xf32>,
      %get3A_467 = vector.shape_cast %get3A_466 : vector<16xf32> to vector<16xf32>
      %get3A_468 = arith.constant 448 : index
      %get3A_469 = tpu.vector_load %arg13[%get3A_468] {strides = array<i32>} : memref<640xf32, #tpu.memory_space<vmem>>, vector<16xf32>,
      %get3A_470 = vector.shape_cast %get3A_469 : vector<16xf32> to vector<16xf32>
      %add3A_471 = arith.addf %get3A_467, %get3A_470 : vector<16xf32>
      %mul3A_472 = arith.mulf %get3A_464, %add3A_471 : vector<16xf32>
      %add3A_473 = arith.addf %mul3A_472, %get3A_15 : vector<16xf32>
      %swap3A_474 = arith.constant 448 : index
      %swap3A_475 = tpu.vector_load %arg15[%swap3A_474] {strides = array<i32>} : memref<640xf32, #tpu.memory_space<vmem>>, vector<16xf32>,
      %swap3A_476 = vector.shape_cast %swap3A_475 : vector<16xf32> to vector<16xf32>
      %swap3A_477 = vector.shape_cast %add3A_473 : vector<16xf32> to vector<16xf32>
      tpu.vector_store %arg15[%swap3A_474], %swap3A_477 {strides = array<i32>} : memref<640xf32, #tpu.memory_space<vmem>>, vector<16xf32>,
      %get3A_478 = arith.constant 464 : index
      %get3A_479 = tpu.vector_load %arg14[%get3A_478] {strides = array<i32>} : memref<640xf32, #tpu.memory_space<vmem>>, vector<16xf32>,
      %get3A_480 = vector.shape_cast %get3A_479 : vector<16xf32> to vector<16xf32>
      %get3A_481 = arith.constant 464 : index
      %get3A_482 = tpu.vector_load %arg12[%get3A_481] {strides = array<i32>} : memref<640xf32, #tpu.memory_space<vmem>>, vector<16xf32>,
      %get3A_483 = vector.shape_cast %get3A_482 : vector<16xf32> to vector<16xf32>
      %get3A_484 = arith.constant 464 : index
      %get3A_485 = tpu.vector_load %arg13[%get3A_484] {strides = array<i32>} : memref<640xf32, #tpu.memory_space<vmem>>, vector<16xf32>,
      %get3A_486 = vector.shape_cast %get3A_485 : vector<16xf32> to vector<16xf32>
      %add3A_487 = arith.addf %get3A_483, %get3A_486 : vector<16xf32>
      %mul3A_488 = arith.mulf %get3A_480, %add3A_487 : vector<16xf32>
      %add3A_489 = arith.addf %mul3A_488, %get3A_15 : vector<16xf32>
      %swap3A_490 = arith.constant 464 : index
      %swap3A_491 = tpu.vector_load %arg15[%swap3A_490] {strides = array<i32>} : memref<640xf32, #tpu.memory_space<vmem>>, vector<16xf32>,
      %swap3A_492 = vector.shape_cast %swap3A_491 : vector<16xf32> to vector<16xf32>
      %swap3A_493 = vector.shape_cast %add3A_489 : vector<16xf32> to vector<16xf32>
      tpu.vector_store %arg15[%swap3A_490], %swap3A_493 {strides = array<i32>} : memref<640xf32, #tpu.memory_space<vmem>>, vector<16xf32>,
      %get3A_494 = arith.constant 480 : index
      %get3A_495 = tpu.vector_load %arg14[%get3A_494] {strides = array<i32>} : memref<640xf32, #tpu.memory_space<vmem>>, vector<16xf32>,
      %get3A_496 = vector.shape_cast %get3A_495 : vector<16xf32> to vector<16xf32>
      %get3A_497 = arith.constant 480 : index
      %get3A_498 = tpu.vector_load %arg12[%get3A_497] {strides = array<i32>} : memref<640xf32, #tpu.memory_space<vmem>>, vector<16xf32>,
      %get3A_499 = vector.shape_cast %get3A_498 : vector<16xf32> to vector<16xf32>
      %get3A_500 = arith.constant 480 : index
      %get3A_501 = tpu.vector_load %arg13[%get3A_500] {strides = array<i32>} : memref<640xf32, #tpu.memory_space<vmem>>, vector<16xf32>,
      %get3A_502 = vector.shape_cast %get3A_501 : vector<16xf32> to vector<16xf32>
      %add3A_503 = arith.addf %get3A_499, %get3A_502 : vector<16xf32>
      %mul3A_504 = arith.mulf %get3A_496, %add3A_503 : vector<16xf32>
      %add3A_505 = arith.addf %mul3A_504, %get3A_15 : vector<16xf32>
      %swap3A_506 = arith.constant 480 : index
      %swap3A_507 = tpu.vector_load %arg15[%swap3A_506] {strides = array<i32>} : memref<640xf32, #tpu.memory_space<vmem>>, vector<16xf32>,
      %swap3A_508 = vector.shape_cast %swap3A_507 : vector<16xf32> to vector<16xf32>
      %swap3A_509 = vector.shape_cast %add3A_505 : vector<16xf32> to vector<16xf32>
      tpu.vector_store %arg15[%swap3A_506], %swap3A_509 {strides = array<i32>} : memref<640xf32, #tpu.memory_space<vmem>>, vector<16xf32>,
      %get3A_510 = arith.constant 496 : index
      %get3A_511 = tpu.vector_load %arg14[%get3A_510] {strides = array<i32>} : memref<640xf32, #tpu.memory_space<vmem>>, vector<16xf32>,
      %get3A_512 = vector.shape_cast %get3A_511 : vector<16xf32> to vector<16xf32>
      %get3A_513 = arith.constant 496 : index
      %get3A_514 = tpu.vector_load %arg12[%get3A_513] {strides = array<i32>} : memref<640xf32, #tpu.memory_space<vmem>>, vector<16xf32>,
      %get3A_515 = vector.shape_cast %get3A_514 : vector<16xf32> to vector<16xf32>
      %get3A_516 = arith.constant 496 : index
      %get3A_517 = tpu.vector_load %arg13[%get3A_516] {strides = array<i32>} : memref<640xf32, #tpu.memory_space<vmem>>, vector<16xf32>,
      %get3A_518 = vector.shape_cast %get3A_517 : vector<16xf32> to vector<16xf32>
      %add3A_519 = arith.addf %get3A_515, %get3A_518 : vector<16xf32>
      %mul3A_520 = arith.mulf %get3A_512, %add3A_519 : vector<16xf32>
      %add3A_521 = arith.addf %mul3A_520, %get3A_15 : vector<16xf32>
      %swap3A_522 = arith.constant 496 : index
      %swap3A_523 = tpu.vector_load %arg15[%swap3A_522] {strides = array<i32>} : memref<640xf32, #tpu.memory_space<vmem>>, vector<16xf32>,
      %swap3A_524 = vector.shape_cast %swap3A_523 : vector<16xf32> to vector<16xf32>
      %swap3A_525 = vector.shape_cast %add3A_521 : vector<16xf32> to vector<16xf32>
      tpu.vector_store %arg15[%swap3A_522], %swap3A_525 {strides = array<i32>} : memref<640xf32, #tpu.memory_space<vmem>>, vector<16xf32>,
      %get3A_526 = arith.constant 512 : index
      %get3A_527 = tpu.vector_load %arg14[%get3A_526] {strides = array<i32>} : memref<640xf32, #tpu.memory_space<vmem>>, vector<16xf32>,
      %get3A_528 = vector.shape_cast %get3A_527 : vector<16xf32> to vector<16xf32>
      %get3A_529 = arith.constant 512 : index
      %get3A_530 = tpu.vector_load %arg12[%get3A_529] {strides = array<i32>} : memref<640xf32, #tpu.memory_space<vmem>>, vector<16xf32>,
      %get3A_531 = vector.shape_cast %get3A_530 : vector<16xf32> to vector<16xf32>
      %get3A_532 = arith.constant 512 : index
      %get3A_533 = tpu.vector_load %arg13[%get3A_532] {strides = array<i32>} : memref<640xf32, #tpu.memory_space<vmem>>, vector<16xf32>,
      %get3A_534 = vector.shape_cast %get3A_533 : vector<16xf32> to vector<16xf32>
      %add3A_535 = arith.addf %get3A_531, %get3A_534 : vector<16xf32>
      %mul3A_536 = arith.mulf %get3A_528, %add3A_535 : vector<16xf32>
      %add3A_537 = arith.addf %mul3A_536, %get3A_15 : vector<16xf32>
      %swap3A_538 = arith.constant 512 : index
      %swap3A_539 = tpu.vector_load %arg15[%swap3A_538] {strides = array<i32>} : memref<640xf32, #tpu.memory_space<vmem>>, vector<16xf32>,
      %swap3A_540 = vector.shape_cast %swap3A_539 : vector<16xf32> to vector<16xf32>
      %swap3A_541 = vector.shape_cast %add3A_537 : vector<16xf32> to vector<16xf32>
      tpu.vector_store %arg15[%swap3A_538], %swap3A_541 {strides = array<i32>} : memref<640xf32, #tpu.memory_space<vmem>>, vector<16xf32>,
      %get3A_542 = arith.constant 528 : index
      %get3A_543 = tpu.vector_load %arg14[%get3A_542] {strides = array<i32>} : memref<640xf32, #tpu.memory_space<vmem>>, vector<16xf32>,
      %get3A_544 = vector.shape_cast %get3A_543 : vector<16xf32> to vector<16xf32>
      %get3A_545 = arith.constant 528 : index
      %get3A_546 = tpu.vector_load %arg12[%get3A_545] {strides = array<i32>} : memref<640xf32, #tpu.memory_space<vmem>>, vector<16xf32>,
      %get3A_547 = vector.shape_cast %get3A_546 : vector<16xf32> to vector<16xf32>
      %get3A_548 = arith.constant 528 : index
      %get3A_549 = tpu.vector_load %arg13[%get3A_548] {strides = array<i32>} : memref<640xf32, #tpu.memory_space<vmem>>, vector<16xf32>,
      %get3A_550 = vector.shape_cast %get3A_549 : vector<16xf32> to vector<16xf32>
      %add3A_551 = arith.addf %get3A_547, %get3A_550 : vector<16xf32>
      %mul3A_552 = arith.mulf %get3A_544, %add3A_551 : vector<16xf32>
      %add3A_553 = arith.addf %mul3A_552, %get3A_15 : vector<16xf32>
      %swap3A_554 = arith.constant 528 : index
      %swap3A_555 = tpu.vector_load %arg15[%swap3A_554] {strides = array<i32>} : memref<640xf32, #tpu.memory_space<vmem>>, vector<16xf32>,
      %swap3A_556 = vector.shape_cast %swap3A_555 : vector<16xf32> to vector<16xf32>
      %swap3A_557 = vector.shape_cast %add3A_553 : vector<16xf32> to vector<16xf32>
      tpu.vector_store %arg15[%swap3A_554], %swap3A_557 {strides = array<i32>} : memref<640xf32, #tpu.memory_space<vmem>>, vector<16xf32>,
      %get3A_558 = arith.constant 544 : index
      %get3A_559 = tpu.vector_load %arg14[%get3A_558] {strides = array<i32>} : memref<640xf32, #tpu.memory_space<vmem>>, vector<16xf32>,
      %get3A_560 = vector.shape_cast %get3A_559 : vector<16xf32> to vector<16xf32>
      %get3A_561 = arith.constant 544 : index
      %get3A_562 = tpu.vector_load %arg12[%get3A_561] {strides = array<i32>} : memref<640xf32, #tpu.memory_space<vmem>>, vector<16xf32>,
      %get3A_563 = vector.shape_cast %get3A_562 : vector<16xf32> to vector<16xf32>
      %get3A_564 = arith.constant 544 : index
      %get3A_565 = tpu.vector_load %arg13[%get3A_564] {strides = array<i32>} : memref<640xf32, #tpu.memory_space<vmem>>, vector<16xf32>,
      %get3A_566 = vector.shape_cast %get3A_565 : vector<16xf32> to vector<16xf32>
      %add3A_567 = arith.addf %get3A_563, %get3A_566 : vector<16xf32>
      %mul3A_568 = arith.mulf %get3A_560, %add3A_567 : vector<16xf32>
      %add3A_569 = arith.addf %mul3A_568, %get3A_15 : vector<16xf32>
      %swap3A_570 = arith.constant 544 : index
      %swap3A_571 = tpu.vector_load %arg15[%swap3A_570] {strides = array<i32>} : memref<640xf32, #tpu.memory_space<vmem>>, vector<16xf32>,
      %swap3A_572 = vector.shape_cast %swap3A_571 : vector<16xf32> to vector<16xf32>
      %swap3A_573 = vector.shape_cast %add3A_569 : vector<16xf32> to vector<16xf32>
      tpu.vector_store %arg15[%swap3A_570], %swap3A_573 {strides = array<i32>} : memref<640xf32, #tpu.memory_space<vmem>>, vector<16xf32>,
      %get3A_574 = arith.constant 560 : index
      %get3A_575 = tpu.vector_load %arg14[%get3A_574] {strides = array<i32>} : memref<640xf32, #tpu.memory_space<vmem>>, vector<16xf32>,
      %get3A_576 = vector.shape_cast %get3A_575 : vector<16xf32> to vector<16xf32>
      %get3A_577 = arith.constant 560 : index
      %get3A_578 = tpu.vector_load %arg12[%get3A_577] {strides = array<i32>} : memref<640xf32, #tpu.memory_space<vmem>>, vector<16xf32>,
      %get3A_579 = vector.shape_cast %get3A_578 : vector<16xf32> to vector<16xf32>
      %get3A_580 = arith.constant 560 : index
      %get3A_581 = tpu.vector_load %arg13[%get3A_580] {strides = array<i32>} : memref<640xf32, #tpu.memory_space<vmem>>, vector<16xf32>,
      %get3A_582 = vector.shape_cast %get3A_581 : vector<16xf32> to vector<16xf32>
      %add3A_583 = arith.addf %get3A_579, %get3A_582 : vector<16xf32>
      %mul3A_584 = arith.mulf %get3A_576, %add3A_583 : vector<16xf32>
      %add3A_585 = arith.addf %mul3A_584, %get3A_15 : vector<16xf32>
      %swap3A_586 = arith.constant 560 : index
      %swap3A_587 = tpu.vector_load %arg15[%swap3A_586] {strides = array<i32>} : memref<640xf32, #tpu.memory_space<vmem>>, vector<16xf32>,
      %swap3A_588 = vector.shape_cast %swap3A_587 : vector<16xf32> to vector<16xf32>
      %swap3A_589 = vector.shape_cast %add3A_585 : vector<16xf32> to vector<16xf32>
      tpu.vector_store %arg15[%swap3A_586], %swap3A_589 {strides = array<i32>} : memref<640xf32, #tpu.memory_space<vmem>>, vector<16xf32>,
      %get3A_590 = arith.constant 576 : index
      %get3A_591 = tpu.vector_load %arg14[%get3A_590] {strides = array<i32>} : memref<640xf32, #tpu.memory_space<vmem>>, vector<16xf32>,
      %get3A_592 = vector.shape_cast %get3A_591 : vector<16xf32> to vector<16xf32>
      %get3A_593 = arith.constant 576 : index
      %get3A_594 = tpu.vector_load %arg12[%get3A_593] {strides = array<i32>} : memref<640xf32, #tpu.memory_space<vmem>>, vector<16xf32>,
      %get3A_595 = vector.shape_cast %get3A_594 : vector<16xf32> to vector<16xf32>
      %get3A_596 = arith.constant 576 : index
      %get3A_597 = tpu.vector_load %arg13[%get3A_596] {strides = array<i32>} : memref<640xf32, #tpu.memory_space<vmem>>, vector<16xf32>,
      %get3A_598 = vector.shape_cast %get3A_597 : vector<16xf32> to vector<16xf32>
      %add3A_599 = arith.addf %get3A_595, %get3A_598 : vector<16xf32>
      %mul3A_600 = arith.mulf %get3A_592, %add3A_599 : vector<16xf32>
      %add3A_601 = arith.addf %mul3A_600, %get3A_15 : vector<16xf32>
      %swap3A_602 = arith.constant 576 : index
      %swap3A_603 = tpu.vector_load %arg15[%swap3A_602] {strides = array<i32>} : memref<640xf32, #tpu.memory_space<vmem>>, vector<16xf32>,
      %swap3A_604 = vector.shape_cast %swap3A_603 : vector<16xf32> to vector<16xf32>
      %swap3A_605 = vector.shape_cast %add3A_601 : vector<16xf32> to vector<16xf32>
      tpu.vector_store %arg15[%swap3A_602], %swap3A_605 {strides = array<i32>} : memref<640xf32, #tpu.memory_space<vmem>>, vector<16xf32>,
      %get3A_606 = arith.constant 592 : index
      %get3A_607 = tpu.vector_load %arg14[%get3A_606] {strides = array<i32>} : memref<640xf32, #tpu.memory_space<vmem>>, vector<16xf32>,
      %get3A_608 = vector.shape_cast %get3A_607 : vector<16xf32> to vector<16xf32>
      %get3A_609 = arith.constant 592 : index
      %get3A_610 = tpu.vector_load %arg12[%get3A_609] {strides = array<i32>} : memref<640xf32, #tpu.memory_space<vmem>>, vector<16xf32>,
      %get3A_611 = vector.shape_cast %get3A_610 : vector<16xf32> to vector<16xf32>
      %get3A_612 = arith.constant 592 : index
      %get3A_613 = tpu.vector_load %arg13[%get3A_612] {strides = array<i32>} : memref<640xf32, #tpu.memory_space<vmem>>, vector<16xf32>,
      %get3A_614 = vector.shape_cast %get3A_613 : vector<16xf32> to vector<16xf32>
      %add3A_615 = arith.addf %get3A_611, %get3A_614 : vector<16xf32>
      %mul3A_616 = arith.mulf %get3A_608, %add3A_615 : vector<16xf32>
      %add3A_617 = arith.addf %mul3A_616, %get3A_15 : vector<16xf32>
      %swap3A_618 = arith.constant 592 : index
      %swap3A_619 = tpu.vector_load %arg15[%swap3A_618] {strides = array<i32>} : memref<640xf32, #tpu.memory_space<vmem>>, vector<16xf32>,
      %swap3A_620 = vector.shape_cast %swap3A_619 : vector<16xf32> to vector<16xf32>
      %swap3A_621 = vector.shape_cast %add3A_617 : vector<16xf32> to vector<16xf32>
      tpu.vector_store %arg15[%swap3A_618], %swap3A_621 {strides = array<i32>} : memref<640xf32, #tpu.memory_space<vmem>>, vector<16xf32>,
      %get3A_622 = arith.constant 608 : index
      %get3A_623 = tpu.vector_load %arg14[%get3A_622] {strides = array<i32>} : memref<640xf32, #tpu.memory_space<vmem>>, vector<16xf32>,
      %get3A_624 = vector.shape_cast %get3A_623 : vector<16xf32> to vector<16xf32>
      %get3A_625 = arith.constant 608 : index
      %get3A_626 = tpu.vector_load %arg12[%get3A_625] {strides = array<i32>} : memref<640xf32, #tpu.memory_space<vmem>>, vector<16xf32>,
      %get3A_627 = vector.shape_cast %get3A_626 : vector<16xf32> to vector<16xf32>
      %get3A_628 = arith.constant 608 : index
      %get3A_629 = tpu.vector_load %arg13[%get3A_628] {strides = array<i32>} : memref<640xf32, #tpu.memory_space<vmem>>, vector<16xf32>,
      %get3A_630 = vector.shape_cast %get3A_629 : vector<16xf32> to vector<16xf32>
      %add3A_631 = arith.addf %get3A_627, %get3A_630 : vector<16xf32>
      %mul3A_632 = arith.mulf %get3A_624, %add3A_631 : vector<16xf32>
      %add3A_633 = arith.addf %mul3A_632, %get3A_15 : vector<16xf32>
      %swap3A_634 = arith.constant 608 : index
      %swap3A_635 = tpu.vector_load %arg15[%swap3A_634] {strides = array<i32>} : memref<640xf32, #tpu.memory_space<vmem>>, vector<16xf32>,
      %swap3A_636 = vector.shape_cast %swap3A_635 : vector<16xf32> to vector<16xf32>
      %swap3A_637 = vector.shape_cast %add3A_633 : vector<16xf32> to vector<16xf32>
      tpu.vector_store %arg15[%swap3A_634], %swap3A_637 {strides = array<i32>} : memref<640xf32, #tpu.memory_space<vmem>>, vector<16xf32>,
      %get3A_638 = arith.constant 624 : index
      %get3A_639 = tpu.vector_load %arg14[%get3A_638] {strides = array<i32>} : memref<640xf32, #tpu.memory_space<vmem>>, vector<16xf32>,
      %get3A_640 = vector.shape_cast %get3A_639 : vector<16xf32> to vector<16xf32>
      %get3A_641 = arith.constant 624 : index
      %get3A_642 = tpu.vector_load %arg12[%get3A_641] {strides = array<i32>} : memref<640xf32, #tpu.memory_space<vmem>>, vector<16xf32>,
      %get3A_643 = vector.shape_cast %get3A_642 : vector<16xf32> to vector<16xf32>
      %get3A_644 = arith.constant 624 : index
      %get3A_645 = tpu.vector_load %arg13[%get3A_644] {strides = array<i32>} : memref<640xf32, #tpu.memory_space<vmem>>, vector<16xf32>,
      %get3A_646 = vector.shape_cast %get3A_645 : vector<16xf32> to vector<16xf32>
      %add3A_647 = arith.addf %get3A_643, %get3A_646 : vector<16xf32>
      %mul3A_648 = arith.mulf %get3A_640, %add3A_647 : vector<16xf32>
      %add3A_649 = arith.addf %mul3A_648, %get3A_15 : vector<16xf32>
      %swap3A_650 = arith.constant 624 : index
      %swap3A_651 = tpu.vector_load %arg15[%swap3A_650] {strides = array<i32>} : memref<640xf32, #tpu.memory_space<vmem>>, vector<16xf32>,
      %swap3A_652 = vector.shape_cast %swap3A_651 : vector<16xf32> to vector<16xf32>
      %swap3A_653 = vector.shape_cast %add3A_649 : vector<16xf32> to vector<16xf32>
      tpu.vector_store %arg15[%swap3A_650], %swap3A_653 {strides = array<i32>} : memref<640xf32, #tpu.memory_space<vmem>>, vector<16xf32>,
      "tpu.region"() ({
        %run_scoped3A = tpu.sem_alloc : memref<!tpu.dma_semaphore, #tpu.memory_space<semaphore_mem>>
        %dma_start3A = tpu.memref_slice %arg8[%mul3A_13] : memref<10240xf32, #tpu.memory_space<hbm>> -> memref<640xf32, #tpu.memory_space<hbm>>
        %dma_start3A_654 = tpu.memref_slice %arg8[%mul3A_13] : memref<10240xf32, #tpu.memory_space<hbm>> -> memref<640xf32, #tpu.memory_space<hbm>>
        tpu.enqueue_dma source(%arg15 : memref<640xf32, #tpu.memory_space<vmem>>) target(%dma_start3A_654 : memref<640xf32, #tpu.memory_space<hbm>>) target_semaphore(%run_scoped3A : memref<!tpu.dma_semaphore, #tpu.memory_space<semaphore_mem>>)
        %dma_wait3A = tpu.memref_slice %arg8[%mul3A_13] : memref<10240xf32, #tpu.memory_space<hbm>> -> memref<640xf32, #tpu.memory_space<hbm>>
        %dma_wait3A_655 = tpu.memref_slice %arg8[%mul3A_13] : memref<10240xf32, #tpu.memory_space<hbm>> -> memref<640xf32, #tpu.memory_space<hbm>>
        tpu.wait_dma2 semaphore(%run_scoped3A : memref<!tpu.dma_semaphore, #tpu.memory_space<semaphore_mem>>) src(%arg15 : memref<640xf32, #tpu.memory_space<vmem>>) dst(%dma_wait3A_655 : memref<640xf32, #tpu.memory_space<hbm>>)
        tpu.yield
      }) : () -> ()
    } else {
    }
    return
  }
}

module attributes {stable_mosaic.version = 14 : i64} {
  func.func @_mm1_body(%arg0: i32, %arg1: memref<1024x256xf32, #tpu.memory_space<vmem>>, %arg2: memref<256x256xf32, #tpu.memory_space<vmem>>, %arg3: memref<1024x1xf32, #tpu.memory_space<vmem>>, %arg4: memref<1024x1xf32, #tpu.memory_space<vmem>>, %arg5: memref<1024x256xf32, #tpu.memory_space<vmem>>, %arg6: memref<1024x128xf32, #tpu.memory_space<vmem>>, %arg7: memref<1024x128xf32, #tpu.memory_space<vmem>>, %arg8: memref<1024x1xf32, #tpu.memory_space<vmem>>) attributes {dimension_semantics = [#tpu.dimension_semantics<arbitrary>], iteration_bounds = array<i64: 10>, scalar_prefetch = 0 : i64, scratch_operands = 0 : i64, tpu.core_type = #tpu.core_type<tc>, window_params = [{transform_indices = @transform_0, window_bounds = array<i64: 1024, 256>}, {pipeline_mode = #tpu.pipeline_mode<synchronous>, transform_indices = @transform_1, window_bounds = array<i64: 256, 256>}, {transform_indices = @transform_2, window_bounds = array<i64: 1024, 1>}, {transform_indices = @transform_3, window_bounds = array<i64: 1024, 1>}, {transform_indices = @transform_4, window_bounds = array<i64: 1024, 256>}, {transform_indices = @transform_5, window_bounds = array<i64: 1024, 128>}, {transform_indices = @transform_6, window_bounds = array<i64: 1024, 128>}, {transform_indices = @transform_7, window_bounds = array<i64: 1024, 1>}]} {
    %get3A = arith.constant 0 : index
    %get3A_0 = arith.constant 0 : index
    %get3A_1 = vector.load %arg3[%get3A, %get3A_0] : memref<1024x1xf32, #tpu.memory_space<vmem>>, vector<1024x1xf32>
    %get3A_2 = arith.constant 0 : index
    %get3A_3 = arith.constant 0 : index
    %get3A_4 = vector.load %arg4[%get3A_2, %get3A_3] : memref<1024x1xf32, #tpu.memory_space<vmem>>, vector<1024x1xf32>
    %add3A = arith.addf %get3A_1, %get3A_4 : vector<1024x1xf32>
    %add3A_5 = arith.constant 1.000000e+00 : f32
    %add3A_6 = vector.broadcast %add3A_5 : f32 to vector<1024x1xf32>
    %add3A_7 = arith.addf %add3A, %add3A_6 : vector<1024x1xf32>
    %rsqrt3A = math.rsqrt %add3A_7 : vector<1024x1xf32>
    %get3A_8 = arith.constant 0 : index
    %get3A_9 = arith.constant 0 : index
    %get3A_10 = vector.load %arg1[%get3A_8, %get3A_9] : memref<1024x256xf32, #tpu.memory_space<vmem>>, vector<1024x256xf32>
    %get3A_11 = arith.constant 0 : index
    %get3A_12 = arith.constant 0 : index
    %get3A_13 = vector.load %arg2[%get3A_11, %get3A_12] : memref<256x256xf32, #tpu.memory_space<vmem>>, vector<256x256xf32>
    %dot_general3A = arith.constant dense<0.000000e+00> : vector<1024x256xf32>
    %dot_general3A_14 = tpu.matmul %get3A_10, %get3A_13, %dot_general3A {dimension_numbers = #tpu.dot_dimension_numbers<[1], [0], [0], [1], [0, 0, 1, 1], [], []>, transpose_lhs_hint = false} : vector<1024x256xf32>, vector<256x256xf32>, vector<1024x256xf32> -> vector<1024x256xf32>
    %mul3A = vector.broadcast %rsqrt3A : vector<1024x1xf32> to vector<1024x256xf32>
    %mul3A_15 = arith.mulf %mul3A, %dot_general3A_14 : vector<1024x256xf32>
    %swap3A = arith.constant 0 : index
    %swap3A_16 = arith.constant 0 : index
    %swap3A_17 = vector.load %arg5[%swap3A, %swap3A_16] : memref<1024x256xf32, #tpu.memory_space<vmem>>, vector<1024x256xf32>
    tpu.vector_store %arg5[%swap3A, %swap3A_16], %dot_general3A_14 {strides = array<i32>} : memref<1024x256xf32, #tpu.memory_space<vmem>>, vector<1024x256xf32>,
    %slice3A = vector.extract_strided_slice %mul3A_15 {offsets = [0, 0], sizes = [1024, 128], strides = [1, 1]} : vector<1024x256xf32> to vector<1024x128xf32>
    %swap3A_18 = arith.constant 0 : index
    %swap3A_19 = arith.constant 0 : index
    %swap3A_20 = vector.load %arg6[%swap3A_18, %swap3A_19] : memref<1024x128xf32, #tpu.memory_space<vmem>>, vector<1024x128xf32>
    tpu.vector_store %arg6[%swap3A_18, %swap3A_19], %slice3A {strides = array<i32>} : memref<1024x128xf32, #tpu.memory_space<vmem>>, vector<1024x128xf32>,
    %slice3A_21 = vector.extract_strided_slice %mul3A_15 {offsets = [0, 128], sizes = [1024, 128], strides = [1, 1]} : vector<1024x256xf32> to vector<1024x128xf32>
    %swap3A_22 = arith.constant 0 : index
    %swap3A_23 = arith.constant 0 : index
    %swap3A_24 = vector.load %arg7[%swap3A_22, %swap3A_23] : memref<1024x128xf32, #tpu.memory_space<vmem>>, vector<1024x128xf32>
    tpu.vector_store %arg7[%swap3A_22, %swap3A_23], %slice3A_21 {strides = array<i32>} : memref<1024x128xf32, #tpu.memory_space<vmem>>, vector<1024x128xf32>,
    %swap3A_25 = arith.constant 0 : index
    %swap3A_26 = arith.constant 0 : index
    %swap3A_27 = vector.load %arg8[%swap3A_25, %swap3A_26] : memref<1024x1xf32, #tpu.memory_space<vmem>>, vector<1024x1xf32>
    tpu.vector_store %arg8[%swap3A_25, %swap3A_26], %rsqrt3A {strides = array<i32>} : memref<1024x1xf32, #tpu.memory_space<vmem>>, vector<1024x1xf32>,
    return
  }
  func.func @transform_0(%arg0: i32) -> (i32, i32) {
    %c0_i32 = arith.constant 0 : i32
    %c0_i32_0 = arith.constant 0 : i32
    return %arg0, %c0_i32 : i32, i32
  }
  func.func @transform_1(%arg0: i32) -> (i32, i32) {
    %c0_i32 = arith.constant 0 : i32
    %c0_i32_0 = arith.constant 0 : i32
    %c0_i32_1 = arith.constant 0 : i32
    return %c0_i32, %c0_i32_0 : i32, i32
  }
  func.func @transform_2(%arg0: i32) -> (i32, i32) {
    %c0_i32 = arith.constant 0 : i32
    %c0_i32_0 = arith.constant 0 : i32
    return %arg0, %c0_i32 : i32, i32
  }
  func.func @transform_3(%arg0: i32) -> (i32, i32) {
    %c0_i32 = arith.constant 0 : i32
    %c0_i32_0 = arith.constant 0 : i32
    return %arg0, %c0_i32 : i32, i32
  }
  func.func @transform_4(%arg0: i32) -> (i32, i32) {
    %c0_i32 = arith.constant 0 : i32
    %c0_i32_0 = arith.constant 0 : i32
    return %arg0, %c0_i32 : i32, i32
  }
  func.func @transform_5(%arg0: i32) -> (i32, i32) {
    %c0_i32 = arith.constant 0 : i32
    %c0_i32_0 = arith.constant 0 : i32
    return %arg0, %c0_i32 : i32, i32
  }
  func.func @transform_6(%arg0: i32) -> (i32, i32) {
    %c0_i32 = arith.constant 0 : i32
    %c0_i32_0 = arith.constant 0 : i32
    return %arg0, %c0_i32 : i32, i32
  }
  func.func @transform_7(%arg0: i32) -> (i32, i32) {
    %c0_i32 = arith.constant 0 : i32
    %c0_i32_0 = arith.constant 0 : i32
    return %arg0, %c0_i32 : i32, i32
  }
}

module attributes {stable_mosaic.version = 14 : i64} {
  func.func @_gi_body(%arg0: i32, %arg1: memref<1024x128xf32, #tpu.memory_space<vmem>>, %arg2: memref<1024x128xf32, #tpu.memory_space<vmem>>, %arg3: memref<1024x256xf32, #tpu.memory_space<vmem>>, %arg4: memref<1024x1xf32, #tpu.memory_space<vmem>>, %arg5: memref<1x256xf32, #tpu.memory_space<vmem>>, %arg6: memref<256x768xf32, #tpu.memory_space<vmem>>, %arg7: memref<1x768xf32, #tpu.memory_space<vmem>>, %arg8: memref<1024x768xf32, #tpu.memory_space<vmem>>) attributes {dimension_semantics = [#tpu.dimension_semantics<arbitrary>], iteration_bounds = array<i64: 10>, scalar_prefetch = 0 : i64, scratch_operands = 0 : i64, tpu.core_type = #tpu.core_type<tc>, window_params = [{transform_indices = @transform_0, window_bounds = array<i64: 1024, 128>}, {transform_indices = @transform_1, window_bounds = array<i64: 1024, 128>}, {transform_indices = @transform_2, window_bounds = array<i64: 1024, 256>}, {transform_indices = @transform_3, window_bounds = array<i64: 1024, 1>}, {pipeline_mode = #tpu.pipeline_mode<synchronous>, transform_indices = @transform_4, window_bounds = array<i64: 1, 256>}, {pipeline_mode = #tpu.pipeline_mode<synchronous>, transform_indices = @transform_5, window_bounds = array<i64: 256, 768>}, {pipeline_mode = #tpu.pipeline_mode<synchronous>, transform_indices = @transform_6, window_bounds = array<i64: 1, 768>}, {transform_indices = @transform_7, window_bounds = array<i64: 1024, 768>}]} {
    %get3A = arith.constant 0 : index
    %get3A_0 = arith.constant 0 : index
    %get3A_1 = vector.load %arg4[%get3A, %get3A_0] : memref<1024x1xf32, #tpu.memory_space<vmem>>, vector<1024x1xf32>
    %get3A_2 = arith.constant 0 : index
    %get3A_3 = arith.constant 0 : index
    %get3A_4 = vector.load %arg1[%get3A_2, %get3A_3] : memref<1024x128xf32, #tpu.memory_space<vmem>>, vector<1024x128xf32>
    %get3A_5 = arith.constant 0 : index
    %get3A_6 = arith.constant 0 : index
    %get3A_7 = vector.load %arg2[%get3A_5, %get3A_6] : memref<1024x128xf32, #tpu.memory_space<vmem>>, vector<1024x128xf32>
    %concatenate3A = tpu.concatenate %get3A_4, %get3A_7 in 1 : vector<1024x128xf32>, vector<1024x128xf32> -> vector<1024x256xf32>
    %mul3A = vector.broadcast %get3A_1 : vector<1024x1xf32> to vector<1024x256xf32>
    %mul3A_8 = arith.mulf %mul3A, %concatenate3A : vector<1024x256xf32>
    %mul3A_9 = arith.mulf %get3A_1, %get3A_1 : vector<1024x1xf32>
    %get3A_10 = arith.constant 0 : index
    %get3A_11 = arith.constant 0 : index
    %get3A_12 = vector.load %arg3[%get3A_10, %get3A_11] : memref<1024x256xf32, #tpu.memory_space<vmem>>, vector<1024x256xf32>
    %mul3A_13 = vector.broadcast %mul3A_9 : vector<1024x1xf32> to vector<1024x256xf32>
    %mul3A_14 = arith.mulf %mul3A_13, %get3A_12 : vector<1024x256xf32>
    %add3A = arith.addf %mul3A_8, %mul3A_14 : vector<1024x256xf32>
    %get3A_15 = arith.constant 0 : index
    %get3A_16 = arith.constant 0 : index
    %get3A_17 = vector.load %arg5[%get3A_15, %get3A_16] : memref<1x256xf32, #tpu.memory_space<vmem>>, vector<1x256xf32>
    %add3A_18 = vector.broadcast %get3A_17 : vector<1x256xf32> to vector<1024x256xf32>
    %add3A_19 = arith.addf %add3A, %add3A_18 : vector<1024x256xf32>
    %max3A = arith.constant 0.000000e+00 : f32
    %max3A_20 = vector.broadcast %max3A : f32 to vector<1024x256xf32>
    %max3A_21 = arith.maximumf %add3A_19, %max3A_20 : vector<1024x256xf32>
    %get3A_22 = arith.constant 0 : index
    %get3A_23 = arith.constant 0 : index
    %get3A_24 = vector.load %arg6[%get3A_22, %get3A_23] : memref<256x768xf32, #tpu.memory_space<vmem>>, vector<256x768xf32>
    %dot_general3A = arith.constant dense<0.000000e+00> : vector<1024x768xf32>
    %dot_general3A_25 = tpu.matmul %max3A_21, %get3A_24, %dot_general3A {dimension_numbers = #tpu.dot_dimension_numbers<[1], [0], [0], [1], [0, 0, 1, 1], [], []>, transpose_lhs_hint = false} : vector<1024x256xf32>, vector<256x768xf32>, vector<1024x768xf32> -> vector<1024x768xf32>
    %get3A_26 = arith.constant 0 : index
    %get3A_27 = arith.constant 0 : index
    %get3A_28 = vector.load %arg7[%get3A_26, %get3A_27] : memref<1x768xf32, #tpu.memory_space<vmem>>, vector<1x768xf32>
    %add3A_29 = vector.broadcast %get3A_28 : vector<1x768xf32> to vector<1024x768xf32>
    %add3A_30 = arith.addf %dot_general3A_25, %add3A_29 : vector<1024x768xf32>
    %swap3A = arith.constant 0 : index
    %swap3A_31 = arith.constant 0 : index
    %swap3A_32 = vector.load %arg8[%swap3A, %swap3A_31] : memref<1024x768xf32, #tpu.memory_space<vmem>>, vector<1024x768xf32>
    tpu.vector_store %arg8[%swap3A, %swap3A_31], %add3A_30 {strides = array<i32>} : memref<1024x768xf32, #tpu.memory_space<vmem>>, vector<1024x768xf32>,
    return
  }
  func.func @transform_0(%arg0: i32) -> (i32, i32) {
    %c0_i32 = arith.constant 0 : i32
    %c0_i32_0 = arith.constant 0 : i32
    return %arg0, %c0_i32 : i32, i32
  }
  func.func @transform_1(%arg0: i32) -> (i32, i32) {
    %c0_i32 = arith.constant 0 : i32
    %c0_i32_0 = arith.constant 0 : i32
    return %arg0, %c0_i32 : i32, i32
  }
  func.func @transform_2(%arg0: i32) -> (i32, i32) {
    %c0_i32 = arith.constant 0 : i32
    %c0_i32_0 = arith.constant 0 : i32
    return %arg0, %c0_i32 : i32, i32
  }
  func.func @transform_3(%arg0: i32) -> (i32, i32) {
    %c0_i32 = arith.constant 0 : i32
    %c0_i32_0 = arith.constant 0 : i32
    return %arg0, %c0_i32 : i32, i32
  }
  func.func @transform_4(%arg0: i32) -> (i32, i32) {
    %c0_i32 = arith.constant 0 : i32
    %c0_i32_0 = arith.constant 0 : i32
    %c0_i32_1 = arith.constant 0 : i32
    return %c0_i32, %c0_i32_0 : i32, i32
  }
  func.func @transform_5(%arg0: i32) -> (i32, i32) {
    %c0_i32 = arith.constant 0 : i32
    %c0_i32_0 = arith.constant 0 : i32
    %c0_i32_1 = arith.constant 0 : i32
    return %c0_i32, %c0_i32_0 : i32, i32
  }
  func.func @transform_6(%arg0: i32) -> (i32, i32) {
    %c0_i32 = arith.constant 0 : i32
    %c0_i32_0 = arith.constant 0 : i32
    %c0_i32_1 = arith.constant 0 : i32
    return %c0_i32, %c0_i32_0 : i32, i32
  }
  func.func @transform_7(%arg0: i32) -> (i32, i32) {
    %c0_i32 = arith.constant 0 : i32
    %c0_i32_0 = arith.constant 0 : i32
    return %arg0, %c0_i32 : i32, i32
  }
}

module attributes {stable_mosaic.version = 14 : i64} {
  func.func @_gru_body(%arg0: i32, %arg1: memref<1024x768xf32, #tpu.memory_space<vmem>>, %arg2: memref<256x768xbf16, #tpu.memory_space<vmem>>, %arg3: memref<1x256xf32, #tpu.memory_space<vmem>>, %arg4: memref<256x128xf32, #tpu.memory_space<vmem>>, %arg5: memref<1024x1xf32, #tpu.memory_space<vmem>>, %arg6: memref<1024x128xf32, #tpu.memory_space<vmem>>, %arg7: memref<1x256xf32, #tpu.memory_space<vmem>>, %arg8: memref<1024x256xf32, #tpu.memory_space<vmem>>) attributes {dimension_semantics = [#tpu.dimension_semantics<arbitrary>], iteration_bounds = array<i64: 10>, scalar_prefetch = 0 : i64, scratch_operands = 2 : i64, tpu.core_type = #tpu.core_type<tc>, window_params = [{transform_indices = @transform_0, window_bounds = array<i64: 1024, 768>}, {pipeline_mode = #tpu.pipeline_mode<synchronous>, transform_indices = @transform_1, window_bounds = array<i64: 256, 768>}, {pipeline_mode = #tpu.pipeline_mode<synchronous>, transform_indices = @transform_2, window_bounds = array<i64: 1, 256>}, {pipeline_mode = #tpu.pipeline_mode<synchronous>, transform_indices = @transform_3, window_bounds = array<i64: 256, 128>}, {transform_indices = @transform_4, window_bounds = array<i64: 1024, 1>}, {transform_indices = @transform_5, window_bounds = array<i64: 1024, 128>}]} {
    %eq3A = arith.constant 0 : i32
    %eq3A_0 = arith.cmpi eq, %arg0, %eq3A : i32
    %convert_element_type3A = arith.extui %eq3A_0 : i1 to i32
    %cond3A = arith.constant 0 : i32
    %cond3A_1 = arith.cmpi ne, %convert_element_type3A, %cond3A : i32
    scf.if %cond3A_1 {
      %broadcast_in_dim3A = arith.constant 0.000000e+00 : f32
      %broadcast_in_dim3A_31 = vector.broadcast %broadcast_in_dim3A : f32 to vector<1x256xf32>
      %swap3A_32 = arith.constant 0 : index
      %swap3A_33 = arith.constant 0 : index
      %swap3A_34 = vector.load %arg7[%swap3A_32, %swap3A_33] : memref<1x256xf32, #tpu.memory_space<vmem>>, vector<1x256xf32>
      tpu.vector_store %arg7[%swap3A_32, %swap3A_33], %broadcast_in_dim3A_31 {strides = array<i32>} : memref<1x256xf32, #tpu.memory_space<vmem>>, vector<1x256xf32>,
    } else {
    }
    %get3A = arith.constant 0 : index
    %get3A_2 = arith.constant 0 : index
    %get3A_3 = vector.load %arg2[%get3A, %get3A_2] : memref<256x768xbf16, #tpu.memory_space<vmem>>, vector<256x768xbf16>
    %get3A_4 = arith.constant 0 : index
    %get3A_5 = arith.constant 0 : index
    %get3A_6 = vector.load %arg3[%get3A_4, %get3A_5] : memref<1x256xf32, #tpu.memory_space<vmem>>, vector<1x256xf32>
    %get3A_7 = arith.constant 0 : index
    %get3A_8 = arith.constant 0 : index
    %get3A_9 = vector.load %arg7[%get3A_7, %get3A_8] : memref<1x256xf32, #tpu.memory_space<vmem>>, vector<1x256xf32>
    %scan3A = arith.constant 0 : i32
    %scan3A_10 = arith.constant 32 : i32
    %scan3A_11 = arith.addi %scan3A, %scan3A_10 : i32
    %scan3A_12 = arith.constant 1 : i32
    %scan3A_13 = scf.for %scan3A_31 = %scan3A to %scan3A_11 step %scan3A_12 iter_args(%scan3A_32 = %get3A_9) -> (vector<1x256xf32>)  : i32 {
      %mul3A_33 = arith.constant 32 : i32
      %mul3A_34 = arith.muli %mul3A_33, %scan3A_31 : i32
      %add3A = arith.constant 0 : i32
      %add3A_35 = arith.addi %mul3A_34, %add3A : i32
      %get3A_36 = arith.index_cast %add3A_35 : i32 to index
      %get3A_37 = arith.constant 0 : index
      %get3A_38 = vector.load %arg1[%get3A_36, %get3A_37] : memref<1024x768xf32, #tpu.memory_space<vmem>>, vector<1x768xf32>
      %convert_element_type3A_39 = arith.truncf %scan3A_32 : vector<1x256xf32> to vector<1x256xbf16>
      %dot_general3A_40 = arith.constant dense<0.000000e+00> : vector<1x768xf32>
      %dot_general3A_41 = tpu.matmul %convert_element_type3A_39, %get3A_3, %dot_general3A_40 {dimension_numbers = #tpu.dot_dimension_numbers<[1], [0], [0], [1], [0, 0, 1, 1], [], []>, transpose_lhs_hint = false} : vector<1x256xbf16>, vector<256x768xbf16>, vector<1x768xf32> -> vector<1x768xf32>
      %slice3A = vector.extract_strided_slice %get3A_38 {offsets = [0, 0], sizes = [1, 256], strides = [1, 1]} : vector<1x768xf32> to vector<1x256xf32>
      %slice3A_42 = vector.extract_strided_slice %dot_general3A_41 {offsets = [0, 0], sizes = [1, 256], strides = [1, 1]} : vector<1x768xf32> to vector<1x256xf32>
      %add3A_43 = arith.addf %slice3A, %slice3A_42 : vector<1x256xf32>
      %mul3A_44 = arith.constant 5.000000e-01 : f32
      %mul3A_45 = vector.broadcast %mul3A_44 : f32 to vector<1x256xf32>
      %mul3A_46 = arith.mulf %mul3A_45, %add3A_43 : vector<1x256xf32>
      %tanh3A = math.tanh %mul3A_46 : vector<1x256xf32>
      %mul3A_47 = arith.constant 5.000000e-01 : f32
      %mul3A_48 = vector.broadcast %mul3A_47 : f32 to vector<1x256xf32>
      %mul3A_49 = arith.mulf %mul3A_48, %tanh3A : vector<1x256xf32>
      %add3A_50 = arith.constant 5.000000e-01 : f32
      %add3A_51 = vector.broadcast %add3A_50 : f32 to vector<1x256xf32>
      %add3A_52 = arith.addf %mul3A_49, %add3A_51 : vector<1x256xf32>
      %slice3A_53 = vector.extract_strided_slice %get3A_38 {offsets = [0, 256], sizes = [1, 256], strides = [1, 1]} : vector<1x768xf32> to vector<1x256xf32>
      %slice3A_54 = vector.extract_strided_slice %dot_general3A_41 {offsets = [0, 256], sizes = [1, 256], strides = [1, 1]} : vector<1x768xf32> to vector<1x256xf32>
      %add3A_55 = arith.addf %slice3A_53, %slice3A_54 : vector<1x256xf32>
      %mul3A_56 = arith.constant 5.000000e-01 : f32
      %mul3A_57 = vector.broadcast %mul3A_56 : f32 to vector<1x256xf32>
      %mul3A_58 = arith.mulf %mul3A_57, %add3A_55 : vector<1x256xf32>
      %tanh3A_59 = math.tanh %mul3A_58 : vector<1x256xf32>
      %mul3A_60 = arith.constant 5.000000e-01 : f32
      %mul3A_61 = vector.broadcast %mul3A_60 : f32 to vector<1x256xf32>
      %mul3A_62 = arith.mulf %mul3A_61, %tanh3A_59 : vector<1x256xf32>
      %add3A_63 = arith.constant 5.000000e-01 : f32
      %add3A_64 = vector.broadcast %add3A_63 : f32 to vector<1x256xf32>
      %add3A_65 = arith.addf %mul3A_62, %add3A_64 : vector<1x256xf32>
      %slice3A_66 = vector.extract_strided_slice %get3A_38 {offsets = [0, 512], sizes = [1, 256], strides = [1, 1]} : vector<1x768xf32> to vector<1x256xf32>
      %slice3A_67 = vector.extract_strided_slice %dot_general3A_41 {offsets = [0, 512], sizes = [1, 256], strides = [1, 1]} : vector<1x768xf32> to vector<1x256xf32>
      %add3A_68 = arith.addf %slice3A_67, %get3A_6 : vector<1x256xf32>
      %mul3A_69 = arith.mulf %add3A_52, %add3A_68 : vector<1x256xf32>
      %add3A_70 = arith.addf %slice3A_66, %mul3A_69 : vector<1x256xf32>
      %tanh3A_71 = math.tanh %add3A_70 : vector<1x256xf32>
      %sub3A = arith.subf %scan3A_32, %tanh3A_71 : vector<1x256xf32>
      %mul3A_72 = arith.mulf %add3A_65, %sub3A : vector<1x256xf32>
      %add3A_73 = arith.addf %tanh3A_71, %mul3A_72 : vector<1x256xf32>
      %swap3A_74 = arith.index_cast %add3A_35 : i32 to index
      %swap3A_75 = arith.constant 0 : index
      %swap3A_76 = vector.load %arg8[%swap3A_74, %swap3A_75] : memref<1024x256xf32, #tpu.memory_space<vmem>>, vector<1x256xf32>
      tpu.vector_store %arg8[%swap3A_74, %swap3A_75], %add3A_73 {strides = array<i32>} : memref<1024x256xf32, #tpu.memory_space<vmem>>, vector<1x256xf32>,
      %add3A_77 = arith.constant 1 : i32
      %add3A_78 = arith.addi %mul3A_34, %add3A_77 : i32
      %get3A_79 = arith.index_cast %add3A_78 : i32 to index
      %get3A_80 = arith.constant 0 : index
      %get3A_81 = vector.load %arg1[%get3A_79, %get3A_80] : memref<1024x768xf32, #tpu.memory_space<vmem>>, vector<1x768xf32>
      %convert_element_type3A_82 = arith.truncf %add3A_73 : vector<1x256xf32> to vector<1x256xbf16>
      %dot_general3A_83 = arith.constant dense<0.000000e+00> : vector<1x768xf32>
      %dot_general3A_84 = tpu.matmul %convert_element_type3A_82, %get3A_3, %dot_general3A_83 {dimension_numbers = #tpu.dot_dimension_numbers<[1], [0], [0], [1], [0, 0, 1, 1], [], []>, transpose_lhs_hint = false} : vector<1x256xbf16>, vector<256x768xbf16>, vector<1x768xf32> -> vector<1x768xf32>
      %slice3A_85 = vector.extract_strided_slice %get3A_81 {offsets = [0, 0], sizes = [1, 256], strides = [1, 1]} : vector<1x768xf32> to vector<1x256xf32>
      %slice3A_86 = vector.extract_strided_slice %dot_general3A_84 {offsets = [0, 0], sizes = [1, 256], strides = [1, 1]} : vector<1x768xf32> to vector<1x256xf32>
      %add3A_87 = arith.addf %slice3A_85, %slice3A_86 : vector<1x256xf32>
      %mul3A_88 = arith.constant 5.000000e-01 : f32
      %mul3A_89 = vector.broadcast %mul3A_88 : f32 to vector<1x256xf32>
      %mul3A_90 = arith.mulf %mul3A_89, %add3A_87 : vector<1x256xf32>
      %tanh3A_91 = math.tanh %mul3A_90 : vector<1x256xf32>
      %mul3A_92 = arith.constant 5.000000e-01 : f32
      %mul3A_93 = vector.broadcast %mul3A_92 : f32 to vector<1x256xf32>
      %mul3A_94 = arith.mulf %mul3A_93, %tanh3A_91 : vector<1x256xf32>
      %add3A_95 = arith.constant 5.000000e-01 : f32
      %add3A_96 = vector.broadcast %add3A_95 : f32 to vector<1x256xf32>
      %add3A_97 = arith.addf %mul3A_94, %add3A_96 : vector<1x256xf32>
      %slice3A_98 = vector.extract_strided_slice %get3A_81 {offsets = [0, 256], sizes = [1, 256], strides = [1, 1]} : vector<1x768xf32> to vector<1x256xf32>
      %slice3A_99 = vector.extract_strided_slice %dot_general3A_84 {offsets = [0, 256], sizes = [1, 256], strides = [1, 1]} : vector<1x768xf32> to vector<1x256xf32>
      %add3A_100 = arith.addf %slice3A_98, %slice3A_99 : vector<1x256xf32>
      %mul3A_101 = arith.constant 5.000000e-01 : f32
      %mul3A_102 = vector.broadcast %mul3A_101 : f32 to vector<1x256xf32>
      %mul3A_103 = arith.mulf %mul3A_102, %add3A_100 : vector<1x256xf32>
      %tanh3A_104 = math.tanh %mul3A_103 : vector<1x256xf32>
      %mul3A_105 = arith.constant 5.000000e-01 : f32
      %mul3A_106 = vector.broadcast %mul3A_105 : f32 to vector<1x256xf32>
      %mul3A_107 = arith.mulf %mul3A_106, %tanh3A_104 : vector<1x256xf32>
      %add3A_108 = arith.constant 5.000000e-01 : f32
      %add3A_109 = vector.broadcast %add3A_108 : f32 to vector<1x256xf32>
      %add3A_110 = arith.addf %mul3A_107, %add3A_109 : vector<1x256xf32>
      %slice3A_111 = vector.extract_strided_slice %get3A_81 {offsets = [0, 512], sizes = [1, 256], strides = [1, 1]} : vector<1x768xf32> to vector<1x256xf32>
      %slice3A_112 = vector.extract_strided_slice %dot_general3A_84 {offsets = [0, 512], sizes = [1, 256], strides = [1, 1]} : vector<1x768xf32> to vector<1x256xf32>
      %add3A_113 = arith.addf %slice3A_112, %get3A_6 : vector<1x256xf32>
      %mul3A_114 = arith.mulf %add3A_97, %add3A_113 : vector<1x256xf32>
      %add3A_115 = arith.addf %slice3A_111, %mul3A_114 : vector<1x256xf32>
      %tanh3A_116 = math.tanh %add3A_115 : vector<1x256xf32>
      %sub3A_117 = arith.subf %add3A_73, %tanh3A_116 : vector<1x256xf32>
      %mul3A_118 = arith.mulf %add3A_110, %sub3A_117 : vector<1x256xf32>
      %add3A_119 = arith.addf %tanh3A_116, %mul3A_118 : vector<1x256xf32>
      %swap3A_120 = arith.index_cast %add3A_78 : i32 to index
      %swap3A_121 = arith.constant 0 : index
      %swap3A_122 = vector.load %arg8[%swap3A_120, %swap3A_121] : memref<1024x256xf32, #tpu.memory_space<vmem>>, vector<1x256xf32>
      tpu.vector_store %arg8[%swap3A_120, %swap3A_121], %add3A_119 {strides = array<i32>} : memref<1024x256xf32, #tpu.memory_space<vmem>>, vector<1x256xf32>,
      %add3A_123 = arith.constant 2 : i32
      %add3A_124 = arith.addi %mul3A_34, %add3A_123 : i32
      %get3A_125 = arith.index_cast %add3A_124 : i32 to index
      %get3A_126 = arith.constant 0 : index
      %get3A_127 = vector.load %arg1[%get3A_125, %get3A_126] : memref<1024x768xf32, #tpu.memory_space<vmem>>, vector<1x768xf32>
      %convert_element_type3A_128 = arith.truncf %add3A_119 : vector<1x256xf32> to vector<1x256xbf16>
      %dot_general3A_129 = arith.constant dense<0.000000e+00> : vector<1x768xf32>
      %dot_general3A_130 = tpu.matmul %convert_element_type3A_128, %get3A_3, %dot_general3A_129 {dimension_numbers = #tpu.dot_dimension_numbers<[1], [0], [0], [1], [0, 0, 1, 1], [], []>, transpose_lhs_hint = false} : vector<1x256xbf16>, vector<256x768xbf16>, vector<1x768xf32> -> vector<1x768xf32>
      %slice3A_131 = vector.extract_strided_slice %get3A_127 {offsets = [0, 0], sizes = [1, 256], strides = [1, 1]} : vector<1x768xf32> to vector<1x256xf32>
      %slice3A_132 = vector.extract_strided_slice %dot_general3A_130 {offsets = [0, 0], sizes = [1, 256], strides = [1, 1]} : vector<1x768xf32> to vector<1x256xf32>
      %add3A_133 = arith.addf %slice3A_131, %slice3A_132 : vector<1x256xf32>
      %mul3A_134 = arith.constant 5.000000e-01 : f32
      %mul3A_135 = vector.broadcast %mul3A_134 : f32 to vector<1x256xf32>
      %mul3A_136 = arith.mulf %mul3A_135, %add3A_133 : vector<1x256xf32>
      %tanh3A_137 = math.tanh %mul3A_136 : vector<1x256xf32>
      %mul3A_138 = arith.constant 5.000000e-01 : f32
      %mul3A_139 = vector.broadcast %mul3A_138 : f32 to vector<1x256xf32>
      %mul3A_140 = arith.mulf %mul3A_139, %tanh3A_137 : vector<1x256xf32>
      %add3A_141 = arith.constant 5.000000e-01 : f32
      %add3A_142 = vector.broadcast %add3A_141 : f32 to vector<1x256xf32>
      %add3A_143 = arith.addf %mul3A_140, %add3A_142 : vector<1x256xf32>
      %slice3A_144 = vector.extract_strided_slice %get3A_127 {offsets = [0, 256], sizes = [1, 256], strides = [1, 1]} : vector<1x768xf32> to vector<1x256xf32>
      %slice3A_145 = vector.extract_strided_slice %dot_general3A_130 {offsets = [0, 256], sizes = [1, 256], strides = [1, 1]} : vector<1x768xf32> to vector<1x256xf32>
      %add3A_146 = arith.addf %slice3A_144, %slice3A_145 : vector<1x256xf32>
      %mul3A_147 = arith.constant 5.000000e-01 : f32
      %mul3A_148 = vector.broadcast %mul3A_147 : f32 to vector<1x256xf32>
      %mul3A_149 = arith.mulf %mul3A_148, %add3A_146 : vector<1x256xf32>
      %tanh3A_150 = math.tanh %mul3A_149 : vector<1x256xf32>
      %mul3A_151 = arith.constant 5.000000e-01 : f32
      %mul3A_152 = vector.broadcast %mul3A_151 : f32 to vector<1x256xf32>
      %mul3A_153 = arith.mulf %mul3A_152, %tanh3A_150 : vector<1x256xf32>
      %add3A_154 = arith.constant 5.000000e-01 : f32
      %add3A_155 = vector.broadcast %add3A_154 : f32 to vector<1x256xf32>
      %add3A_156 = arith.addf %mul3A_153, %add3A_155 : vector<1x256xf32>
      %slice3A_157 = vector.extract_strided_slice %get3A_127 {offsets = [0, 512], sizes = [1, 256], strides = [1, 1]} : vector<1x768xf32> to vector<1x256xf32>
      %slice3A_158 = vector.extract_strided_slice %dot_general3A_130 {offsets = [0, 512], sizes = [1, 256], strides = [1, 1]} : vector<1x768xf32> to vector<1x256xf32>
      %add3A_159 = arith.addf %slice3A_158, %get3A_6 : vector<1x256xf32>
      %mul3A_160 = arith.mulf %add3A_143, %add3A_159 : vector<1x256xf32>
      %add3A_161 = arith.addf %slice3A_157, %mul3A_160 : vector<1x256xf32>
      %tanh3A_162 = math.tanh %add3A_161 : vector<1x256xf32>
      %sub3A_163 = arith.subf %add3A_119, %tanh3A_162 : vector<1x256xf32>
      %mul3A_164 = arith.mulf %add3A_156, %sub3A_163 : vector<1x256xf32>
      %add3A_165 = arith.addf %tanh3A_162, %mul3A_164 : vector<1x256xf32>
      %swap3A_166 = arith.index_cast %add3A_124 : i32 to index
      %swap3A_167 = arith.constant 0 : index
      %swap3A_168 = vector.load %arg8[%swap3A_166, %swap3A_167] : memref<1024x256xf32, #tpu.memory_space<vmem>>, vector<1x256xf32>
      tpu.vector_store %arg8[%swap3A_166, %swap3A_167], %add3A_165 {strides = array<i32>} : memref<1024x256xf32, #tpu.memory_space<vmem>>, vector<1x256xf32>,
      %add3A_169 = arith.constant 3 : i32
      %add3A_170 = arith.addi %mul3A_34, %add3A_169 : i32
      %get3A_171 = arith.index_cast %add3A_170 : i32 to index
      %get3A_172 = arith.constant 0 : index
      %get3A_173 = vector.load %arg1[%get3A_171, %get3A_172] : memref<1024x768xf32, #tpu.memory_space<vmem>>, vector<1x768xf32>
      %convert_element_type3A_174 = arith.truncf %add3A_165 : vector<1x256xf32> to vector<1x256xbf16>
      %dot_general3A_175 = arith.constant dense<0.000000e+00> : vector<1x768xf32>
      %dot_general3A_176 = tpu.matmul %convert_element_type3A_174, %get3A_3, %dot_general3A_175 {dimension_numbers = #tpu.dot_dimension_numbers<[1], [0], [0], [1], [0, 0, 1, 1], [], []>, transpose_lhs_hint = false} : vector<1x256xbf16>, vector<256x768xbf16>, vector<1x768xf32> -> vector<1x768xf32>
      %slice3A_177 = vector.extract_strided_slice %get3A_173 {offsets = [0, 0], sizes = [1, 256], strides = [1, 1]} : vector<1x768xf32> to vector<1x256xf32>
      %slice3A_178 = vector.extract_strided_slice %dot_general3A_176 {offsets = [0, 0], sizes = [1, 256], strides = [1, 1]} : vector<1x768xf32> to vector<1x256xf32>
      %add3A_179 = arith.addf %slice3A_177, %slice3A_178 : vector<1x256xf32>
      %mul3A_180 = arith.constant 5.000000e-01 : f32
      %mul3A_181 = vector.broadcast %mul3A_180 : f32 to vector<1x256xf32>
      %mul3A_182 = arith.mulf %mul3A_181, %add3A_179 : vector<1x256xf32>
      %tanh3A_183 = math.tanh %mul3A_182 : vector<1x256xf32>
      %mul3A_184 = arith.constant 5.000000e-01 : f32
      %mul3A_185 = vector.broadcast %mul3A_184 : f32 to vector<1x256xf32>
      %mul3A_186 = arith.mulf %mul3A_185, %tanh3A_183 : vector<1x256xf32>
      %add3A_187 = arith.constant 5.000000e-01 : f32
      %add3A_188 = vector.broadcast %add3A_187 : f32 to vector<1x256xf32>
      %add3A_189 = arith.addf %mul3A_186, %add3A_188 : vector<1x256xf32>
      %slice3A_190 = vector.extract_strided_slice %get3A_173 {offsets = [0, 256], sizes = [1, 256], strides = [1, 1]} : vector<1x768xf32> to vector<1x256xf32>
      %slice3A_191 = vector.extract_strided_slice %dot_general3A_176 {offsets = [0, 256], sizes = [1, 256], strides = [1, 1]} : vector<1x768xf32> to vector<1x256xf32>
      %add3A_192 = arith.addf %slice3A_190, %slice3A_191 : vector<1x256xf32>
      %mul3A_193 = arith.constant 5.000000e-01 : f32
      %mul3A_194 = vector.broadcast %mul3A_193 : f32 to vector<1x256xf32>
      %mul3A_195 = arith.mulf %mul3A_194, %add3A_192 : vector<1x256xf32>
      %tanh3A_196 = math.tanh %mul3A_195 : vector<1x256xf32>
      %mul3A_197 = arith.constant 5.000000e-01 : f32
      %mul3A_198 = vector.broadcast %mul3A_197 : f32 to vector<1x256xf32>
      %mul3A_199 = arith.mulf %mul3A_198, %tanh3A_196 : vector<1x256xf32>
      %add3A_200 = arith.constant 5.000000e-01 : f32
      %add3A_201 = vector.broadcast %add3A_200 : f32 to vector<1x256xf32>
      %add3A_202 = arith.addf %mul3A_199, %add3A_201 : vector<1x256xf32>
      %slice3A_203 = vector.extract_strided_slice %get3A_173 {offsets = [0, 512], sizes = [1, 256], strides = [1, 1]} : vector<1x768xf32> to vector<1x256xf32>
      %slice3A_204 = vector.extract_strided_slice %dot_general3A_176 {offsets = [0, 512], sizes = [1, 256], strides = [1, 1]} : vector<1x768xf32> to vector<1x256xf32>
      %add3A_205 = arith.addf %slice3A_204, %get3A_6 : vector<1x256xf32>
      %mul3A_206 = arith.mulf %add3A_189, %add3A_205 : vector<1x256xf32>
      %add3A_207 = arith.addf %slice3A_203, %mul3A_206 : vector<1x256xf32>
      %tanh3A_208 = math.tanh %add3A_207 : vector<1x256xf32>
      %sub3A_209 = arith.subf %add3A_165, %tanh3A_208 : vector<1x256xf32>
      %mul3A_210 = arith.mulf %add3A_202, %sub3A_209 : vector<1x256xf32>
      %add3A_211 = arith.addf %tanh3A_208, %mul3A_210 : vector<1x256xf32>
      %swap3A_212 = arith.index_cast %add3A_170 : i32 to index
      %swap3A_213 = arith.constant 0 : index
      %swap3A_214 = vector.load %arg8[%swap3A_212, %swap3A_213] : memref<1024x256xf32, #tpu.memory_space<vmem>>, vector<1x256xf32>
      tpu.vector_store %arg8[%swap3A_212, %swap3A_213], %add3A_211 {strides = array<i32>} : memref<1024x256xf32, #tpu.memory_space<vmem>>, vector<1x256xf32>,
      %add3A_215 = arith.constant 4 : i32
      %add3A_216 = arith.addi %mul3A_34, %add3A_215 : i32
      %get3A_217 = arith.index_cast %add3A_216 : i32 to index
      %get3A_218 = arith.constant 0 : index
      %get3A_219 = vector.load %arg1[%get3A_217, %get3A_218] : memref<1024x768xf32, #tpu.memory_space<vmem>>, vector<1x768xf32>
      %convert_element_type3A_220 = arith.truncf %add3A_211 : vector<1x256xf32> to vector<1x256xbf16>
      %dot_general3A_221 = arith.constant dense<0.000000e+00> : vector<1x768xf32>
      %dot_general3A_222 = tpu.matmul %convert_element_type3A_220, %get3A_3, %dot_general3A_221 {dimension_numbers = #tpu.dot_dimension_numbers<[1], [0], [0], [1], [0, 0, 1, 1], [], []>, transpose_lhs_hint = false} : vector<1x256xbf16>, vector<256x768xbf16>, vector<1x768xf32> -> vector<1x768xf32>
      %slice3A_223 = vector.extract_strided_slice %get3A_219 {offsets = [0, 0], sizes = [1, 256], strides = [1, 1]} : vector<1x768xf32> to vector<1x256xf32>
      %slice3A_224 = vector.extract_strided_slice %dot_general3A_222 {offsets = [0, 0], sizes = [1, 256], strides = [1, 1]} : vector<1x768xf32> to vector<1x256xf32>
      %add3A_225 = arith.addf %slice3A_223, %slice3A_224 : vector<1x256xf32>
      %mul3A_226 = arith.constant 5.000000e-01 : f32
      %mul3A_227 = vector.broadcast %mul3A_226 : f32 to vector<1x256xf32>
      %mul3A_228 = arith.mulf %mul3A_227, %add3A_225 : vector<1x256xf32>
      %tanh3A_229 = math.tanh %mul3A_228 : vector<1x256xf32>
      %mul3A_230 = arith.constant 5.000000e-01 : f32
      %mul3A_231 = vector.broadcast %mul3A_230 : f32 to vector<1x256xf32>
      %mul3A_232 = arith.mulf %mul3A_231, %tanh3A_229 : vector<1x256xf32>
      %add3A_233 = arith.constant 5.000000e-01 : f32
      %add3A_234 = vector.broadcast %add3A_233 : f32 to vector<1x256xf32>
      %add3A_235 = arith.addf %mul3A_232, %add3A_234 : vector<1x256xf32>
      %slice3A_236 = vector.extract_strided_slice %get3A_219 {offsets = [0, 256], sizes = [1, 256], strides = [1, 1]} : vector<1x768xf32> to vector<1x256xf32>
      %slice3A_237 = vector.extract_strided_slice %dot_general3A_222 {offsets = [0, 256], sizes = [1, 256], strides = [1, 1]} : vector<1x768xf32> to vector<1x256xf32>
      %add3A_238 = arith.addf %slice3A_236, %slice3A_237 : vector<1x256xf32>
      %mul3A_239 = arith.constant 5.000000e-01 : f32
      %mul3A_240 = vector.broadcast %mul3A_239 : f32 to vector<1x256xf32>
      %mul3A_241 = arith.mulf %mul3A_240, %add3A_238 : vector<1x256xf32>
      %tanh3A_242 = math.tanh %mul3A_241 : vector<1x256xf32>
      %mul3A_243 = arith.constant 5.000000e-01 : f32
      %mul3A_244 = vector.broadcast %mul3A_243 : f32 to vector<1x256xf32>
      %mul3A_245 = arith.mulf %mul3A_244, %tanh3A_242 : vector<1x256xf32>
      %add3A_246 = arith.constant 5.000000e-01 : f32
      %add3A_247 = vector.broadcast %add3A_246 : f32 to vector<1x256xf32>
      %add3A_248 = arith.addf %mul3A_245, %add3A_247 : vector<1x256xf32>
      %slice3A_249 = vector.extract_strided_slice %get3A_219 {offsets = [0, 512], sizes = [1, 256], strides = [1, 1]} : vector<1x768xf32> to vector<1x256xf32>
      %slice3A_250 = vector.extract_strided_slice %dot_general3A_222 {offsets = [0, 512], sizes = [1, 256], strides = [1, 1]} : vector<1x768xf32> to vector<1x256xf32>
      %add3A_251 = arith.addf %slice3A_250, %get3A_6 : vector<1x256xf32>
      %mul3A_252 = arith.mulf %add3A_235, %add3A_251 : vector<1x256xf32>
      %add3A_253 = arith.addf %slice3A_249, %mul3A_252 : vector<1x256xf32>
      %tanh3A_254 = math.tanh %add3A_253 : vector<1x256xf32>
      %sub3A_255 = arith.subf %add3A_211, %tanh3A_254 : vector<1x256xf32>
      %mul3A_256 = arith.mulf %add3A_248, %sub3A_255 : vector<1x256xf32>
      %add3A_257 = arith.addf %tanh3A_254, %mul3A_256 : vector<1x256xf32>
      %swap3A_258 = arith.index_cast %add3A_216 : i32 to index
      %swap3A_259 = arith.constant 0 : index
      %swap3A_260 = vector.load %arg8[%swap3A_258, %swap3A_259] : memref<1024x256xf32, #tpu.memory_space<vmem>>, vector<1x256xf32>
      tpu.vector_store %arg8[%swap3A_258, %swap3A_259], %add3A_257 {strides = array<i32>} : memref<1024x256xf32, #tpu.memory_space<vmem>>, vector<1x256xf32>,
      %add3A_261 = arith.constant 5 : i32
      %add3A_262 = arith.addi %mul3A_34, %add3A_261 : i32
      %get3A_263 = arith.index_cast %add3A_262 : i32 to index
      %get3A_264 = arith.constant 0 : index
      %get3A_265 = vector.load %arg1[%get3A_263, %get3A_264] : memref<1024x768xf32, #tpu.memory_space<vmem>>, vector<1x768xf32>
      %convert_element_type3A_266 = arith.truncf %add3A_257 : vector<1x256xf32> to vector<1x256xbf16>
      %dot_general3A_267 = arith.constant dense<0.000000e+00> : vector<1x768xf32>
      %dot_general3A_268 = tpu.matmul %convert_element_type3A_266, %get3A_3, %dot_general3A_267 {dimension_numbers = #tpu.dot_dimension_numbers<[1], [0], [0], [1], [0, 0, 1, 1], [], []>, transpose_lhs_hint = false} : vector<1x256xbf16>, vector<256x768xbf16>, vector<1x768xf32> -> vector<1x768xf32>
      %slice3A_269 = vector.extract_strided_slice %get3A_265 {offsets = [0, 0], sizes = [1, 256], strides = [1, 1]} : vector<1x768xf32> to vector<1x256xf32>
      %slice3A_270 = vector.extract_strided_slice %dot_general3A_268 {offsets = [0, 0], sizes = [1, 256], strides = [1, 1]} : vector<1x768xf32> to vector<1x256xf32>
      %add3A_271 = arith.addf %slice3A_269, %slice3A_270 : vector<1x256xf32>
      %mul3A_272 = arith.constant 5.000000e-01 : f32
      %mul3A_273 = vector.broadcast %mul3A_272 : f32 to vector<1x256xf32>
      %mul3A_274 = arith.mulf %mul3A_273, %add3A_271 : vector<1x256xf32>
      %tanh3A_275 = math.tanh %mul3A_274 : vector<1x256xf32>
      %mul3A_276 = arith.constant 5.000000e-01 : f32
      %mul3A_277 = vector.broadcast %mul3A_276 : f32 to vector<1x256xf32>
      %mul3A_278 = arith.mulf %mul3A_277, %tanh3A_275 : vector<1x256xf32>
      %add3A_279 = arith.constant 5.000000e-01 : f32
      %add3A_280 = vector.broadcast %add3A_279 : f32 to vector<1x256xf32>
      %add3A_281 = arith.addf %mul3A_278, %add3A_280 : vector<1x256xf32>
      %slice3A_282 = vector.extract_strided_slice %get3A_265 {offsets = [0, 256], sizes = [1, 256], strides = [1, 1]} : vector<1x768xf32> to vector<1x256xf32>
      %slice3A_283 = vector.extract_strided_slice %dot_general3A_268 {offsets = [0, 256], sizes = [1, 256], strides = [1, 1]} : vector<1x768xf32> to vector<1x256xf32>
      %add3A_284 = arith.addf %slice3A_282, %slice3A_283 : vector<1x256xf32>
      %mul3A_285 = arith.constant 5.000000e-01 : f32
      %mul3A_286 = vector.broadcast %mul3A_285 : f32 to vector<1x256xf32>
      %mul3A_287 = arith.mulf %mul3A_286, %add3A_284 : vector<1x256xf32>
      %tanh3A_288 = math.tanh %mul3A_287 : vector<1x256xf32>
      %mul3A_289 = arith.constant 5.000000e-01 : f32
      %mul3A_290 = vector.broadcast %mul3A_289 : f32 to vector<1x256xf32>
      %mul3A_291 = arith.mulf %mul3A_290, %tanh3A_288 : vector<1x256xf32>
      %add3A_292 = arith.constant 5.000000e-01 : f32
      %add3A_293 = vector.broadcast %add3A_292 : f32 to vector<1x256xf32>
      %add3A_294 = arith.addf %mul3A_291, %add3A_293 : vector<1x256xf32>
      %slice3A_295 = vector.extract_strided_slice %get3A_265 {offsets = [0, 512], sizes = [1, 256], strides = [1, 1]} : vector<1x768xf32> to vector<1x256xf32>
      %slice3A_296 = vector.extract_strided_slice %dot_general3A_268 {offsets = [0, 512], sizes = [1, 256], strides = [1, 1]} : vector<1x768xf32> to vector<1x256xf32>
      %add3A_297 = arith.addf %slice3A_296, %get3A_6 : vector<1x256xf32>
      %mul3A_298 = arith.mulf %add3A_281, %add3A_297 : vector<1x256xf32>
      %add3A_299 = arith.addf %slice3A_295, %mul3A_298 : vector<1x256xf32>
      %tanh3A_300 = math.tanh %add3A_299 : vector<1x256xf32>
      %sub3A_301 = arith.subf %add3A_257, %tanh3A_300 : vector<1x256xf32>
      %mul3A_302 = arith.mulf %add3A_294, %sub3A_301 : vector<1x256xf32>
      %add3A_303 = arith.addf %tanh3A_300, %mul3A_302 : vector<1x256xf32>
      %swap3A_304 = arith.index_cast %add3A_262 : i32 to index
      %swap3A_305 = arith.constant 0 : index
      %swap3A_306 = vector.load %arg8[%swap3A_304, %swap3A_305] : memref<1024x256xf32, #tpu.memory_space<vmem>>, vector<1x256xf32>
      tpu.vector_store %arg8[%swap3A_304, %swap3A_305], %add3A_303 {strides = array<i32>} : memref<1024x256xf32, #tpu.memory_space<vmem>>, vector<1x256xf32>,
      %add3A_307 = arith.constant 6 : i32
      %add3A_308 = arith.addi %mul3A_34, %add3A_307 : i32
      %get3A_309 = arith.index_cast %add3A_308 : i32 to index
      %get3A_310 = arith.constant 0 : index
      %get3A_311 = vector.load %arg1[%get3A_309, %get3A_310] : memref<1024x768xf32, #tpu.memory_space<vmem>>, vector<1x768xf32>
      %convert_element_type3A_312 = arith.truncf %add3A_303 : vector<1x256xf32> to vector<1x256xbf16>
      %dot_general3A_313 = arith.constant dense<0.000000e+00> : vector<1x768xf32>
      %dot_general3A_314 = tpu.matmul %convert_element_type3A_312, %get3A_3, %dot_general3A_313 {dimension_numbers = #tpu.dot_dimension_numbers<[1], [0], [0], [1], [0, 0, 1, 1], [], []>, transpose_lhs_hint = false} : vector<1x256xbf16>, vector<256x768xbf16>, vector<1x768xf32> -> vector<1x768xf32>
      %slice3A_315 = vector.extract_strided_slice %get3A_311 {offsets = [0, 0], sizes = [1, 256], strides = [1, 1]} : vector<1x768xf32> to vector<1x256xf32>
      %slice3A_316 = vector.extract_strided_slice %dot_general3A_314 {offsets = [0, 0], sizes = [1, 256], strides = [1, 1]} : vector<1x768xf32> to vector<1x256xf32>
      %add3A_317 = arith.addf %slice3A_315, %slice3A_316 : vector<1x256xf32>
      %mul3A_318 = arith.constant 5.000000e-01 : f32
      %mul3A_319 = vector.broadcast %mul3A_318 : f32 to vector<1x256xf32>
      %mul3A_320 = arith.mulf %mul3A_319, %add3A_317 : vector<1x256xf32>
      %tanh3A_321 = math.tanh %mul3A_320 : vector<1x256xf32>
      %mul3A_322 = arith.constant 5.000000e-01 : f32
      %mul3A_323 = vector.broadcast %mul3A_322 : f32 to vector<1x256xf32>
      %mul3A_324 = arith.mulf %mul3A_323, %tanh3A_321 : vector<1x256xf32>
      %add3A_325 = arith.constant 5.000000e-01 : f32
      %add3A_326 = vector.broadcast %add3A_325 : f32 to vector<1x256xf32>
      %add3A_327 = arith.addf %mul3A_324, %add3A_326 : vector<1x256xf32>
      %slice3A_328 = vector.extract_strided_slice %get3A_311 {offsets = [0, 256], sizes = [1, 256], strides = [1, 1]} : vector<1x768xf32> to vector<1x256xf32>
      %slice3A_329 = vector.extract_strided_slice %dot_general3A_314 {offsets = [0, 256], sizes = [1, 256], strides = [1, 1]} : vector<1x768xf32> to vector<1x256xf32>
      %add3A_330 = arith.addf %slice3A_328, %slice3A_329 : vector<1x256xf32>
      %mul3A_331 = arith.constant 5.000000e-01 : f32
      %mul3A_332 = vector.broadcast %mul3A_331 : f32 to vector<1x256xf32>
      %mul3A_333 = arith.mulf %mul3A_332, %add3A_330 : vector<1x256xf32>
      %tanh3A_334 = math.tanh %mul3A_333 : vector<1x256xf32>
      %mul3A_335 = arith.constant 5.000000e-01 : f32
      %mul3A_336 = vector.broadcast %mul3A_335 : f32 to vector<1x256xf32>
      %mul3A_337 = arith.mulf %mul3A_336, %tanh3A_334 : vector<1x256xf32>
      %add3A_338 = arith.constant 5.000000e-01 : f32
      %add3A_339 = vector.broadcast %add3A_338 : f32 to vector<1x256xf32>
      %add3A_340 = arith.addf %mul3A_337, %add3A_339 : vector<1x256xf32>
      %slice3A_341 = vector.extract_strided_slice %get3A_311 {offsets = [0, 512], sizes = [1, 256], strides = [1, 1]} : vector<1x768xf32> to vector<1x256xf32>
      %slice3A_342 = vector.extract_strided_slice %dot_general3A_314 {offsets = [0, 512], sizes = [1, 256], strides = [1, 1]} : vector<1x768xf32> to vector<1x256xf32>
      %add3A_343 = arith.addf %slice3A_342, %get3A_6 : vector<1x256xf32>
      %mul3A_344 = arith.mulf %add3A_327, %add3A_343 : vector<1x256xf32>
      %add3A_345 = arith.addf %slice3A_341, %mul3A_344 : vector<1x256xf32>
      %tanh3A_346 = math.tanh %add3A_345 : vector<1x256xf32>
      %sub3A_347 = arith.subf %add3A_303, %tanh3A_346 : vector<1x256xf32>
      %mul3A_348 = arith.mulf %add3A_340, %sub3A_347 : vector<1x256xf32>
      %add3A_349 = arith.addf %tanh3A_346, %mul3A_348 : vector<1x256xf32>
      %swap3A_350 = arith.index_cast %add3A_308 : i32 to index
      %swap3A_351 = arith.constant 0 : index
      %swap3A_352 = vector.load %arg8[%swap3A_350, %swap3A_351] : memref<1024x256xf32, #tpu.memory_space<vmem>>, vector<1x256xf32>
      tpu.vector_store %arg8[%swap3A_350, %swap3A_351], %add3A_349 {strides = array<i32>} : memref<1024x256xf32, #tpu.memory_space<vmem>>, vector<1x256xf32>,
      %add3A_353 = arith.constant 7 : i32
      %add3A_354 = arith.addi %mul3A_34, %add3A_353 : i32
      %get3A_355 = arith.index_cast %add3A_354 : i32 to index
      %get3A_356 = arith.constant 0 : index
      %get3A_357 = vector.load %arg1[%get3A_355, %get3A_356] : memref<1024x768xf32, #tpu.memory_space<vmem>>, vector<1x768xf32>
      %convert_element_type3A_358 = arith.truncf %add3A_349 : vector<1x256xf32> to vector<1x256xbf16>
      %dot_general3A_359 = arith.constant dense<0.000000e+00> : vector<1x768xf32>
      %dot_general3A_360 = tpu.matmul %convert_element_type3A_358, %get3A_3, %dot_general3A_359 {dimension_numbers = #tpu.dot_dimension_numbers<[1], [0], [0], [1], [0, 0, 1, 1], [], []>, transpose_lhs_hint = false} : vector<1x256xbf16>, vector<256x768xbf16>, vector<1x768xf32> -> vector<1x768xf32>
      %slice3A_361 = vector.extract_strided_slice %get3A_357 {offsets = [0, 0], sizes = [1, 256], strides = [1, 1]} : vector<1x768xf32> to vector<1x256xf32>
      %slice3A_362 = vector.extract_strided_slice %dot_general3A_360 {offsets = [0, 0], sizes = [1, 256], strides = [1, 1]} : vector<1x768xf32> to vector<1x256xf32>
      %add3A_363 = arith.addf %slice3A_361, %slice3A_362 : vector<1x256xf32>
      %mul3A_364 = arith.constant 5.000000e-01 : f32
      %mul3A_365 = vector.broadcast %mul3A_364 : f32 to vector<1x256xf32>
      %mul3A_366 = arith.mulf %mul3A_365, %add3A_363 : vector<1x256xf32>
      %tanh3A_367 = math.tanh %mul3A_366 : vector<1x256xf32>
      %mul3A_368 = arith.constant 5.000000e-01 : f32
      %mul3A_369 = vector.broadcast %mul3A_368 : f32 to vector<1x256xf32>
      %mul3A_370 = arith.mulf %mul3A_369, %tanh3A_367 : vector<1x256xf32>
      %add3A_371 = arith.constant 5.000000e-01 : f32
      %add3A_372 = vector.broadcast %add3A_371 : f32 to vector<1x256xf32>
      %add3A_373 = arith.addf %mul3A_370, %add3A_372 : vector<1x256xf32>
      %slice3A_374 = vector.extract_strided_slice %get3A_357 {offsets = [0, 256], sizes = [1, 256], strides = [1, 1]} : vector<1x768xf32> to vector<1x256xf32>
      %slice3A_375 = vector.extract_strided_slice %dot_general3A_360 {offsets = [0, 256], sizes = [1, 256], strides = [1, 1]} : vector<1x768xf32> to vector<1x256xf32>
      %add3A_376 = arith.addf %slice3A_374, %slice3A_375 : vector<1x256xf32>
      %mul3A_377 = arith.constant 5.000000e-01 : f32
      %mul3A_378 = vector.broadcast %mul3A_377 : f32 to vector<1x256xf32>
      %mul3A_379 = arith.mulf %mul3A_378, %add3A_376 : vector<1x256xf32>
      %tanh3A_380 = math.tanh %mul3A_379 : vector<1x256xf32>
      %mul3A_381 = arith.constant 5.000000e-01 : f32
      %mul3A_382 = vector.broadcast %mul3A_381 : f32 to vector<1x256xf32>
      %mul3A_383 = arith.mulf %mul3A_382, %tanh3A_380 : vector<1x256xf32>
      %add3A_384 = arith.constant 5.000000e-01 : f32
      %add3A_385 = vector.broadcast %add3A_384 : f32 to vector<1x256xf32>
      %add3A_386 = arith.addf %mul3A_383, %add3A_385 : vector<1x256xf32>
      %slice3A_387 = vector.extract_strided_slice %get3A_357 {offsets = [0, 512], sizes = [1, 256], strides = [1, 1]} : vector<1x768xf32> to vector<1x256xf32>
      %slice3A_388 = vector.extract_strided_slice %dot_general3A_360 {offsets = [0, 512], sizes = [1, 256], strides = [1, 1]} : vector<1x768xf32> to vector<1x256xf32>
      %add3A_389 = arith.addf %slice3A_388, %get3A_6 : vector<1x256xf32>
      %mul3A_390 = arith.mulf %add3A_373, %add3A_389 : vector<1x256xf32>
      %add3A_391 = arith.addf %slice3A_387, %mul3A_390 : vector<1x256xf32>
      %tanh3A_392 = math.tanh %add3A_391 : vector<1x256xf32>
      %sub3A_393 = arith.subf %add3A_349, %tanh3A_392 : vector<1x256xf32>
      %mul3A_394 = arith.mulf %add3A_386, %sub3A_393 : vector<1x256xf32>
      %add3A_395 = arith.addf %tanh3A_392, %mul3A_394 : vector<1x256xf32>
      %swap3A_396 = arith.index_cast %add3A_354 : i32 to index
      %swap3A_397 = arith.constant 0 : index
      %swap3A_398 = vector.load %arg8[%swap3A_396, %swap3A_397] : memref<1024x256xf32, #tpu.memory_space<vmem>>, vector<1x256xf32>
      tpu.vector_store %arg8[%swap3A_396, %swap3A_397], %add3A_395 {strides = array<i32>} : memref<1024x256xf32, #tpu.memory_space<vmem>>, vector<1x256xf32>,
      %add3A_399 = arith.constant 8 : i32
      %add3A_400 = arith.addi %mul3A_34, %add3A_399 : i32
      %get3A_401 = arith.index_cast %add3A_400 : i32 to index
      %get3A_402 = arith.constant 0 : index
      %get3A_403 = vector.load %arg1[%get3A_401, %get3A_402] : memref<1024x768xf32, #tpu.memory_space<vmem>>, vector<1x768xf32>
      %convert_element_type3A_404 = arith.truncf %add3A_395 : vector<1x256xf32> to vector<1x256xbf16>
      %dot_general3A_405 = arith.constant dense<0.000000e+00> : vector<1x768xf32>
      %dot_general3A_406 = tpu.matmul %convert_element_type3A_404, %get3A_3, %dot_general3A_405 {dimension_numbers = #tpu.dot_dimension_numbers<[1], [0], [0], [1], [0, 0, 1, 1], [], []>, transpose_lhs_hint = false} : vector<1x256xbf16>, vector<256x768xbf16>, vector<1x768xf32> -> vector<1x768xf32>
      %slice3A_407 = vector.extract_strided_slice %get3A_403 {offsets = [0, 0], sizes = [1, 256], strides = [1, 1]} : vector<1x768xf32> to vector<1x256xf32>
      %slice3A_408 = vector.extract_strided_slice %dot_general3A_406 {offsets = [0, 0], sizes = [1, 256], strides = [1, 1]} : vector<1x768xf32> to vector<1x256xf32>
      %add3A_409 = arith.addf %slice3A_407, %slice3A_408 : vector<1x256xf32>
      %mul3A_410 = arith.constant 5.000000e-01 : f32
      %mul3A_411 = vector.broadcast %mul3A_410 : f32 to vector<1x256xf32>
      %mul3A_412 = arith.mulf %mul3A_411, %add3A_409 : vector<1x256xf32>
      %tanh3A_413 = math.tanh %mul3A_412 : vector<1x256xf32>
      %mul3A_414 = arith.constant 5.000000e-01 : f32
      %mul3A_415 = vector.broadcast %mul3A_414 : f32 to vector<1x256xf32>
      %mul3A_416 = arith.mulf %mul3A_415, %tanh3A_413 : vector<1x256xf32>
      %add3A_417 = arith.constant 5.000000e-01 : f32
      %add3A_418 = vector.broadcast %add3A_417 : f32 to vector<1x256xf32>
      %add3A_419 = arith.addf %mul3A_416, %add3A_418 : vector<1x256xf32>
      %slice3A_420 = vector.extract_strided_slice %get3A_403 {offsets = [0, 256], sizes = [1, 256], strides = [1, 1]} : vector<1x768xf32> to vector<1x256xf32>
      %slice3A_421 = vector.extract_strided_slice %dot_general3A_406 {offsets = [0, 256], sizes = [1, 256], strides = [1, 1]} : vector<1x768xf32> to vector<1x256xf32>
      %add3A_422 = arith.addf %slice3A_420, %slice3A_421 : vector<1x256xf32>
      %mul3A_423 = arith.constant 5.000000e-01 : f32
      %mul3A_424 = vector.broadcast %mul3A_423 : f32 to vector<1x256xf32>
      %mul3A_425 = arith.mulf %mul3A_424, %add3A_422 : vector<1x256xf32>
      %tanh3A_426 = math.tanh %mul3A_425 : vector<1x256xf32>
      %mul3A_427 = arith.constant 5.000000e-01 : f32
      %mul3A_428 = vector.broadcast %mul3A_427 : f32 to vector<1x256xf32>
      %mul3A_429 = arith.mulf %mul3A_428, %tanh3A_426 : vector<1x256xf32>
      %add3A_430 = arith.constant 5.000000e-01 : f32
      %add3A_431 = vector.broadcast %add3A_430 : f32 to vector<1x256xf32>
      %add3A_432 = arith.addf %mul3A_429, %add3A_431 : vector<1x256xf32>
      %slice3A_433 = vector.extract_strided_slice %get3A_403 {offsets = [0, 512], sizes = [1, 256], strides = [1, 1]} : vector<1x768xf32> to vector<1x256xf32>
      %slice3A_434 = vector.extract_strided_slice %dot_general3A_406 {offsets = [0, 512], sizes = [1, 256], strides = [1, 1]} : vector<1x768xf32> to vector<1x256xf32>
      %add3A_435 = arith.addf %slice3A_434, %get3A_6 : vector<1x256xf32>
      %mul3A_436 = arith.mulf %add3A_419, %add3A_435 : vector<1x256xf32>
      %add3A_437 = arith.addf %slice3A_433, %mul3A_436 : vector<1x256xf32>
      %tanh3A_438 = math.tanh %add3A_437 : vector<1x256xf32>
      %sub3A_439 = arith.subf %add3A_395, %tanh3A_438 : vector<1x256xf32>
      %mul3A_440 = arith.mulf %add3A_432, %sub3A_439 : vector<1x256xf32>
      %add3A_441 = arith.addf %tanh3A_438, %mul3A_440 : vector<1x256xf32>
      %swap3A_442 = arith.index_cast %add3A_400 : i32 to index
      %swap3A_443 = arith.constant 0 : index
      %swap3A_444 = vector.load %arg8[%swap3A_442, %swap3A_443] : memref<1024x256xf32, #tpu.memory_space<vmem>>, vector<1x256xf32>
      tpu.vector_store %arg8[%swap3A_442, %swap3A_443], %add3A_441 {strides = array<i32>} : memref<1024x256xf32, #tpu.memory_space<vmem>>, vector<1x256xf32>,
      %add3A_445 = arith.constant 9 : i32
      %add3A_446 = arith.addi %mul3A_34, %add3A_445 : i32
      %get3A_447 = arith.index_cast %add3A_446 : i32 to index
      %get3A_448 = arith.constant 0 : index
      %get3A_449 = vector.load %arg1[%get3A_447, %get3A_448] : memref<1024x768xf32, #tpu.memory_space<vmem>>, vector<1x768xf32>
      %convert_element_type3A_450 = arith.truncf %add3A_441 : vector<1x256xf32> to vector<1x256xbf16>
      %dot_general3A_451 = arith.constant dense<0.000000e+00> : vector<1x768xf32>
      %dot_general3A_452 = tpu.matmul %convert_element_type3A_450, %get3A_3, %dot_general3A_451 {dimension_numbers = #tpu.dot_dimension_numbers<[1], [0], [0], [1], [0, 0, 1, 1], [], []>, transpose_lhs_hint = false} : vector<1x256xbf16>, vector<256x768xbf16>, vector<1x768xf32> -> vector<1x768xf32>
      %slice3A_453 = vector.extract_strided_slice %get3A_449 {offsets = [0, 0], sizes = [1, 256], strides = [1, 1]} : vector<1x768xf32> to vector<1x256xf32>
      %slice3A_454 = vector.extract_strided_slice %dot_general3A_452 {offsets = [0, 0], sizes = [1, 256], strides = [1, 1]} : vector<1x768xf32> to vector<1x256xf32>
      %add3A_455 = arith.addf %slice3A_453, %slice3A_454 : vector<1x256xf32>
      %mul3A_456 = arith.constant 5.000000e-01 : f32
      %mul3A_457 = vector.broadcast %mul3A_456 : f32 to vector<1x256xf32>
      %mul3A_458 = arith.mulf %mul3A_457, %add3A_455 : vector<1x256xf32>
      %tanh3A_459 = math.tanh %mul3A_458 : vector<1x256xf32>
      %mul3A_460 = arith.constant 5.000000e-01 : f32
      %mul3A_461 = vector.broadcast %mul3A_460 : f32 to vector<1x256xf32>
      %mul3A_462 = arith.mulf %mul3A_461, %tanh3A_459 : vector<1x256xf32>
      %add3A_463 = arith.constant 5.000000e-01 : f32
      %add3A_464 = vector.broadcast %add3A_463 : f32 to vector<1x256xf32>
      %add3A_465 = arith.addf %mul3A_462, %add3A_464 : vector<1x256xf32>
      %slice3A_466 = vector.extract_strided_slice %get3A_449 {offsets = [0, 256], sizes = [1, 256], strides = [1, 1]} : vector<1x768xf32> to vector<1x256xf32>
      %slice3A_467 = vector.extract_strided_slice %dot_general3A_452 {offsets = [0, 256], sizes = [1, 256], strides = [1, 1]} : vector<1x768xf32> to vector<1x256xf32>
      %add3A_468 = arith.addf %slice3A_466, %slice3A_467 : vector<1x256xf32>
      %mul3A_469 = arith.constant 5.000000e-01 : f32
      %mul3A_470 = vector.broadcast %mul3A_469 : f32 to vector<1x256xf32>
      %mul3A_471 = arith.mulf %mul3A_470, %add3A_468 : vector<1x256xf32>
      %tanh3A_472 = math.tanh %mul3A_471 : vector<1x256xf32>
      %mul3A_473 = arith.constant 5.000000e-01 : f32
      %mul3A_474 = vector.broadcast %mul3A_473 : f32 to vector<1x256xf32>
      %mul3A_475 = arith.mulf %mul3A_474, %tanh3A_472 : vector<1x256xf32>
      %add3A_476 = arith.constant 5.000000e-01 : f32
      %add3A_477 = vector.broadcast %add3A_476 : f32 to vector<1x256xf32>
      %add3A_478 = arith.addf %mul3A_475, %add3A_477 : vector<1x256xf32>
      %slice3A_479 = vector.extract_strided_slice %get3A_449 {offsets = [0, 512], sizes = [1, 256], strides = [1, 1]} : vector<1x768xf32> to vector<1x256xf32>
      %slice3A_480 = vector.extract_strided_slice %dot_general3A_452 {offsets = [0, 512], sizes = [1, 256], strides = [1, 1]} : vector<1x768xf32> to vector<1x256xf32>
      %add3A_481 = arith.addf %slice3A_480, %get3A_6 : vector<1x256xf32>
      %mul3A_482 = arith.mulf %add3A_465, %add3A_481 : vector<1x256xf32>
      %add3A_483 = arith.addf %slice3A_479, %mul3A_482 : vector<1x256xf32>
      %tanh3A_484 = math.tanh %add3A_483 : vector<1x256xf32>
      %sub3A_485 = arith.subf %add3A_441, %tanh3A_484 : vector<1x256xf32>
      %mul3A_486 = arith.mulf %add3A_478, %sub3A_485 : vector<1x256xf32>
      %add3A_487 = arith.addf %tanh3A_484, %mul3A_486 : vector<1x256xf32>
      %swap3A_488 = arith.index_cast %add3A_446 : i32 to index
      %swap3A_489 = arith.constant 0 : index
      %swap3A_490 = vector.load %arg8[%swap3A_488, %swap3A_489] : memref<1024x256xf32, #tpu.memory_space<vmem>>, vector<1x256xf32>
      tpu.vector_store %arg8[%swap3A_488, %swap3A_489], %add3A_487 {strides = array<i32>} : memref<1024x256xf32, #tpu.memory_space<vmem>>, vector<1x256xf32>,
      %add3A_491 = arith.constant 10 : i32
      %add3A_492 = arith.addi %mul3A_34, %add3A_491 : i32
      %get3A_493 = arith.index_cast %add3A_492 : i32 to index
      %get3A_494 = arith.constant 0 : index
      %get3A_495 = vector.load %arg1[%get3A_493, %get3A_494] : memref<1024x768xf32, #tpu.memory_space<vmem>>, vector<1x768xf32>
      %convert_element_type3A_496 = arith.truncf %add3A_487 : vector<1x256xf32> to vector<1x256xbf16>
      %dot_general3A_497 = arith.constant dense<0.000000e+00> : vector<1x768xf32>
      %dot_general3A_498 = tpu.matmul %convert_element_type3A_496, %get3A_3, %dot_general3A_497 {dimension_numbers = #tpu.dot_dimension_numbers<[1], [0], [0], [1], [0, 0, 1, 1], [], []>, transpose_lhs_hint = false} : vector<1x256xbf16>, vector<256x768xbf16>, vector<1x768xf32> -> vector<1x768xf32>
      %slice3A_499 = vector.extract_strided_slice %get3A_495 {offsets = [0, 0], sizes = [1, 256], strides = [1, 1]} : vector<1x768xf32> to vector<1x256xf32>
      %slice3A_500 = vector.extract_strided_slice %dot_general3A_498 {offsets = [0, 0], sizes = [1, 256], strides = [1, 1]} : vector<1x768xf32> to vector<1x256xf32>
      %add3A_501 = arith.addf %slice3A_499, %slice3A_500 : vector<1x256xf32>
      %mul3A_502 = arith.constant 5.000000e-01 : f32
      %mul3A_503 = vector.broadcast %mul3A_502 : f32 to vector<1x256xf32>
      %mul3A_504 = arith.mulf %mul3A_503, %add3A_501 : vector<1x256xf32>
      %tanh3A_505 = math.tanh %mul3A_504 : vector<1x256xf32>
      %mul3A_506 = arith.constant 5.000000e-01 : f32
      %mul3A_507 = vector.broadcast %mul3A_506 : f32 to vector<1x256xf32>
      %mul3A_508 = arith.mulf %mul3A_507, %tanh3A_505 : vector<1x256xf32>
      %add3A_509 = arith.constant 5.000000e-01 : f32
      %add3A_510 = vector.broadcast %add3A_509 : f32 to vector<1x256xf32>
      %add3A_511 = arith.addf %mul3A_508, %add3A_510 : vector<1x256xf32>
      %slice3A_512 = vector.extract_strided_slice %get3A_495 {offsets = [0, 256], sizes = [1, 256], strides = [1, 1]} : vector<1x768xf32> to vector<1x256xf32>
      %slice3A_513 = vector.extract_strided_slice %dot_general3A_498 {offsets = [0, 256], sizes = [1, 256], strides = [1, 1]} : vector<1x768xf32> to vector<1x256xf32>
      %add3A_514 = arith.addf %slice3A_512, %slice3A_513 : vector<1x256xf32>
      %mul3A_515 = arith.constant 5.000000e-01 : f32
      %mul3A_516 = vector.broadcast %mul3A_515 : f32 to vector<1x256xf32>
      %mul3A_517 = arith.mulf %mul3A_516, %add3A_514 : vector<1x256xf32>
      %tanh3A_518 = math.tanh %mul3A_517 : vector<1x256xf32>
      %mul3A_519 = arith.constant 5.000000e-01 : f32
      %mul3A_520 = vector.broadcast %mul3A_519 : f32 to vector<1x256xf32>
      %mul3A_521 = arith.mulf %mul3A_520, %tanh3A_518 : vector<1x256xf32>
      %add3A_522 = arith.constant 5.000000e-01 : f32
      %add3A_523 = vector.broadcast %add3A_522 : f32 to vector<1x256xf32>
      %add3A_524 = arith.addf %mul3A_521, %add3A_523 : vector<1x256xf32>
      %slice3A_525 = vector.extract_strided_slice %get3A_495 {offsets = [0, 512], sizes = [1, 256], strides = [1, 1]} : vector<1x768xf32> to vector<1x256xf32>
      %slice3A_526 = vector.extract_strided_slice %dot_general3A_498 {offsets = [0, 512], sizes = [1, 256], strides = [1, 1]} : vector<1x768xf32> to vector<1x256xf32>
      %add3A_527 = arith.addf %slice3A_526, %get3A_6 : vector<1x256xf32>
      %mul3A_528 = arith.mulf %add3A_511, %add3A_527 : vector<1x256xf32>
      %add3A_529 = arith.addf %slice3A_525, %mul3A_528 : vector<1x256xf32>
      %tanh3A_530 = math.tanh %add3A_529 : vector<1x256xf32>
      %sub3A_531 = arith.subf %add3A_487, %tanh3A_530 : vector<1x256xf32>
      %mul3A_532 = arith.mulf %add3A_524, %sub3A_531 : vector<1x256xf32>
      %add3A_533 = arith.addf %tanh3A_530, %mul3A_532 : vector<1x256xf32>
      %swap3A_534 = arith.index_cast %add3A_492 : i32 to index
      %swap3A_535 = arith.constant 0 : index
      %swap3A_536 = vector.load %arg8[%swap3A_534, %swap3A_535] : memref<1024x256xf32, #tpu.memory_space<vmem>>, vector<1x256xf32>
      tpu.vector_store %arg8[%swap3A_534, %swap3A_535], %add3A_533 {strides = array<i32>} : memref<1024x256xf32, #tpu.memory_space<vmem>>, vector<1x256xf32>,
      %add3A_537 = arith.constant 11 : i32
      %add3A_538 = arith.addi %mul3A_34, %add3A_537 : i32
      %get3A_539 = arith.index_cast %add3A_538 : i32 to index
      %get3A_540 = arith.constant 0 : index
      %get3A_541 = vector.load %arg1[%get3A_539, %get3A_540] : memref<1024x768xf32, #tpu.memory_space<vmem>>, vector<1x768xf32>
      %convert_element_type3A_542 = arith.truncf %add3A_533 : vector<1x256xf32> to vector<1x256xbf16>
      %dot_general3A_543 = arith.constant dense<0.000000e+00> : vector<1x768xf32>
      %dot_general3A_544 = tpu.matmul %convert_element_type3A_542, %get3A_3, %dot_general3A_543 {dimension_numbers = #tpu.dot_dimension_numbers<[1], [0], [0], [1], [0, 0, 1, 1], [], []>, transpose_lhs_hint = false} : vector<1x256xbf16>, vector<256x768xbf16>, vector<1x768xf32> -> vector<1x768xf32>
      %slice3A_545 = vector.extract_strided_slice %get3A_541 {offsets = [0, 0], sizes = [1, 256], strides = [1, 1]} : vector<1x768xf32> to vector<1x256xf32>
      %slice3A_546 = vector.extract_strided_slice %dot_general3A_544 {offsets = [0, 0], sizes = [1, 256], strides = [1, 1]} : vector<1x768xf32> to vector<1x256xf32>
      %add3A_547 = arith.addf %slice3A_545, %slice3A_546 : vector<1x256xf32>
      %mul3A_548 = arith.constant 5.000000e-01 : f32
      %mul3A_549 = vector.broadcast %mul3A_548 : f32 to vector<1x256xf32>
      %mul3A_550 = arith.mulf %mul3A_549, %add3A_547 : vector<1x256xf32>
      %tanh3A_551 = math.tanh %mul3A_550 : vector<1x256xf32>
      %mul3A_552 = arith.constant 5.000000e-01 : f32
      %mul3A_553 = vector.broadcast %mul3A_552 : f32 to vector<1x256xf32>
      %mul3A_554 = arith.mulf %mul3A_553, %tanh3A_551 : vector<1x256xf32>
      %add3A_555 = arith.constant 5.000000e-01 : f32
      %add3A_556 = vector.broadcast %add3A_555 : f32 to vector<1x256xf32>
      %add3A_557 = arith.addf %mul3A_554, %add3A_556 : vector<1x256xf32>
      %slice3A_558 = vector.extract_strided_slice %get3A_541 {offsets = [0, 256], sizes = [1, 256], strides = [1, 1]} : vector<1x768xf32> to vector<1x256xf32>
      %slice3A_559 = vector.extract_strided_slice %dot_general3A_544 {offsets = [0, 256], sizes = [1, 256], strides = [1, 1]} : vector<1x768xf32> to vector<1x256xf32>
      %add3A_560 = arith.addf %slice3A_558, %slice3A_559 : vector<1x256xf32>
      %mul3A_561 = arith.constant 5.000000e-01 : f32
      %mul3A_562 = vector.broadcast %mul3A_561 : f32 to vector<1x256xf32>
      %mul3A_563 = arith.mulf %mul3A_562, %add3A_560 : vector<1x256xf32>
      %tanh3A_564 = math.tanh %mul3A_563 : vector<1x256xf32>
      %mul3A_565 = arith.constant 5.000000e-01 : f32
      %mul3A_566 = vector.broadcast %mul3A_565 : f32 to vector<1x256xf32>
      %mul3A_567 = arith.mulf %mul3A_566, %tanh3A_564 : vector<1x256xf32>
      %add3A_568 = arith.constant 5.000000e-01 : f32
      %add3A_569 = vector.broadcast %add3A_568 : f32 to vector<1x256xf32>
      %add3A_570 = arith.addf %mul3A_567, %add3A_569 : vector<1x256xf32>
      %slice3A_571 = vector.extract_strided_slice %get3A_541 {offsets = [0, 512], sizes = [1, 256], strides = [1, 1]} : vector<1x768xf32> to vector<1x256xf32>
      %slice3A_572 = vector.extract_strided_slice %dot_general3A_544 {offsets = [0, 512], sizes = [1, 256], strides = [1, 1]} : vector<1x768xf32> to vector<1x256xf32>
      %add3A_573 = arith.addf %slice3A_572, %get3A_6 : vector<1x256xf32>
      %mul3A_574 = arith.mulf %add3A_557, %add3A_573 : vector<1x256xf32>
      %add3A_575 = arith.addf %slice3A_571, %mul3A_574 : vector<1x256xf32>
      %tanh3A_576 = math.tanh %add3A_575 : vector<1x256xf32>
      %sub3A_577 = arith.subf %add3A_533, %tanh3A_576 : vector<1x256xf32>
      %mul3A_578 = arith.mulf %add3A_570, %sub3A_577 : vector<1x256xf32>
      %add3A_579 = arith.addf %tanh3A_576, %mul3A_578 : vector<1x256xf32>
      %swap3A_580 = arith.index_cast %add3A_538 : i32 to index
      %swap3A_581 = arith.constant 0 : index
      %swap3A_582 = vector.load %arg8[%swap3A_580, %swap3A_581] : memref<1024x256xf32, #tpu.memory_space<vmem>>, vector<1x256xf32>
      tpu.vector_store %arg8[%swap3A_580, %swap3A_581], %add3A_579 {strides = array<i32>} : memref<1024x256xf32, #tpu.memory_space<vmem>>, vector<1x256xf32>,
      %add3A_583 = arith.constant 12 : i32
      %add3A_584 = arith.addi %mul3A_34, %add3A_583 : i32
      %get3A_585 = arith.index_cast %add3A_584 : i32 to index
      %get3A_586 = arith.constant 0 : index
      %get3A_587 = vector.load %arg1[%get3A_585, %get3A_586] : memref<1024x768xf32, #tpu.memory_space<vmem>>, vector<1x768xf32>
      %convert_element_type3A_588 = arith.truncf %add3A_579 : vector<1x256xf32> to vector<1x256xbf16>
      %dot_general3A_589 = arith.constant dense<0.000000e+00> : vector<1x768xf32>
      %dot_general3A_590 = tpu.matmul %convert_element_type3A_588, %get3A_3, %dot_general3A_589 {dimension_numbers = #tpu.dot_dimension_numbers<[1], [0], [0], [1], [0, 0, 1, 1], [], []>, transpose_lhs_hint = false} : vector<1x256xbf16>, vector<256x768xbf16>, vector<1x768xf32> -> vector<1x768xf32>
      %slice3A_591 = vector.extract_strided_slice %get3A_587 {offsets = [0, 0], sizes = [1, 256], strides = [1, 1]} : vector<1x768xf32> to vector<1x256xf32>
      %slice3A_592 = vector.extract_strided_slice %dot_general3A_590 {offsets = [0, 0], sizes = [1, 256], strides = [1, 1]} : vector<1x768xf32> to vector<1x256xf32>
      %add3A_593 = arith.addf %slice3A_591, %slice3A_592 : vector<1x256xf32>
      %mul3A_594 = arith.constant 5.000000e-01 : f32
      %mul3A_595 = vector.broadcast %mul3A_594 : f32 to vector<1x256xf32>
      %mul3A_596 = arith.mulf %mul3A_595, %add3A_593 : vector<1x256xf32>
      %tanh3A_597 = math.tanh %mul3A_596 : vector<1x256xf32>
      %mul3A_598 = arith.constant 5.000000e-01 : f32
      %mul3A_599 = vector.broadcast %mul3A_598 : f32 to vector<1x256xf32>
      %mul3A_600 = arith.mulf %mul3A_599, %tanh3A_597 : vector<1x256xf32>
      %add3A_601 = arith.constant 5.000000e-01 : f32
      %add3A_602 = vector.broadcast %add3A_601 : f32 to vector<1x256xf32>
      %add3A_603 = arith.addf %mul3A_600, %add3A_602 : vector<1x256xf32>
      %slice3A_604 = vector.extract_strided_slice %get3A_587 {offsets = [0, 256], sizes = [1, 256], strides = [1, 1]} : vector<1x768xf32> to vector<1x256xf32>
      %slice3A_605 = vector.extract_strided_slice %dot_general3A_590 {offsets = [0, 256], sizes = [1, 256], strides = [1, 1]} : vector<1x768xf32> to vector<1x256xf32>
      %add3A_606 = arith.addf %slice3A_604, %slice3A_605 : vector<1x256xf32>
      %mul3A_607 = arith.constant 5.000000e-01 : f32
      %mul3A_608 = vector.broadcast %mul3A_607 : f32 to vector<1x256xf32>
      %mul3A_609 = arith.mulf %mul3A_608, %add3A_606 : vector<1x256xf32>
      %tanh3A_610 = math.tanh %mul3A_609 : vector<1x256xf32>
      %mul3A_611 = arith.constant 5.000000e-01 : f32
      %mul3A_612 = vector.broadcast %mul3A_611 : f32 to vector<1x256xf32>
      %mul3A_613 = arith.mulf %mul3A_612, %tanh3A_610 : vector<1x256xf32>
      %add3A_614 = arith.constant 5.000000e-01 : f32
      %add3A_615 = vector.broadcast %add3A_614 : f32 to vector<1x256xf32>
      %add3A_616 = arith.addf %mul3A_613, %add3A_615 : vector<1x256xf32>
      %slice3A_617 = vector.extract_strided_slice %get3A_587 {offsets = [0, 512], sizes = [1, 256], strides = [1, 1]} : vector<1x768xf32> to vector<1x256xf32>
      %slice3A_618 = vector.extract_strided_slice %dot_general3A_590 {offsets = [0, 512], sizes = [1, 256], strides = [1, 1]} : vector<1x768xf32> to vector<1x256xf32>
      %add3A_619 = arith.addf %slice3A_618, %get3A_6 : vector<1x256xf32>
      %mul3A_620 = arith.mulf %add3A_603, %add3A_619 : vector<1x256xf32>
      %add3A_621 = arith.addf %slice3A_617, %mul3A_620 : vector<1x256xf32>
      %tanh3A_622 = math.tanh %add3A_621 : vector<1x256xf32>
      %sub3A_623 = arith.subf %add3A_579, %tanh3A_622 : vector<1x256xf32>
      %mul3A_624 = arith.mulf %add3A_616, %sub3A_623 : vector<1x256xf32>
      %add3A_625 = arith.addf %tanh3A_622, %mul3A_624 : vector<1x256xf32>
      %swap3A_626 = arith.index_cast %add3A_584 : i32 to index
      %swap3A_627 = arith.constant 0 : index
      %swap3A_628 = vector.load %arg8[%swap3A_626, %swap3A_627] : memref<1024x256xf32, #tpu.memory_space<vmem>>, vector<1x256xf32>
      tpu.vector_store %arg8[%swap3A_626, %swap3A_627], %add3A_625 {strides = array<i32>} : memref<1024x256xf32, #tpu.memory_space<vmem>>, vector<1x256xf32>,
      %add3A_629 = arith.constant 13 : i32
      %add3A_630 = arith.addi %mul3A_34, %add3A_629 : i32
      %get3A_631 = arith.index_cast %add3A_630 : i32 to index
      %get3A_632 = arith.constant 0 : index
      %get3A_633 = vector.load %arg1[%get3A_631, %get3A_632] : memref<1024x768xf32, #tpu.memory_space<vmem>>, vector<1x768xf32>
      %convert_element_type3A_634 = arith.truncf %add3A_625 : vector<1x256xf32> to vector<1x256xbf16>
      %dot_general3A_635 = arith.constant dense<0.000000e+00> : vector<1x768xf32>
      %dot_general3A_636 = tpu.matmul %convert_element_type3A_634, %get3A_3, %dot_general3A_635 {dimension_numbers = #tpu.dot_dimension_numbers<[1], [0], [0], [1], [0, 0, 1, 1], [], []>, transpose_lhs_hint = false} : vector<1x256xbf16>, vector<256x768xbf16>, vector<1x768xf32> -> vector<1x768xf32>
      %slice3A_637 = vector.extract_strided_slice %get3A_633 {offsets = [0, 0], sizes = [1, 256], strides = [1, 1]} : vector<1x768xf32> to vector<1x256xf32>
      %slice3A_638 = vector.extract_strided_slice %dot_general3A_636 {offsets = [0, 0], sizes = [1, 256], strides = [1, 1]} : vector<1x768xf32> to vector<1x256xf32>
      %add3A_639 = arith.addf %slice3A_637, %slice3A_638 : vector<1x256xf32>
      %mul3A_640 = arith.constant 5.000000e-01 : f32
      %mul3A_641 = vector.broadcast %mul3A_640 : f32 to vector<1x256xf32>
      %mul3A_642 = arith.mulf %mul3A_641, %add3A_639 : vector<1x256xf32>
      %tanh3A_643 = math.tanh %mul3A_642 : vector<1x256xf32>
      %mul3A_644 = arith.constant 5.000000e-01 : f32
      %mul3A_645 = vector.broadcast %mul3A_644 : f32 to vector<1x256xf32>
      %mul3A_646 = arith.mulf %mul3A_645, %tanh3A_643 : vector<1x256xf32>
      %add3A_647 = arith.constant 5.000000e-01 : f32
      %add3A_648 = vector.broadcast %add3A_647 : f32 to vector<1x256xf32>
      %add3A_649 = arith.addf %mul3A_646, %add3A_648 : vector<1x256xf32>
      %slice3A_650 = vector.extract_strided_slice %get3A_633 {offsets = [0, 256], sizes = [1, 256], strides = [1, 1]} : vector<1x768xf32> to vector<1x256xf32>
      %slice3A_651 = vector.extract_strided_slice %dot_general3A_636 {offsets = [0, 256], sizes = [1, 256], strides = [1, 1]} : vector<1x768xf32> to vector<1x256xf32>
      %add3A_652 = arith.addf %slice3A_650, %slice3A_651 : vector<1x256xf32>
      %mul3A_653 = arith.constant 5.000000e-01 : f32
      %mul3A_654 = vector.broadcast %mul3A_653 : f32 to vector<1x256xf32>
      %mul3A_655 = arith.mulf %mul3A_654, %add3A_652 : vector<1x256xf32>
      %tanh3A_656 = math.tanh %mul3A_655 : vector<1x256xf32>
      %mul3A_657 = arith.constant 5.000000e-01 : f32
      %mul3A_658 = vector.broadcast %mul3A_657 : f32 to vector<1x256xf32>
      %mul3A_659 = arith.mulf %mul3A_658, %tanh3A_656 : vector<1x256xf32>
      %add3A_660 = arith.constant 5.000000e-01 : f32
      %add3A_661 = vector.broadcast %add3A_660 : f32 to vector<1x256xf32>
      %add3A_662 = arith.addf %mul3A_659, %add3A_661 : vector<1x256xf32>
      %slice3A_663 = vector.extract_strided_slice %get3A_633 {offsets = [0, 512], sizes = [1, 256], strides = [1, 1]} : vector<1x768xf32> to vector<1x256xf32>
      %slice3A_664 = vector.extract_strided_slice %dot_general3A_636 {offsets = [0, 512], sizes = [1, 256], strides = [1, 1]} : vector<1x768xf32> to vector<1x256xf32>
      %add3A_665 = arith.addf %slice3A_664, %get3A_6 : vector<1x256xf32>
      %mul3A_666 = arith.mulf %add3A_649, %add3A_665 : vector<1x256xf32>
      %add3A_667 = arith.addf %slice3A_663, %mul3A_666 : vector<1x256xf32>
      %tanh3A_668 = math.tanh %add3A_667 : vector<1x256xf32>
      %sub3A_669 = arith.subf %add3A_625, %tanh3A_668 : vector<1x256xf32>
      %mul3A_670 = arith.mulf %add3A_662, %sub3A_669 : vector<1x256xf32>
      %add3A_671 = arith.addf %tanh3A_668, %mul3A_670 : vector<1x256xf32>
      %swap3A_672 = arith.index_cast %add3A_630 : i32 to index
      %swap3A_673 = arith.constant 0 : index
      %swap3A_674 = vector.load %arg8[%swap3A_672, %swap3A_673] : memref<1024x256xf32, #tpu.memory_space<vmem>>, vector<1x256xf32>
      tpu.vector_store %arg8[%swap3A_672, %swap3A_673], %add3A_671 {strides = array<i32>} : memref<1024x256xf32, #tpu.memory_space<vmem>>, vector<1x256xf32>,
      %add3A_675 = arith.constant 14 : i32
      %add3A_676 = arith.addi %mul3A_34, %add3A_675 : i32
      %get3A_677 = arith.index_cast %add3A_676 : i32 to index
      %get3A_678 = arith.constant 0 : index
      %get3A_679 = vector.load %arg1[%get3A_677, %get3A_678] : memref<1024x768xf32, #tpu.memory_space<vmem>>, vector<1x768xf32>
      %convert_element_type3A_680 = arith.truncf %add3A_671 : vector<1x256xf32> to vector<1x256xbf16>
      %dot_general3A_681 = arith.constant dense<0.000000e+00> : vector<1x768xf32>
      %dot_general3A_682 = tpu.matmul %convert_element_type3A_680, %get3A_3, %dot_general3A_681 {dimension_numbers = #tpu.dot_dimension_numbers<[1], [0], [0], [1], [0, 0, 1, 1], [], []>, transpose_lhs_hint = false} : vector<1x256xbf16>, vector<256x768xbf16>, vector<1x768xf32> -> vector<1x768xf32>
      %slice3A_683 = vector.extract_strided_slice %get3A_679 {offsets = [0, 0], sizes = [1, 256], strides = [1, 1]} : vector<1x768xf32> to vector<1x256xf32>
      %slice3A_684 = vector.extract_strided_slice %dot_general3A_682 {offsets = [0, 0], sizes = [1, 256], strides = [1, 1]} : vector<1x768xf32> to vector<1x256xf32>
      %add3A_685 = arith.addf %slice3A_683, %slice3A_684 : vector<1x256xf32>
      %mul3A_686 = arith.constant 5.000000e-01 : f32
      %mul3A_687 = vector.broadcast %mul3A_686 : f32 to vector<1x256xf32>
      %mul3A_688 = arith.mulf %mul3A_687, %add3A_685 : vector<1x256xf32>
      %tanh3A_689 = math.tanh %mul3A_688 : vector<1x256xf32>
      %mul3A_690 = arith.constant 5.000000e-01 : f32
      %mul3A_691 = vector.broadcast %mul3A_690 : f32 to vector<1x256xf32>
      %mul3A_692 = arith.mulf %mul3A_691, %tanh3A_689 : vector<1x256xf32>
      %add3A_693 = arith.constant 5.000000e-01 : f32
      %add3A_694 = vector.broadcast %add3A_693 : f32 to vector<1x256xf32>
      %add3A_695 = arith.addf %mul3A_692, %add3A_694 : vector<1x256xf32>
      %slice3A_696 = vector.extract_strided_slice %get3A_679 {offsets = [0, 256], sizes = [1, 256], strides = [1, 1]} : vector<1x768xf32> to vector<1x256xf32>
      %slice3A_697 = vector.extract_strided_slice %dot_general3A_682 {offsets = [0, 256], sizes = [1, 256], strides = [1, 1]} : vector<1x768xf32> to vector<1x256xf32>
      %add3A_698 = arith.addf %slice3A_696, %slice3A_697 : vector<1x256xf32>
      %mul3A_699 = arith.constant 5.000000e-01 : f32
      %mul3A_700 = vector.broadcast %mul3A_699 : f32 to vector<1x256xf32>
      %mul3A_701 = arith.mulf %mul3A_700, %add3A_698 : vector<1x256xf32>
      %tanh3A_702 = math.tanh %mul3A_701 : vector<1x256xf32>
      %mul3A_703 = arith.constant 5.000000e-01 : f32
      %mul3A_704 = vector.broadcast %mul3A_703 : f32 to vector<1x256xf32>
      %mul3A_705 = arith.mulf %mul3A_704, %tanh3A_702 : vector<1x256xf32>
      %add3A_706 = arith.constant 5.000000e-01 : f32
      %add3A_707 = vector.broadcast %add3A_706 : f32 to vector<1x256xf32>
      %add3A_708 = arith.addf %mul3A_705, %add3A_707 : vector<1x256xf32>
      %slice3A_709 = vector.extract_strided_slice %get3A_679 {offsets = [0, 512], sizes = [1, 256], strides = [1, 1]} : vector<1x768xf32> to vector<1x256xf32>
      %slice3A_710 = vector.extract_strided_slice %dot_general3A_682 {offsets = [0, 512], sizes = [1, 256], strides = [1, 1]} : vector<1x768xf32> to vector<1x256xf32>
      %add3A_711 = arith.addf %slice3A_710, %get3A_6 : vector<1x256xf32>
      %mul3A_712 = arith.mulf %add3A_695, %add3A_711 : vector<1x256xf32>
      %add3A_713 = arith.addf %slice3A_709, %mul3A_712 : vector<1x256xf32>
      %tanh3A_714 = math.tanh %add3A_713 : vector<1x256xf32>
      %sub3A_715 = arith.subf %add3A_671, %tanh3A_714 : vector<1x256xf32>
      %mul3A_716 = arith.mulf %add3A_708, %sub3A_715 : vector<1x256xf32>
      %add3A_717 = arith.addf %tanh3A_714, %mul3A_716 : vector<1x256xf32>
      %swap3A_718 = arith.index_cast %add3A_676 : i32 to index
      %swap3A_719 = arith.constant 0 : index
      %swap3A_720 = vector.load %arg8[%swap3A_718, %swap3A_719] : memref<1024x256xf32, #tpu.memory_space<vmem>>, vector<1x256xf32>
      tpu.vector_store %arg8[%swap3A_718, %swap3A_719], %add3A_717 {strides = array<i32>} : memref<1024x256xf32, #tpu.memory_space<vmem>>, vector<1x256xf32>,
      %add3A_721 = arith.constant 15 : i32
      %add3A_722 = arith.addi %mul3A_34, %add3A_721 : i32
      %get3A_723 = arith.index_cast %add3A_722 : i32 to index
      %get3A_724 = arith.constant 0 : index
      %get3A_725 = vector.load %arg1[%get3A_723, %get3A_724] : memref<1024x768xf32, #tpu.memory_space<vmem>>, vector<1x768xf32>
      %convert_element_type3A_726 = arith.truncf %add3A_717 : vector<1x256xf32> to vector<1x256xbf16>
      %dot_general3A_727 = arith.constant dense<0.000000e+00> : vector<1x768xf32>
      %dot_general3A_728 = tpu.matmul %convert_element_type3A_726, %get3A_3, %dot_general3A_727 {dimension_numbers = #tpu.dot_dimension_numbers<[1], [0], [0], [1], [0, 0, 1, 1], [], []>, transpose_lhs_hint = false} : vector<1x256xbf16>, vector<256x768xbf16>, vector<1x768xf32> -> vector<1x768xf32>
      %slice3A_729 = vector.extract_strided_slice %get3A_725 {offsets = [0, 0], sizes = [1, 256], strides = [1, 1]} : vector<1x768xf32> to vector<1x256xf32>
      %slice3A_730 = vector.extract_strided_slice %dot_general3A_728 {offsets = [0, 0], sizes = [1, 256], strides = [1, 1]} : vector<1x768xf32> to vector<1x256xf32>
      %add3A_731 = arith.addf %slice3A_729, %slice3A_730 : vector<1x256xf32>
      %mul3A_732 = arith.constant 5.000000e-01 : f32
      %mul3A_733 = vector.broadcast %mul3A_732 : f32 to vector<1x256xf32>
      %mul3A_734 = arith.mulf %mul3A_733, %add3A_731 : vector<1x256xf32>
      %tanh3A_735 = math.tanh %mul3A_734 : vector<1x256xf32>
      %mul3A_736 = arith.constant 5.000000e-01 : f32
      %mul3A_737 = vector.broadcast %mul3A_736 : f32 to vector<1x256xf32>
      %mul3A_738 = arith.mulf %mul3A_737, %tanh3A_735 : vector<1x256xf32>
      %add3A_739 = arith.constant 5.000000e-01 : f32
      %add3A_740 = vector.broadcast %add3A_739 : f32 to vector<1x256xf32>
      %add3A_741 = arith.addf %mul3A_738, %add3A_740 : vector<1x256xf32>
      %slice3A_742 = vector.extract_strided_slice %get3A_725 {offsets = [0, 256], sizes = [1, 256], strides = [1, 1]} : vector<1x768xf32> to vector<1x256xf32>
      %slice3A_743 = vector.extract_strided_slice %dot_general3A_728 {offsets = [0, 256], sizes = [1, 256], strides = [1, 1]} : vector<1x768xf32> to vector<1x256xf32>
      %add3A_744 = arith.addf %slice3A_742, %slice3A_743 : vector<1x256xf32>
      %mul3A_745 = arith.constant 5.000000e-01 : f32
      %mul3A_746 = vector.broadcast %mul3A_745 : f32 to vector<1x256xf32>
      %mul3A_747 = arith.mulf %mul3A_746, %add3A_744 : vector<1x256xf32>
      %tanh3A_748 = math.tanh %mul3A_747 : vector<1x256xf32>
      %mul3A_749 = arith.constant 5.000000e-01 : f32
      %mul3A_750 = vector.broadcast %mul3A_749 : f32 to vector<1x256xf32>
      %mul3A_751 = arith.mulf %mul3A_750, %tanh3A_748 : vector<1x256xf32>
      %add3A_752 = arith.constant 5.000000e-01 : f32
      %add3A_753 = vector.broadcast %add3A_752 : f32 to vector<1x256xf32>
      %add3A_754 = arith.addf %mul3A_751, %add3A_753 : vector<1x256xf32>
      %slice3A_755 = vector.extract_strided_slice %get3A_725 {offsets = [0, 512], sizes = [1, 256], strides = [1, 1]} : vector<1x768xf32> to vector<1x256xf32>
      %slice3A_756 = vector.extract_strided_slice %dot_general3A_728 {offsets = [0, 512], sizes = [1, 256], strides = [1, 1]} : vector<1x768xf32> to vector<1x256xf32>
      %add3A_757 = arith.addf %slice3A_756, %get3A_6 : vector<1x256xf32>
      %mul3A_758 = arith.mulf %add3A_741, %add3A_757 : vector<1x256xf32>
      %add3A_759 = arith.addf %slice3A_755, %mul3A_758 : vector<1x256xf32>
      %tanh3A_760 = math.tanh %add3A_759 : vector<1x256xf32>
      %sub3A_761 = arith.subf %add3A_717, %tanh3A_760 : vector<1x256xf32>
      %mul3A_762 = arith.mulf %add3A_754, %sub3A_761 : vector<1x256xf32>
      %add3A_763 = arith.addf %tanh3A_760, %mul3A_762 : vector<1x256xf32>
      %swap3A_764 = arith.index_cast %add3A_722 : i32 to index
      %swap3A_765 = arith.constant 0 : index
      %swap3A_766 = vector.load %arg8[%swap3A_764, %swap3A_765] : memref<1024x256xf32, #tpu.memory_space<vmem>>, vector<1x256xf32>
      tpu.vector_store %arg8[%swap3A_764, %swap3A_765], %add3A_763 {strides = array<i32>} : memref<1024x256xf32, #tpu.memory_space<vmem>>, vector<1x256xf32>,
      %add3A_767 = arith.constant 16 : i32
      %add3A_768 = arith.addi %mul3A_34, %add3A_767 : i32
      %get3A_769 = arith.index_cast %add3A_768 : i32 to index
      %get3A_770 = arith.constant 0 : index
      %get3A_771 = vector.load %arg1[%get3A_769, %get3A_770] : memref<1024x768xf32, #tpu.memory_space<vmem>>, vector<1x768xf32>
      %convert_element_type3A_772 = arith.truncf %add3A_763 : vector<1x256xf32> to vector<1x256xbf16>
      %dot_general3A_773 = arith.constant dense<0.000000e+00> : vector<1x768xf32>
      %dot_general3A_774 = tpu.matmul %convert_element_type3A_772, %get3A_3, %dot_general3A_773 {dimension_numbers = #tpu.dot_dimension_numbers<[1], [0], [0], [1], [0, 0, 1, 1], [], []>, transpose_lhs_hint = false} : vector<1x256xbf16>, vector<256x768xbf16>, vector<1x768xf32> -> vector<1x768xf32>
      %slice3A_775 = vector.extract_strided_slice %get3A_771 {offsets = [0, 0], sizes = [1, 256], strides = [1, 1]} : vector<1x768xf32> to vector<1x256xf32>
      %slice3A_776 = vector.extract_strided_slice %dot_general3A_774 {offsets = [0, 0], sizes = [1, 256], strides = [1, 1]} : vector<1x768xf32> to vector<1x256xf32>
      %add3A_777 = arith.addf %slice3A_775, %slice3A_776 : vector<1x256xf32>
      %mul3A_778 = arith.constant 5.000000e-01 : f32
      %mul3A_779 = vector.broadcast %mul3A_778 : f32 to vector<1x256xf32>
      %mul3A_780 = arith.mulf %mul3A_779, %add3A_777 : vector<1x256xf32>
      %tanh3A_781 = math.tanh %mul3A_780 : vector<1x256xf32>
      %mul3A_782 = arith.constant 5.000000e-01 : f32
      %mul3A_783 = vector.broadcast %mul3A_782 : f32 to vector<1x256xf32>
      %mul3A_784 = arith.mulf %mul3A_783, %tanh3A_781 : vector<1x256xf32>
      %add3A_785 = arith.constant 5.000000e-01 : f32
      %add3A_786 = vector.broadcast %add3A_785 : f32 to vector<1x256xf32>
      %add3A_787 = arith.addf %mul3A_784, %add3A_786 : vector<1x256xf32>
      %slice3A_788 = vector.extract_strided_slice %get3A_771 {offsets = [0, 256], sizes = [1, 256], strides = [1, 1]} : vector<1x768xf32> to vector<1x256xf32>
      %slice3A_789 = vector.extract_strided_slice %dot_general3A_774 {offsets = [0, 256], sizes = [1, 256], strides = [1, 1]} : vector<1x768xf32> to vector<1x256xf32>
      %add3A_790 = arith.addf %slice3A_788, %slice3A_789 : vector<1x256xf32>
      %mul3A_791 = arith.constant 5.000000e-01 : f32
      %mul3A_792 = vector.broadcast %mul3A_791 : f32 to vector<1x256xf32>
      %mul3A_793 = arith.mulf %mul3A_792, %add3A_790 : vector<1x256xf32>
      %tanh3A_794 = math.tanh %mul3A_793 : vector<1x256xf32>
      %mul3A_795 = arith.constant 5.000000e-01 : f32
      %mul3A_796 = vector.broadcast %mul3A_795 : f32 to vector<1x256xf32>
      %mul3A_797 = arith.mulf %mul3A_796, %tanh3A_794 : vector<1x256xf32>
      %add3A_798 = arith.constant 5.000000e-01 : f32
      %add3A_799 = vector.broadcast %add3A_798 : f32 to vector<1x256xf32>
      %add3A_800 = arith.addf %mul3A_797, %add3A_799 : vector<1x256xf32>
      %slice3A_801 = vector.extract_strided_slice %get3A_771 {offsets = [0, 512], sizes = [1, 256], strides = [1, 1]} : vector<1x768xf32> to vector<1x256xf32>
      %slice3A_802 = vector.extract_strided_slice %dot_general3A_774 {offsets = [0, 512], sizes = [1, 256], strides = [1, 1]} : vector<1x768xf32> to vector<1x256xf32>
      %add3A_803 = arith.addf %slice3A_802, %get3A_6 : vector<1x256xf32>
      %mul3A_804 = arith.mulf %add3A_787, %add3A_803 : vector<1x256xf32>
      %add3A_805 = arith.addf %slice3A_801, %mul3A_804 : vector<1x256xf32>
      %tanh3A_806 = math.tanh %add3A_805 : vector<1x256xf32>
      %sub3A_807 = arith.subf %add3A_763, %tanh3A_806 : vector<1x256xf32>
      %mul3A_808 = arith.mulf %add3A_800, %sub3A_807 : vector<1x256xf32>
      %add3A_809 = arith.addf %tanh3A_806, %mul3A_808 : vector<1x256xf32>
      %swap3A_810 = arith.index_cast %add3A_768 : i32 to index
      %swap3A_811 = arith.constant 0 : index
      %swap3A_812 = vector.load %arg8[%swap3A_810, %swap3A_811] : memref<1024x256xf32, #tpu.memory_space<vmem>>, vector<1x256xf32>
      tpu.vector_store %arg8[%swap3A_810, %swap3A_811], %add3A_809 {strides = array<i32>} : memref<1024x256xf32, #tpu.memory_space<vmem>>, vector<1x256xf32>,
      %add3A_813 = arith.constant 17 : i32
      %add3A_814 = arith.addi %mul3A_34, %add3A_813 : i32
      %get3A_815 = arith.index_cast %add3A_814 : i32 to index
      %get3A_816 = arith.constant 0 : index
      %get3A_817 = vector.load %arg1[%get3A_815, %get3A_816] : memref<1024x768xf32, #tpu.memory_space<vmem>>, vector<1x768xf32>
      %convert_element_type3A_818 = arith.truncf %add3A_809 : vector<1x256xf32> to vector<1x256xbf16>
      %dot_general3A_819 = arith.constant dense<0.000000e+00> : vector<1x768xf32>
      %dot_general3A_820 = tpu.matmul %convert_element_type3A_818, %get3A_3, %dot_general3A_819 {dimension_numbers = #tpu.dot_dimension_numbers<[1], [0], [0], [1], [0, 0, 1, 1], [], []>, transpose_lhs_hint = false} : vector<1x256xbf16>, vector<256x768xbf16>, vector<1x768xf32> -> vector<1x768xf32>
      %slice3A_821 = vector.extract_strided_slice %get3A_817 {offsets = [0, 0], sizes = [1, 256], strides = [1, 1]} : vector<1x768xf32> to vector<1x256xf32>
      %slice3A_822 = vector.extract_strided_slice %dot_general3A_820 {offsets = [0, 0], sizes = [1, 256], strides = [1, 1]} : vector<1x768xf32> to vector<1x256xf32>
      %add3A_823 = arith.addf %slice3A_821, %slice3A_822 : vector<1x256xf32>
      %mul3A_824 = arith.constant 5.000000e-01 : f32
      %mul3A_825 = vector.broadcast %mul3A_824 : f32 to vector<1x256xf32>
      %mul3A_826 = arith.mulf %mul3A_825, %add3A_823 : vector<1x256xf32>
      %tanh3A_827 = math.tanh %mul3A_826 : vector<1x256xf32>
      %mul3A_828 = arith.constant 5.000000e-01 : f32
      %mul3A_829 = vector.broadcast %mul3A_828 : f32 to vector<1x256xf32>
      %mul3A_830 = arith.mulf %mul3A_829, %tanh3A_827 : vector<1x256xf32>
      %add3A_831 = arith.constant 5.000000e-01 : f32
      %add3A_832 = vector.broadcast %add3A_831 : f32 to vector<1x256xf32>
      %add3A_833 = arith.addf %mul3A_830, %add3A_832 : vector<1x256xf32>
      %slice3A_834 = vector.extract_strided_slice %get3A_817 {offsets = [0, 256], sizes = [1, 256], strides = [1, 1]} : vector<1x768xf32> to vector<1x256xf32>
      %slice3A_835 = vector.extract_strided_slice %dot_general3A_820 {offsets = [0, 256], sizes = [1, 256], strides = [1, 1]} : vector<1x768xf32> to vector<1x256xf32>
      %add3A_836 = arith.addf %slice3A_834, %slice3A_835 : vector<1x256xf32>
      %mul3A_837 = arith.constant 5.000000e-01 : f32
      %mul3A_838 = vector.broadcast %mul3A_837 : f32 to vector<1x256xf32>
      %mul3A_839 = arith.mulf %mul3A_838, %add3A_836 : vector<1x256xf32>
      %tanh3A_840 = math.tanh %mul3A_839 : vector<1x256xf32>
      %mul3A_841 = arith.constant 5.000000e-01 : f32
      %mul3A_842 = vector.broadcast %mul3A_841 : f32 to vector<1x256xf32>
      %mul3A_843 = arith.mulf %mul3A_842, %tanh3A_840 : vector<1x256xf32>
      %add3A_844 = arith.constant 5.000000e-01 : f32
      %add3A_845 = vector.broadcast %add3A_844 : f32 to vector<1x256xf32>
      %add3A_846 = arith.addf %mul3A_843, %add3A_845 : vector<1x256xf32>
      %slice3A_847 = vector.extract_strided_slice %get3A_817 {offsets = [0, 512], sizes = [1, 256], strides = [1, 1]} : vector<1x768xf32> to vector<1x256xf32>
      %slice3A_848 = vector.extract_strided_slice %dot_general3A_820 {offsets = [0, 512], sizes = [1, 256], strides = [1, 1]} : vector<1x768xf32> to vector<1x256xf32>
      %add3A_849 = arith.addf %slice3A_848, %get3A_6 : vector<1x256xf32>
      %mul3A_850 = arith.mulf %add3A_833, %add3A_849 : vector<1x256xf32>
      %add3A_851 = arith.addf %slice3A_847, %mul3A_850 : vector<1x256xf32>
      %tanh3A_852 = math.tanh %add3A_851 : vector<1x256xf32>
      %sub3A_853 = arith.subf %add3A_809, %tanh3A_852 : vector<1x256xf32>
      %mul3A_854 = arith.mulf %add3A_846, %sub3A_853 : vector<1x256xf32>
      %add3A_855 = arith.addf %tanh3A_852, %mul3A_854 : vector<1x256xf32>
      %swap3A_856 = arith.index_cast %add3A_814 : i32 to index
      %swap3A_857 = arith.constant 0 : index
      %swap3A_858 = vector.load %arg8[%swap3A_856, %swap3A_857] : memref<1024x256xf32, #tpu.memory_space<vmem>>, vector<1x256xf32>
      tpu.vector_store %arg8[%swap3A_856, %swap3A_857], %add3A_855 {strides = array<i32>} : memref<1024x256xf32, #tpu.memory_space<vmem>>, vector<1x256xf32>,
      %add3A_859 = arith.constant 18 : i32
      %add3A_860 = arith.addi %mul3A_34, %add3A_859 : i32
      %get3A_861 = arith.index_cast %add3A_860 : i32 to index
      %get3A_862 = arith.constant 0 : index
      %get3A_863 = vector.load %arg1[%get3A_861, %get3A_862] : memref<1024x768xf32, #tpu.memory_space<vmem>>, vector<1x768xf32>
      %convert_element_type3A_864 = arith.truncf %add3A_855 : vector<1x256xf32> to vector<1x256xbf16>
      %dot_general3A_865 = arith.constant dense<0.000000e+00> : vector<1x768xf32>
      %dot_general3A_866 = tpu.matmul %convert_element_type3A_864, %get3A_3, %dot_general3A_865 {dimension_numbers = #tpu.dot_dimension_numbers<[1], [0], [0], [1], [0, 0, 1, 1], [], []>, transpose_lhs_hint = false} : vector<1x256xbf16>, vector<256x768xbf16>, vector<1x768xf32> -> vector<1x768xf32>
      %slice3A_867 = vector.extract_strided_slice %get3A_863 {offsets = [0, 0], sizes = [1, 256], strides = [1, 1]} : vector<1x768xf32> to vector<1x256xf32>
      %slice3A_868 = vector.extract_strided_slice %dot_general3A_866 {offsets = [0, 0], sizes = [1, 256], strides = [1, 1]} : vector<1x768xf32> to vector<1x256xf32>
      %add3A_869 = arith.addf %slice3A_867, %slice3A_868 : vector<1x256xf32>
      %mul3A_870 = arith.constant 5.000000e-01 : f32
      %mul3A_871 = vector.broadcast %mul3A_870 : f32 to vector<1x256xf32>
      %mul3A_872 = arith.mulf %mul3A_871, %add3A_869 : vector<1x256xf32>
      %tanh3A_873 = math.tanh %mul3A_872 : vector<1x256xf32>
      %mul3A_874 = arith.constant 5.000000e-01 : f32
      %mul3A_875 = vector.broadcast %mul3A_874 : f32 to vector<1x256xf32>
      %mul3A_876 = arith.mulf %mul3A_875, %tanh3A_873 : vector<1x256xf32>
      %add3A_877 = arith.constant 5.000000e-01 : f32
      %add3A_878 = vector.broadcast %add3A_877 : f32 to vector<1x256xf32>
      %add3A_879 = arith.addf %mul3A_876, %add3A_878 : vector<1x256xf32>
      %slice3A_880 = vector.extract_strided_slice %get3A_863 {offsets = [0, 256], sizes = [1, 256], strides = [1, 1]} : vector<1x768xf32> to vector<1x256xf32>
      %slice3A_881 = vector.extract_strided_slice %dot_general3A_866 {offsets = [0, 256], sizes = [1, 256], strides = [1, 1]} : vector<1x768xf32> to vector<1x256xf32>
      %add3A_882 = arith.addf %slice3A_880, %slice3A_881 : vector<1x256xf32>
      %mul3A_883 = arith.constant 5.000000e-01 : f32
      %mul3A_884 = vector.broadcast %mul3A_883 : f32 to vector<1x256xf32>
      %mul3A_885 = arith.mulf %mul3A_884, %add3A_882 : vector<1x256xf32>
      %tanh3A_886 = math.tanh %mul3A_885 : vector<1x256xf32>
      %mul3A_887 = arith.constant 5.000000e-01 : f32
      %mul3A_888 = vector.broadcast %mul3A_887 : f32 to vector<1x256xf32>
      %mul3A_889 = arith.mulf %mul3A_888, %tanh3A_886 : vector<1x256xf32>
      %add3A_890 = arith.constant 5.000000e-01 : f32
      %add3A_891 = vector.broadcast %add3A_890 : f32 to vector<1x256xf32>
      %add3A_892 = arith.addf %mul3A_889, %add3A_891 : vector<1x256xf32>
      %slice3A_893 = vector.extract_strided_slice %get3A_863 {offsets = [0, 512], sizes = [1, 256], strides = [1, 1]} : vector<1x768xf32> to vector<1x256xf32>
      %slice3A_894 = vector.extract_strided_slice %dot_general3A_866 {offsets = [0, 512], sizes = [1, 256], strides = [1, 1]} : vector<1x768xf32> to vector<1x256xf32>
      %add3A_895 = arith.addf %slice3A_894, %get3A_6 : vector<1x256xf32>
      %mul3A_896 = arith.mulf %add3A_879, %add3A_895 : vector<1x256xf32>
      %add3A_897 = arith.addf %slice3A_893, %mul3A_896 : vector<1x256xf32>
      %tanh3A_898 = math.tanh %add3A_897 : vector<1x256xf32>
      %sub3A_899 = arith.subf %add3A_855, %tanh3A_898 : vector<1x256xf32>
      %mul3A_900 = arith.mulf %add3A_892, %sub3A_899 : vector<1x256xf32>
      %add3A_901 = arith.addf %tanh3A_898, %mul3A_900 : vector<1x256xf32>
      %swap3A_902 = arith.index_cast %add3A_860 : i32 to index
      %swap3A_903 = arith.constant 0 : index
      %swap3A_904 = vector.load %arg8[%swap3A_902, %swap3A_903] : memref<1024x256xf32, #tpu.memory_space<vmem>>, vector<1x256xf32>
      tpu.vector_store %arg8[%swap3A_902, %swap3A_903], %add3A_901 {strides = array<i32>} : memref<1024x256xf32, #tpu.memory_space<vmem>>, vector<1x256xf32>,
      %add3A_905 = arith.constant 19 : i32
      %add3A_906 = arith.addi %mul3A_34, %add3A_905 : i32
      %get3A_907 = arith.index_cast %add3A_906 : i32 to index
      %get3A_908 = arith.constant 0 : index
      %get3A_909 = vector.load %arg1[%get3A_907, %get3A_908] : memref<1024x768xf32, #tpu.memory_space<vmem>>, vector<1x768xf32>
      %convert_element_type3A_910 = arith.truncf %add3A_901 : vector<1x256xf32> to vector<1x256xbf16>
      %dot_general3A_911 = arith.constant dense<0.000000e+00> : vector<1x768xf32>
      %dot_general3A_912 = tpu.matmul %convert_element_type3A_910, %get3A_3, %dot_general3A_911 {dimension_numbers = #tpu.dot_dimension_numbers<[1], [0], [0], [1], [0, 0, 1, 1], [], []>, transpose_lhs_hint = false} : vector<1x256xbf16>, vector<256x768xbf16>, vector<1x768xf32> -> vector<1x768xf32>
      %slice3A_913 = vector.extract_strided_slice %get3A_909 {offsets = [0, 0], sizes = [1, 256], strides = [1, 1]} : vector<1x768xf32> to vector<1x256xf32>
      %slice3A_914 = vector.extract_strided_slice %dot_general3A_912 {offsets = [0, 0], sizes = [1, 256], strides = [1, 1]} : vector<1x768xf32> to vector<1x256xf32>
      %add3A_915 = arith.addf %slice3A_913, %slice3A_914 : vector<1x256xf32>
      %mul3A_916 = arith.constant 5.000000e-01 : f32
      %mul3A_917 = vector.broadcast %mul3A_916 : f32 to vector<1x256xf32>
      %mul3A_918 = arith.mulf %mul3A_917, %add3A_915 : vector<1x256xf32>
      %tanh3A_919 = math.tanh %mul3A_918 : vector<1x256xf32>
      %mul3A_920 = arith.constant 5.000000e-01 : f32
      %mul3A_921 = vector.broadcast %mul3A_920 : f32 to vector<1x256xf32>
      %mul3A_922 = arith.mulf %mul3A_921, %tanh3A_919 : vector<1x256xf32>
      %add3A_923 = arith.constant 5.000000e-01 : f32
      %add3A_924 = vector.broadcast %add3A_923 : f32 to vector<1x256xf32>
      %add3A_925 = arith.addf %mul3A_922, %add3A_924 : vector<1x256xf32>
      %slice3A_926 = vector.extract_strided_slice %get3A_909 {offsets = [0, 256], sizes = [1, 256], strides = [1, 1]} : vector<1x768xf32> to vector<1x256xf32>
      %slice3A_927 = vector.extract_strided_slice %dot_general3A_912 {offsets = [0, 256], sizes = [1, 256], strides = [1, 1]} : vector<1x768xf32> to vector<1x256xf32>
      %add3A_928 = arith.addf %slice3A_926, %slice3A_927 : vector<1x256xf32>
      %mul3A_929 = arith.constant 5.000000e-01 : f32
      %mul3A_930 = vector.broadcast %mul3A_929 : f32 to vector<1x256xf32>
      %mul3A_931 = arith.mulf %mul3A_930, %add3A_928 : vector<1x256xf32>
      %tanh3A_932 = math.tanh %mul3A_931 : vector<1x256xf32>
      %mul3A_933 = arith.constant 5.000000e-01 : f32
      %mul3A_934 = vector.broadcast %mul3A_933 : f32 to vector<1x256xf32>
      %mul3A_935 = arith.mulf %mul3A_934, %tanh3A_932 : vector<1x256xf32>
      %add3A_936 = arith.constant 5.000000e-01 : f32
      %add3A_937 = vector.broadcast %add3A_936 : f32 to vector<1x256xf32>
      %add3A_938 = arith.addf %mul3A_935, %add3A_937 : vector<1x256xf32>
      %slice3A_939 = vector.extract_strided_slice %get3A_909 {offsets = [0, 512], sizes = [1, 256], strides = [1, 1]} : vector<1x768xf32> to vector<1x256xf32>
      %slice3A_940 = vector.extract_strided_slice %dot_general3A_912 {offsets = [0, 512], sizes = [1, 256], strides = [1, 1]} : vector<1x768xf32> to vector<1x256xf32>
      %add3A_941 = arith.addf %slice3A_940, %get3A_6 : vector<1x256xf32>
      %mul3A_942 = arith.mulf %add3A_925, %add3A_941 : vector<1x256xf32>
      %add3A_943 = arith.addf %slice3A_939, %mul3A_942 : vector<1x256xf32>
      %tanh3A_944 = math.tanh %add3A_943 : vector<1x256xf32>
      %sub3A_945 = arith.subf %add3A_901, %tanh3A_944 : vector<1x256xf32>
      %mul3A_946 = arith.mulf %add3A_938, %sub3A_945 : vector<1x256xf32>
      %add3A_947 = arith.addf %tanh3A_944, %mul3A_946 : vector<1x256xf32>
      %swap3A_948 = arith.index_cast %add3A_906 : i32 to index
      %swap3A_949 = arith.constant 0 : index
      %swap3A_950 = vector.load %arg8[%swap3A_948, %swap3A_949] : memref<1024x256xf32, #tpu.memory_space<vmem>>, vector<1x256xf32>
      tpu.vector_store %arg8[%swap3A_948, %swap3A_949], %add3A_947 {strides = array<i32>} : memref<1024x256xf32, #tpu.memory_space<vmem>>, vector<1x256xf32>,
      %add3A_951 = arith.constant 20 : i32
      %add3A_952 = arith.addi %mul3A_34, %add3A_951 : i32
      %get3A_953 = arith.index_cast %add3A_952 : i32 to index
      %get3A_954 = arith.constant 0 : index
      %get3A_955 = vector.load %arg1[%get3A_953, %get3A_954] : memref<1024x768xf32, #tpu.memory_space<vmem>>, vector<1x768xf32>
      %convert_element_type3A_956 = arith.truncf %add3A_947 : vector<1x256xf32> to vector<1x256xbf16>
      %dot_general3A_957 = arith.constant dense<0.000000e+00> : vector<1x768xf32>
      %dot_general3A_958 = tpu.matmul %convert_element_type3A_956, %get3A_3, %dot_general3A_957 {dimension_numbers = #tpu.dot_dimension_numbers<[1], [0], [0], [1], [0, 0, 1, 1], [], []>, transpose_lhs_hint = false} : vector<1x256xbf16>, vector<256x768xbf16>, vector<1x768xf32> -> vector<1x768xf32>
      %slice3A_959 = vector.extract_strided_slice %get3A_955 {offsets = [0, 0], sizes = [1, 256], strides = [1, 1]} : vector<1x768xf32> to vector<1x256xf32>
      %slice3A_960 = vector.extract_strided_slice %dot_general3A_958 {offsets = [0, 0], sizes = [1, 256], strides = [1, 1]} : vector<1x768xf32> to vector<1x256xf32>
      %add3A_961 = arith.addf %slice3A_959, %slice3A_960 : vector<1x256xf32>
      %mul3A_962 = arith.constant 5.000000e-01 : f32
      %mul3A_963 = vector.broadcast %mul3A_962 : f32 to vector<1x256xf32>
      %mul3A_964 = arith.mulf %mul3A_963, %add3A_961 : vector<1x256xf32>
      %tanh3A_965 = math.tanh %mul3A_964 : vector<1x256xf32>
      %mul3A_966 = arith.constant 5.000000e-01 : f32
      %mul3A_967 = vector.broadcast %mul3A_966 : f32 to vector<1x256xf32>
      %mul3A_968 = arith.mulf %mul3A_967, %tanh3A_965 : vector<1x256xf32>
      %add3A_969 = arith.constant 5.000000e-01 : f32
      %add3A_970 = vector.broadcast %add3A_969 : f32 to vector<1x256xf32>
      %add3A_971 = arith.addf %mul3A_968, %add3A_970 : vector<1x256xf32>
      %slice3A_972 = vector.extract_strided_slice %get3A_955 {offsets = [0, 256], sizes = [1, 256], strides = [1, 1]} : vector<1x768xf32> to vector<1x256xf32>
      %slice3A_973 = vector.extract_strided_slice %dot_general3A_958 {offsets = [0, 256], sizes = [1, 256], strides = [1, 1]} : vector<1x768xf32> to vector<1x256xf32>
      %add3A_974 = arith.addf %slice3A_972, %slice3A_973 : vector<1x256xf32>
      %mul3A_975 = arith.constant 5.000000e-01 : f32
      %mul3A_976 = vector.broadcast %mul3A_975 : f32 to vector<1x256xf32>
      %mul3A_977 = arith.mulf %mul3A_976, %add3A_974 : vector<1x256xf32>
      %tanh3A_978 = math.tanh %mul3A_977 : vector<1x256xf32>
      %mul3A_979 = arith.constant 5.000000e-01 : f32
      %mul3A_980 = vector.broadcast %mul3A_979 : f32 to vector<1x256xf32>
      %mul3A_981 = arith.mulf %mul3A_980, %tanh3A_978 : vector<1x256xf32>
      %add3A_982 = arith.constant 5.000000e-01 : f32
      %add3A_983 = vector.broadcast %add3A_982 : f32 to vector<1x256xf32>
      %add3A_984 = arith.addf %mul3A_981, %add3A_983 : vector<1x256xf32>
      %slice3A_985 = vector.extract_strided_slice %get3A_955 {offsets = [0, 512], sizes = [1, 256], strides = [1, 1]} : vector<1x768xf32> to vector<1x256xf32>
      %slice3A_986 = vector.extract_strided_slice %dot_general3A_958 {offsets = [0, 512], sizes = [1, 256], strides = [1, 1]} : vector<1x768xf32> to vector<1x256xf32>
      %add3A_987 = arith.addf %slice3A_986, %get3A_6 : vector<1x256xf32>
      %mul3A_988 = arith.mulf %add3A_971, %add3A_987 : vector<1x256xf32>
      %add3A_989 = arith.addf %slice3A_985, %mul3A_988 : vector<1x256xf32>
      %tanh3A_990 = math.tanh %add3A_989 : vector<1x256xf32>
      %sub3A_991 = arith.subf %add3A_947, %tanh3A_990 : vector<1x256xf32>
      %mul3A_992 = arith.mulf %add3A_984, %sub3A_991 : vector<1x256xf32>
      %add3A_993 = arith.addf %tanh3A_990, %mul3A_992 : vector<1x256xf32>
      %swap3A_994 = arith.index_cast %add3A_952 : i32 to index
      %swap3A_995 = arith.constant 0 : index
      %swap3A_996 = vector.load %arg8[%swap3A_994, %swap3A_995] : memref<1024x256xf32, #tpu.memory_space<vmem>>, vector<1x256xf32>
      tpu.vector_store %arg8[%swap3A_994, %swap3A_995], %add3A_993 {strides = array<i32>} : memref<1024x256xf32, #tpu.memory_space<vmem>>, vector<1x256xf32>,
      %add3A_997 = arith.constant 21 : i32
      %add3A_998 = arith.addi %mul3A_34, %add3A_997 : i32
      %get3A_999 = arith.index_cast %add3A_998 : i32 to index
      %get3A_1000 = arith.constant 0 : index
      %get3A_1001 = vector.load %arg1[%get3A_999, %get3A_1000] : memref<1024x768xf32, #tpu.memory_space<vmem>>, vector<1x768xf32>
      %convert_element_type3A_1002 = arith.truncf %add3A_993 : vector<1x256xf32> to vector<1x256xbf16>
      %dot_general3A_1003 = arith.constant dense<0.000000e+00> : vector<1x768xf32>
      %dot_general3A_1004 = tpu.matmul %convert_element_type3A_1002, %get3A_3, %dot_general3A_1003 {dimension_numbers = #tpu.dot_dimension_numbers<[1], [0], [0], [1], [0, 0, 1, 1], [], []>, transpose_lhs_hint = false} : vector<1x256xbf16>, vector<256x768xbf16>, vector<1x768xf32> -> vector<1x768xf32>
      %slice3A_1005 = vector.extract_strided_slice %get3A_1001 {offsets = [0, 0], sizes = [1, 256], strides = [1, 1]} : vector<1x768xf32> to vector<1x256xf32>
      %slice3A_1006 = vector.extract_strided_slice %dot_general3A_1004 {offsets = [0, 0], sizes = [1, 256], strides = [1, 1]} : vector<1x768xf32> to vector<1x256xf32>
      %add3A_1007 = arith.addf %slice3A_1005, %slice3A_1006 : vector<1x256xf32>
      %mul3A_1008 = arith.constant 5.000000e-01 : f32
      %mul3A_1009 = vector.broadcast %mul3A_1008 : f32 to vector<1x256xf32>
      %mul3A_1010 = arith.mulf %mul3A_1009, %add3A_1007 : vector<1x256xf32>
      %tanh3A_1011 = math.tanh %mul3A_1010 : vector<1x256xf32>
      %mul3A_1012 = arith.constant 5.000000e-01 : f32
      %mul3A_1013 = vector.broadcast %mul3A_1012 : f32 to vector<1x256xf32>
      %mul3A_1014 = arith.mulf %mul3A_1013, %tanh3A_1011 : vector<1x256xf32>
      %add3A_1015 = arith.constant 5.000000e-01 : f32
      %add3A_1016 = vector.broadcast %add3A_1015 : f32 to vector<1x256xf32>
      %add3A_1017 = arith.addf %mul3A_1014, %add3A_1016 : vector<1x256xf32>
      %slice3A_1018 = vector.extract_strided_slice %get3A_1001 {offsets = [0, 256], sizes = [1, 256], strides = [1, 1]} : vector<1x768xf32> to vector<1x256xf32>
      %slice3A_1019 = vector.extract_strided_slice %dot_general3A_1004 {offsets = [0, 256], sizes = [1, 256], strides = [1, 1]} : vector<1x768xf32> to vector<1x256xf32>
      %add3A_1020 = arith.addf %slice3A_1018, %slice3A_1019 : vector<1x256xf32>
      %mul3A_1021 = arith.constant 5.000000e-01 : f32
      %mul3A_1022 = vector.broadcast %mul3A_1021 : f32 to vector<1x256xf32>
      %mul3A_1023 = arith.mulf %mul3A_1022, %add3A_1020 : vector<1x256xf32>
      %tanh3A_1024 = math.tanh %mul3A_1023 : vector<1x256xf32>
      %mul3A_1025 = arith.constant 5.000000e-01 : f32
      %mul3A_1026 = vector.broadcast %mul3A_1025 : f32 to vector<1x256xf32>
      %mul3A_1027 = arith.mulf %mul3A_1026, %tanh3A_1024 : vector<1x256xf32>
      %add3A_1028 = arith.constant 5.000000e-01 : f32
      %add3A_1029 = vector.broadcast %add3A_1028 : f32 to vector<1x256xf32>
      %add3A_1030 = arith.addf %mul3A_1027, %add3A_1029 : vector<1x256xf32>
      %slice3A_1031 = vector.extract_strided_slice %get3A_1001 {offsets = [0, 512], sizes = [1, 256], strides = [1, 1]} : vector<1x768xf32> to vector<1x256xf32>
      %slice3A_1032 = vector.extract_strided_slice %dot_general3A_1004 {offsets = [0, 512], sizes = [1, 256], strides = [1, 1]} : vector<1x768xf32> to vector<1x256xf32>
      %add3A_1033 = arith.addf %slice3A_1032, %get3A_6 : vector<1x256xf32>
      %mul3A_1034 = arith.mulf %add3A_1017, %add3A_1033 : vector<1x256xf32>
      %add3A_1035 = arith.addf %slice3A_1031, %mul3A_1034 : vector<1x256xf32>
      %tanh3A_1036 = math.tanh %add3A_1035 : vector<1x256xf32>
      %sub3A_1037 = arith.subf %add3A_993, %tanh3A_1036 : vector<1x256xf32>
      %mul3A_1038 = arith.mulf %add3A_1030, %sub3A_1037 : vector<1x256xf32>
      %add3A_1039 = arith.addf %tanh3A_1036, %mul3A_1038 : vector<1x256xf32>
      %swap3A_1040 = arith.index_cast %add3A_998 : i32 to index
      %swap3A_1041 = arith.constant 0 : index
      %swap3A_1042 = vector.load %arg8[%swap3A_1040, %swap3A_1041] : memref<1024x256xf32, #tpu.memory_space<vmem>>, vector<1x256xf32>
      tpu.vector_store %arg8[%swap3A_1040, %swap3A_1041], %add3A_1039 {strides = array<i32>} : memref<1024x256xf32, #tpu.memory_space<vmem>>, vector<1x256xf32>,
      %add3A_1043 = arith.constant 22 : i32
      %add3A_1044 = arith.addi %mul3A_34, %add3A_1043 : i32
      %get3A_1045 = arith.index_cast %add3A_1044 : i32 to index
      %get3A_1046 = arith.constant 0 : index
      %get3A_1047 = vector.load %arg1[%get3A_1045, %get3A_1046] : memref<1024x768xf32, #tpu.memory_space<vmem>>, vector<1x768xf32>
      %convert_element_type3A_1048 = arith.truncf %add3A_1039 : vector<1x256xf32> to vector<1x256xbf16>
      %dot_general3A_1049 = arith.constant dense<0.000000e+00> : vector<1x768xf32>
      %dot_general3A_1050 = tpu.matmul %convert_element_type3A_1048, %get3A_3, %dot_general3A_1049 {dimension_numbers = #tpu.dot_dimension_numbers<[1], [0], [0], [1], [0, 0, 1, 1], [], []>, transpose_lhs_hint = false} : vector<1x256xbf16>, vector<256x768xbf16>, vector<1x768xf32> -> vector<1x768xf32>
      %slice3A_1051 = vector.extract_strided_slice %get3A_1047 {offsets = [0, 0], sizes = [1, 256], strides = [1, 1]} : vector<1x768xf32> to vector<1x256xf32>
      %slice3A_1052 = vector.extract_strided_slice %dot_general3A_1050 {offsets = [0, 0], sizes = [1, 256], strides = [1, 1]} : vector<1x768xf32> to vector<1x256xf32>
      %add3A_1053 = arith.addf %slice3A_1051, %slice3A_1052 : vector<1x256xf32>
      %mul3A_1054 = arith.constant 5.000000e-01 : f32
      %mul3A_1055 = vector.broadcast %mul3A_1054 : f32 to vector<1x256xf32>
      %mul3A_1056 = arith.mulf %mul3A_1055, %add3A_1053 : vector<1x256xf32>
      %tanh3A_1057 = math.tanh %mul3A_1056 : vector<1x256xf32>
      %mul3A_1058 = arith.constant 5.000000e-01 : f32
      %mul3A_1059 = vector.broadcast %mul3A_1058 : f32 to vector<1x256xf32>
      %mul3A_1060 = arith.mulf %mul3A_1059, %tanh3A_1057 : vector<1x256xf32>
      %add3A_1061 = arith.constant 5.000000e-01 : f32
      %add3A_1062 = vector.broadcast %add3A_1061 : f32 to vector<1x256xf32>
      %add3A_1063 = arith.addf %mul3A_1060, %add3A_1062 : vector<1x256xf32>
      %slice3A_1064 = vector.extract_strided_slice %get3A_1047 {offsets = [0, 256], sizes = [1, 256], strides = [1, 1]} : vector<1x768xf32> to vector<1x256xf32>
      %slice3A_1065 = vector.extract_strided_slice %dot_general3A_1050 {offsets = [0, 256], sizes = [1, 256], strides = [1, 1]} : vector<1x768xf32> to vector<1x256xf32>
      %add3A_1066 = arith.addf %slice3A_1064, %slice3A_1065 : vector<1x256xf32>
      %mul3A_1067 = arith.constant 5.000000e-01 : f32
      %mul3A_1068 = vector.broadcast %mul3A_1067 : f32 to vector<1x256xf32>
      %mul3A_1069 = arith.mulf %mul3A_1068, %add3A_1066 : vector<1x256xf32>
      %tanh3A_1070 = math.tanh %mul3A_1069 : vector<1x256xf32>
      %mul3A_1071 = arith.constant 5.000000e-01 : f32
      %mul3A_1072 = vector.broadcast %mul3A_1071 : f32 to vector<1x256xf32>
      %mul3A_1073 = arith.mulf %mul3A_1072, %tanh3A_1070 : vector<1x256xf32>
      %add3A_1074 = arith.constant 5.000000e-01 : f32
      %add3A_1075 = vector.broadcast %add3A_1074 : f32 to vector<1x256xf32>
      %add3A_1076 = arith.addf %mul3A_1073, %add3A_1075 : vector<1x256xf32>
      %slice3A_1077 = vector.extract_strided_slice %get3A_1047 {offsets = [0, 512], sizes = [1, 256], strides = [1, 1]} : vector<1x768xf32> to vector<1x256xf32>
      %slice3A_1078 = vector.extract_strided_slice %dot_general3A_1050 {offsets = [0, 512], sizes = [1, 256], strides = [1, 1]} : vector<1x768xf32> to vector<1x256xf32>
      %add3A_1079 = arith.addf %slice3A_1078, %get3A_6 : vector<1x256xf32>
      %mul3A_1080 = arith.mulf %add3A_1063, %add3A_1079 : vector<1x256xf32>
      %add3A_1081 = arith.addf %slice3A_1077, %mul3A_1080 : vector<1x256xf32>
      %tanh3A_1082 = math.tanh %add3A_1081 : vector<1x256xf32>
      %sub3A_1083 = arith.subf %add3A_1039, %tanh3A_1082 : vector<1x256xf32>
      %mul3A_1084 = arith.mulf %add3A_1076, %sub3A_1083 : vector<1x256xf32>
      %add3A_1085 = arith.addf %tanh3A_1082, %mul3A_1084 : vector<1x256xf32>
      %swap3A_1086 = arith.index_cast %add3A_1044 : i32 to index
      %swap3A_1087 = arith.constant 0 : index
      %swap3A_1088 = vector.load %arg8[%swap3A_1086, %swap3A_1087] : memref<1024x256xf32, #tpu.memory_space<vmem>>, vector<1x256xf32>
      tpu.vector_store %arg8[%swap3A_1086, %swap3A_1087], %add3A_1085 {strides = array<i32>} : memref<1024x256xf32, #tpu.memory_space<vmem>>, vector<1x256xf32>,
      %add3A_1089 = arith.constant 23 : i32
      %add3A_1090 = arith.addi %mul3A_34, %add3A_1089 : i32
      %get3A_1091 = arith.index_cast %add3A_1090 : i32 to index
      %get3A_1092 = arith.constant 0 : index
      %get3A_1093 = vector.load %arg1[%get3A_1091, %get3A_1092] : memref<1024x768xf32, #tpu.memory_space<vmem>>, vector<1x768xf32>
      %convert_element_type3A_1094 = arith.truncf %add3A_1085 : vector<1x256xf32> to vector<1x256xbf16>
      %dot_general3A_1095 = arith.constant dense<0.000000e+00> : vector<1x768xf32>
      %dot_general3A_1096 = tpu.matmul %convert_element_type3A_1094, %get3A_3, %dot_general3A_1095 {dimension_numbers = #tpu.dot_dimension_numbers<[1], [0], [0], [1], [0, 0, 1, 1], [], []>, transpose_lhs_hint = false} : vector<1x256xbf16>, vector<256x768xbf16>, vector<1x768xf32> -> vector<1x768xf32>
      %slice3A_1097 = vector.extract_strided_slice %get3A_1093 {offsets = [0, 0], sizes = [1, 256], strides = [1, 1]} : vector<1x768xf32> to vector<1x256xf32>
      %slice3A_1098 = vector.extract_strided_slice %dot_general3A_1096 {offsets = [0, 0], sizes = [1, 256], strides = [1, 1]} : vector<1x768xf32> to vector<1x256xf32>
      %add3A_1099 = arith.addf %slice3A_1097, %slice3A_1098 : vector<1x256xf32>
      %mul3A_1100 = arith.constant 5.000000e-01 : f32
      %mul3A_1101 = vector.broadcast %mul3A_1100 : f32 to vector<1x256xf32>
      %mul3A_1102 = arith.mulf %mul3A_1101, %add3A_1099 : vector<1x256xf32>
      %tanh3A_1103 = math.tanh %mul3A_1102 : vector<1x256xf32>
      %mul3A_1104 = arith.constant 5.000000e-01 : f32
      %mul3A_1105 = vector.broadcast %mul3A_1104 : f32 to vector<1x256xf32>
      %mul3A_1106 = arith.mulf %mul3A_1105, %tanh3A_1103 : vector<1x256xf32>
      %add3A_1107 = arith.constant 5.000000e-01 : f32
      %add3A_1108 = vector.broadcast %add3A_1107 : f32 to vector<1x256xf32>
      %add3A_1109 = arith.addf %mul3A_1106, %add3A_1108 : vector<1x256xf32>
      %slice3A_1110 = vector.extract_strided_slice %get3A_1093 {offsets = [0, 256], sizes = [1, 256], strides = [1, 1]} : vector<1x768xf32> to vector<1x256xf32>
      %slice3A_1111 = vector.extract_strided_slice %dot_general3A_1096 {offsets = [0, 256], sizes = [1, 256], strides = [1, 1]} : vector<1x768xf32> to vector<1x256xf32>
      %add3A_1112 = arith.addf %slice3A_1110, %slice3A_1111 : vector<1x256xf32>
      %mul3A_1113 = arith.constant 5.000000e-01 : f32
      %mul3A_1114 = vector.broadcast %mul3A_1113 : f32 to vector<1x256xf32>
      %mul3A_1115 = arith.mulf %mul3A_1114, %add3A_1112 : vector<1x256xf32>
      %tanh3A_1116 = math.tanh %mul3A_1115 : vector<1x256xf32>
      %mul3A_1117 = arith.constant 5.000000e-01 : f32
      %mul3A_1118 = vector.broadcast %mul3A_1117 : f32 to vector<1x256xf32>
      %mul3A_1119 = arith.mulf %mul3A_1118, %tanh3A_1116 : vector<1x256xf32>
      %add3A_1120 = arith.constant 5.000000e-01 : f32
      %add3A_1121 = vector.broadcast %add3A_1120 : f32 to vector<1x256xf32>
      %add3A_1122 = arith.addf %mul3A_1119, %add3A_1121 : vector<1x256xf32>
      %slice3A_1123 = vector.extract_strided_slice %get3A_1093 {offsets = [0, 512], sizes = [1, 256], strides = [1, 1]} : vector<1x768xf32> to vector<1x256xf32>
      %slice3A_1124 = vector.extract_strided_slice %dot_general3A_1096 {offsets = [0, 512], sizes = [1, 256], strides = [1, 1]} : vector<1x768xf32> to vector<1x256xf32>
      %add3A_1125 = arith.addf %slice3A_1124, %get3A_6 : vector<1x256xf32>
      %mul3A_1126 = arith.mulf %add3A_1109, %add3A_1125 : vector<1x256xf32>
      %add3A_1127 = arith.addf %slice3A_1123, %mul3A_1126 : vector<1x256xf32>
      %tanh3A_1128 = math.tanh %add3A_1127 : vector<1x256xf32>
      %sub3A_1129 = arith.subf %add3A_1085, %tanh3A_1128 : vector<1x256xf32>
      %mul3A_1130 = arith.mulf %add3A_1122, %sub3A_1129 : vector<1x256xf32>
      %add3A_1131 = arith.addf %tanh3A_1128, %mul3A_1130 : vector<1x256xf32>
      %swap3A_1132 = arith.index_cast %add3A_1090 : i32 to index
      %swap3A_1133 = arith.constant 0 : index
      %swap3A_1134 = vector.load %arg8[%swap3A_1132, %swap3A_1133] : memref<1024x256xf32, #tpu.memory_space<vmem>>, vector<1x256xf32>
      tpu.vector_store %arg8[%swap3A_1132, %swap3A_1133], %add3A_1131 {strides = array<i32>} : memref<1024x256xf32, #tpu.memory_space<vmem>>, vector<1x256xf32>,
      %add3A_1135 = arith.constant 24 : i32
      %add3A_1136 = arith.addi %mul3A_34, %add3A_1135 : i32
      %get3A_1137 = arith.index_cast %add3A_1136 : i32 to index
      %get3A_1138 = arith.constant 0 : index
      %get3A_1139 = vector.load %arg1[%get3A_1137, %get3A_1138] : memref<1024x768xf32, #tpu.memory_space<vmem>>, vector<1x768xf32>
      %convert_element_type3A_1140 = arith.truncf %add3A_1131 : vector<1x256xf32> to vector<1x256xbf16>
      %dot_general3A_1141 = arith.constant dense<0.000000e+00> : vector<1x768xf32>
      %dot_general3A_1142 = tpu.matmul %convert_element_type3A_1140, %get3A_3, %dot_general3A_1141 {dimension_numbers = #tpu.dot_dimension_numbers<[1], [0], [0], [1], [0, 0, 1, 1], [], []>, transpose_lhs_hint = false} : vector<1x256xbf16>, vector<256x768xbf16>, vector<1x768xf32> -> vector<1x768xf32>
      %slice3A_1143 = vector.extract_strided_slice %get3A_1139 {offsets = [0, 0], sizes = [1, 256], strides = [1, 1]} : vector<1x768xf32> to vector<1x256xf32>
      %slice3A_1144 = vector.extract_strided_slice %dot_general3A_1142 {offsets = [0, 0], sizes = [1, 256], strides = [1, 1]} : vector<1x768xf32> to vector<1x256xf32>
      %add3A_1145 = arith.addf %slice3A_1143, %slice3A_1144 : vector<1x256xf32>
      %mul3A_1146 = arith.constant 5.000000e-01 : f32
      %mul3A_1147 = vector.broadcast %mul3A_1146 : f32 to vector<1x256xf32>
      %mul3A_1148 = arith.mulf %mul3A_1147, %add3A_1145 : vector<1x256xf32>
      %tanh3A_1149 = math.tanh %mul3A_1148 : vector<1x256xf32>
      %mul3A_1150 = arith.constant 5.000000e-01 : f32
      %mul3A_1151 = vector.broadcast %mul3A_1150 : f32 to vector<1x256xf32>
      %mul3A_1152 = arith.mulf %mul3A_1151, %tanh3A_1149 : vector<1x256xf32>
      %add3A_1153 = arith.constant 5.000000e-01 : f32
      %add3A_1154 = vector.broadcast %add3A_1153 : f32 to vector<1x256xf32>
      %add3A_1155 = arith.addf %mul3A_1152, %add3A_1154 : vector<1x256xf32>
      %slice3A_1156 = vector.extract_strided_slice %get3A_1139 {offsets = [0, 256], sizes = [1, 256], strides = [1, 1]} : vector<1x768xf32> to vector<1x256xf32>
      %slice3A_1157 = vector.extract_strided_slice %dot_general3A_1142 {offsets = [0, 256], sizes = [1, 256], strides = [1, 1]} : vector<1x768xf32> to vector<1x256xf32>
      %add3A_1158 = arith.addf %slice3A_1156, %slice3A_1157 : vector<1x256xf32>
      %mul3A_1159 = arith.constant 5.000000e-01 : f32
      %mul3A_1160 = vector.broadcast %mul3A_1159 : f32 to vector<1x256xf32>
      %mul3A_1161 = arith.mulf %mul3A_1160, %add3A_1158 : vector<1x256xf32>
      %tanh3A_1162 = math.tanh %mul3A_1161 : vector<1x256xf32>
      %mul3A_1163 = arith.constant 5.000000e-01 : f32
      %mul3A_1164 = vector.broadcast %mul3A_1163 : f32 to vector<1x256xf32>
      %mul3A_1165 = arith.mulf %mul3A_1164, %tanh3A_1162 : vector<1x256xf32>
      %add3A_1166 = arith.constant 5.000000e-01 : f32
      %add3A_1167 = vector.broadcast %add3A_1166 : f32 to vector<1x256xf32>
      %add3A_1168 = arith.addf %mul3A_1165, %add3A_1167 : vector<1x256xf32>
      %slice3A_1169 = vector.extract_strided_slice %get3A_1139 {offsets = [0, 512], sizes = [1, 256], strides = [1, 1]} : vector<1x768xf32> to vector<1x256xf32>
      %slice3A_1170 = vector.extract_strided_slice %dot_general3A_1142 {offsets = [0, 512], sizes = [1, 256], strides = [1, 1]} : vector<1x768xf32> to vector<1x256xf32>
      %add3A_1171 = arith.addf %slice3A_1170, %get3A_6 : vector<1x256xf32>
      %mul3A_1172 = arith.mulf %add3A_1155, %add3A_1171 : vector<1x256xf32>
      %add3A_1173 = arith.addf %slice3A_1169, %mul3A_1172 : vector<1x256xf32>
      %tanh3A_1174 = math.tanh %add3A_1173 : vector<1x256xf32>
      %sub3A_1175 = arith.subf %add3A_1131, %tanh3A_1174 : vector<1x256xf32>
      %mul3A_1176 = arith.mulf %add3A_1168, %sub3A_1175 : vector<1x256xf32>
      %add3A_1177 = arith.addf %tanh3A_1174, %mul3A_1176 : vector<1x256xf32>
      %swap3A_1178 = arith.index_cast %add3A_1136 : i32 to index
      %swap3A_1179 = arith.constant 0 : index
      %swap3A_1180 = vector.load %arg8[%swap3A_1178, %swap3A_1179] : memref<1024x256xf32, #tpu.memory_space<vmem>>, vector<1x256xf32>
      tpu.vector_store %arg8[%swap3A_1178, %swap3A_1179], %add3A_1177 {strides = array<i32>} : memref<1024x256xf32, #tpu.memory_space<vmem>>, vector<1x256xf32>,
      %add3A_1181 = arith.constant 25 : i32
      %add3A_1182 = arith.addi %mul3A_34, %add3A_1181 : i32
      %get3A_1183 = arith.index_cast %add3A_1182 : i32 to index
      %get3A_1184 = arith.constant 0 : index
      %get3A_1185 = vector.load %arg1[%get3A_1183, %get3A_1184] : memref<1024x768xf32, #tpu.memory_space<vmem>>, vector<1x768xf32>
      %convert_element_type3A_1186 = arith.truncf %add3A_1177 : vector<1x256xf32> to vector<1x256xbf16>
      %dot_general3A_1187 = arith.constant dense<0.000000e+00> : vector<1x768xf32>
      %dot_general3A_1188 = tpu.matmul %convert_element_type3A_1186, %get3A_3, %dot_general3A_1187 {dimension_numbers = #tpu.dot_dimension_numbers<[1], [0], [0], [1], [0, 0, 1, 1], [], []>, transpose_lhs_hint = false} : vector<1x256xbf16>, vector<256x768xbf16>, vector<1x768xf32> -> vector<1x768xf32>
      %slice3A_1189 = vector.extract_strided_slice %get3A_1185 {offsets = [0, 0], sizes = [1, 256], strides = [1, 1]} : vector<1x768xf32> to vector<1x256xf32>
      %slice3A_1190 = vector.extract_strided_slice %dot_general3A_1188 {offsets = [0, 0], sizes = [1, 256], strides = [1, 1]} : vector<1x768xf32> to vector<1x256xf32>
      %add3A_1191 = arith.addf %slice3A_1189, %slice3A_1190 : vector<1x256xf32>
      %mul3A_1192 = arith.constant 5.000000e-01 : f32
      %mul3A_1193 = vector.broadcast %mul3A_1192 : f32 to vector<1x256xf32>
      %mul3A_1194 = arith.mulf %mul3A_1193, %add3A_1191 : vector<1x256xf32>
      %tanh3A_1195 = math.tanh %mul3A_1194 : vector<1x256xf32>
      %mul3A_1196 = arith.constant 5.000000e-01 : f32
      %mul3A_1197 = vector.broadcast %mul3A_1196 : f32 to vector<1x256xf32>
      %mul3A_1198 = arith.mulf %mul3A_1197, %tanh3A_1195 : vector<1x256xf32>
      %add3A_1199 = arith.constant 5.000000e-01 : f32
      %add3A_1200 = vector.broadcast %add3A_1199 : f32 to vector<1x256xf32>
      %add3A_1201 = arith.addf %mul3A_1198, %add3A_1200 : vector<1x256xf32>
      %slice3A_1202 = vector.extract_strided_slice %get3A_1185 {offsets = [0, 256], sizes = [1, 256], strides = [1, 1]} : vector<1x768xf32> to vector<1x256xf32>
      %slice3A_1203 = vector.extract_strided_slice %dot_general3A_1188 {offsets = [0, 256], sizes = [1, 256], strides = [1, 1]} : vector<1x768xf32> to vector<1x256xf32>
      %add3A_1204 = arith.addf %slice3A_1202, %slice3A_1203 : vector<1x256xf32>
      %mul3A_1205 = arith.constant 5.000000e-01 : f32
      %mul3A_1206 = vector.broadcast %mul3A_1205 : f32 to vector<1x256xf32>
      %mul3A_1207 = arith.mulf %mul3A_1206, %add3A_1204 : vector<1x256xf32>
      %tanh3A_1208 = math.tanh %mul3A_1207 : vector<1x256xf32>
      %mul3A_1209 = arith.constant 5.000000e-01 : f32
      %mul3A_1210 = vector.broadcast %mul3A_1209 : f32 to vector<1x256xf32>
      %mul3A_1211 = arith.mulf %mul3A_1210, %tanh3A_1208 : vector<1x256xf32>
      %add3A_1212 = arith.constant 5.000000e-01 : f32
      %add3A_1213 = vector.broadcast %add3A_1212 : f32 to vector<1x256xf32>
      %add3A_1214 = arith.addf %mul3A_1211, %add3A_1213 : vector<1x256xf32>
      %slice3A_1215 = vector.extract_strided_slice %get3A_1185 {offsets = [0, 512], sizes = [1, 256], strides = [1, 1]} : vector<1x768xf32> to vector<1x256xf32>
      %slice3A_1216 = vector.extract_strided_slice %dot_general3A_1188 {offsets = [0, 512], sizes = [1, 256], strides = [1, 1]} : vector<1x768xf32> to vector<1x256xf32>
      %add3A_1217 = arith.addf %slice3A_1216, %get3A_6 : vector<1x256xf32>
      %mul3A_1218 = arith.mulf %add3A_1201, %add3A_1217 : vector<1x256xf32>
      %add3A_1219 = arith.addf %slice3A_1215, %mul3A_1218 : vector<1x256xf32>
      %tanh3A_1220 = math.tanh %add3A_1219 : vector<1x256xf32>
      %sub3A_1221 = arith.subf %add3A_1177, %tanh3A_1220 : vector<1x256xf32>
      %mul3A_1222 = arith.mulf %add3A_1214, %sub3A_1221 : vector<1x256xf32>
      %add3A_1223 = arith.addf %tanh3A_1220, %mul3A_1222 : vector<1x256xf32>
      %swap3A_1224 = arith.index_cast %add3A_1182 : i32 to index
      %swap3A_1225 = arith.constant 0 : index
      %swap3A_1226 = vector.load %arg8[%swap3A_1224, %swap3A_1225] : memref<1024x256xf32, #tpu.memory_space<vmem>>, vector<1x256xf32>
      tpu.vector_store %arg8[%swap3A_1224, %swap3A_1225], %add3A_1223 {strides = array<i32>} : memref<1024x256xf32, #tpu.memory_space<vmem>>, vector<1x256xf32>,
      %add3A_1227 = arith.constant 26 : i32
      %add3A_1228 = arith.addi %mul3A_34, %add3A_1227 : i32
      %get3A_1229 = arith.index_cast %add3A_1228 : i32 to index
      %get3A_1230 = arith.constant 0 : index
      %get3A_1231 = vector.load %arg1[%get3A_1229, %get3A_1230] : memref<1024x768xf32, #tpu.memory_space<vmem>>, vector<1x768xf32>
      %convert_element_type3A_1232 = arith.truncf %add3A_1223 : vector<1x256xf32> to vector<1x256xbf16>
      %dot_general3A_1233 = arith.constant dense<0.000000e+00> : vector<1x768xf32>
      %dot_general3A_1234 = tpu.matmul %convert_element_type3A_1232, %get3A_3, %dot_general3A_1233 {dimension_numbers = #tpu.dot_dimension_numbers<[1], [0], [0], [1], [0, 0, 1, 1], [], []>, transpose_lhs_hint = false} : vector<1x256xbf16>, vector<256x768xbf16>, vector<1x768xf32> -> vector<1x768xf32>
      %slice3A_1235 = vector.extract_strided_slice %get3A_1231 {offsets = [0, 0], sizes = [1, 256], strides = [1, 1]} : vector<1x768xf32> to vector<1x256xf32>
      %slice3A_1236 = vector.extract_strided_slice %dot_general3A_1234 {offsets = [0, 0], sizes = [1, 256], strides = [1, 1]} : vector<1x768xf32> to vector<1x256xf32>
      %add3A_1237 = arith.addf %slice3A_1235, %slice3A_1236 : vector<1x256xf32>
      %mul3A_1238 = arith.constant 5.000000e-01 : f32
      %mul3A_1239 = vector.broadcast %mul3A_1238 : f32 to vector<1x256xf32>
      %mul3A_1240 = arith.mulf %mul3A_1239, %add3A_1237 : vector<1x256xf32>
      %tanh3A_1241 = math.tanh %mul3A_1240 : vector<1x256xf32>
      %mul3A_1242 = arith.constant 5.000000e-01 : f32
      %mul3A_1243 = vector.broadcast %mul3A_1242 : f32 to vector<1x256xf32>
      %mul3A_1244 = arith.mulf %mul3A_1243, %tanh3A_1241 : vector<1x256xf32>
      %add3A_1245 = arith.constant 5.000000e-01 : f32
      %add3A_1246 = vector.broadcast %add3A_1245 : f32 to vector<1x256xf32>
      %add3A_1247 = arith.addf %mul3A_1244, %add3A_1246 : vector<1x256xf32>
      %slice3A_1248 = vector.extract_strided_slice %get3A_1231 {offsets = [0, 256], sizes = [1, 256], strides = [1, 1]} : vector<1x768xf32> to vector<1x256xf32>
      %slice3A_1249 = vector.extract_strided_slice %dot_general3A_1234 {offsets = [0, 256], sizes = [1, 256], strides = [1, 1]} : vector<1x768xf32> to vector<1x256xf32>
      %add3A_1250 = arith.addf %slice3A_1248, %slice3A_1249 : vector<1x256xf32>
      %mul3A_1251 = arith.constant 5.000000e-01 : f32
      %mul3A_1252 = vector.broadcast %mul3A_1251 : f32 to vector<1x256xf32>
      %mul3A_1253 = arith.mulf %mul3A_1252, %add3A_1250 : vector<1x256xf32>
      %tanh3A_1254 = math.tanh %mul3A_1253 : vector<1x256xf32>
      %mul3A_1255 = arith.constant 5.000000e-01 : f32
      %mul3A_1256 = vector.broadcast %mul3A_1255 : f32 to vector<1x256xf32>
      %mul3A_1257 = arith.mulf %mul3A_1256, %tanh3A_1254 : vector<1x256xf32>
      %add3A_1258 = arith.constant 5.000000e-01 : f32
      %add3A_1259 = vector.broadcast %add3A_1258 : f32 to vector<1x256xf32>
      %add3A_1260 = arith.addf %mul3A_1257, %add3A_1259 : vector<1x256xf32>
      %slice3A_1261 = vector.extract_strided_slice %get3A_1231 {offsets = [0, 512], sizes = [1, 256], strides = [1, 1]} : vector<1x768xf32> to vector<1x256xf32>
      %slice3A_1262 = vector.extract_strided_slice %dot_general3A_1234 {offsets = [0, 512], sizes = [1, 256], strides = [1, 1]} : vector<1x768xf32> to vector<1x256xf32>
      %add3A_1263 = arith.addf %slice3A_1262, %get3A_6 : vector<1x256xf32>
      %mul3A_1264 = arith.mulf %add3A_1247, %add3A_1263 : vector<1x256xf32>
      %add3A_1265 = arith.addf %slice3A_1261, %mul3A_1264 : vector<1x256xf32>
      %tanh3A_1266 = math.tanh %add3A_1265 : vector<1x256xf32>
      %sub3A_1267 = arith.subf %add3A_1223, %tanh3A_1266 : vector<1x256xf32>
      %mul3A_1268 = arith.mulf %add3A_1260, %sub3A_1267 : vector<1x256xf32>
      %add3A_1269 = arith.addf %tanh3A_1266, %mul3A_1268 : vector<1x256xf32>
      %swap3A_1270 = arith.index_cast %add3A_1228 : i32 to index
      %swap3A_1271 = arith.constant 0 : index
      %swap3A_1272 = vector.load %arg8[%swap3A_1270, %swap3A_1271] : memref<1024x256xf32, #tpu.memory_space<vmem>>, vector<1x256xf32>
      tpu.vector_store %arg8[%swap3A_1270, %swap3A_1271], %add3A_1269 {strides = array<i32>} : memref<1024x256xf32, #tpu.memory_space<vmem>>, vector<1x256xf32>,
      %add3A_1273 = arith.constant 27 : i32
      %add3A_1274 = arith.addi %mul3A_34, %add3A_1273 : i32
      %get3A_1275 = arith.index_cast %add3A_1274 : i32 to index
      %get3A_1276 = arith.constant 0 : index
      %get3A_1277 = vector.load %arg1[%get3A_1275, %get3A_1276] : memref<1024x768xf32, #tpu.memory_space<vmem>>, vector<1x768xf32>
      %convert_element_type3A_1278 = arith.truncf %add3A_1269 : vector<1x256xf32> to vector<1x256xbf16>
      %dot_general3A_1279 = arith.constant dense<0.000000e+00> : vector<1x768xf32>
      %dot_general3A_1280 = tpu.matmul %convert_element_type3A_1278, %get3A_3, %dot_general3A_1279 {dimension_numbers = #tpu.dot_dimension_numbers<[1], [0], [0], [1], [0, 0, 1, 1], [], []>, transpose_lhs_hint = false} : vector<1x256xbf16>, vector<256x768xbf16>, vector<1x768xf32> -> vector<1x768xf32>
      %slice3A_1281 = vector.extract_strided_slice %get3A_1277 {offsets = [0, 0], sizes = [1, 256], strides = [1, 1]} : vector<1x768xf32> to vector<1x256xf32>
      %slice3A_1282 = vector.extract_strided_slice %dot_general3A_1280 {offsets = [0, 0], sizes = [1, 256], strides = [1, 1]} : vector<1x768xf32> to vector<1x256xf32>
      %add3A_1283 = arith.addf %slice3A_1281, %slice3A_1282 : vector<1x256xf32>
      %mul3A_1284 = arith.constant 5.000000e-01 : f32
      %mul3A_1285 = vector.broadcast %mul3A_1284 : f32 to vector<1x256xf32>
      %mul3A_1286 = arith.mulf %mul3A_1285, %add3A_1283 : vector<1x256xf32>
      %tanh3A_1287 = math.tanh %mul3A_1286 : vector<1x256xf32>
      %mul3A_1288 = arith.constant 5.000000e-01 : f32
      %mul3A_1289 = vector.broadcast %mul3A_1288 : f32 to vector<1x256xf32>
      %mul3A_1290 = arith.mulf %mul3A_1289, %tanh3A_1287 : vector<1x256xf32>
      %add3A_1291 = arith.constant 5.000000e-01 : f32
      %add3A_1292 = vector.broadcast %add3A_1291 : f32 to vector<1x256xf32>
      %add3A_1293 = arith.addf %mul3A_1290, %add3A_1292 : vector<1x256xf32>
      %slice3A_1294 = vector.extract_strided_slice %get3A_1277 {offsets = [0, 256], sizes = [1, 256], strides = [1, 1]} : vector<1x768xf32> to vector<1x256xf32>
      %slice3A_1295 = vector.extract_strided_slice %dot_general3A_1280 {offsets = [0, 256], sizes = [1, 256], strides = [1, 1]} : vector<1x768xf32> to vector<1x256xf32>
      %add3A_1296 = arith.addf %slice3A_1294, %slice3A_1295 : vector<1x256xf32>
      %mul3A_1297 = arith.constant 5.000000e-01 : f32
      %mul3A_1298 = vector.broadcast %mul3A_1297 : f32 to vector<1x256xf32>
      %mul3A_1299 = arith.mulf %mul3A_1298, %add3A_1296 : vector<1x256xf32>
      %tanh3A_1300 = math.tanh %mul3A_1299 : vector<1x256xf32>
      %mul3A_1301 = arith.constant 5.000000e-01 : f32
      %mul3A_1302 = vector.broadcast %mul3A_1301 : f32 to vector<1x256xf32>
      %mul3A_1303 = arith.mulf %mul3A_1302, %tanh3A_1300 : vector<1x256xf32>
      %add3A_1304 = arith.constant 5.000000e-01 : f32
      %add3A_1305 = vector.broadcast %add3A_1304 : f32 to vector<1x256xf32>
      %add3A_1306 = arith.addf %mul3A_1303, %add3A_1305 : vector<1x256xf32>
      %slice3A_1307 = vector.extract_strided_slice %get3A_1277 {offsets = [0, 512], sizes = [1, 256], strides = [1, 1]} : vector<1x768xf32> to vector<1x256xf32>
      %slice3A_1308 = vector.extract_strided_slice %dot_general3A_1280 {offsets = [0, 512], sizes = [1, 256], strides = [1, 1]} : vector<1x768xf32> to vector<1x256xf32>
      %add3A_1309 = arith.addf %slice3A_1308, %get3A_6 : vector<1x256xf32>
      %mul3A_1310 = arith.mulf %add3A_1293, %add3A_1309 : vector<1x256xf32>
      %add3A_1311 = arith.addf %slice3A_1307, %mul3A_1310 : vector<1x256xf32>
      %tanh3A_1312 = math.tanh %add3A_1311 : vector<1x256xf32>
      %sub3A_1313 = arith.subf %add3A_1269, %tanh3A_1312 : vector<1x256xf32>
      %mul3A_1314 = arith.mulf %add3A_1306, %sub3A_1313 : vector<1x256xf32>
      %add3A_1315 = arith.addf %tanh3A_1312, %mul3A_1314 : vector<1x256xf32>
      %swap3A_1316 = arith.index_cast %add3A_1274 : i32 to index
      %swap3A_1317 = arith.constant 0 : index
      %swap3A_1318 = vector.load %arg8[%swap3A_1316, %swap3A_1317] : memref<1024x256xf32, #tpu.memory_space<vmem>>, vector<1x256xf32>
      tpu.vector_store %arg8[%swap3A_1316, %swap3A_1317], %add3A_1315 {strides = array<i32>} : memref<1024x256xf32, #tpu.memory_space<vmem>>, vector<1x256xf32>,
      %add3A_1319 = arith.constant 28 : i32
      %add3A_1320 = arith.addi %mul3A_34, %add3A_1319 : i32
      %get3A_1321 = arith.index_cast %add3A_1320 : i32 to index
      %get3A_1322 = arith.constant 0 : index
      %get3A_1323 = vector.load %arg1[%get3A_1321, %get3A_1322] : memref<1024x768xf32, #tpu.memory_space<vmem>>, vector<1x768xf32>
      %convert_element_type3A_1324 = arith.truncf %add3A_1315 : vector<1x256xf32> to vector<1x256xbf16>
      %dot_general3A_1325 = arith.constant dense<0.000000e+00> : vector<1x768xf32>
      %dot_general3A_1326 = tpu.matmul %convert_element_type3A_1324, %get3A_3, %dot_general3A_1325 {dimension_numbers = #tpu.dot_dimension_numbers<[1], [0], [0], [1], [0, 0, 1, 1], [], []>, transpose_lhs_hint = false} : vector<1x256xbf16>, vector<256x768xbf16>, vector<1x768xf32> -> vector<1x768xf32>
      %slice3A_1327 = vector.extract_strided_slice %get3A_1323 {offsets = [0, 0], sizes = [1, 256], strides = [1, 1]} : vector<1x768xf32> to vector<1x256xf32>
      %slice3A_1328 = vector.extract_strided_slice %dot_general3A_1326 {offsets = [0, 0], sizes = [1, 256], strides = [1, 1]} : vector<1x768xf32> to vector<1x256xf32>
      %add3A_1329 = arith.addf %slice3A_1327, %slice3A_1328 : vector<1x256xf32>
      %mul3A_1330 = arith.constant 5.000000e-01 : f32
      %mul3A_1331 = vector.broadcast %mul3A_1330 : f32 to vector<1x256xf32>
      %mul3A_1332 = arith.mulf %mul3A_1331, %add3A_1329 : vector<1x256xf32>
      %tanh3A_1333 = math.tanh %mul3A_1332 : vector<1x256xf32>
      %mul3A_1334 = arith.constant 5.000000e-01 : f32
      %mul3A_1335 = vector.broadcast %mul3A_1334 : f32 to vector<1x256xf32>
      %mul3A_1336 = arith.mulf %mul3A_1335, %tanh3A_1333 : vector<1x256xf32>
      %add3A_1337 = arith.constant 5.000000e-01 : f32
      %add3A_1338 = vector.broadcast %add3A_1337 : f32 to vector<1x256xf32>
      %add3A_1339 = arith.addf %mul3A_1336, %add3A_1338 : vector<1x256xf32>
      %slice3A_1340 = vector.extract_strided_slice %get3A_1323 {offsets = [0, 256], sizes = [1, 256], strides = [1, 1]} : vector<1x768xf32> to vector<1x256xf32>
      %slice3A_1341 = vector.extract_strided_slice %dot_general3A_1326 {offsets = [0, 256], sizes = [1, 256], strides = [1, 1]} : vector<1x768xf32> to vector<1x256xf32>
      %add3A_1342 = arith.addf %slice3A_1340, %slice3A_1341 : vector<1x256xf32>
      %mul3A_1343 = arith.constant 5.000000e-01 : f32
      %mul3A_1344 = vector.broadcast %mul3A_1343 : f32 to vector<1x256xf32>
      %mul3A_1345 = arith.mulf %mul3A_1344, %add3A_1342 : vector<1x256xf32>
      %tanh3A_1346 = math.tanh %mul3A_1345 : vector<1x256xf32>
      %mul3A_1347 = arith.constant 5.000000e-01 : f32
      %mul3A_1348 = vector.broadcast %mul3A_1347 : f32 to vector<1x256xf32>
      %mul3A_1349 = arith.mulf %mul3A_1348, %tanh3A_1346 : vector<1x256xf32>
      %add3A_1350 = arith.constant 5.000000e-01 : f32
      %add3A_1351 = vector.broadcast %add3A_1350 : f32 to vector<1x256xf32>
      %add3A_1352 = arith.addf %mul3A_1349, %add3A_1351 : vector<1x256xf32>
      %slice3A_1353 = vector.extract_strided_slice %get3A_1323 {offsets = [0, 512], sizes = [1, 256], strides = [1, 1]} : vector<1x768xf32> to vector<1x256xf32>
      %slice3A_1354 = vector.extract_strided_slice %dot_general3A_1326 {offsets = [0, 512], sizes = [1, 256], strides = [1, 1]} : vector<1x768xf32> to vector<1x256xf32>
      %add3A_1355 = arith.addf %slice3A_1354, %get3A_6 : vector<1x256xf32>
      %mul3A_1356 = arith.mulf %add3A_1339, %add3A_1355 : vector<1x256xf32>
      %add3A_1357 = arith.addf %slice3A_1353, %mul3A_1356 : vector<1x256xf32>
      %tanh3A_1358 = math.tanh %add3A_1357 : vector<1x256xf32>
      %sub3A_1359 = arith.subf %add3A_1315, %tanh3A_1358 : vector<1x256xf32>
      %mul3A_1360 = arith.mulf %add3A_1352, %sub3A_1359 : vector<1x256xf32>
      %add3A_1361 = arith.addf %tanh3A_1358, %mul3A_1360 : vector<1x256xf32>
      %swap3A_1362 = arith.index_cast %add3A_1320 : i32 to index
      %swap3A_1363 = arith.constant 0 : index
      %swap3A_1364 = vector.load %arg8[%swap3A_1362, %swap3A_1363] : memref<1024x256xf32, #tpu.memory_space<vmem>>, vector<1x256xf32>
      tpu.vector_store %arg8[%swap3A_1362, %swap3A_1363], %add3A_1361 {strides = array<i32>} : memref<1024x256xf32, #tpu.memory_space<vmem>>, vector<1x256xf32>,
      %add3A_1365 = arith.constant 29 : i32
      %add3A_1366 = arith.addi %mul3A_34, %add3A_1365 : i32
      %get3A_1367 = arith.index_cast %add3A_1366 : i32 to index
      %get3A_1368 = arith.constant 0 : index
      %get3A_1369 = vector.load %arg1[%get3A_1367, %get3A_1368] : memref<1024x768xf32, #tpu.memory_space<vmem>>, vector<1x768xf32>
      %convert_element_type3A_1370 = arith.truncf %add3A_1361 : vector<1x256xf32> to vector<1x256xbf16>
      %dot_general3A_1371 = arith.constant dense<0.000000e+00> : vector<1x768xf32>
      %dot_general3A_1372 = tpu.matmul %convert_element_type3A_1370, %get3A_3, %dot_general3A_1371 {dimension_numbers = #tpu.dot_dimension_numbers<[1], [0], [0], [1], [0, 0, 1, 1], [], []>, transpose_lhs_hint = false} : vector<1x256xbf16>, vector<256x768xbf16>, vector<1x768xf32> -> vector<1x768xf32>
      %slice3A_1373 = vector.extract_strided_slice %get3A_1369 {offsets = [0, 0], sizes = [1, 256], strides = [1, 1]} : vector<1x768xf32> to vector<1x256xf32>
      %slice3A_1374 = vector.extract_strided_slice %dot_general3A_1372 {offsets = [0, 0], sizes = [1, 256], strides = [1, 1]} : vector<1x768xf32> to vector<1x256xf32>
      %add3A_1375 = arith.addf %slice3A_1373, %slice3A_1374 : vector<1x256xf32>
      %mul3A_1376 = arith.constant 5.000000e-01 : f32
      %mul3A_1377 = vector.broadcast %mul3A_1376 : f32 to vector<1x256xf32>
      %mul3A_1378 = arith.mulf %mul3A_1377, %add3A_1375 : vector<1x256xf32>
      %tanh3A_1379 = math.tanh %mul3A_1378 : vector<1x256xf32>
      %mul3A_1380 = arith.constant 5.000000e-01 : f32
      %mul3A_1381 = vector.broadcast %mul3A_1380 : f32 to vector<1x256xf32>
      %mul3A_1382 = arith.mulf %mul3A_1381, %tanh3A_1379 : vector<1x256xf32>
      %add3A_1383 = arith.constant 5.000000e-01 : f32
      %add3A_1384 = vector.broadcast %add3A_1383 : f32 to vector<1x256xf32>
      %add3A_1385 = arith.addf %mul3A_1382, %add3A_1384 : vector<1x256xf32>
      %slice3A_1386 = vector.extract_strided_slice %get3A_1369 {offsets = [0, 256], sizes = [1, 256], strides = [1, 1]} : vector<1x768xf32> to vector<1x256xf32>
      %slice3A_1387 = vector.extract_strided_slice %dot_general3A_1372 {offsets = [0, 256], sizes = [1, 256], strides = [1, 1]} : vector<1x768xf32> to vector<1x256xf32>
      %add3A_1388 = arith.addf %slice3A_1386, %slice3A_1387 : vector<1x256xf32>
      %mul3A_1389 = arith.constant 5.000000e-01 : f32
      %mul3A_1390 = vector.broadcast %mul3A_1389 : f32 to vector<1x256xf32>
      %mul3A_1391 = arith.mulf %mul3A_1390, %add3A_1388 : vector<1x256xf32>
      %tanh3A_1392 = math.tanh %mul3A_1391 : vector<1x256xf32>
      %mul3A_1393 = arith.constant 5.000000e-01 : f32
      %mul3A_1394 = vector.broadcast %mul3A_1393 : f32 to vector<1x256xf32>
      %mul3A_1395 = arith.mulf %mul3A_1394, %tanh3A_1392 : vector<1x256xf32>
      %add3A_1396 = arith.constant 5.000000e-01 : f32
      %add3A_1397 = vector.broadcast %add3A_1396 : f32 to vector<1x256xf32>
      %add3A_1398 = arith.addf %mul3A_1395, %add3A_1397 : vector<1x256xf32>
      %slice3A_1399 = vector.extract_strided_slice %get3A_1369 {offsets = [0, 512], sizes = [1, 256], strides = [1, 1]} : vector<1x768xf32> to vector<1x256xf32>
      %slice3A_1400 = vector.extract_strided_slice %dot_general3A_1372 {offsets = [0, 512], sizes = [1, 256], strides = [1, 1]} : vector<1x768xf32> to vector<1x256xf32>
      %add3A_1401 = arith.addf %slice3A_1400, %get3A_6 : vector<1x256xf32>
      %mul3A_1402 = arith.mulf %add3A_1385, %add3A_1401 : vector<1x256xf32>
      %add3A_1403 = arith.addf %slice3A_1399, %mul3A_1402 : vector<1x256xf32>
      %tanh3A_1404 = math.tanh %add3A_1403 : vector<1x256xf32>
      %sub3A_1405 = arith.subf %add3A_1361, %tanh3A_1404 : vector<1x256xf32>
      %mul3A_1406 = arith.mulf %add3A_1398, %sub3A_1405 : vector<1x256xf32>
      %add3A_1407 = arith.addf %tanh3A_1404, %mul3A_1406 : vector<1x256xf32>
      %swap3A_1408 = arith.index_cast %add3A_1366 : i32 to index
      %swap3A_1409 = arith.constant 0 : index
      %swap3A_1410 = vector.load %arg8[%swap3A_1408, %swap3A_1409] : memref<1024x256xf32, #tpu.memory_space<vmem>>, vector<1x256xf32>
      tpu.vector_store %arg8[%swap3A_1408, %swap3A_1409], %add3A_1407 {strides = array<i32>} : memref<1024x256xf32, #tpu.memory_space<vmem>>, vector<1x256xf32>,
      %add3A_1411 = arith.constant 30 : i32
      %add3A_1412 = arith.addi %mul3A_34, %add3A_1411 : i32
      %get3A_1413 = arith.index_cast %add3A_1412 : i32 to index
      %get3A_1414 = arith.constant 0 : index
      %get3A_1415 = vector.load %arg1[%get3A_1413, %get3A_1414] : memref<1024x768xf32, #tpu.memory_space<vmem>>, vector<1x768xf32>
      %convert_element_type3A_1416 = arith.truncf %add3A_1407 : vector<1x256xf32> to vector<1x256xbf16>
      %dot_general3A_1417 = arith.constant dense<0.000000e+00> : vector<1x768xf32>
      %dot_general3A_1418 = tpu.matmul %convert_element_type3A_1416, %get3A_3, %dot_general3A_1417 {dimension_numbers = #tpu.dot_dimension_numbers<[1], [0], [0], [1], [0, 0, 1, 1], [], []>, transpose_lhs_hint = false} : vector<1x256xbf16>, vector<256x768xbf16>, vector<1x768xf32> -> vector<1x768xf32>
      %slice3A_1419 = vector.extract_strided_slice %get3A_1415 {offsets = [0, 0], sizes = [1, 256], strides = [1, 1]} : vector<1x768xf32> to vector<1x256xf32>
      %slice3A_1420 = vector.extract_strided_slice %dot_general3A_1418 {offsets = [0, 0], sizes = [1, 256], strides = [1, 1]} : vector<1x768xf32> to vector<1x256xf32>
      %add3A_1421 = arith.addf %slice3A_1419, %slice3A_1420 : vector<1x256xf32>
      %mul3A_1422 = arith.constant 5.000000e-01 : f32
      %mul3A_1423 = vector.broadcast %mul3A_1422 : f32 to vector<1x256xf32>
      %mul3A_1424 = arith.mulf %mul3A_1423, %add3A_1421 : vector<1x256xf32>
      %tanh3A_1425 = math.tanh %mul3A_1424 : vector<1x256xf32>
      %mul3A_1426 = arith.constant 5.000000e-01 : f32
      %mul3A_1427 = vector.broadcast %mul3A_1426 : f32 to vector<1x256xf32>
      %mul3A_1428 = arith.mulf %mul3A_1427, %tanh3A_1425 : vector<1x256xf32>
      %add3A_1429 = arith.constant 5.000000e-01 : f32
      %add3A_1430 = vector.broadcast %add3A_1429 : f32 to vector<1x256xf32>
      %add3A_1431 = arith.addf %mul3A_1428, %add3A_1430 : vector<1x256xf32>
      %slice3A_1432 = vector.extract_strided_slice %get3A_1415 {offsets = [0, 256], sizes = [1, 256], strides = [1, 1]} : vector<1x768xf32> to vector<1x256xf32>
      %slice3A_1433 = vector.extract_strided_slice %dot_general3A_1418 {offsets = [0, 256], sizes = [1, 256], strides = [1, 1]} : vector<1x768xf32> to vector<1x256xf32>
      %add3A_1434 = arith.addf %slice3A_1432, %slice3A_1433 : vector<1x256xf32>
      %mul3A_1435 = arith.constant 5.000000e-01 : f32
      %mul3A_1436 = vector.broadcast %mul3A_1435 : f32 to vector<1x256xf32>
      %mul3A_1437 = arith.mulf %mul3A_1436, %add3A_1434 : vector<1x256xf32>
      %tanh3A_1438 = math.tanh %mul3A_1437 : vector<1x256xf32>
      %mul3A_1439 = arith.constant 5.000000e-01 : f32
      %mul3A_1440 = vector.broadcast %mul3A_1439 : f32 to vector<1x256xf32>
      %mul3A_1441 = arith.mulf %mul3A_1440, %tanh3A_1438 : vector<1x256xf32>
      %add3A_1442 = arith.constant 5.000000e-01 : f32
      %add3A_1443 = vector.broadcast %add3A_1442 : f32 to vector<1x256xf32>
      %add3A_1444 = arith.addf %mul3A_1441, %add3A_1443 : vector<1x256xf32>
      %slice3A_1445 = vector.extract_strided_slice %get3A_1415 {offsets = [0, 512], sizes = [1, 256], strides = [1, 1]} : vector<1x768xf32> to vector<1x256xf32>
      %slice3A_1446 = vector.extract_strided_slice %dot_general3A_1418 {offsets = [0, 512], sizes = [1, 256], strides = [1, 1]} : vector<1x768xf32> to vector<1x256xf32>
      %add3A_1447 = arith.addf %slice3A_1446, %get3A_6 : vector<1x256xf32>
      %mul3A_1448 = arith.mulf %add3A_1431, %add3A_1447 : vector<1x256xf32>
      %add3A_1449 = arith.addf %slice3A_1445, %mul3A_1448 : vector<1x256xf32>
      %tanh3A_1450 = math.tanh %add3A_1449 : vector<1x256xf32>
      %sub3A_1451 = arith.subf %add3A_1407, %tanh3A_1450 : vector<1x256xf32>
      %mul3A_1452 = arith.mulf %add3A_1444, %sub3A_1451 : vector<1x256xf32>
      %add3A_1453 = arith.addf %tanh3A_1450, %mul3A_1452 : vector<1x256xf32>
      %swap3A_1454 = arith.index_cast %add3A_1412 : i32 to index
      %swap3A_1455 = arith.constant 0 : index
      %swap3A_1456 = vector.load %arg8[%swap3A_1454, %swap3A_1455] : memref<1024x256xf32, #tpu.memory_space<vmem>>, vector<1x256xf32>
      tpu.vector_store %arg8[%swap3A_1454, %swap3A_1455], %add3A_1453 {strides = array<i32>} : memref<1024x256xf32, #tpu.memory_space<vmem>>, vector<1x256xf32>,
      %add3A_1457 = arith.constant 31 : i32
      %add3A_1458 = arith.addi %mul3A_34, %add3A_1457 : i32
      %get3A_1459 = arith.index_cast %add3A_1458 : i32 to index
      %get3A_1460 = arith.constant 0 : index
      %get3A_1461 = vector.load %arg1[%get3A_1459, %get3A_1460] : memref<1024x768xf32, #tpu.memory_space<vmem>>, vector<1x768xf32>
      %convert_element_type3A_1462 = arith.truncf %add3A_1453 : vector<1x256xf32> to vector<1x256xbf16>
      %dot_general3A_1463 = arith.constant dense<0.000000e+00> : vector<1x768xf32>
      %dot_general3A_1464 = tpu.matmul %convert_element_type3A_1462, %get3A_3, %dot_general3A_1463 {dimension_numbers = #tpu.dot_dimension_numbers<[1], [0], [0], [1], [0, 0, 1, 1], [], []>, transpose_lhs_hint = false} : vector<1x256xbf16>, vector<256x768xbf16>, vector<1x768xf32> -> vector<1x768xf32>
      %slice3A_1465 = vector.extract_strided_slice %get3A_1461 {offsets = [0, 0], sizes = [1, 256], strides = [1, 1]} : vector<1x768xf32> to vector<1x256xf32>
      %slice3A_1466 = vector.extract_strided_slice %dot_general3A_1464 {offsets = [0, 0], sizes = [1, 256], strides = [1, 1]} : vector<1x768xf32> to vector<1x256xf32>
      %add3A_1467 = arith.addf %slice3A_1465, %slice3A_1466 : vector<1x256xf32>
      %mul3A_1468 = arith.constant 5.000000e-01 : f32
      %mul3A_1469 = vector.broadcast %mul3A_1468 : f32 to vector<1x256xf32>
      %mul3A_1470 = arith.mulf %mul3A_1469, %add3A_1467 : vector<1x256xf32>
      %tanh3A_1471 = math.tanh %mul3A_1470 : vector<1x256xf32>
      %mul3A_1472 = arith.constant 5.000000e-01 : f32
      %mul3A_1473 = vector.broadcast %mul3A_1472 : f32 to vector<1x256xf32>
      %mul3A_1474 = arith.mulf %mul3A_1473, %tanh3A_1471 : vector<1x256xf32>
      %add3A_1475 = arith.constant 5.000000e-01 : f32
      %add3A_1476 = vector.broadcast %add3A_1475 : f32 to vector<1x256xf32>
      %add3A_1477 = arith.addf %mul3A_1474, %add3A_1476 : vector<1x256xf32>
      %slice3A_1478 = vector.extract_strided_slice %get3A_1461 {offsets = [0, 256], sizes = [1, 256], strides = [1, 1]} : vector<1x768xf32> to vector<1x256xf32>
      %slice3A_1479 = vector.extract_strided_slice %dot_general3A_1464 {offsets = [0, 256], sizes = [1, 256], strides = [1, 1]} : vector<1x768xf32> to vector<1x256xf32>
      %add3A_1480 = arith.addf %slice3A_1478, %slice3A_1479 : vector<1x256xf32>
      %mul3A_1481 = arith.constant 5.000000e-01 : f32
      %mul3A_1482 = vector.broadcast %mul3A_1481 : f32 to vector<1x256xf32>
      %mul3A_1483 = arith.mulf %mul3A_1482, %add3A_1480 : vector<1x256xf32>
      %tanh3A_1484 = math.tanh %mul3A_1483 : vector<1x256xf32>
      %mul3A_1485 = arith.constant 5.000000e-01 : f32
      %mul3A_1486 = vector.broadcast %mul3A_1485 : f32 to vector<1x256xf32>
      %mul3A_1487 = arith.mulf %mul3A_1486, %tanh3A_1484 : vector<1x256xf32>
      %add3A_1488 = arith.constant 5.000000e-01 : f32
      %add3A_1489 = vector.broadcast %add3A_1488 : f32 to vector<1x256xf32>
      %add3A_1490 = arith.addf %mul3A_1487, %add3A_1489 : vector<1x256xf32>
      %slice3A_1491 = vector.extract_strided_slice %get3A_1461 {offsets = [0, 512], sizes = [1, 256], strides = [1, 1]} : vector<1x768xf32> to vector<1x256xf32>
      %slice3A_1492 = vector.extract_strided_slice %dot_general3A_1464 {offsets = [0, 512], sizes = [1, 256], strides = [1, 1]} : vector<1x768xf32> to vector<1x256xf32>
      %add3A_1493 = arith.addf %slice3A_1492, %get3A_6 : vector<1x256xf32>
      %mul3A_1494 = arith.mulf %add3A_1477, %add3A_1493 : vector<1x256xf32>
      %add3A_1495 = arith.addf %slice3A_1491, %mul3A_1494 : vector<1x256xf32>
      %tanh3A_1496 = math.tanh %add3A_1495 : vector<1x256xf32>
      %sub3A_1497 = arith.subf %add3A_1453, %tanh3A_1496 : vector<1x256xf32>
      %mul3A_1498 = arith.mulf %add3A_1490, %sub3A_1497 : vector<1x256xf32>
      %add3A_1499 = arith.addf %tanh3A_1496, %mul3A_1498 : vector<1x256xf32>
      %swap3A_1500 = arith.index_cast %add3A_1458 : i32 to index
      %swap3A_1501 = arith.constant 0 : index
      %swap3A_1502 = vector.load %arg8[%swap3A_1500, %swap3A_1501] : memref<1024x256xf32, #tpu.memory_space<vmem>>, vector<1x256xf32>
      tpu.vector_store %arg8[%swap3A_1500, %swap3A_1501], %add3A_1499 {strides = array<i32>} : memref<1024x256xf32, #tpu.memory_space<vmem>>, vector<1x256xf32>,
      scf.yield %add3A_1499 : vector<1x256xf32>
    }
    %scan3A_14 = arith.constant 32 : i32
    %swap3A = arith.constant 0 : index
    %swap3A_15 = arith.constant 0 : index
    %swap3A_16 = vector.load %arg7[%swap3A, %swap3A_15] : memref<1x256xf32, #tpu.memory_space<vmem>>, vector<1x256xf32>
    tpu.vector_store %arg7[%swap3A, %swap3A_15], %scan3A_13 {strides = array<i32>} : memref<1x256xf32, #tpu.memory_space<vmem>>, vector<1x256xf32>,
    %get3A_17 = arith.constant 0 : index
    %get3A_18 = arith.constant 0 : index
    %get3A_19 = vector.load %arg8[%get3A_17, %get3A_18] : memref<1024x256xf32, #tpu.memory_space<vmem>>, vector<1024x256xf32>
    %get3A_20 = arith.constant 0 : index
    %get3A_21 = arith.constant 0 : index
    %get3A_22 = vector.load %arg4[%get3A_20, %get3A_21] : memref<256x128xf32, #tpu.memory_space<vmem>>, vector<256x128xf32>
    %dot_general3A = arith.constant dense<0.000000e+00> : vector<1024x128xf32>
    %dot_general3A_23 = tpu.matmul %get3A_19, %get3A_22, %dot_general3A {dimension_numbers = #tpu.dot_dimension_numbers<[1], [0], [0], [1], [0, 0, 1, 1], [], []>, transpose_lhs_hint = false} : vector<1024x256xf32>, vector<256x128xf32>, vector<1024x128xf32> -> vector<1024x128xf32>
    %get3A_24 = arith.constant 0 : index
    %get3A_25 = arith.constant 0 : index
    %get3A_26 = vector.load %arg5[%get3A_24, %get3A_25] : memref<1024x1xf32, #tpu.memory_space<vmem>>, vector<1024x1xf32>
    %mul3A = vector.broadcast %get3A_26 : vector<1024x1xf32> to vector<1024x128xf32>
    %mul3A_27 = arith.mulf %mul3A, %dot_general3A_23 : vector<1024x128xf32>
    %swap3A_28 = arith.constant 0 : index
    %swap3A_29 = arith.constant 0 : index
    %swap3A_30 = vector.load %arg6[%swap3A_28, %swap3A_29] : memref<1024x128xf32, #tpu.memory_space<vmem>>, vector<1024x128xf32>
    tpu.vector_store %arg6[%swap3A_28, %swap3A_29], %mul3A_27 {strides = array<i32>} : memref<1024x128xf32, #tpu.memory_space<vmem>>, vector<1024x128xf32>,
    return
  }
  func.func @transform_0(%arg0: i32) -> (i32, i32) {
    %c0_i32 = arith.constant 0 : i32
    %c0_i32_0 = arith.constant 0 : i32
    return %arg0, %c0_i32 : i32, i32
  }
  func.func @transform_1(%arg0: i32) -> (i32, i32) {
    %c0_i32 = arith.constant 0 : i32
    %c0_i32_0 = arith.constant 0 : i32
    %c0_i32_1 = arith.constant 0 : i32
    return %c0_i32, %c0_i32_0 : i32, i32
  }
  func.func @transform_2(%arg0: i32) -> (i32, i32) {
    %c0_i32 = arith.constant 0 : i32
    %c0_i32_0 = arith.constant 0 : i32
    %c0_i32_1 = arith.constant 0 : i32
    return %c0_i32, %c0_i32_0 : i32, i32
  }
  func.func @transform_3(%arg0: i32) -> (i32, i32) {
    %c0_i32 = arith.constant 0 : i32
    %c0_i32_0 = arith.constant 0 : i32
    %c0_i32_1 = arith.constant 0 : i32
    return %c0_i32, %c0_i32_0 : i32, i32
  }
  func.func @transform_4(%arg0: i32) -> (i32, i32) {
    %c0_i32 = arith.constant 0 : i32
    %c0_i32_0 = arith.constant 0 : i32
    return %arg0, %c0_i32 : i32, i32
  }
  func.func @transform_5(%arg0: i32) -> (i32, i32) {
    %c0_i32 = arith.constant 0 : i32
    %c0_i32_0 = arith.constant 0 : i32
    return %arg0, %c0_i32 : i32, i32
  }
}

</mosaic_0001>

<sc_bundles>
// kernel: kernel.11.cloned.1.call-start
scs
__scs_entry_jumppad:
0x0: {  	(pc) =	sbr.rel $0x88, $3  }
0x1: {  	(tag) =	ssettag $0x0;
	lr =	simm.s32 $0x1  }
0x2: {  	[smem:$0x3F97] =	sst lr;
	_ =	strace $0xD0000000  }
0x3: {  	_ = 	snop  }
0x4: {  	_ = 	snop  }
0x5: {  	_ = 	snop  }
0x6: {  	_ = 	snop  }
0x7: {  	_ = 	snop  }
__scs_overlays_trampoline_lowered:
0x8: {  	[smem:$0x3FA6] =	sst s0  }
0x9: {  	[smem:$0x3FA7] =	sst s1  }
0xa: {  	[smem:$0x3FA8] =	sst s2  }
0xb: {  	[smem:$0x3FA9] =	sst s3  }
0xc: {  	[smem:$0x3FAA] =	sst s4  }
0xd: {  	[smem:$0x3FAB] =	sst s5  }
0xe: {  	[smem:$0x3FAC] =	sst s6  }
0xf: {  	[smem:$0x3FAD] =	sst s7  }
0x10: {  	[smem:$0x3FAE] =	sst s8  }
0x11: {  	[smem:$0x3FAF] =	sst s9;
	s0 =	simm.s32 @!p0 $0x0  }
0x12: {  	s1 =	sld [smem:$0x3F95];
	s0 =	simm.s32 @p0 $0x1  }
0x13: {  	[smem:$0x3FB0] =	sst s0;
	s0 =	simm.s32 @!p1 $0x0  }
0x14: {  	s2 =	sld [smem:$0x3F94];
	s0 =	simm.s32 @p1 $0x1  }
0x15: {  	[smem:$0x3FB1] =	sst s0;
	s0 =	simm.s32 @!p2 $0x0  }
0x16: {  	s3 =	sld [smem:$0x3FDB];
	s0 =	simm.s32 @p2 $0x1  }
0x17: {  	s4 =	simm.s32 $0x1BF5;
	[smem:$0x3FB3] =	sst s0  }
0x18: {  	s0 =	sld [smem:$0x3F96];
	_ =	swait.ge [sflag:s4], $0x0  }
0x19: {  	s7 =	sld [smem:$0x3F97]  }
0x1a: {  	s8 =	sadd.s32 $0xFFFFE003, lr  }
0x1b: {  	s9 =	sadd.s32 $0xFFFFFEF7, lr;
	s5 =	simm.s32 $0xFFFFFFFF;
	p2 =	slt.u32 s8, $0xFFFFF086  }
0x1c: {  	p1 =	slt.u32 s9, $0xF7A;
	s5 =	simm.s32 @!p2 $0x0  }
0x1d: {  	s5 =	simm.s32 @p1 $0x1;
	p0 =	seq.s32 s7, s2  }
0x1e: {  	s7 =	smul.u32 @!p0 $0xF7A, s2;
	p2 =	seq.s32 @!p0 s5, $0x0  }
0x1f: {  	s9 =	smul.u32 $0xF7A, s1;
	s8 =	simm.s32 @!p0 $0x1BF5;
	p2 =	por !p2, p0  }
0x20: {  	[sflag:s8] =	ssyncset.s32 @!p0 $0xFFFFF086;
	s6 =	sadd.s32 @!p0 s3, s7;
	s7 =	simm.s32 @!p0 $0x108  }
0x21: {  	s3 =	sadd.s32 s3, s9;
	s6 =	sadd.s32 @!p0 $0x88, s6;
	s7 =	simm.s32 @p2 $0x1082  }
0x22: {  	[simem:s7], [sflag:s8] =	dma.local @!p0 [hbm:s6], $0xF7A  }
0x23: {  	s9 =	sor.u32 $0xD0000000, s2;
	s6 =	simm.s32 $0x108;
	_ =	swait.ge @!p0 [sflag:s8], $0x0  }
0x24: {  	s3 =	sadd.s32 $0x88, s3;
	s6 =	simm.s32 @!p1 $0x1082;
	[sflag:s4] =	ssyncset.s32 $0xFFFFF086  }
0x25: {  	[simem:s6], [sflag:s4] =	dma.local [hbm:s3], $0xF7A  }
0x26: {  	[smem:$0x3F97] =	sst s1;
	(tag) =	ssettag s2;
	_ =	strace s9  }
0x27: {  	s1 =	sld [smem:$0x3FA7]  }
0x28: {  	s2 =	sld [smem:$0x3FA8]  }
0x29: {  	s4 =	sld [smem:$0x3FAA]  }
0x2a: {  	p0 =	seq.s32 s5, $0x0;
	s5 =	sld [smem:$0x3FAB]  }
0x2b: {  	s6 =	sld [smem:$0x3FAC]  }
0x2c: {  	s7 =	sld [smem:$0x3FAD]  }
0x2d: {  	s3 =	simm.s32 $0x108;
	s8 =	sld [smem:$0x3FAE]  }
0x2e: {  	s3 =	simm.s32 @!p0 $0x1082;
	s9 =	sld [smem:$0x3FAF]  }
0x2f: {  	lr =	sadd.s32 s0, s3;
	s0 =	sld [smem:$0x3FA6]  }
0x30: {  	s3 =	sld [smem:$0x3FA9]  }
0x31: {  	[smem:$0x3FB2] =	sst s10  }
0x32: {  	s10 =	sld [smem:$0x3FB0];
	_ =	sdelay $0x3  }
0x33: {  	p0 =	seq.s32 s10, $0x1;
	s10 =	sld [smem:$0x3FB2];
	_ =	sdelay $0x3  }
0x34: {  	[smem:$0x3FB2] =	sst s10  }
0x35: {  	s10 =	sld [smem:$0x3FB1];
	_ =	sdelay $0x3  }
0x36: {  	p1 =	seq.s32 s10, $0x1;
	s10 =	sld [smem:$0x3FB2];
	_ =	sdelay $0x3  }
0x37: {  	[smem:$0x3FB2] =	sst s10  }
0x38: {  	s10 =	sld [smem:$0x3FB3]  }
0x39: {  	_ = 	snop;
	(pc) =	sbr.ind lr, $3  }
0x3a: {  	_ = 	snop  }
0x3b: {  	_ = 	snop  }
0x3c: {  	p2 =	seq.s32 s10, $0x1;
	s10 =	sld [smem:$0x3FB2]  }
0x3d: {  	_ =	shalt  }
0x3e: {  	_ =	shalt  }
0x3f: {  	_ =	shalt  }
0x40: {  	_ =	shalt  }
0x41: {  	_ =	shalt  }
0x42: {  	_ =	shalt  }
0x43: {  	_ =	shalt  }
0x44: {  	_ =	shalt  }
0x45: {  	_ =	shalt  }
0x46: {  	_ =	shalt  }
0x47: {  	_ =	shalt  }
0x48: {  	_ =	shalt  }
0x49: {  	_ =	shalt  }
0x4a: {  	_ =	shalt  }
0x4b: {  	_ =	shalt  }
0x4c: {  	_ =	shalt  }
0x4d: {  	_ =	shalt  }
0x4e: {  	_ =	shalt  }
0x4f: {  	_ =	shalt  }
0x50: {  	_ =	shalt  }
0x51: {  	_ =	shalt  }
0x52: {  	_ =	shalt  }
0x53: {  	_ =	shalt  }
0x54: {  	_ =	shalt  }
0x55: {  	_ =	shalt  }
0x56: {  	_ =	shalt  }
0x57: {  	_ =	shalt  }
0x58: {  	_ =	shalt  }
0x59: {  	_ =	shalt  }
0x5a: {  	_ =	shalt  }
0x5b: {  	_ =	shalt  }
0x5c: {  	_ =	shalt  }
0x5d: {  	_ =	shalt  }
0x5e: {  	_ =	shalt  }
0x5f: {  	_ =	shalt  }
0x60: {  	_ =	shalt  }
0x61: {  	_ =	shalt  }
0x62: {  	_ =	shalt  }
0x63: {  	_ =	shalt  }
0x64: {  	_ =	shalt  }
0x65: {  	_ =	shalt  }
0x66: {  	_ =	shalt  }
0x67: {  	_ =	shalt  }
0x68: {  	_ =	shalt  }
0x69: {  	_ =	shalt  }
0x6a: {  	_ =	shalt  }
0x6b: {  	_ =	shalt  }
0x6c: {  	_ =	shalt  }
0x6d: {  	_ =	shalt  }
0x6e: {  	_ =	shalt  }
0x6f: {  	_ =	shalt  }
0x70: {  	_ =	shalt  }
0x71: {  	_ =	shalt  }
0x72: {  	_ =	shalt  }
0x73: {  	_ =	shalt  }
0x74: {  	_ =	shalt  }
0x75: {  	_ =	shalt  }
0x76: {  	_ =	shalt  }
0x77: {  	_ =	shalt  }
0x78: {  	_ =	shalt  }
0x79: {  	_ =	shalt  }
0x7a: {  	_ =	shalt  }
0x7b: {  	_ =	shalt  }
0x7c: {  	_ =	shalt  }
0x7d: {  	_ =	shalt  }
0x7e: {  	_ =	shalt  }
0x7f: {  	_ =	shalt  }
0x80: {  	_ =	shalt  }
0x81: {  	_ =	shalt  }
0x82: {  	_ =	shalt  }
0x83: {  	_ =	shalt  }
0x84: {  	_ =	shalt  }
0x85: {  	_ =	shalt  }
0x86: {  	_ =	shalt  }
0x87: {  	_ =	shalt  }
.Lfunc_end0:
.L_simem_size_0:
called_computation.1_lowered:
.L_overlay_start_0:
0x88: {  	s2 =	sld [smem:$0x3FD9]  }
0x89: {  	s3 =	sld [smem:$0x3FFE];
	_ =	sdelay $0x1  }
0x8a: {  	s1 =	srdreg.scid  }
0x8b: {  	s0 =	sand.u32 $0x1, s1  }
0x8c: {  	s16 =	sshll.u32 s0, $0xA;
	s2 =	sadd.s32 s3, s2  }
0x8d: {  	s2 =	sadd.s32 s2, s16  }
0x8e: {  	[smem:$0x3FBE] =	sst s2  }
0x8f: {  	_ = 	snop  }
0x90: {  	(tm) =	ssettm $0x1  }
0x91: {  	s17 =	sld [smem:$0x3FFB];
	_ =	sdelay $0x3  }
0x92: {  	_ =	strace s17  }
0x93: {  	s2 =	sld [smem:$0x3FFC];
	_ =	sdelay $0x3  }
0x94: {  	_ =	strace s2  }
0x95: {  	s2 =	sld [smem:$0x3FFD];
	_ =	sdelay $0x3  }
0x96: {  	_ =	strace s2  }
0x97: {  	_ =	strace $0x8FFFFFFF  }
0x98: {  	s18 =	sld [smem:$0x3FDB];
	_ =	sdelay $0x1  }
0x99: {  	s19 =	simm.s32 $_scs_section_size  }
0x9a: {  	s4 =	simm.s32 $_size__tile_overlayer_lowered;
	s5 =	simm.s32 $_tile_overlayer_lowered  }
0x9b: {  	s22 =	simm.s32 $0x1BFF;
	s21 =	sshll.u32 s5, $0x1;
	s2 =	sadd.s32 s19, s18  }
0x9c: {  	s6 =	simm.s32 $0x0;
	s20 =	sshll.u32 s4, $0x1;
	s4 =	sadd.s32 s21, s2  }
0x9d: {  	[timem:s6], [sflag:s22] =	dma.local [hbm:s4], s20  }
0x9e: {  	_ =	swait.ge [sflag:s22], s20  }
0x9f: {  	s3 =	ssub.s32 $0x0, s20;
	[sflag:s22] =	ssyncset.done $0x0  }
0xa0: {  	[sflag:s22] =	ssyncadd.s32 s3;
	_ =	sdelay $0x1  }
0xa1: {  	s23 =	simm.s32 $0x1B8B  }
0xa2: {  	_ =	swait.ge [sflag:s23], $0x1  }
0xa3: {  	[sflag:s23] =	ssyncset.done $0x0  }
0xa4: {  	s25 =	simm.s32 $0x1B8E;
	s24 =	sld [smem:$0x3FFE];
	[sflag:s23] =	ssyncadd.s32 $0xFFFFFFFF  }
0xa5: {  	s26 =	simm.s32 $execute0_lowered;
	[smem:$0x3FD2] =	sst s25  }
0xa6: {  	s4 =	sshll.u32 s26, $0x1;
	_ =	strace $0x80000049;
	[dreg:$0x1] =	wrdreg $0xFFFFFFFF  }
0xa7: {  	s28 =	simm.s32 $_size_execute0_lowered;
	s2 =	sadd.s32 s2, s4;
	[dreg:$0x0] =	wrdreg $0x0  }
0xa8: {  	s4 =	sshll.u32 s28, $0x1;
	[dreg:$0x2] =	wrdreg s2  }
0xa9: {  	[dreg:$0x3] =	wrdreg s4  }
0xaa: {  	[dreg:$0x4] =	wrdreg $0xC0  }
0xab: {  	_ =	task [dreg:s6], $0x5FFFF  }
0xac: {  	[dreg:$0x1] =	wrdreg $0xFFFFFFFF  }
0xad: {  	[dreg:$0x0] =	wrdreg $0x60  }
0xae: {  	[dreg:$0x2] =	wrdreg s24  }
0xaf: {  	[dreg:$0x3] =	wrdreg $0xBC000  }
0xb0: {  	[dreg:$0x4] =	wrdreg $0x9  }
0xb1: {  	_ =	task.clear_ibuf [dreg:s6], $0x5FFFF;
	_ =	strace $0x90000049  }
0xb2: {  	s29 =	simm.s32 $0x9;
	_ =	strace $0x8000004B  }
0xb3: {  	_ =	swait.ge [sflag:s29], $0x1  }
0xb4: {  	[sflag:s29] =	ssyncadd.s32 $0xFFFFFFFF  }
0xb5: {  	_ =	strace $0x9000004B  }
0xb6: {  	_ =	sfence  }
0xb7: {  	s30 =	sld [smem:$0x0];
	_ =	sdelay $0x2  }
0xb8: {  	s31 =	sshll.u32 s1, $0xD;
	s1 =	sshrl.u32 s1, $0x2  }
0xb9: {  	s3 =	sand.u32 $0x4000, s31;
	s1 =	sadd.s32 s1, s30  }
0xba: {  	s0 =	sor.u32 s3, s0;
	s1 =	sshll.u32 s1, $0x11  }
0xbb: {  	s0 =	sor.u32 s1, s0  }
0xbc: {  	s0 =	sadd.s32 $0x8F2B, s0  }
0xbd: {  	[sflag:s0] =	ssyncadd.remote.s32 $0x1  }
0xbe: {  	_ =	sfence.sel $0xFFFF  }
0xbf: {  	[dreg:$0x0] =	wrdreg $0xFFFFFFFF;
	(pc) =	sbr.abs _section_cstart, $3  }
0xc0: {  	[dreg:$0x1] =	wrdreg $0xFFFFFFFF  }
0xc1: {  	_ =	task.clear_ibuf [dreg:s6], $0x2FFFF;
	_ =	strace $0x9FFFFFFF  }
0xc2: {  	(tm) =	ssettm $0x7FFFFFFF  }
0xc3: {  	_ =	shalt  }
tec
execute0_lowered:
.L_overlay_start_1:
0x0: {  	(tag) =	ssettag $0x1  }
0x1: {  	s9 =	rddreg [dreg:$0x0]  }
0x2: {  	s1 =	rddreg [dreg:$0x1]  }
0x3: {  	s0 =	rddreg [dreg:$0x2];
	s2 =	simm.s32 $0x0  }
0x4: {  	s3 =	stileid.u32;
	s6 =	srdreg.scid;
	s16 =	simm.s32 $0x3  }
0x5: {  	s17 =	simm.s32 $0x80;
	s18 =	simm.s32 $0x3C00;
	s19 =	simm.s32 $0x7C00  }
0x6: {  	s20 =	simm.s32 $0x1;
	s21 =	simm.s32 $0x2;
	s23 =	simm.s32 $0x0  }
0x7: {  	[smem:$0x7FF] =	sst s2;
	s4 =	smul.u32 $0x2800, s3;
	s5 =	sadd.s32 $0x6C00, s9  }
0x8: {  	s15 =	sand.u32 $0x1, s6;
	s6 =	sadd.s32 $0x5C200, s9;
	s13 =	smul.u32 $0x50000, s3  }
0x9: {  	s8 =	sadd.s32 $0xD4200, s9;
	p0 =	sne.s32 s3, $0x0;
	_ =	strace $0x8000004A  }
0xa: {  	s10 =	ssub.s32 $0x2, s15;
	p1 =	sne.s32 s15, $0x0;
	s15 =	simm.s32 $0x1400  }
.Ltmp0:
0xb: {  	s7 =	sshrl.u32 s4, $0x3;
	s11 =	sshrl.u32 s10, $0x1;
	(pc) =	sbr.rel .LBB2_1-.Ltmp0, $4  }
0xc: {  	s13 =	sshrl.u32 s13, $0x2;
	s12 =	sadd.s32 s7, s9;
	s7 =	sadd.s32 $0x2EC00, s9  }
0xd: {  	s9 =	sadd.s32 $0xFC200, s9;
	s14 =	ssub.s32 s10, s11;
	s22 =	sadd.s32 s13, s1  }
0xe: {  	s10 =	sadd.s32 $0x1600, s12;
	s11 =	sadd.s32 $0x57200, s12;
	s12 =	sadd.s32 $0x57480, s12  }
0xf: {  	s13 =	smax.u32 s14, $0x1;
	s14 =	sshrl.u32 @!p0 s1, $0x3;
	s22 =	sshrl.u32 s22, $0x3  }
.LBB2_11:
0x10: {  	s24 =	sshra.s32 s24, $0x2;
	[sflag:s16] =	ssyncadd.s32 $0xFFFFC000  }
0x11: {  	[tilespmem:s18], [sflag:$0x1] =	stream.indirect.gather [hbm4b:s6+s17], $0x80, s24, s17, $0xb8;
	[tilespmem:$0x1FC00] =	vst v63  }
0x12: {  	s25 =	sadd.s32 $0x80, s24  }
0x13: {  	[tilespmem:s19], [sflag:$0x2] =	stream.indirect.gather [hbm4b:s6+s17], $0x80, s25, s17, $0xb8;
	[tilespmem:$0x1FC00] =	vst v63  }
0x14: {  	_ =	swait.ge [sflag:s20], $0x4000  }
0x15: {  	[sflag:s20] =	ssyncset.done $0x0  }
0x16: {  	s31 =	sadd.s32 $0x2800, s24;
	[sflag:s20] =	ssyncadd.s32 $0xFFFFC000  }
0x17: {  	[spmem:s1] =	stream.indirect.scatter.add.f32 [tilespmem:s18], [sflag:$0x3], $0x80, s31, s17, $0xb8;
	[tilespmem:$0x1FC00] =	vst v63  }
0x18: {  	_ =	swait.ge [sflag:s16], $0x4000  }
0x19: {  	[sflag:s16] =	ssyncset.done $0x0  }
0x1a: {  	[sflag:s16] =	ssyncadd.s32 $0xFFFFC000  }
0x1b: {  	_ =	swait.ge [sflag:s21], $0x4000  }
0x1c: {  	[sflag:s21] =	ssyncset.done $0x0  }
0x1d: {  	s24 =	sadd.s32 $0x2880, s24;
	[sflag:s21] =	ssyncadd.s32 $0xFFFFC000  }
0x1e: {  	[spmem:s1] =	stream.indirect.scatter.add.f32 [tilespmem:s19], [sflag:$0x3], $0x80, s24, s17, $0xb8;
	[tilespmem:$0x1FC00] =	vst v63  }
0x1f: {  	_ =	swait.ge [sflag:s16], $0x4000  }
0x20: {  	[sflag:s16] =	ssyncset.done $0x0  }
0x21: {  	s24 =	smov.u32 s9;
	[sflag:s16] =	ssyncadd.s32 $0xFFFFC000  }
.LBB2_12:
0x22: {  	s23 =	sadd.s32 $0x1, s23  }
0x23: {  	s25 =	sshll.u32 s3, $0x6;
	s24 =	sadd.s32 s24, s4;
	p2 =	sne.s32 s23, s13  }
.Ltmp1:
0x24: {  	[bflag:$0x0] =	sbarrier.arrive $0xFFFF;
	s25 =	sor.u32 $0x1C03, s25;
	(pc) =	sbr.rel @!p2 .LBB2_13-.Ltmp1, $4  }
0x25: {  	[hbm:s24], [sflag:s25] =	dma.local [spmem:s22], $0x2800  }
0x26: {  	_ =	swait.ge [sflag:s16], $0x2800  }
0x27: {  	[sflag:s16] =	ssyncset.done $0x0  }
0x28: {  	[sflag:s16] =	ssyncadd.s32 $0xFFFFD800  }
.LBB2_1:
0x29: {  	s24 =	simm.s32 @!p0 $0x1C03  }
0x2a: {  	[spmem:s14], [sflag:s24] =	dma.local @!p0 [hbm:s7], $0x28000  }
0x2b: {  	s24 =	simm.s32 @!p0 $0x3  }
0x2c: {  	_ =	swait.ge @!p0 [sflag:s24], $0x28000  }
0x2d: {  	[sflag:s24] =	ssyncset.done @!p0 $0x0  }
0x2e: {  	[sflag:s24] =	ssyncadd.s32 @!p0 $0xFFFD8000  }
0x2f: {  	[bflag:$0x0] =	sbarrier.arrive $0xFFFF  }
0x30: {  	[tilespmem:s15], [sflag:$0x3] =	stream.linear.gather [hbm4b:s10+s2], $0x2800, $0x38;
	[tilespmem:$0x1FC00] =	vst v63  }
0x31: {  	_ =	swait.ge [sflag:s16], $0x2800  }
0x32: {  	[sflag:s16] =	ssyncset.done $0x0  }
.Ltmp2:
0x33: {  	[sflag:s16] =	ssyncadd.s32 $0xFFFFD800;
	(pc) =	sbr.rel @p1 .LBB2_7-.Ltmp2, $4  }
0x34: {  	[tilespmem:s2], [sflag:$0x3] =	stream.linear.gather [hbm4b:s11+s2], $0x1400, $0x38;
	[tilespmem:$0x1FC00] =	vst v63  }
0x35: {  	_ =	swait.ge [sflag:s16], $0x1400  }
0x36: {  	[sflag:s16] =	ssyncset.done $0x0  }
0x37: {  	s24 =	simm.s32 $0x0;
	[sflag:s16] =	ssyncadd.s32 $0xFFFFEC00  }
0x38: {  	[tilespmem:s18], [sflag:$0x1] =	stream.indirect.gather [hbm4b:s5+s17], $0x80, s24, s17, $0xb8;
	[tilespmem:$0x1FC00] =	vst v63  }
0x39: {  	s29 =	simm.s32 $0x80  }
0x3a: {  	[tilespmem:s19], [sflag:$0x2] =	stream.indirect.gather [hbm4b:s5+s17], $0x80, s29, s17, $0xb8;
	[tilespmem:$0x1FC00] =	vst v63  }
0x3b: {  	_ =	swait.ge [sflag:s20], $0x4000  }
0x3c: {  	[sflag:s20] =	ssyncset.done $0x0  }
0x3d: {  	s30 =	simm.s32 $0x1400;
	[sflag:s20] =	ssyncadd.s32 $0xFFFFC000  }
0x3e: {  	[spmem:s1] =	stream.indirect.scatter.add.f32 [tilespmem:s18], [sflag:$0x3], $0x80, s30, s17, $0xb8;
	[tilespmem:$0x1FC00] =	vst v63  }
0x3f: {  	_ =	swait.ge [sflag:s16], $0x4000  }
0x40: {  	[sflag:s16] =	ssyncset.done $0x0  }
0x41: {  	[sflag:s16] =	ssyncadd.s32 $0xFFFFC000  }
0x42: {  	_ =	swait.ge [sflag:s21], $0x4000  }
0x43: {  	[sflag:s21] =	ssyncset.done $0x0  }
0x44: {  	s31 =	simm.s32 $0x1480;
	[sflag:s21] =	ssyncadd.s32 $0xFFFFC000  }
0x45: {  	[spmem:s1] =	stream.indirect.scatter.add.f32 [tilespmem:s19], [sflag:$0x3], $0x80, s31, s17, $0xb8;
	[tilespmem:$0x1FC00] =	vst v63  }
0x46: {  	_ =	swait.ge [sflag:s16], $0x4000  }
0x47: {  	s24 =	simm.s32 $0x400;
	s25 =	simm.s32 $0x800;
	[sflag:s16] =	ssyncset.done $0x0  }
.LBB2_3:
0x48: {  	s26 =	sshra.s32 s24, $0x2  }
0x49: {  	[sflag:s16] =	ssyncadd.s32 $0xFFFFC000;
	s24 =	smov.u32 s25;
	s28 =	sadd.s32 $0x400, s25  }
0x4a: {  	[tilespmem:s18], [sflag:$0x1] =	stream.indirect.gather [hbm4b:s5+s17], $0x80, s26, s17, $0xb8;
	[tilespmem:$0x1FC00] =	vst v63  }
0x4b: {  	p2 =	sne.s32 s25, $0x4C00;
	s25 =	sadd.s32 $0x80, s26  }
0x4c: {  	[tilespmem:s19], [sflag:$0x2] =	stream.indirect.gather [hbm4b:s5+s17], $0x80, s25, s17, $0xb8;
	[tilespmem:$0x1FC00] =	vst v63  }
0x4d: {  	_ =	swait.ge [sflag:s20], $0x4000  }
0x4e: {  	[sflag:s20] =	ssyncset.done $0x0  }
0x4f: {  	s25 =	sadd.s32 $0x1400, s26;
	[sflag:s20] =	ssyncadd.s32 $0xFFFFC000  }
0x50: {  	[spmem:s1] =	stream.indirect.scatter.add.f32 [tilespmem:s18], [sflag:$0x3], $0x80, s25, s17, $0xb8;
	[tilespmem:$0x1FC00] =	vst v63  }
0x51: {  	_ =	swait.ge [sflag:s16], $0x4000  }
0x52: {  	[sflag:s16] =	ssyncset.done $0x0  }
0x53: {  	[sflag:s16] =	ssyncadd.s32 $0xFFFFC000  }
0x54: {  	_ =	swait.ge [sflag:s21], $0x4000  }
.Ltmp3:
0x55: {  	[sflag:s21] =	ssyncset.done $0x0;
	(pc) =	sbr.rel @p2 .LBB2_3-.Ltmp3, $4  }
0x56: {  	s25 =	sadd.s32 $0x1480, s26;
	[sflag:s21] =	ssyncadd.s32 $0xFFFFC000  }
0x57: {  	[spmem:s1] =	stream.indirect.scatter.add.f32 [tilespmem:s19], [sflag:$0x3], $0x80, s25, s17, $0xb8;
	[tilespmem:$0x1FC00] =	vst v63  }
0x58: {  	_ =	swait.ge [sflag:s16], $0x4000  }
0x59: {  	s25 =	smov.u32 s28;
	[sflag:s16] =	ssyncset.done $0x0  }
0x5a: {  	s24 =	sshra.s32 s24, $0x2;
	[sflag:s16] =	ssyncadd.s32 $0xFFFFC000  }
0x5b: {  	[tilespmem:s18], [sflag:$0x1] =	stream.indirect.gather [hbm4b:s5+s17], $0x80, s24, s17, $0xb8;
	[tilespmem:$0x1FC00] =	vst v63  }
0x5c: {  	s25 =	sadd.s32 $0x80, s24  }
0x5d: {  	[tilespmem:s19], [sflag:$0x2] =	stream.indirect.gather [hbm4b:s5+s17], $0x80, s25, s17, $0xb8;
	[tilespmem:$0x1FC00] =	vst v63  }
0x5e: {  	_ =	swait.ge [sflag:s20], $0x4000  }
0x5f: {  	[sflag:s20] =	ssyncset.done $0x0  }
0x60: {  	s31 =	sadd.s32 $0x1400, s24;
	[sflag:s20] =	ssyncadd.s32 $0xFFFFC000  }
0x61: {  	[spmem:s1] =	stream.indirect.scatter.add.f32 [tilespmem:s18], [sflag:$0x3], $0x80, s31, s17, $0xb8;
	[tilespmem:$0x1FC00] =	vst v63  }
0x62: {  	_ =	swait.ge [sflag:s16], $0x4000  }
0x63: {  	[sflag:s16] =	ssyncset.done $0x0  }
0x64: {  	[sflag:s16] =	ssyncadd.s32 $0xFFFFC000  }
0x65: {  	_ =	swait.ge [sflag:s21], $0x4000  }
0x66: {  	[sflag:s21] =	ssyncset.done $0x0  }
0x67: {  	s24 =	sadd.s32 $0x1480, s24;
	[sflag:s21] =	ssyncadd.s32 $0xFFFFC000  }
0x68: {  	[spmem:s1] =	stream.indirect.scatter.add.f32 [tilespmem:s19], [sflag:$0x3], $0x80, s24, s17, $0xb8;
	[tilespmem:$0x1FC00] =	vst v63  }
0x69: {  	_ =	swait.ge [sflag:s16], $0x4000  }
0x6a: {  	[sflag:s16] =	ssyncset.done $0x0  }
0x6b: {  	s26 =	simm.s32 $0x0;
	[sflag:s16] =	ssyncadd.s32 $0xFFFFC000  }
0x6c: {  	[tilespmem:s26], [sflag:$0x3] =	stream.linear.gather [hbm4b:s12+s26], $0x1400, $0x38;
	[tilespmem:$0x1FC00] =	vst v63  }
0x6d: {  	_ =	swait.ge [sflag:s16], $0x1400  }
0x6e: {  	[sflag:s16] =	ssyncset.done $0x0  }
0x6f: {  	s28 =	simm.s32 $0x0;
	[sflag:s16] =	ssyncadd.s32 $0xFFFFEC00  }
0x70: {  	[tilespmem:s18], [sflag:$0x1] =	stream.indirect.gather [hbm4b:s5+s17], $0x80, s28, s17, $0xb8;
	[tilespmem:$0x1FC00] =	vst v63  }
0x71: {  	s29 =	simm.s32 $0x80  }
0x72: {  	[tilespmem:s19], [sflag:$0x2] =	stream.indirect.gather [hbm4b:s5+s17], $0x80, s29, s17, $0xb8;
	[tilespmem:$0x1FC00] =	vst v63  }
0x73: {  	_ =	swait.ge [sflag:s20], $0x4000  }
0x74: {  	[sflag:s20] =	ssyncset.done $0x0  }
0x75: {  	s30 =	simm.s32 $0x2800;
	[sflag:s20] =	ssyncadd.s32 $0xFFFFC000  }
0x76: {  	[spmem:s1] =	stream.indirect.scatter.add.f32 [tilespmem:s18], [sflag:$0x3], $0x80, s30, s17, $0xb8;
	[tilespmem:$0x1FC00] =	vst v63  }
0x77: {  	_ =	swait.ge [sflag:s16], $0x4000  }
0x78: {  	[sflag:s16] =	ssyncset.done $0x0  }
0x79: {  	[sflag:s16] =	ssyncadd.s32 $0xFFFFC000  }
0x7a: {  	_ =	swait.ge [sflag:s21], $0x4000  }
0x7b: {  	[sflag:s21] =	ssyncset.done $0x0  }
0x7c: {  	s31 =	simm.s32 $0x2880;
	[sflag:s21] =	ssyncadd.s32 $0xFFFFC000  }
0x7d: {  	[spmem:s1] =	stream.indirect.scatter.add.f32 [tilespmem:s19], [sflag:$0x3], $0x80, s31, s17, $0xb8;
	[tilespmem:$0x1FC00] =	vst v63  }
0x7e: {  	_ =	swait.ge [sflag:s16], $0x4000  }
0x7f: {  	s25 =	simm.s32 $0x800;
	s24 =	simm.s32 $0x400;
	[sflag:s16] =	ssyncset.done $0x0  }
.LBB2_5:
0x80: {  	s26 =	sshra.s32 s24, $0x2  }
0x81: {  	[sflag:s16] =	ssyncadd.s32 $0xFFFFC000;
	s24 =	smov.u32 s25;
	s28 =	sadd.s32 $0x400, s25  }
0x82: {  	[tilespmem:s18], [sflag:$0x1] =	stream.indirect.gather [hbm4b:s5+s17], $0x80, s26, s17, $0xb8;
	[tilespmem:$0x1FC00] =	vst v63  }
0x83: {  	p2 =	seq.s32 s25, $0x4C00;
	s25 =	sadd.s32 $0x80, s26  }
0x84: {  	[tilespmem:s19], [sflag:$0x2] =	stream.indirect.gather [hbm4b:s5+s17], $0x80, s25, s17, $0xb8;
	[tilespmem:$0x1FC00] =	vst v63  }
0x85: {  	_ =	swait.ge [sflag:s20], $0x4000  }
0x86: {  	[sflag:s20] =	ssyncset.done $0x0  }
0x87: {  	s25 =	sadd.s32 $0x2800, s26;
	[sflag:s20] =	ssyncadd.s32 $0xFFFFC000  }
0x88: {  	[spmem:s1] =	stream.indirect.scatter.add.f32 [tilespmem:s18], [sflag:$0x3], $0x80, s25, s17, $0xb8;
	[tilespmem:$0x1FC00] =	vst v63  }
0x89: {  	_ =	swait.ge [sflag:s16], $0x4000  }
0x8a: {  	[sflag:s16] =	ssyncset.done $0x0  }
0x8b: {  	[sflag:s16] =	ssyncadd.s32 $0xFFFFC000  }
0x8c: {  	_ =	swait.ge [sflag:s21], $0x4000  }
.Ltmp4:
0x8d: {  	[sflag:s21] =	ssyncset.done $0x0;
	(pc) =	sbr.rel @!p2 .LBB2_5-.Ltmp4, $4  }
0x8e: {  	s25 =	sadd.s32 $0x2880, s26;
	[sflag:s21] =	ssyncadd.s32 $0xFFFFC000  }
0x8f: {  	[spmem:s1] =	stream.indirect.scatter.add.f32 [tilespmem:s19], [sflag:$0x3], $0x80, s25, s17, $0xb8;
	[tilespmem:$0x1FC00] =	vst v63  }
0x90: {  	_ =	swait.ge [sflag:s16], $0x4000  }
0x91: {  	s25 =	smov.u32 s28;
	[sflag:s16] =	ssyncset.done $0x0  }
0x92: {  	s24 =	sshra.s32 s24, $0x2;
	[sflag:s16] =	ssyncadd.s32 $0xFFFFC000  }
0x93: {  	[tilespmem:s18], [sflag:$0x1] =	stream.indirect.gather [hbm4b:s5+s17], $0x80, s24, s17, $0xb8;
	[tilespmem:$0x1FC00] =	vst v63  }
0x94: {  	s25 =	sadd.s32 $0x80, s24  }
0x95: {  	[tilespmem:s19], [sflag:$0x2] =	stream.indirect.gather [hbm4b:s5+s17], $0x80, s25, s17, $0xb8;
	[tilespmem:$0x1FC00] =	vst v63  }
0x96: {  	_ =	swait.ge [sflag:s20], $0x4000  }
0x97: {  	[sflag:s20] =	ssyncset.done $0x0  }
0x98: {  	s31 =	sadd.s32 $0x2800, s24;
	[sflag:s20] =	ssyncadd.s32 $0xFFFFC000  }
0x99: {  	[spmem:s1] =	stream.indirect.scatter.add.f32 [tilespmem:s18], [sflag:$0x3], $0x80, s31, s17, $0xb8;
	[tilespmem:$0x1FC00] =	vst v63  }
0x9a: {  	_ =	swait.ge [sflag:s16], $0x4000  }
0x9b: {  	[sflag:s16] =	ssyncset.done $0x0  }
0x9c: {  	[sflag:s16] =	ssyncadd.s32 $0xFFFFC000  }
0x9d: {  	_ =	swait.ge [sflag:s21], $0x4000  }
0x9e: {  	[sflag:s21] =	ssyncset.done $0x0  }
.Ltmp5:
0x9f: {  	s24 =	sadd.s32 $0x2880, s24;
	[sflag:s21] =	ssyncadd.s32 $0xFFFFC000;
	(pc) =	sbr.rel .LBB2_12-.Ltmp5, $4  }
0xa0: {  	[spmem:s1] =	stream.indirect.scatter.add.f32 [tilespmem:s19], [sflag:$0x3], $0x80, s24, s17, $0xb8;
	[tilespmem:$0x1FC00] =	vst v63  }
0xa1: {  	_ =	swait.ge [sflag:s16], $0x4000  }
0xa2: {  	[sflag:s16] =	ssyncset.done $0x0  }
0xa3: {  	s24 =	smov.u32 s8;
	[sflag:s16] =	ssyncadd.s32 $0xFFFFC000  }
.LBB2_7:
0xa4: {  	[tilespmem:s18], [sflag:$0x1] =	stream.indirect.gather [hbm4b:s6+s17], $0x80, s24, s17, $0xb8;
	[tilespmem:$0x1FC00] =	vst v63  }
0xa5: {  	s29 =	simm.s32 $0x80  }
0xa6: {  	[tilespmem:s19], [sflag:$0x2] =	stream.indirect.gather [hbm4b:s6+s17], $0x80, s29, s17, $0xb8;
	[tilespmem:$0x1FC00] =	vst v63  }
0xa7: {  	_ =	swait.ge [sflag:s20], $0x4000  }
0xa8: {  	[sflag:s20] =	ssyncset.done $0x0  }
0xa9: {  	s30 =	simm.s32 $0x1400;
	[sflag:s20] =	ssyncadd.s32 $0xFFFFC000  }
0xaa: {  	[spmem:s1] =	stream.indirect.scatter.add.f32 [tilespmem:s18], [sflag:$0x3], $0x80, s30, s17, $0xb8;
	[tilespmem:$0x1FC00] =	vst v63  }
0xab: {  	_ =	swait.ge [sflag:s16], $0x4000  }
0xac: {  	[sflag:s16] =	ssyncset.done $0x0  }
0xad: {  	[sflag:s16] =	ssyncadd.s32 $0xFFFFC000  }
0xae: {  	_ =	swait.ge [sflag:s21], $0x4000  }
0xaf: {  	[sflag:s21] =	ssyncset.done $0x0  }
0xb0: {  	s31 =	simm.s32 $0x1480;
	[sflag:s21] =	ssyncadd.s32 $0xFFFFC000  }
0xb1: {  	[spmem:s1] =	stream.indirect.scatter.add.f32 [tilespmem:s19], [sflag:$0x3], $0x80, s31, s17, $0xb8;
	[tilespmem:$0x1FC00] =	vst v63  }
0xb2: {  	_ =	swait.ge [sflag:s16], $0x4000  }
0xb3: {  	s24 =	simm.s32 $0x400;
	s25 =	simm.s32 $0x800;
	[sflag:s16] =	ssyncset.done $0x0  }
.LBB2_8:
0xb4: {  	s26 =	sshra.s32 s24, $0x2  }
0xb5: {  	[sflag:s16] =	ssyncadd.s32 $0xFFFFC000;
	s24 =	smov.u32 s25;
	s28 =	sadd.s32 $0x400, s25  }
0xb6: {  	[tilespmem:s18], [sflag:$0x1] =	stream.indirect.gather [hbm4b:s6+s17], $0x80, s26, s17, $0xb8;
	[tilespmem:$0x1FC00] =	vst v63  }
0xb7: {  	p2 =	sne.s32 s25, $0x4C00;
	s25 =	sadd.s32 $0x80, s26  }
0xb8: {  	[tilespmem:s19], [sflag:$0x2] =	stream.indirect.gather [hbm4b:s6+s17], $0x80, s25, s17, $0xb8;
	[tilespmem:$0x1FC00] =	vst v63  }
0xb9: {  	_ =	swait.ge [sflag:s20], $0x4000  }
0xba: {  	[sflag:s20] =	ssyncset.done $0x0  }
0xbb: {  	s25 =	sadd.s32 $0x1400, s26;
	[sflag:s20] =	ssyncadd.s32 $0xFFFFC000  }
0xbc: {  	[spmem:s1] =	stream.indirect.scatter.add.f32 [tilespmem:s18], [sflag:$0x3], $0x80, s25, s17, $0xb8;
	[tilespmem:$0x1FC00] =	vst v63  }
0xbd: {  	_ =	swait.ge [sflag:s16], $0x4000  }
0xbe: {  	[sflag:s16] =	ssyncset.done $0x0  }
0xbf: {  	[sflag:s16] =	ssyncadd.s32 $0xFFFFC000  }
0xc0: {  	_ =	swait.ge [sflag:s21], $0x4000  }
.Ltmp6:
0xc1: {  	[sflag:s21] =	ssyncset.done $0x0;
	(pc) =	sbr.rel @p2 .LBB2_8-.Ltmp6, $4  }
0xc2: {  	s25 =	sadd.s32 $0x1480, s26;
	[sflag:s21] =	ssyncadd.s32 $0xFFFFC000  }
0xc3: {  	[spmem:s1] =	stream.indirect.scatter.add.f32 [tilespmem:s19], [sflag:$0x3], $0x80, s25, s17, $0xb8;
	[tilespmem:$0x1FC00] =	vst v63  }
0xc4: {  	_ =	swait.ge [sflag:s16], $0x4000  }
0xc5: {  	s25 =	smov.u32 s28;
	[sflag:s16] =	ssyncset.done $0x0  }
0xc6: {  	s24 =	sshra.s32 s24, $0x2;
	[sflag:s16] =	ssyncadd.s32 $0xFFFFC000  }
0xc7: {  	[tilespmem:s18], [sflag:$0x1] =	stream.indirect.gather [hbm4b:s6+s17], $0x80, s24, s17, $0xb8;
	[tilespmem:$0x1FC00] =	vst v63  }
0xc8: {  	s25 =	sadd.s32 $0x80, s24  }
0xc9: {  	[tilespmem:s19], [sflag:$0x2] =	stream.indirect.gather [hbm4b:s6+s17], $0x80, s25, s17, $0xb8;
	[tilespmem:$0x1FC00] =	vst v63  }
0xca: {  	_ =	swait.ge [sflag:s20], $0x4000  }
0xcb: {  	[sflag:s20] =	ssyncset.done $0x0  }
0xcc: {  	s31 =	sadd.s32 $0x1400, s24;
	[sflag:s20] =	ssyncadd.s32 $0xFFFFC000  }
0xcd: {  	[spmem:s1] =	stream.indirect.scatter.add.f32 [tilespmem:s18], [sflag:$0x3], $0x80, s31, s17, $0xb8;
	[tilespmem:$0x1FC00] =	vst v63  }
0xce: {  	_ =	swait.ge [sflag:s16], $0x4000  }
0xcf: {  	[sflag:s16] =	ssyncset.done $0x0  }
0xd0: {  	[sflag:s16] =	ssyncadd.s32 $0xFFFFC000  }
0xd1: {  	_ =	swait.ge [sflag:s21], $0x4000  }
0xd2: {  	[sflag:s21] =	ssyncset.done $0x0  }
0xd3: {  	s24 =	sadd.s32 $0x1480, s24;
	[sflag:s21] =	ssyncadd.s32 $0xFFFFC000  }
0xd4: {  	[spmem:s1] =	stream.indirect.scatter.add.f32 [tilespmem:s19], [sflag:$0x3], $0x80, s24, s17, $0xb8;
	[tilespmem:$0x1FC00] =	vst v63  }
0xd5: {  	_ =	swait.ge [sflag:s16], $0x4000  }
0xd6: {  	[sflag:s16] =	ssyncset.done $0x0  }
0xd7: {  	s26 =	simm.s32 $0x0;
	[sflag:s16] =	ssyncadd.s32 $0xFFFFC000  }
0xd8: {  	[tilespmem:s26], [sflag:$0x3] =	stream.linear.gather [hbm4b:s12+s26], $0x1400, $0x38;
	[tilespmem:$0x1FC00] =	vst v63  }
0xd9: {  	_ =	swait.ge [sflag:s16], $0x1400  }
0xda: {  	[sflag:s16] =	ssyncset.done $0x0  }
0xdb: {  	s28 =	simm.s32 $0x0;
	[sflag:s16] =	ssyncadd.s32 $0xFFFFEC00  }
0xdc: {  	[tilespmem:s18], [sflag:$0x1] =	stream.indirect.gather [hbm4b:s6+s17], $0x80, s28, s17, $0xb8;
	[tilespmem:$0x1FC00] =	vst v63  }
0xdd: {  	s29 =	simm.s32 $0x80  }
0xde: {  	[tilespmem:s19], [sflag:$0x2] =	stream.indirect.gather [hbm4b:s6+s17], $0x80, s29, s17, $0xb8;
	[tilespmem:$0x1FC00] =	vst v63  }
0xdf: {  	_ =	swait.ge [sflag:s20], $0x4000  }
0xe0: {  	[sflag:s20] =	ssyncset.done $0x0  }
0xe1: {  	s30 =	simm.s32 $0x2800;
	[sflag:s20] =	ssyncadd.s32 $0xFFFFC000  }
0xe2: {  	[spmem:s1] =	stream.indirect.scatter.add.f32 [tilespmem:s18], [sflag:$0x3], $0x80, s30, s17, $0xb8;
	[tilespmem:$0x1FC00] =	vst v63  }
0xe3: {  	_ =	swait.ge [sflag:s16], $0x4000  }
0xe4: {  	[sflag:s16] =	ssyncset.done $0x0  }
0xe5: {  	[sflag:s16] =	ssyncadd.s32 $0xFFFFC000  }
0xe6: {  	_ =	swait.ge [sflag:s21], $0x4000  }
0xe7: {  	[sflag:s21] =	ssyncset.done $0x0  }
0xe8: {  	s31 =	simm.s32 $0x2880;
	[sflag:s21] =	ssyncadd.s32 $0xFFFFC000  }
0xe9: {  	[spmem:s1] =	stream.indirect.scatter.add.f32 [tilespmem:s19], [sflag:$0x3], $0x80, s31, s17, $0xb8;
	[tilespmem:$0x1FC00] =	vst v63  }
0xea: {  	_ =	swait.ge [sflag:s16], $0x4000  }
0xeb: {  	s25 =	simm.s32 $0x800;
	s24 =	simm.s32 $0x400;
	[sflag:s16] =	ssyncset.done $0x0  }
.LBB2_10:
0xec: {  	s26 =	sshra.s32 s24, $0x2  }
0xed: {  	[sflag:s16] =	ssyncadd.s32 $0xFFFFC000;
	s24 =	smov.u32 s25;
	s28 =	sadd.s32 $0x400, s25  }
0xee: {  	[tilespmem:s18], [sflag:$0x1] =	stream.indirect.gather [hbm4b:s6+s17], $0x80, s26, s17, $0xb8;
	[tilespmem:$0x1FC00] =	vst v63  }
0xef: {  	p2 =	sne.s32 s25, $0x4C00;
	s25 =	sadd.s32 $0x80, s26  }
0xf0: {  	[tilespmem:s19], [sflag:$0x2] =	stream.indirect.gather [hbm4b:s6+s17], $0x80, s25, s17, $0xb8;
	[tilespmem:$0x1FC00] =	vst v63  }
0xf1: {  	_ =	swait.ge [sflag:s20], $0x4000  }
0xf2: {  	[sflag:s20] =	ssyncset.done $0x0  }
0xf3: {  	s25 =	sadd.s32 $0x2800, s26;
	[sflag:s20] =	ssyncadd.s32 $0xFFFFC000  }
0xf4: {  	[spmem:s1] =	stream.indirect.scatter.add.f32 [tilespmem:s18], [sflag:$0x3], $0x80, s25, s17, $0xb8;
	[tilespmem:$0x1FC00] =	vst v63  }
0xf5: {  	_ =	swait.ge [sflag:s16], $0x4000  }
0xf6: {  	[sflag:s16] =	ssyncset.done $0x0  }
0xf7: {  	[sflag:s16] =	ssyncadd.s32 $0xFFFFC000  }
0xf8: {  	_ =	swait.ge [sflag:s21], $0x4000  }
.Ltmp7:
0xf9: {  	[sflag:s21] =	ssyncset.done $0x0;
	(pc) =	sbr.rel @p2 .LBB2_10-.Ltmp7, $4  }
0xfa: {  	s25 =	sadd.s32 $0x2880, s26;
	[sflag:s21] =	ssyncadd.s32 $0xFFFFC000  }
0xfb: {  	[spmem:s1] =	stream.indirect.scatter.add.f32 [tilespmem:s19], [sflag:$0x3], $0x80, s25, s17, $0xb8;
	[tilespmem:$0x1FC00] =	vst v63  }
0xfc: {  	_ =	swait.ge [sflag:s16], $0x4000  }
0xfd: {  	s25 =	smov.u32 s28;
	[sflag:s16] =	ssyncset.done $0x0  }
.Ltmp8:
0xfe: {  	_ = 	snop;
	(pc) =	sbr.rel .LBB2_11-.Ltmp8, $1  }
0xff: {  	_ =	sdelay $0x3  }
.LBB2_13:
0x100: {  	_ =	sfence.sel $0x180000  }
0x101: {  	[bflag:$0x0] =	sbarrier.arrive $0xFFFF  }
0x102: {  	_ =	strace $0x9000004A  }
0x103: {  	s0 =	sadd.s32 @!p0 $0x100000, s0;
	[bflag:$0x2] =	sbarrier.arrive $0xFFFF  }
0x104: {  	[sflag:s0] =	ssyncadd.tile.s32 @!p0 $0x1;
	_ =	shalt  }
.Lfunc_end2:
_tile_overlayer_lowered:
.L_overlay_start_2:
0x105: {  	(tag) =	ssettag $0x2  }
0x106: {  	s0 =	rddreg [dreg:$0x0];
	s2 =	stileid.u32  }
0x107: {  	s1 =	rddreg [dreg:$0x1];
	p0 =	sne.s32 s2, $0x0  }
0x108: {  	s3 =	rddreg [dreg:$0x2];
	[bflag:$0x3] =	sbarrier.arrive $0xFFFF;
	s2 =	simm.s32 @!p0 $0x1C03  }
0x109: {  	[timem:s3], [sflag:s2] =	dma.local @!p0 [hbm:s0], s1  }
0x10a: {  	s0 =	simm.s32 @!p0 $0x3  }
0x10b: {  	_ =	swait.ge @!p0 [sflag:s0], s1  }
0x10c: {  	s1 =	ssub.s32 @!p0 $0x0, s1;
	[sflag:s0] =	ssyncset.done @!p0 $0x0  }
0x10d: {  	[sflag:s0] =	ssyncadd.s32 @!p0 s1  }
0x10e: {  	[bflag:$0x3] =	sbarrier.arrive $0xFFFF  }
0x10f: {  	_ =	shalt  }

// kernel: kernel.14.cloned.1.call-start
scs
__scs_entry_jumppad:
0x0: {  	(pc) =	sbr.rel $0x88, $3  }
0x1: {  	(tag) =	ssettag $0x0;
	lr =	simm.s32 $0x1  }
0x2: {  	[smem:$0x3F97] =	sst lr;
	_ =	strace $0xD0000000  }
0x3: {  	_ = 	snop  }
0x4: {  	_ = 	snop  }
0x5: {  	_ = 	snop  }
0x6: {  	_ = 	snop  }
0x7: {  	_ = 	snop  }
__scs_overlays_trampoline_lowered:
0x8: {  	[smem:$0x3FA6] =	sst s0  }
0x9: {  	[smem:$0x3FA7] =	sst s1  }
0xa: {  	[smem:$0x3FA8] =	sst s2  }
0xb: {  	[smem:$0x3FA9] =	sst s3  }
0xc: {  	[smem:$0x3FAA] =	sst s4  }
0xd: {  	[smem:$0x3FAB] =	sst s5  }
0xe: {  	[smem:$0x3FAC] =	sst s6  }
0xf: {  	[smem:$0x3FAD] =	sst s7  }
0x10: {  	[smem:$0x3FAE] =	sst s8  }
0x11: {  	[smem:$0x3FAF] =	sst s9;
	s0 =	simm.s32 @!p0 $0x0  }
0x12: {  	s1 =	sld [smem:$0x3F95];
	s0 =	simm.s32 @p0 $0x1  }
0x13: {  	[smem:$0x3FB0] =	sst s0;
	s0 =	simm.s32 @!p1 $0x0  }
0x14: {  	s2 =	sld [smem:$0x3F94];
	s0 =	simm.s32 @p1 $0x1  }
0x15: {  	[smem:$0x3FB1] =	sst s0;
	s0 =	simm.s32 @!p2 $0x0  }
0x16: {  	s3 =	sld [smem:$0x3FDB];
	s0 =	simm.s32 @p2 $0x1  }
0x17: {  	s4 =	simm.s32 $0x1BF5;
	[smem:$0x3FB3] =	sst s0  }
0x18: {  	s0 =	sld [smem:$0x3F96];
	_ =	swait.ge [sflag:s4], $0x0  }
0x19: {  	s7 =	sld [smem:$0x3F97]  }
0x1a: {  	s8 =	sadd.s32 $0xFFFFE003, lr  }
0x1b: {  	s9 =	sadd.s32 $0xFFFFFEF7, lr;
	s5 =	simm.s32 $0xFFFFFFFF;
	p2 =	slt.u32 s8, $0xFFFFF086  }
0x1c: {  	p1 =	slt.u32 s9, $0xF7A;
	s5 =	simm.s32 @!p2 $0x0  }
0x1d: {  	s5 =	simm.s32 @p1 $0x1;
	p0 =	seq.s32 s7, s2  }
0x1e: {  	s7 =	smul.u32 @!p0 $0xF7A, s2;
	p2 =	seq.s32 @!p0 s5, $0x0  }
0x1f: {  	s9 =	smul.u32 $0xF7A, s1;
	s8 =	simm.s32 @!p0 $0x1BF5;
	p2 =	por !p2, p0  }
0x20: {  	[sflag:s8] =	ssyncset.s32 @!p0 $0xFFFFF086;
	s6 =	sadd.s32 @!p0 s3, s7;
	s7 =	simm.s32 @!p0 $0x108  }
0x21: {  	s3 =	sadd.s32 s3, s9;
	s6 =	sadd.s32 @!p0 $0x88, s6;
	s7 =	simm.s32 @p2 $0x1082  }
0x22: {  	[simem:s7], [sflag:s8] =	dma.local @!p0 [hbm:s6], $0xF7A  }
0x23: {  	s9 =	sor.u32 $0xD0000000, s2;
	s6 =	simm.s32 $0x108;
	_ =	swait.ge @!p0 [sflag:s8], $0x0  }
0x24: {  	s3 =	sadd.s32 $0x88, s3;
	s6 =	simm.s32 @!p1 $0x1082;
	[sflag:s4] =	ssyncset.s32 $0xFFFFF086  }
0x25: {  	[simem:s6], [sflag:s4] =	dma.local [hbm:s3], $0xF7A  }
0x26: {  	[smem:$0x3F97] =	sst s1;
	(tag) =	ssettag s2;
	_ =	strace s9  }
0x27: {  	s1 =	sld [smem:$0x3FA7]  }
0x28: {  	s2 =	sld [smem:$0x3FA8]  }
0x29: {  	s4 =	sld [smem:$0x3FAA]  }
0x2a: {  	p0 =	seq.s32 s5, $0x0;
	s5 =	sld [smem:$0x3FAB]  }
0x2b: {  	s6 =	sld [smem:$0x3FAC]  }
0x2c: {  	s7 =	sld [smem:$0x3FAD]  }
0x2d: {  	s3 =	simm.s32 $0x108;
	s8 =	sld [smem:$0x3FAE]  }
0x2e: {  	s3 =	simm.s32 @!p0 $0x1082;
	s9 =	sld [smem:$0x3FAF]  }
0x2f: {  	lr =	sadd.s32 s0, s3;
	s0 =	sld [smem:$0x3FA6]  }
0x30: {  	s3 =	sld [smem:$0x3FA9]  }
0x31: {  	[smem:$0x3FB2] =	sst s10  }
0x32: {  	s10 =	sld [smem:$0x3FB0];
	_ =	sdelay $0x3  }
0x33: {  	p0 =	seq.s32 s10, $0x1;
	s10 =	sld [smem:$0x3FB2];
	_ =	sdelay $0x3  }
0x34: {  	[smem:$0x3FB2] =	sst s10  }
0x35: {  	s10 =	sld [smem:$0x3FB1];
	_ =	sdelay $0x3  }
0x36: {  	p1 =	seq.s32 s10, $0x1;
	s10 =	sld [smem:$0x3FB2];
	_ =	sdelay $0x3  }
0x37: {  	[smem:$0x3FB2] =	sst s10  }
0x38: {  	s10 =	sld [smem:$0x3FB3]  }
0x39: {  	_ = 	snop;
	(pc) =	sbr.ind lr, $3  }
0x3a: {  	_ = 	snop  }
0x3b: {  	_ = 	snop  }
0x3c: {  	p2 =	seq.s32 s10, $0x1;
	s10 =	sld [smem:$0x3FB2]  }
0x3d: {  	_ =	shalt  }
0x3e: {  	_ =	shalt  }
0x3f: {  	_ =	shalt  }
0x40: {  	_ =	shalt  }
0x41: {  	_ =	shalt  }
0x42: {  	_ =	shalt  }
0x43: {  	_ =	shalt  }
0x44: {  	_ =	shalt  }
0x45: {  	_ =	shalt  }
0x46: {  	_ =	shalt  }
0x47: {  	_ =	shalt  }
0x48: {  	_ =	shalt  }
0x49: {  	_ =	shalt  }
0x4a: {  	_ =	shalt  }
0x4b: {  	_ =	shalt  }
0x4c: {  	_ =	shalt  }
0x4d: {  	_ =	shalt  }
0x4e: {  	_ =	shalt  }
0x4f: {  	_ =	shalt  }
0x50: {  	_ =	shalt  }
0x51: {  	_ =	shalt  }
0x52: {  	_ =	shalt  }
0x53: {  	_ =	shalt  }
0x54: {  	_ =	shalt  }
0x55: {  	_ =	shalt  }
0x56: {  	_ =	shalt  }
0x57: {  	_ =	shalt  }
0x58: {  	_ =	shalt  }
0x59: {  	_ =	shalt  }
0x5a: {  	_ =	shalt  }
0x5b: {  	_ =	shalt  }
0x5c: {  	_ =	shalt  }
0x5d: {  	_ =	shalt  }
0x5e: {  	_ =	shalt  }
0x5f: {  	_ =	shalt  }
0x60: {  	_ =	shalt  }
0x61: {  	_ =	shalt  }
0x62: {  	_ =	shalt  }
0x63: {  	_ =	shalt  }
0x64: {  	_ =	shalt  }
0x65: {  	_ =	shalt  }
0x66: {  	_ =	shalt  }
0x67: {  	_ =	shalt  }
0x68: {  	_ =	shalt  }
0x69: {  	_ =	shalt  }
0x6a: {  	_ =	shalt  }
0x6b: {  	_ =	shalt  }
0x6c: {  	_ =	shalt  }
0x6d: {  	_ =	shalt  }
0x6e: {  	_ =	shalt  }
0x6f: {  	_ =	shalt  }
0x70: {  	_ =	shalt  }
0x71: {  	_ =	shalt  }
0x72: {  	_ =	shalt  }
0x73: {  	_ =	shalt  }
0x74: {  	_ =	shalt  }
0x75: {  	_ =	shalt  }
0x76: {  	_ =	shalt  }
0x77: {  	_ =	shalt  }
0x78: {  	_ =	shalt  }
0x79: {  	_ =	shalt  }
0x7a: {  	_ =	shalt  }
0x7b: {  	_ =	shalt  }
0x7c: {  	_ =	shalt  }
0x7d: {  	_ =	shalt  }
0x7e: {  	_ =	shalt  }
0x7f: {  	_ =	shalt  }
0x80: {  	_ =	shalt  }
0x81: {  	_ =	shalt  }
0x82: {  	_ =	shalt  }
0x83: {  	_ =	shalt  }
0x84: {  	_ =	shalt  }
0x85: {  	_ =	shalt  }
0x86: {  	_ =	shalt  }
0x87: {  	_ =	shalt  }
.Lfunc_end0:
.L_simem_size_0:
called_computation.2_lowered:
.L_overlay_start_0:
0x88: {  	s2 =	sld [smem:$0x3FD9]  }
0x89: {  	s3 =	sld [smem:$0x3FFE];
	_ =	sdelay $0x1  }
0x8a: {  	s1 =	srdreg.scid  }
0x8b: {  	s0 =	sand.u32 $0x1, s1  }
0x8c: {  	s17 =	sshll.u32 s0, $0xA;
	s2 =	sadd.s32 s3, s2  }
0x8d: {  	s2 =	sadd.s32 s2, s17  }
0x8e: {  	[smem:$0x3FBE] =	sst s2  }
0x8f: {  	_ = 	snop  }
0x90: {  	s2 =	sld [smem:$0x3FD0];
	(tm) =	ssettm $0x1  }
0x91: {  	s18 =	sld [smem:$0x3FFB];
	_ =	sdelay $0x3  }
0x92: {  	_ =	strace s18  }
0x93: {  	s3 =	sld [smem:$0x3FFC];
	_ =	sdelay $0x3  }
0x94: {  	_ =	strace s3  }
0x95: {  	s3 =	sld [smem:$0x3FFD];
	_ =	sdelay $0x3  }
0x96: {  	_ =	strace s3  }
0x97: {  	_ =	strace $0x8FFFFFFF  }
0x98: {  	s19 =	sld [smem:$0x3FDB];
	_ =	sdelay $0x1  }
0x99: {  	s4 =	simm.s32 $_scs_section_size  }
0x9a: {  	s5 =	simm.s32 $_size__tile_overlayer_lowered;
	s6 =	simm.s32 $_tile_overlayer_lowered  }
0x9b: {  	s22 =	simm.s32 $0x1BFF;
	s21 =	sshll.u32 s6, $0x1;
	s3 =	sadd.s32 s4, s19  }
0x9c: {  	s7 =	simm.s32 $0x0;
	s20 =	sshll.u32 s5, $0x1;
	s5 =	sadd.s32 s21, s3  }
0x9d: {  	[timem:s7], [sflag:s22] =	dma.local [hbm:s5], s20  }
0x9e: {  	_ =	swait.ge [sflag:s22], s20  }
0x9f: {  	s4 =	ssub.s32 $0x0, s20;
	[sflag:s22] =	ssyncset.done $0x0  }
0xa0: {  	[sflag:s22] =	ssyncadd.s32 s4;
	_ =	sdelay $0x1  }
0xa1: {  	s23 =	simm.s32 $0x1B8B  }
0xa2: {  	_ =	swait.ge [sflag:s23], $0x1  }
0xa3: {  	[sflag:s23] =	ssyncset.done $0x0  }
0xa4: {  	s25 =	simm.s32 $0x1B8E;
	s24 =	sld [smem:$0x3FFE];
	[sflag:s23] =	ssyncadd.s32 $0xFFFFFFFF  }
0xa5: {  	s26 =	simm.s32 $execute0_lowered;
	[smem:$0x3FD2] =	sst s25  }
0xa6: {  	s5 =	sshll.u32 s26, $0x1;
	_ =	strace $0x8000004C;
	[dreg:$0x1] =	wrdreg $0xFFFFFFFF  }
0xa7: {  	s28 =	simm.s32 $_size_execute0_lowered;
	s3 =	sadd.s32 s3, s5;
	[dreg:$0x0] =	wrdreg $0x0  }
0xa8: {  	s5 =	sshll.u32 s28, $0x1;
	[dreg:$0x2] =	wrdreg s3  }
0xa9: {  	[dreg:$0x3] =	wrdreg s5  }
0xaa: {  	[dreg:$0x4] =	wrdreg $0xC0  }
0xab: {  	_ =	task [dreg:s7], $0x5FFFF  }
0xac: {  	[dreg:$0x1] =	wrdreg $0xFFFFFFFF  }
0xad: {  	[dreg:$0x0] =	wrdreg $0x60  }
0xae: {  	[dreg:$0x2] =	wrdreg s24  }
0xaf: {  	[dreg:$0x3] =	wrdreg s2  }
0xb0: {  	[dreg:$0x4] =	wrdreg $0x5B000  }
0xb1: {  	[dreg:$0x5] =	wrdreg $0x9  }
0xb2: {  	_ =	task.clear_ibuf [dreg:s7], $0x6FFFF;
	_ =	strace $0x9000004C  }
0xb3: {  	s29 =	simm.s32 $0x9;
	_ =	strace $0x8000004E  }
0xb4: {  	_ =	swait.ge [sflag:s29], $0x1  }
0xb5: {  	[sflag:s29] =	ssyncadd.s32 $0xFFFFFFFF  }
0xb6: {  	_ =	strace $0x9000004E  }
0xb7: {  	_ =	sfence  }
0xb8: {  	s30 =	sld [smem:$0x0];
	_ =	sdelay $0x2  }
0xb9: {  	s31 =	sshll.u32 s1, $0xD;
	s1 =	sshrl.u32 s1, $0x2  }
0xba: {  	s3 =	sand.u32 $0x4000, s31;
	s1 =	sadd.s32 s1, s30  }
0xbb: {  	s0 =	sor.u32 s3, s0;
	s1 =	sshll.u32 s1, $0x11  }
0xbc: {  	s0 =	sor.u32 s1, s0  }
0xbd: {  	s0 =	sadd.s32 $0x8F2B, s0  }
0xbe: {  	[sflag:s0] =	ssyncadd.remote.s32 $0x1  }
0xbf: {  	_ =	sfence.sel $0xFFFF  }
0xc0: {  	[dreg:$0x0] =	wrdreg $0xFFFFFFFF;
	(pc) =	sbr.abs _section_cstart, $3  }
0xc1: {  	[dreg:$0x1] =	wrdreg $0xFFFFFFFF  }
0xc2: {  	_ =	task.clear_ibuf [dreg:s7], $0x2FFFF;
	_ =	strace $0x9FFFFFFF  }
0xc3: {  	(tm) =	ssettm $0x7FFFFFFF  }
tec
execute0_lowered:
.L_overlay_start_1:
0x0: {  	(tag) =	ssettag $0x1  }
0x1: {  	s3 =	srdreg.scid  }
0x2: {  	s3 =	sand.u32 $0x1, s3  }
0x3: {  	p1 =	seq.s32 s3, $0x1  }
.Ltmp0:
0x4: {  	s4 =	rddreg [dreg:$0x0];
	(pc) =	sbr.rel @p1 .LBB2_4-.Ltmp0, $4  }
0x5: {  	s1 =	rddreg [dreg:$0x1]  }
0x6: {  	s2 =	rddreg [dreg:$0x2];
	s5 =	simm.s32 $0x0  }
0x7: {  	s6 =	stileid.u32;
	[smem:$0x7FF] =	sst s5  }
0x8: {  	s0 =	rddreg [dreg:$0x3];
	p0 =	sne.s32 s6, $0x0;
	_ =	strace $0x8000004D  }
0x9: {  	s3 =	sadd.s32 $0x6600, s4;
	s7 =	sshrl.u32 @!p0 s2, $0x3;
	s8 =	simm.s32 @!p0 $0x1C02  }
0xa: {  	[spmem:s7], [sflag:s8] =	dma.local @!p0 [hbm:s3], $0x500  }
0xb: {  	s3 =	simm.s32 @!p0 $0x2  }
0xc: {  	s25 =	smul.u32 $0x500, s6;
	_ =	swait.ge @!p0 [sflag:s3], $0x500  }
0xd: {  	[sflag:s3] =	ssyncset.done @!p0 $0x0  }
0xe: {  	s7 =	sadd.s32 s25, s4;
	[sflag:s3] =	ssyncadd.s32 @!p0 $0xFFFFFB00  }
0xf: {  	s26 =	sadd.s32 $0x57200, s7;
	s3 =	simm.s32 $0x2;
	[bflag:$0x0] =	sbarrier.arrive $0xFFFF  }
0x10: {  	[tilespmem:s5], [sflag:$0x2] =	stream.linear.gather [hbm4b:s26+s5], $0x2800, $0x38;
	[tilespmem:$0x5D80] =	vst v63  }
0x11: {  	_ =	swait.ge [sflag:s3], $0x2800  }
0x12: {  	[sflag:s3] =	ssyncset.done $0x0  }
0x13: {  	s28 =	simm.s32 $0x2800;
	s7 =	sadd.s32 $0x1600, s7;
	[sflag:s3] =	ssyncadd.s32 $0xFFFFD800  }
0x14: {  	[tilespmem:s28], [sflag:$0x2] =	stream.linear.gather [hbm4b:s7+s5], $0x2800, $0x38;
	[tilespmem:$0x5D80] =	vst v63  }
0x15: {  	s29 =	smul.u32 $0x280, s6;
	s9 =	simm.s32 $0x5000;
	_ =	swait.ge [sflag:s3], $0x2800  }
0x16: {  	s11 =	simm.s32 $0x1;
	s30 =	simm.s32 $0x0;
	[sflag:s3] =	ssyncset.done $0x0  }
0x17: {  	s8 =	sadd.s32 $0x6C00, s4;
	s7 =	simm.s32 $0x80;
	[sflag:s3] =	ssyncadd.s32 $0xFFFFD800  }
0x18: {  	[tilespmem:s9], [sflag:$0x1] =	stream.indirect.gather [hbm4b:s8+s7], $0x1, s30, s7, $0xb8;
	[tilespmem:$0x5D80] =	vst v63  }
0x19: {  	s31 =	simm.s32 $0x2800;
	s12 =	sshrl.u32 s29, $0x3;
	_ =	swait.ge [sflag:s11], $0x80  }
0x1a: {  	s10 =	sadd.s32 s29, s2;
	s13 =	sadd.s32 s12, s4;
	[sflag:s11] =	ssyncset.done $0x0  }
0x1b: {  	s4 =	sadd.s32 $0x7200, s4;
	s6 =	sadd.s32 s8, s12;
	[sflag:s11] =	ssyncadd.s32 $0xFFFFFF80  }
0x1c: {  	[spmem:s2] =	stream.indirect.scatter.add.f32 [tilespmem:s9], [sflag:$0x2], $0x1, s31, s7, $0xb8;
	[tilespmem:$0x5D80] =	vst v63  }
0x1d: {  	s1 =	sadd.s32 s1, s12;
	s12 =	simm.s32 $0x200;
	_ =	swait.ge [sflag:s3], $0x80  }
0x1e: {  	s5 =	sadd.s32 $0x56C00, s13;
	s13 =	simm.s32 $0x400;
	[sflag:s3] =	ssyncset.done $0x0  }
.LBB2_2:
0x1f: {  	s14 =	sshra.s32 s12, $0x2  }
0x20: {  	[sflag:s3] =	ssyncadd.s32 $0xFFFFFF80;
	s12 =	smov.u32 s13;
	s15 =	sadd.s32 $0x200, s13  }
0x21: {  	[tilespmem:s9], [sflag:$0x1] =	stream.indirect.gather [hbm4b:s8+s7], $0x1, s14, s7, $0xb8;
	[tilespmem:$0x5D80] =	vst v63  }
0x22: {  	p1 =	sne.s32 s13, $0x9E00;
	_ =	swait.ge [sflag:s11], $0x80  }
.Ltmp1:
0x23: {  	[sflag:s11] =	ssyncset.done $0x0;
	(pc) =	sbr.rel @p1 .LBB2_2-.Ltmp1, $4  }
0x24: {  	s13 =	sadd.s32 $0x2800, s14;
	[sflag:s11] =	ssyncadd.s32 $0xFFFFFF80  }
0x25: {  	[spmem:s2] =	stream.indirect.scatter.add.f32 [tilespmem:s9], [sflag:$0x2], $0x1, s13, s7, $0xb8;
	[tilespmem:$0x5D80] =	vst v63  }
0x26: {  	_ =	swait.ge [sflag:s3], $0x80  }
0x27: {  	s13 =	smov.u32 s15;
	[sflag:s3] =	ssyncset.done $0x0  }
0x28: {  	s12 =	sshra.s32 s12, $0x2;
	[sflag:s3] =	ssyncadd.s32 $0xFFFFFF80  }
0x29: {  	[tilespmem:s9], [sflag:$0x1] =	stream.indirect.gather [hbm4b:s8+s7], $0x1, s12, s7, $0xb8;
	[tilespmem:$0x5D80] =	vst v63  }
0x2a: {  	_ =	swait.ge [sflag:s11], $0x80  }
0x2b: {  	[sflag:s11] =	ssyncset.done $0x0  }
0x2c: {  	s23 =	sadd.s32 $0x2800, s12;
	[sflag:s11] =	ssyncadd.s32 $0xFFFFFF80  }
0x2d: {  	[spmem:s2] =	stream.indirect.scatter.add.f32 [tilespmem:s9], [sflag:$0x2], $0x1, s23, s7, $0xb8;
	[tilespmem:$0x5D80] =	vst v63  }
0x2e: {  	_ =	swait.ge [sflag:s3], $0x80  }
0x2f: {  	[sflag:s3] =	ssyncset.done $0x0  }
0x30: {  	[sflag:s3] =	ssyncadd.s32 $0xFFFFFF80  }
0x31: {  	s24 =	simm.s32 $0x5080;
	s25 =	simm.s32 $0x2;
	[bflag:$0x0] =	sbarrier.arrive $0xFFFF  }
0x32: {  	[tilespmem:s24], [sflag:$0x2] =	stream.linear.gather [spmem:s10], $0x280, $0x38;
	[tilespmem:$0x5D80] =	vst v63  }
0x33: {  	_ =	swait.ge [sflag:s25], $0x280  }
0x34: {  	[sflag:s25] =	ssyncset.done $0x0  }
0x35: {  	s26 =	simm.s32 $0x0;
	s28 =	simm.s32 $0x5300;
	[sflag:s25] =	ssyncadd.s32 $0xFFFFFD80  }
0x36: {  	[tilespmem:s28], [sflag:$0x2] =	stream.linear.gather [hbm4b:s6+s26], $0x280, $0x38;
	[tilespmem:$0x5D80] =	vst v63  }
0x37: {  	_ =	swait.ge [sflag:s25], $0x280  }
0x38: {  	[sflag:s25] =	ssyncset.done $0x0  }
0x39: {  	s29 =	simm.s32 $0x5580;
	[sflag:s25] =	ssyncadd.s32 $0xFFFFFD80  }
0x3a: {  	[tilespmem:s29], [sflag:$0x2] =	stream.linear.gather [hbm4b:s5+s26], $0x280, $0x38;
	[tilespmem:$0x5D80] =	vst v63  }
0x3b: {  	_ =	swait.ge [sflag:s25], $0x280  }
0x3c: {  	[sflag:s25] =	ssyncset.done $0x0  }
0x3d: {  	s30 =	simm.s32 $0x5A80;
	[sflag:s25] =	ssyncadd.s32 $0xFFFFFD80  }
0x3e: {  	[tilespmem:s30], [sflag:$0x2] =	stream.linear.gather [hbm4b:s4+s26], $0x80, $0x38;
	[tilespmem:$0x5D80] =	vst v63  }
0x3f: {  	_ =	swait.ge [sflag:s25], $0x80  }
0x40: {  	[sflag:s25] =	ssyncset.done $0x0  }
0x41: {  	[sflag:s25] =	ssyncadd.s32 $0xFFFFFF80  }
0x42: {  	v0 =	vld [tilespmem:$0x5A80]  }
0x43: {  	v5 =	vld [tilespmem:$0x5580]  }
0x44: {  	v2 =	vld [tilespmem:$0x5080]  }
0x45: {  	v7 =	vld [tilespmem:$0x5300]  }
0x46: {  	v8 =	vld [tilespmem:$0x5590]  }
0x47: {  	v9 =	vld [tilespmem:$0x5090]  }
0x48: {  	v10 =	vld [tilespmem:$0x5310]  }
0x49: {  	v11 =	vld [tilespmem:$0x55A0]  }
0x4a: {  	v12 =	vld [tilespmem:$0x50A0]  }
0x4b: {  	v13 =	vld [tilespmem:$0x5320]  }
0x4c: {  	v14 =	vld [tilespmem:$0x55B0]  }
0x4d: {  	v15 =	vld [tilespmem:$0x50B0]  }
0x4e: {  	v16 =	vld [tilespmem:$0x5330]  }
0x4f: {  	v17 =	vld [tilespmem:$0x55C0]  }
0x50: {  	v18 =	vld [tilespmem:$0x50C0]  }
0x51: {  	v19 =	vld [tilespmem:$0x5340]  }
0x52: {  	v20 =	vld [tilespmem:$0x55D0]  }
0x53: {  	v21 =	vld [tilespmem:$0x50D0]  }
0x54: {  	v22 =	vld [tilespmem:$0x5350]  }
0x55: {  	v23 =	vld [tilespmem:$0x55E0]  }
0x56: {  	v24 =	vld [tilespmem:$0x50E0]  }
0x57: {  	v25 =	vld [tilespmem:$0x5360]  }
0x58: {  	v26 =	vld [tilespmem:$0x55F0]  }
0x59: {  	v27 =	vld [tilespmem:$0x50F0]  }
0x5a: {  	v28 =	vld [tilespmem:$0x5370]  }
0x5b: {  	v29 =	vld [tilespmem:$0x5600]  }
0x5c: {  	v30 =	vld [tilespmem:$0x5100]  }
0x5d: {  	v31 =	vld [tilespmem:$0x5380]  }
0x5e: {  	v32 =	vld [tilespmem:$0x5610]  }
0x5f: {  	v33 =	vld [tilespmem:$0x5110]  }
0x60: {  	v34 =	vld [tilespmem:$0x5390]  }
0x61: {  	v35 =	vld [tilespmem:$0x5620]  }
0x62: {  	v36 =	vld [tilespmem:$0x5120]  }
0x63: {  	v37 =	vld [tilespmem:$0x53A0]  }
0x64: {  	v38 =	vld [tilespmem:$0x5630]  }
0x65: {  	v39 =	vld [tilespmem:$0x5130]  }
0x66: {  	v40 =	vld [tilespmem:$0x53B0]  }
0x67: {  	v41 =	vld [tilespmem:$0x5640]  }
0x68: {  	v42 =	vld [tilespmem:$0x5140]  }
0x69: {  	v43 =	vld [tilespmem:$0x53C0]  }
0x6a: {  	v44 =	vld [tilespmem:$0x5650]  }
0x6b: {  	v45 =	vld [tilespmem:$0x5150]  }
0x6c: {  	v46 =	vld [tilespmem:$0x53D0]  }
0x6d: {  	v47 =	vld [tilespmem:$0x5660]  }
0x6e: {  	v48 =	vld [tilespmem:$0x5160]  }
0x6f: {  	v49 =	vld [tilespmem:$0x53E0]  }
0x70: {  	v50 =	vld [tilespmem:$0x5670]  }
0x71: {  	v51 =	vld [tilespmem:$0x5170]  }
0x72: {  	v52 =	vld [tilespmem:$0x53F0]  }
0x73: {  	v53 =	vld [tilespmem:$0x5680]  }
0x74: {  	v54 =	vld [tilespmem:$0x5180]  }
0x75: {  	v55 =	vld [tilespmem:$0x5400]  }
0x76: {  	v1 =	vld [tilespmem:$0x5690]  }
0x77: {  	v57 =	vld [tilespmem:$0x5190]  }
0x78: {  	v58 =	vld [tilespmem:$0x5410]  }
0x79: {  	v56 =	vld [tilespmem:$0x56A0]  }
0x7a: {  	v60 =	vld [tilespmem:$0x51A0]  }
0x7b: {  	v61 =	vld [tilespmem:$0x5420]  }
0x7c: {  	v59 =	vld [tilespmem:$0x56B0]  }
0x7d: {  	v63 =	vld [tilespmem:$0x51B0]  }
0x7e: {  	v3 =	vld [tilespmem:$0x56C0]  }
0x7f: {  	v4 =	vld [tilespmem:$0x51C0]  }
0x80: {  	v6 =	vld [tilespmem:$0x56D0]  }
0x81: {  	[tilespmem:$0x1FEE0] =	vst v59;
	v59 =	vld [tilespmem:$0x56E0]  }
0x82: {  	v62 =	vld [tilespmem:$0x51E0]  }
0x83: {  	[tilespmem:$0x1FEC0] =	vst v1;
	v1 =	vld [tilespmem:$0x5430]  }
0x84: {  	[tilespmem:$0x1FEF0] =	vst v3;
	v3 =	vld [tilespmem:$0x5440]  }
0x85: {  	[tilespmem:$0x1FED0] =	vst v56;
	v56 =	vld [tilespmem:$0x51D0]  }
0x86: {  	[tilespmem:$0x1FF40] =	vst v59;
	v59 =	vld [tilespmem:$0x56F0]  }
0x87: {  	[tilespmem:$0x1FF10] =	vst v6;
	v6 =	vld [tilespmem:$0x5450]  }
0x88: {  	[tilespmem:$0x1FF00] =	vst v62;
	v62 =	vld [tilespmem:$0x5460]  }
0x89: {  	v7 =	vadd.f32 v7, v2;
	v2 =	vld [tilespmem:$0x54B0]  }
0x8a: {  	v10 =	vadd.f32 v10, v9;
	v9 =	vld [tilespmem:$0x5740]  }
0x8b: {  	[tilespmem:$0x1FF70] =	vst v59;
	v59 =	vld [tilespmem:$0x51F0]  }
0x8c: {  	v22 =	vadd.f32 v22, v21;
	v21 =	vld [tilespmem:$0x5770]  }
0x8d: {  	v43 =	vadd.f32 v43, v42;
	v42 =	vld [tilespmem:$0x1FEE0]  }
0x8e: {  	v5 =	vmul.f32 v7, v5;
	v7 =	vadd.f32 v13, v12;
	v12 =	vld [tilespmem:$0x5240]  }
0x8f: {  	v13 =	vld [tilespmem:$0x54C0]  }
0x90: {  	[tilespmem:$0x1FF20] =	vst v59;
	v59 =	vld [tilespmem:$0x5470]  }
0x91: {  	v8 =	vmul.f32 v10, v8;
	v10 =	vadd.f32 v16, v15;
	v16 =	vld [tilespmem:$0x5250]  }
0x92: {  	v24 =	vadd.f32 v25, v24;
	v25 =	vmul.f32 v22, v20;
	v20 =	vld [tilespmem:$0x54E0]  }
0x93: {  	v22 =	vld [tilespmem:$0x5270]  }
0x94: {  	v27 =	vadd.f32 v28, v27;
	v28 =	vmul.f32 v24, v23;
	v23 =	vld [tilespmem:$0x54F0]  }
0x95: {  	[tilespmem:$0x1FF30] =	vst v59;
	v59 =	vld [tilespmem:$0x5700]  }
0x96: {  	v24 =	vld [tilespmem:$0x5780]  }
0x97: {  	v30 =	vadd.f32 v31, v30;
	v31 =	vmul.f32 v27, v26;
	v26 =	vld [tilespmem:$0x5500]  }
0x98: {  	v27 =	vld [tilespmem:$0x5790]  }
0x99: {  	v33 =	vadd.f32 v34, v33;
	v34 =	vmul.f32 v30, v29;
	v30 =	vmul.f32 v43, v41;
	v41 =	vld [tilespmem:$0x1FED0]  }
0x9a: {  	[tilespmem:$0x1FFA0] =	vst v59;
	v59 =	vld [tilespmem:$0x5200]  }
0x9b: {  	v43 =	vld [tilespmem:$0x1FEF0]  }
0x9c: {  	v29 =	vadd.f32 v46, v45;
	v45 =	vld [tilespmem:$0x1FF10]  }
0x9d: {  	v15 =	vadd.f32 v5, v0;
	v5 =	vld [tilespmem:$0x5750]  }
0x9e: {  	v7 =	vmul.f32 v7, v11;
	v11 =	vadd.f32 v19, v18;
	v18 =	vld [tilespmem:$0x5760]  }
0x9f: {  	[tilespmem:$0x1FF50] =	vst v59;
	v59 =	vld [tilespmem:$0x5480]  }
0xa0: {  	v19 =	vld [tilespmem:$0x5260]  }
0xa1: {  	v36 =	vadd.f32 v37, v36;
	v37 =	vmul.f32 v33, v32;
	v32 =	vmul.f32 v29, v44;
	v29 =	vld [tilespmem:$0x5510]  }
0xa2: {  	v10 =	vmul.f32 v10, v14;
	v14 =	vld [tilespmem:$0x57A0]  }
0xa3: {  	v44 =	vld [tilespmem:$0x1FF00]  }
0xa4: {  	[tilespmem:$0x1FF60] =	vst v59;
	v59 =	vld [tilespmem:$0x5710]  }
0xa5: {  	v3 =	vadd.f32 v3, v4;
	v4 =	vld [tilespmem:$0x52A0]  }
0xa6: {  	v8 =	vadd.f32 v8, v0;
	v1 =	vadd.f32 v1, v63;
	v63 =	vld [tilespmem:$0x57D0]  }
0xa7: {  	v11 =	vmul.f32 v11, v17;
	v17 =	vld [tilespmem:$0x54D0]  }
0xa8: {  	[tilespmem:$0x5810] =	vst v8;
	v8 =	vadd.f32 v25, v0;
	v25 =	vld [tilespmem:$0x5280]  }
0xa9: {  	v6 =	vadd.f32 v6, v56;
	v7 =	vadd.f32 v7, v0;
	[tilespmem:$0x1FFD0] =	vst v59;
	v59 =	vld [tilespmem:$0x5210]  }
0xaa: {  	v10 =	vadd.f32 v10, v0;
	v1 =	vmul.f32 v1, v42;
	v42 =	vld [tilespmem:$0x52E0]  }
0xab: {  	v39 =	vadd.f32 v40, v39;
	v6 =	vmul.f32 v6, v45;
	v45 =	vld [tilespmem:$0x5560];
	[tilespmem:$0x5820] =	vst v7  }
0xac: {  	[tilespmem:$0x5830] =	vst v10;
	v10 =	vadd.f32 v31, v0;
	v31 =	vadd.f32 v49, v48;
	v48 =	vld [tilespmem:$0x1FF40]  }
0xad: {  	[tilespmem:$0x5850] =	vst v8;
	v8 =	vadd.f32 v37, v0;
	v37 =	vadd.f32 v58, v57;
	v57 =	vld [tilespmem:$0x52C0]  }
0xae: {  	v7 =	vadd.f32 v28, v0;
	v28 =	vmul.f32 v39, v38;
	[tilespmem:$0x1FF80] =	vst v59;
	v59 =	vld [tilespmem:$0x5490]  }
0xaf: {  	v40 =	vmul.f32 v36, v35;
	[tilespmem:$0x5800] =	vst v15;
	v39 =	vadd.f32 v61, v60;
	v60 =	vld [tilespmem:$0x5540]  }
0xb0: {  	v33 =	vadd.f32 v52, v51;
	[tilespmem:$0x5870] =	vst v10;
	v10 =	vadd.f32 v28, v0;
	v28 =	vld [tilespmem:$0x5290]  }
0xb1: {  	[tilespmem:$0x5860] =	vst v7;
	v7 =	vadd.f32 v40, v0;
	v40 =	vld [tilespmem:$0x1FEC0]  }
0xb2: {  	v36 =	vmul.f32 v33, v50;
	[tilespmem:$0x5890] =	vst v8;
	v8 =	vadd.f32 v32, v0;
	v32 =	vld [tilespmem:$0x57C0]  }
0xb3: {  	v11 =	vadd.f32 v11, v0;
	[tilespmem:$0x1FF90] =	vst v59;
	v59 =	vld [tilespmem:$0x5720]  }
0xb4: {  	v51 =	vld [tilespmem:$0x1FF70];
	[tilespmem:$0x58B0] =	vst v10;
	v10 =	vadd.f32 v36, v0  }
0xb5: {  	v1 =	vadd.f32 v1, v0;
	[tilespmem:$0x5840] =	vst v11;
	v36 =	vld [tilespmem:$0x52D0]  }
0xb6: {  	[tilespmem:$0x58F0] =	vst v10;
	v10 =	vld [tilespmem:$0x5520]  }
0xb7: {  	v11 =	vadd.f32 v34, v0;
	[tilespmem:$0x5930] =	vst v1;
	v46 =	vld [tilespmem:$0x1FF20]  }
0xb8: {  	v35 =	vadd.f32 v55, v54;
	v34 =	vmul.f32 v31, v47;
	[tilespmem:$0x1FFE0] =	vst v59;
	v59 =	vld [tilespmem:$0x5220]  }
0xb9: {  	[tilespmem:$0x5880] =	vst v11;
	v11 =	vadd.f32 v30, v0;
	v47 =	vld [tilespmem:$0x1FF30]  }
0xba: {  	v38 =	vmul.f32 v35, v53;
	[tilespmem:$0x58A0] =	vst v7;
	v7 =	vadd.f32 v34, v0;
	v49 =	vld [tilespmem:$0x1FF50]  }
0xbb: {  	[tilespmem:$0x58C0] =	vst v11;
	v50 =	vld [tilespmem:$0x1FF60]  }
0xbc: {  	[tilespmem:$0x58E0] =	vst v7;
	v7 =	vmul.f32 v39, v41;
	v11 =	vadd.f32 v38, v0;
	v54 =	vld [tilespmem:$0x1FFA0]  }
0xbd: {  	v3 =	vmul.f32 v3, v43;
	[tilespmem:$0x1FFB0] =	vst v59;
	v59 =	vld [tilespmem:$0x54A0]  }
0xbe: {  	[tilespmem:$0x5900] =	vst v11;
	v7 =	vadd.f32 v7, v0;
	v11 =	vadd.f32 v62, v44;
	v58 =	vld [tilespmem:$0x1FFD0]  }
0xbf: {  	v3 =	vadd.f32 v3, v0;
	[tilespmem:$0x58D0] =	vst v8;
	v8 =	vmul.f32 v37, v40;
	v52 =	vld [tilespmem:$0x1FF80]  }
0xc0: {  	v6 =	vadd.f32 v6, v0;
	[tilespmem:$0x5920] =	vst v7;
	v7 =	vmul.f32 v11, v48;
	v11 =	vadd.f32 v50, v49;
	v53 =	vld [tilespmem:$0x1FF90]  }
0xc1: {  	[tilespmem:$0x5940] =	vst v3;
	v62 =	vadd.f32 v13, v12;
	v8 =	vadd.f32 v8, v0;
	v55 =	vld [tilespmem:$0x1FFB0]  }
0xc2: {  	v44 =	vadd.f32 v26, v25;
	v4 =	vadd.f32 v10, v4;
	v3 =	vmul.f32 v11, v54;
	[tilespmem:$0x1FFC0] =	vst v59;
	v59 =	vld [tilespmem:$0x5730]  }
0xc3: {  	[tilespmem:$0x5910] =	vst v8;
	v7 =	vadd.f32 v7, v0;
	v8 =	vadd.f32 v47, v46;
	v56 =	vld [tilespmem:$0x1FFC0]  }
0xc4: {  	[tilespmem:$0x5950] =	vst v6;
	v39 =	vld [tilespmem:$0x5550];
	v37 =	vmul.f32 v62, v9;
	v4 =	vmul.f32 v4, v14;
	v3 =	vadd.f32 v3, v0  }
0xc5: {  	v35 =	vadd.f32 v17, v16;
	[tilespmem:$0x5960] =	vst v7;
	v1 =	vmul.f32 v8, v51;
	v8 =	vadd.f32 v53, v52;
	v61 =	vld [tilespmem:$0x1FFE0]  }
0xc6: {  	v4 =	vadd.f32 v4, v0;
	v49 =	vmul.f32 v44, v24;
	[tilespmem:$0x5980] =	vst v3;
	v3 =	vadd.f32 v37, v0;
	v53 =	vld [tilespmem:$0x57E0]  }
0xc7: {  	v1 =	vadd.f32 v1, v0;
	v54 =	vadd.f32 v60, v57;
	v6 =	vmul.f32 v8, v58;
	[tilespmem:$0x1FFF0] =	vst v59;
	v59 =	vld [tilespmem:$0x5230]  }
0xc8: {  	v31 =	vld [tilespmem:$0x5530];
	[tilespmem:$0x59C0] =	vst v3;
	v3 =	vadd.f32 v49, v0;
	v11 =	vadd.f32 v56, v55  }
0xc9: {  	[tilespmem:$0x5A20] =	vst v4;
	v58 =	vmul.f32 v54, v32;
	v34 =	vadd.f32 v6, v0;
	v6 =	vadd.f32 v45, v42;
	v13 =	vld [tilespmem:$0x1FFF0]  }
0xca: {  	v30 =	vld [tilespmem:$0x52B0];
	v38 =	vadd.f32 v20, v19;
	v40 =	vmul.f32 v35, v5;
	[tilespmem:$0x5970] =	vst v1;
	v7 =	vmul.f32 v11, v61  }
0xcb: {  	v48 =	vld [tilespmem:$0x52F0];
	v57 =	vadd.f32 v39, v36;
	[tilespmem:$0x5A00] =	vst v3;
	v3 =	vadd.f32 v58, v0;
	v61 =	vmul.f32 v6, v53  }
0xcc: {  	v43 =	vmul.f32 v38, v18;
	v50 =	vld [tilespmem:$0x5570];
	[tilespmem:$0x5990] =	vst v34;
	v2 =	vadd.f32 v2, v59;
	v7 =	vadd.f32 v7, v0  }
0xcd: {  	v15 =	vld [tilespmem:$0x57B0];
	v47 =	vadd.f32 v29, v28;
	[tilespmem:$0x5A40] =	vst v3;
	v59 =	vmul.f32 v57, v63;
	v63 =	vadd.f32 v61, v0  }
0xce: {  	v41 =	vadd.f32 v23, v22;
	v55 =	vld [tilespmem:$0x57F0];
	v1 =	vmul.f32 v2, v13;
	[tilespmem:$0x59A0] =	vst v7;
	v2 =	vadd.f32 v40, v0  }
0xcf: {  	v51 =	vmul.f32 v47, v27;
	v7 =	vadd.f32 v43, v0;
	[tilespmem:$0x5A60] =	vst v63  }
0xd0: {  	v46 =	vmul.f32 v41, v21;
	v52 =	vadd.f32 v31, v30;
	v1 =	vadd.f32 v1, v0;
	[tilespmem:$0x59D0] =	vst v2  }
0xd1: {  	v60 =	vadd.f32 v50, v48;
	[tilespmem:$0x59E0] =	vst v7;
	v2 =	vadd.f32 v51, v0  }
0xd2: {  	v56 =	vmul.f32 v52, v15;
	[tilespmem:$0x59B0] =	vst v1;
	v1 =	vadd.f32 v46, v0  }
0xd3: {  	v62 =	vmul.f32 v60, v55;
	[tilespmem:$0x5A10] =	vst v2;
	v2 =	vadd.f32 v59, v0  }
0xd4: {  	[tilespmem:$0x59F0] =	vst v1;
	v1 =	vadd.f32 v56, v0  }
0xd5: {  	[tilespmem:$0x5A50] =	vst v2;
	v0 =	vadd.f32 v62, v0  }
0xd6: {  	[tilespmem:$0x5A30] =	vst v1  }
0xd7: {  	s31 =	simm.s32 $0x5800;
	[tilespmem:$0x5A70] =	vst v0  }
0xd8: {  	[hbm4b:s1+s26] =	stream.linear.scatter [tilespmem:s31], [sflag:$0x2], $0x280, $0x38;
	[tilespmem:$0x5D80] =	vst v63  }
0xd9: {  	_ =	swait.ge [sflag:s25], $0x280  }
0xda: {  	[sflag:s25] =	ssyncset.done $0x0  }
0xdb: {  	[sflag:s25] =	ssyncadd.s32 $0xFFFFFD80  }
.LBB2_4:
0xdc: {  	_ =	sfence.sel $0x180000  }
0xdd: {  	[bflag:$0x0] =	sbarrier.arrive $0xFFFF  }
0xde: {  	_ =	strace $0x9000004D  }
0xdf: {  	s0 =	sadd.s32 @!p0 $0x100000, s0;
	[bflag:$0x2] =	sbarrier.arrive $0xFFFF  }
0xe0: {  	[sflag:s0] =	ssyncadd.tile.s32 @!p0 $0x1;
	_ =	shalt  }
.Lfunc_end2:
_tile_overlayer_lowered:
.L_overlay_start_2:
0xe1: {  	(tag) =	ssettag $0x2  }
0xe2: {  	s0 =	rddreg [dreg:$0x0];
	s2 =	stileid.u32  }
0xe3: {  	s1 =	rddreg [dreg:$0x1];
	p0 =	sne.s32 s2, $0x0  }
0xe4: {  	s3 =	rddreg [dreg:$0x2];
	[bflag:$0x3] =	sbarrier.arrive $0xFFFF;
	s2 =	simm.s32 @!p0 $0x1C02  }
0xe5: {  	[timem:s3], [sflag:s2] =	dma.local @!p0 [hbm:s0], s1  }
0xe6: {  	s0 =	simm.s32 @!p0 $0x2  }
0xe7: {  	_ =	swait.ge @!p0 [sflag:s0], s1  }
0xe8: {  	s1 =	ssub.s32 @!p0 $0x0, s1;
	[sflag:s0] =	ssyncset.done @!p0 $0x0  }
0xe9: {  	[sflag:s0] =	ssyncadd.s32 @!p0 s1  }
0xea: {  	[bflag:$0x3] =	sbarrier.arrive $0xFFFF  }
0xeb: {  	_ =	shalt  }

// kernel: kernel.8.cloned.1.call-start
scs
__scs_entry_jumppad:
0x0: {  	(pc) =	sbr.rel $0x88, $3  }
0x1: {  	(tag) =	ssettag $0x0;
	lr =	simm.s32 $0x1  }
0x2: {  	[smem:$0x3F97] =	sst lr;
	_ =	strace $0xD0000000  }
0x3: {  	_ = 	snop  }
0x4: {  	_ = 	snop  }
0x5: {  	_ = 	snop  }
0x6: {  	_ = 	snop  }
0x7: {  	_ = 	snop  }
__scs_overlays_trampoline_lowered:
0x8: {  	[smem:$0x3FA6] =	sst s0  }
0x9: {  	[smem:$0x3FA7] =	sst s1  }
0xa: {  	[smem:$0x3FA8] =	sst s2  }
0xb: {  	[smem:$0x3FA9] =	sst s3  }
0xc: {  	[smem:$0x3FAA] =	sst s4  }
0xd: {  	[smem:$0x3FAB] =	sst s5  }
0xe: {  	[smem:$0x3FAC] =	sst s6  }
0xf: {  	[smem:$0x3FAD] =	sst s7  }
0x10: {  	[smem:$0x3FAE] =	sst s8  }
0x11: {  	[smem:$0x3FAF] =	sst s9;
	s0 =	simm.s32 @!p0 $0x0  }
0x12: {  	s1 =	sld [smem:$0x3F95];
	s0 =	simm.s32 @p0 $0x1  }
0x13: {  	[smem:$0x3FB0] =	sst s0;
	s0 =	simm.s32 @!p1 $0x0  }
0x14: {  	s2 =	sld [smem:$0x3F94];
	s0 =	simm.s32 @p1 $0x1  }
0x15: {  	[smem:$0x3FB1] =	sst s0;
	s0 =	simm.s32 @!p2 $0x0  }
0x16: {  	s3 =	sld [smem:$0x3FDB];
	s0 =	simm.s32 @p2 $0x1  }
0x17: {  	s4 =	simm.s32 $0x1BF5;
	[smem:$0x3FB3] =	sst s0  }
0x18: {  	s0 =	sld [smem:$0x3F96];
	_ =	swait.ge [sflag:s4], $0x0  }
0x19: {  	s7 =	sld [smem:$0x3F97]  }
0x1a: {  	s8 =	sadd.s32 $0xFFFFE003, lr  }
0x1b: {  	s9 =	sadd.s32 $0xFFFFFEF7, lr;
	s5 =	simm.s32 $0xFFFFFFFF;
	p2 =	slt.u32 s8, $0xFFFFF086  }
0x1c: {  	p1 =	slt.u32 s9, $0xF7A;
	s5 =	simm.s32 @!p2 $0x0  }
0x1d: {  	s5 =	simm.s32 @p1 $0x1;
	p0 =	seq.s32 s7, s2  }
0x1e: {  	s7 =	smul.u32 @!p0 $0xF7A, s2;
	p2 =	seq.s32 @!p0 s5, $0x0  }
0x1f: {  	s9 =	smul.u32 $0xF7A, s1;
	s8 =	simm.s32 @!p0 $0x1BF5;
	p2 =	por !p2, p0  }
0x20: {  	[sflag:s8] =	ssyncset.s32 @!p0 $0xFFFFF086;
	s6 =	sadd.s32 @!p0 s3, s7;
	s7 =	simm.s32 @!p0 $0x108  }
0x21: {  	s3 =	sadd.s32 s3, s9;
	s6 =	sadd.s32 @!p0 $0x88, s6;
	s7 =	simm.s32 @p2 $0x1082  }
0x22: {  	[simem:s7], [sflag:s8] =	dma.local @!p0 [hbm:s6], $0xF7A  }
0x23: {  	s9 =	sor.u32 $0xD0000000, s2;
	s6 =	simm.s32 $0x108;
	_ =	swait.ge @!p0 [sflag:s8], $0x0  }
0x24: {  	s3 =	sadd.s32 $0x88, s3;
	s6 =	simm.s32 @!p1 $0x1082;
	[sflag:s4] =	ssyncset.s32 $0xFFFFF086  }
0x25: {  	[simem:s6], [sflag:s4] =	dma.local [hbm:s3], $0xF7A  }
0x26: {  	[smem:$0x3F97] =	sst s1;
	(tag) =	ssettag s2;
	_ =	strace s9  }
0x27: {  	s1 =	sld [smem:$0x3FA7]  }
0x28: {  	s2 =	sld [smem:$0x3FA8]  }
0x29: {  	s4 =	sld [smem:$0x3FAA]  }
0x2a: {  	p0 =	seq.s32 s5, $0x0;
	s5 =	sld [smem:$0x3FAB]  }
0x2b: {  	s6 =	sld [smem:$0x3FAC]  }
0x2c: {  	s7 =	sld [smem:$0x3FAD]  }
0x2d: {  	s3 =	simm.s32 $0x108;
	s8 =	sld [smem:$0x3FAE]  }
0x2e: {  	s3 =	simm.s32 @!p0 $0x1082;
	s9 =	sld [smem:$0x3FAF]  }
0x2f: {  	lr =	sadd.s32 s0, s3;
	s0 =	sld [smem:$0x3FA6]  }
0x30: {  	s3 =	sld [smem:$0x3FA9]  }
0x31: {  	[smem:$0x3FB2] =	sst s10  }
0x32: {  	s10 =	sld [smem:$0x3FB0];
	_ =	sdelay $0x3  }
0x33: {  	p0 =	seq.s32 s10, $0x1;
	s10 =	sld [smem:$0x3FB2];
	_ =	sdelay $0x3  }
0x34: {  	[smem:$0x3FB2] =	sst s10  }
0x35: {  	s10 =	sld [smem:$0x3FB1];
	_ =	sdelay $0x3  }
0x36: {  	p1 =	seq.s32 s10, $0x1;
	s10 =	sld [smem:$0x3FB2];
	_ =	sdelay $0x3  }
0x37: {  	[smem:$0x3FB2] =	sst s10  }
0x38: {  	s10 =	sld [smem:$0x3FB3]  }
0x39: {  	_ = 	snop;
	(pc) =	sbr.ind lr, $3  }
0x3a: {  	_ = 	snop  }
0x3b: {  	_ = 	snop  }
0x3c: {  	p2 =	seq.s32 s10, $0x1;
	s10 =	sld [smem:$0x3FB2]  }
0x3d: {  	_ =	shalt  }
0x3e: {  	_ =	shalt  }
0x3f: {  	_ =	shalt  }
0x40: {  	_ =	shalt  }
0x41: {  	_ =	shalt  }
0x42: {  	_ =	shalt  }
0x43: {  	_ =	shalt  }
0x44: {  	_ =	shalt  }
0x45: {  	_ =	shalt  }
0x46: {  	_ =	shalt  }
0x47: {  	_ =	shalt  }
0x48: {  	_ =	shalt  }
0x49: {  	_ =	shalt  }
0x4a: {  	_ =	shalt  }
0x4b: {  	_ =	shalt  }
0x4c: {  	_ =	shalt  }
0x4d: {  	_ =	shalt  }
0x4e: {  	_ =	shalt  }
0x4f: {  	_ =	shalt  }
0x50: {  	_ =	shalt  }
0x51: {  	_ =	shalt  }
0x52: {  	_ =	shalt  }
0x53: {  	_ =	shalt  }
0x54: {  	_ =	shalt  }
0x55: {  	_ =	shalt  }
0x56: {  	_ =	shalt  }
0x57: {  	_ =	shalt  }
0x58: {  	_ =	shalt  }
0x59: {  	_ =	shalt  }
0x5a: {  	_ =	shalt  }
0x5b: {  	_ =	shalt  }
0x5c: {  	_ =	shalt  }
0x5d: {  	_ =	shalt  }
0x5e: {  	_ =	shalt  }
0x5f: {  	_ =	shalt  }
0x60: {  	_ =	shalt  }
0x61: {  	_ =	shalt  }
0x62: {  	_ =	shalt  }
0x63: {  	_ =	shalt  }
0x64: {  	_ =	shalt  }
0x65: {  	_ =	shalt  }
0x66: {  	_ =	shalt  }
0x67: {  	_ =	shalt  }
0x68: {  	_ =	shalt  }
0x69: {  	_ =	shalt  }
0x6a: {  	_ =	shalt  }
0x6b: {  	_ =	shalt  }
0x6c: {  	_ =	shalt  }
0x6d: {  	_ =	shalt  }
0x6e: {  	_ =	shalt  }
0x6f: {  	_ =	shalt  }
0x70: {  	_ =	shalt  }
0x71: {  	_ =	shalt  }
0x72: {  	_ =	shalt  }
0x73: {  	_ =	shalt  }
0x74: {  	_ =	shalt  }
0x75: {  	_ =	shalt  }
0x76: {  	_ =	shalt  }
0x77: {  	_ =	shalt  }
0x78: {  	_ =	shalt  }
0x79: {  	_ =	shalt  }
0x7a: {  	_ =	shalt  }
0x7b: {  	_ =	shalt  }
0x7c: {  	_ =	shalt  }
0x7d: {  	_ =	shalt  }
0x7e: {  	_ =	shalt  }
0x7f: {  	_ =	shalt  }
0x80: {  	_ =	shalt  }
0x81: {  	_ =	shalt  }
0x82: {  	_ =	shalt  }
0x83: {  	_ =	shalt  }
0x84: {  	_ =	shalt  }
0x85: {  	_ =	shalt  }
0x86: {  	_ =	shalt  }
0x87: {  	_ =	shalt  }
.Lfunc_end0:
.L_simem_size_0:
called_computation_lowered:
.L_overlay_start_0:
0x88: {  	s2 =	sld [smem:$0x3FD9]  }
0x89: {  	s3 =	sld [smem:$0x3FFE];
	_ =	sdelay $0x1  }
0x8a: {  	s1 =	srdreg.scid  }
0x8b: {  	s0 =	sand.u32 $0x1, s1  }
0x8c: {  	s17 =	sshll.u32 s0, $0xA;
	s2 =	sadd.s32 s3, s2  }
0x8d: {  	s2 =	sadd.s32 s2, s17  }
0x8e: {  	[smem:$0x3FBE] =	sst s2  }
0x8f: {  	_ = 	snop  }
0x90: {  	s2 =	sld [smem:$0x3FD0];
	(tm) =	ssettm $0x1  }
0x91: {  	s18 =	sld [smem:$0x3FFB];
	_ =	sdelay $0x3  }
0x92: {  	_ =	strace s18  }
0x93: {  	s3 =	sld [smem:$0x3FFC];
	_ =	sdelay $0x3  }
0x94: {  	_ =	strace s3  }
0x95: {  	s3 =	sld [smem:$0x3FFD];
	_ =	sdelay $0x3  }
0x96: {  	_ =	strace s3  }
0x97: {  	_ =	strace $0x8FFFFFFF  }
0x98: {  	s19 =	sld [smem:$0x3FDB];
	_ =	sdelay $0x1  }
0x99: {  	s4 =	simm.s32 $_scs_section_size  }
0x9a: {  	s5 =	simm.s32 $_size__tile_overlayer_lowered;
	s6 =	simm.s32 $_tile_overlayer_lowered  }
0x9b: {  	s22 =	simm.s32 $0x1BFF;
	s21 =	sshll.u32 s6, $0x1;
	s3 =	sadd.s32 s4, s19  }
0x9c: {  	s7 =	simm.s32 $0x0;
	s20 =	sshll.u32 s5, $0x1;
	s5 =	sadd.s32 s21, s3  }
0x9d: {  	[timem:s7], [sflag:s22] =	dma.local [hbm:s5], s20  }
0x9e: {  	_ =	swait.ge [sflag:s22], s20  }
0x9f: {  	s4 =	ssub.s32 $0x0, s20;
	[sflag:s22] =	ssyncset.done $0x0  }
0xa0: {  	[sflag:s22] =	ssyncadd.s32 s4;
	_ =	sdelay $0x1  }
0xa1: {  	s23 =	simm.s32 $0x1B8B  }
0xa2: {  	_ =	swait.ge [sflag:s23], $0x1  }
0xa3: {  	[sflag:s23] =	ssyncset.done $0x0  }
0xa4: {  	s25 =	simm.s32 $0x1B8E;
	s24 =	sld [smem:$0x3FFE];
	[sflag:s23] =	ssyncadd.s32 $0xFFFFFFFF  }
0xa5: {  	s26 =	simm.s32 $execute0_lowered;
	[smem:$0x3FD2] =	sst s25  }
0xa6: {  	s5 =	sshll.u32 s26, $0x1;
	_ =	strace $0x80000046;
	[dreg:$0x1] =	wrdreg $0xFFFFFFFF  }
0xa7: {  	s28 =	simm.s32 $_size_execute0_lowered;
	s3 =	sadd.s32 s3, s5;
	[dreg:$0x0] =	wrdreg $0x0  }
0xa8: {  	s5 =	sshll.u32 s28, $0x1;
	[dreg:$0x2] =	wrdreg s3  }
0xa9: {  	[dreg:$0x3] =	wrdreg s5  }
0xaa: {  	[dreg:$0x4] =	wrdreg $0xC0  }
0xab: {  	_ =	task [dreg:s7], $0x5FFFF  }
0xac: {  	[dreg:$0x1] =	wrdreg $0xFFFFFFFF  }
0xad: {  	[dreg:$0x0] =	wrdreg $0x60  }
0xae: {  	[dreg:$0x2] =	wrdreg s24  }
0xaf: {  	[dreg:$0x3] =	wrdreg s2  }
0xb0: {  	[dreg:$0x4] =	wrdreg $0x14800  }
0xb1: {  	[dreg:$0x5] =	wrdreg $0x9  }
0xb2: {  	_ =	task.clear_ibuf [dreg:s7], $0x6FFFF;
	_ =	strace $0x90000046  }
0xb3: {  	s29 =	simm.s32 $0x9;
	_ =	strace $0x80000048  }
0xb4: {  	_ =	swait.ge [sflag:s29], $0x1  }
0xb5: {  	[sflag:s29] =	ssyncadd.s32 $0xFFFFFFFF  }
0xb6: {  	_ =	strace $0x90000048  }
0xb7: {  	_ =	sfence  }
0xb8: {  	s30 =	sld [smem:$0x0];
	_ =	sdelay $0x2  }
0xb9: {  	s31 =	sshll.u32 s1, $0xD;
	s1 =	sshrl.u32 s1, $0x2  }
0xba: {  	s3 =	sand.u32 $0x4000, s31;
	s1 =	sadd.s32 s1, s30  }
0xbb: {  	s0 =	sor.u32 s3, s0;
	s1 =	sshll.u32 s1, $0x11  }
0xbc: {  	s0 =	sor.u32 s1, s0  }
0xbd: {  	s0 =	sadd.s32 $0x8F2B, s0  }
0xbe: {  	[sflag:s0] =	ssyncadd.remote.s32 $0x1  }
0xbf: {  	_ =	sfence.sel $0xFFFF  }
0xc0: {  	[dreg:$0x0] =	wrdreg $0xFFFFFFFF;
	(pc) =	sbr.abs _section_cstart, $3  }
0xc1: {  	[dreg:$0x1] =	wrdreg $0xFFFFFFFF  }
0xc2: {  	_ =	task.clear_ibuf [dreg:s7], $0x2FFFF;
	_ =	strace $0x9FFFFFFF  }
0xc3: {  	(tm) =	ssettm $0x7FFFFFFF  }
tec
execute0_lowered:
.L_overlay_start_1:
0x0: {  	(tag) =	ssettag $0x1  }
0x1: {  	s4 =	rddreg [dreg:$0x0]  }
0x2: {  	s0 =	srdreg.scid;
	s6 =	rddreg [dreg:$0x1]  }
0x3: {  	s11 =	stileid.u32;
	s1 =	rddreg [dreg:$0x2];
	s2 =	simm.s32 $0x0  }
0x4: {  	s5 =	sand.u32 $0x1, s0;
	s30 =	sshll.u32 s11, $0x1;
	s0 =	rddreg [dreg:$0x3]  }
0x5: {  	[smem:$0x7FF] =	sst s2;
	s10 =	smul.u32 $0x280, s11;
	s12 =	sadd.s32 $0x6C00, s4  }
0x6: {  	s3 =	sor.u32 s5, s30;
	_ =	strace $0x80000047;
	s8 =	ssub.s32 $0x2, s5  }
0x7: {  	p0 =	seq.s32 s5, $0x1;
	s3 =	smul.u32 $0x280, s3;
	s9 =	sshrl.u32 s8, $0x1  }
0x8: {  	s31 =	sshrl.u32 s10, $0x3;
	s13 =	sadd.s32 s10, s1;
	s6 =	smov.u32 @p0 s12  }
0x9: {  	p0 =	sne.s32 s11, $0x0;
	s10 =	simm.s32 $0x1400;
	s11 =	sshll.u32 s11, $0x6  }
0xa: {  	s8 =	ssub.s32 s8, s9;
	s6 =	sadd.s32 s6, s31;
	s9 =	simm.s32 $0x80  }
0xb: {  	s11 =	sor.u32 $0x1C01, s11;
	s12 =	sshrl.u32 s13, $0x3;
	s13 =	simm.s32 $0x0  }
0xc: {  	s7 =	sadd.s32 s3, s4;
	s3 =	sadd.s32 $0x6600, s4;
	s5 =	smax.u32 s8, $0x1  }
0xd: {  	v0 =	vimm.f32 $1.000000000e+00;
	s8 =	simm.s32 $0x1;
	s4 =	sadd.s32 $0x1600, s7;
	s7 =	sshrl.u32 @!p0 s1, $0x3  }
.LBB2_1:
0xe: {  	s14 =	simm.s32 @!p0 $0x1C01  }
0xf: {  	[spmem:s7], [sflag:s14] =	dma.local @!p0 [hbm:s3], $0x500  }
0x10: {  	s14 =	simm.s32 @!p0 $0x1  }
0x11: {  	_ =	swait.ge @!p0 [sflag:s14], $0x500  }
0x12: {  	[sflag:s14] =	ssyncset.done @!p0 $0x0  }
0x13: {  	[sflag:s14] =	ssyncadd.s32 @!p0 $0xFFFFFB00  }
0x14: {  	[bflag:$0x0] =	sbarrier.arrive $0xFFFF  }
0x15: {  	[tilespmem:s2], [sflag:$0x1] =	stream.linear.gather [hbm4b:s4+s2], $0x1400, $0x38;
	[tilespmem:$0x1700] =	vst v63  }
0x16: {  	_ =	swait.ge [sflag:s8], $0x1400  }
0x17: {  	[sflag:s8] =	ssyncset.done $0x0  }
0x18: {  	[sflag:s8] =	ssyncadd.s32 $0xFFFFEC00  }
0x19: {  	[tilespmem:$0x1400] =	vst v0  }
0x1a: {  	[tilespmem:$0x1410] =	vst v0  }
0x1b: {  	[tilespmem:$0x1420] =	vst v0  }
0x1c: {  	[tilespmem:$0x1430] =	vst v0  }
0x1d: {  	[tilespmem:$0x1440] =	vst v0  }
0x1e: {  	[tilespmem:$0x1450] =	vst v0  }
0x1f: {  	[tilespmem:$0x1460] =	vst v0  }
0x20: {  	s31 =	simm.s32 $0x0;
	[tilespmem:$0x1470] =	vst v0  }
0x21: {  	[spmem:s1] =	stream.indirect.scatter.add.f32 [tilespmem:s10], [sflag:$0x1], $0x1, s31, s9, $0xb8;
	[tilespmem:$0x1700] =	vst v63  }
0x22: {  	_ =	swait.ge [sflag:s8], $0x80  }
0x23: {  	s14 =	simm.s32 $0x200;
	[sflag:s8] =	ssyncset.done $0x0  }
.LBB2_2:
0x24: {  	s15 =	sshra.s32 s14, $0x2;
	[sflag:s8] =	ssyncadd.s32 $0xFFFFFF80;
	p1 =	sne.s32 s14, $0x4E00  }
0x25: {  	[spmem:s1] =	stream.indirect.scatter.add.f32 [tilespmem:s10], [sflag:$0x1], $0x1, s15, s9, $0xb8;
	[tilespmem:$0x1700] =	vst v63  }
.Ltmp0:
0x26: {  	_ = 	snop;
	(pc) =	sbr.rel @p1 .LBB2_2-.Ltmp0, $4  }
0x27: {  	_ = 	snop  }
0x28: {  	s14 =	sadd.s32 $0x200, s14  }
0x29: {  	_ =	swait.ge [sflag:s8], $0x80  }
0x2a: {  	[sflag:s8] =	ssyncset.done $0x0  }
0x2b: {  	s13 =	sadd.s32 $0x1, s13  }
0x2c: {  	[sflag:s8] =	ssyncadd.s32 $0xFFFFFF80;
	p1 =	sne.s32 s13, s5  }
.Ltmp1:
0x2d: {  	[bflag:$0x0] =	sbarrier.arrive $0xFFFF;
	(pc) =	sbr.rel @p1 .LBB2_1-.Ltmp1, $4  }
0x2e: {  	[hbm:s6], [sflag:s11] =	dma.local [spmem:s12], $0x50  }
0x2f: {  	_ =	swait.ge [sflag:s8], $0x50  }
0x30: {  	[sflag:s8] =	ssyncset.done $0x0  }
0x31: {  	[sflag:s8] =	ssyncadd.s32 $0xFFFFFFB0  }
0x32: {  	_ =	sfence.sel $0x180000  }
0x33: {  	[bflag:$0x0] =	sbarrier.arrive $0xFFFF  }
0x34: {  	_ =	strace $0x90000047  }
0x35: {  	s0 =	sadd.s32 @!p0 $0x100000, s0;
	[bflag:$0x2] =	sbarrier.arrive $0xFFFF  }
0x36: {  	[sflag:s0] =	ssyncadd.tile.s32 @!p0 $0x1;
	_ =	shalt  }
.Lfunc_end2:
_tile_overlayer_lowered:
.L_overlay_start_2:
0x37: {  	(tag) =	ssettag $0x2  }
0x38: {  	s0 =	rddreg [dreg:$0x0];
	s2 =	stileid.u32  }
0x39: {  	s1 =	rddreg [dreg:$0x1];
	p0 =	sne.s32 s2, $0x0  }
0x3a: {  	s3 =	rddreg [dreg:$0x2];
	[bflag:$0x3] =	sbarrier.arrive $0xFFFF;
	s2 =	simm.s32 @!p0 $0x1C01  }
0x3b: {  	[timem:s3], [sflag:s2] =	dma.local @!p0 [hbm:s0], s1  }
0x3c: {  	s0 =	simm.s32 @!p0 $0x1  }
0x3d: {  	_ =	swait.ge @!p0 [sflag:s0], s1  }
0x3e: {  	s1 =	ssub.s32 @!p0 $0x0, s1;
	[sflag:s0] =	ssyncset.done @!p0 $0x0  }
0x3f: {  	[sflag:s0] =	ssyncadd.s32 @!p0 s1  }
0x40: {  	[bflag:$0x3] =	sbarrier.arrive $0xFFFF  }
0x41: {  	_ =	shalt  }

</sc_bundles>
